<compile_context>
chip_gen: v7x
topology: tpu7x:2x2x1
jax: 0.10.2.dev20260603
libtpu: 0.0.44.dev20260713+nightly
codegen_flags: <defaults>
</compile_context>

<pallas_src>
import functools

import jax
import jax.numpy as jnp
from jax import lax
from jax.experimental import pallas as pl
from jax.experimental.pallas import tpu as pltpu
from jax.experimental.pallas import tpu_sc as plsc

NC, NS, L = 2, 16, 16
NW = NC * NS


def _make_deg_kernel(Epad, Npad, C):
    Ept = Epad // NW
    RPT = Ept // C
    K = 50
    assert RPT % K == 0
    Nt = Npad // NS
    assert Nt % L == 0 and (Nt % 8) == 0
    mesh = plsc.VectorSubcoreMesh(core_axis_name="c", subcore_axis_name="s")

    @functools.partial(
        pl.kernel,
        out_type=jax.ShapeDtypeStruct((NC, Npad), jnp.float32),
        mesh=mesh,
        compiler_params=pltpu.CompilerParams(use_tc_tiling_on_sc=False),
        scratch_types=[
            pltpu.VMEM((K, C), jnp.int32),
            pltpu.VMEM((K, C), jnp.float32),
            pltpu.VMEM((Nt,), jnp.float32),
            pltpu.VMEM_SHARED((Npad,), jnp.float32),
            pltpu.SemaphoreType.DMA,
        ],
    )
    def deg_kernel(col_hbm, ew_hbm, degp_hbm, colb, ewb, bounce, degsh, sem):
        cid = lax.axis_index("c")
        sid = lax.axis_index("s")
        wid = sid * NC + cid
        nbase = sid * Nt

        zero = jnp.zeros((L,), jnp.float32)

        def _z(i, carry):
            bounce[pl.ds(i * L, L)] = zero
            return carry

        lax.fori_loop(0, Nt // L, _z, 0)
        pltpu.sync_copy(bounce, degsh.at[pl.ds(nbase, Nt)])
        plsc.subcore_barrier()

        rbase = wid * RPT

        def _group(g, carry):
            r0 = rbase + g * K
            pltpu.sync_copy(col_hbm.at[pl.ds(r0, K)], colb)
            pltpu.sync_copy(ew_hbm.at[pl.ds(r0, K)], ewb)

            def _fire(q, c2):
                pltpu.async_copy(ewb.at[q], degsh.at[colb.at[q]], sem,
                                 add=True)
                return c2

            lax.fori_loop(0, K, _fire, 0)
            pltpu.make_async_copy(ew_hbm.at[pl.ds(0, K)], ewb, sem).wait()
            return carry

        lax.fori_loop(0, RPT // K, _group, 0)

        plsc.subcore_barrier()
        pltpu.sync_copy(degsh.at[pl.ds(nbase, Nt)], bounce)
        pltpu.sync_copy(bounce, degp_hbm.at[cid, pl.ds(nbase, Nt)])

    return deg_kernel


def _make_msg_kernel(Npad, Epad, H, C):
    Ept = Epad // NW
    RPT = Ept // C
    K = 5
    NPAIR = RPT // (2 * K)
    assert RPT % K == 0
    Nt = Npad // NS
    mesh = plsc.VectorSubcoreMesh(core_axis_name="c", subcore_axis_name="s")

    @functools.partial(
        pl.kernel,
        out_type=jax.ShapeDtypeStruct((NC, Npad, H), jnp.float32),
        mesh=mesh,
        compiler_params=pltpu.CompilerParams(use_tc_tiling_on_sc=False),
        scratch_types=[
            pltpu.VMEM((K, C), jnp.int32),
            pltpu.VMEM((K, C), jnp.int32),
            pltpu.VMEM((K, C), jnp.int32),
            pltpu.VMEM((K, C), jnp.int32),
            pltpu.VMEM((K + 1, C), jnp.float32),
            pltpu.VMEM((K + 1, C), jnp.float32),
            pltpu.VMEM((K * C, H), jnp.float32),
            pltpu.VMEM((K * C, H), jnp.float32),
            pltpu.VMEM((Nt, H), jnp.float32),
            pltpu.VMEM_SHARED((Npad, H), jnp.float32),
            pltpu.SemaphoreType.DMA,
            pltpu.SemaphoreType.DMA,
            pltpu.SemaphoreType.DMA,
        ],
    )
    def msg_kernel(y_hbm, row_hbm, col_hbm, ew_hbm, sp_hbm,
                   rowbA, rowbB, colbA, colbB, ewbA, ewbB, rowsA, rowsB,
                   bounce, ssh, semi, semg, sems):
        cid = lax.axis_index("c")
        sid = lax.axis_index("s")
        wid = sid * NC + cid
        nbase = sid * Nt

        zero = jnp.zeros((L,), jnp.float32)
        KH = H // L

        def _z(t, carry):
            i = t // KH
            k = t % KH
            bounce[i, pl.ds(k * L, L)] = zero
            return carry

        lax.fori_loop(0, Nt * KH, _z, 0)
        pltpu.sync_copy(bounce, ssh.at[pl.ds(nbase, Nt)])
        plsc.subcore_barrier()

        rbase = wid * RPT

        def _scale_all(rows, ewb):
            for q in range(K):
                def _scale(e, c2, q=q):
                    ev = ewb[q, pl.ds(e, L)][0]
                    for k in range(KH):
                        rows[q * C + e, pl.ds(k * L, L)] = (
                            rows[q * C + e, pl.ds(k * L, L)] * ev)
                    return c2
                lax.fori_loop(0, C, _scale, 0)

        def _fire_gathers(rowb, rows, sem):
            def _fg(q, c2):
                pltpu.async_copy(y_hbm.at[rowb.at[q]],
                                 rows.at[pl.ds(q * C, C)], sem)
                return c2
            lax.fori_loop(0, K, _fg, 0)

        def _fire_scatters(colb, rows, sem):
            def _fs(q, c2):
                pltpu.async_copy(rows.at[pl.ds(q * C, C)],
                                 ssh.at[colb.at[q]], sem, add=True)
                return c2
            lax.fori_loop(0, K, _fs, 0)

        def _drain(rows, sem):
            pltpu.make_async_copy(y_hbm.at[pl.ds(0, K * C)], rows, sem).wait()

        def _fire_idx(r0, rowb, colb, ewb, sem):
            return [pltpu.async_copy(row_hbm.at[pl.ds(r0, K)], rowb, sem),
                    pltpu.async_copy(col_hbm.at[pl.ds(r0, K)], colb, sem),
                    pltpu.async_copy(ew_hbm.at[pl.ds(r0, K)],
                                     ewb.at[pl.ds(0, K)], sem)]

        def _pair(p, carry):
            r0a = rbase + (2 * p) * K
            ia = _fire_idx(r0a, rowbA, colbA, ewbA, semi)
            ib = _fire_idx(r0a + K, rowbB, colbB, ewbB, semi)
            for d in ia + ib:
                d.wait()
            _fire_gathers(rowbA, rowsA, semg)
            _fire_gathers(rowbB, rowsB, semg)
            _drain(rowsA, semg)
            _drain(rowsB, semg)
            _scale_all(rowsA, ewbA)
            _fire_scatters(colbA, rowsA, sems)
            _scale_all(rowsB, ewbB)
            _fire_scatters(colbB, rowsB, sems)
            _drain(rowsA, sems)
            _drain(rowsB, sems)
            return carry

        lax.fori_loop(0, NPAIR, _pair, 0)

        for t in range(NPAIR * 2 * K, RPT, K):
            ia = _fire_idx(rbase + t, rowbA, colbA, ewbA, semi)
            for d in ia:
                d.wait()
            _fire_gathers(rowbA, rowsA, semg)
            _drain(rowsA, semg)
            _scale_all(rowsA, ewbA)
            _fire_scatters(colbA, rowsA, sems)
            _drain(rowsA, sems)

        plsc.subcore_barrier()
        pltpu.sync_copy(ssh.at[pl.ds(nbase, Nt)], bounce)
        pltpu.sync_copy(bounce, sp_hbm.at[cid, pl.ds(nbase, Nt)])

    return msg_kernel


def _tc1(x, W1, deg0, deg1, Npad, BN=640):
    N, F = x.shape
    H = W1.shape[1]

    def body(x_ref, w_ref, d0_ref, d1_ref, y_ref, dv_ref):
        deg = d0_ref[...] + d1_ref[...] + 1.0
        dinv = lax.rsqrt(deg)
        xw = jnp.dot(x_ref[...], w_ref[...], preferred_element_type=jnp.float32)
        y_ref[...] = xw * dinv
        dv_ref[...] = dinv

    return pl.pallas_call(
        body,
        grid=(Npad // BN,),
        in_specs=[
            pl.BlockSpec((BN, F), lambda i: (i, 0)),
            pl.BlockSpec((F, H), lambda i: (0, 0)),
            pl.BlockSpec((BN, 1), lambda i: (i, 0)),
            pl.BlockSpec((BN, 1), lambda i: (i, 0)),
        ],
        out_specs=[
            pl.BlockSpec((BN, H), lambda i: (i, 0)),
            pl.BlockSpec((BN, 1), lambda i: (i, 0)),
        ],
        out_shape=[
            jax.ShapeDtypeStruct((Npad, H), jnp.float32),
            jax.ShapeDtypeStruct((Npad, 1), jnp.float32),
        ],
    )(x, W1, deg0, deg1)


def _tc2(sp0, sp1, y1, dinv, a1, c1, W2, BN=640):
    Npad, H = y1.shape

    def body(s0_ref, s1_ref, y1_ref, dv_ref, a_ref, c_ref, w_ref, y2_ref):
        s = s0_ref[...] + s1_ref[...] + y1_ref[...]
        m = s * dv_ref[...]
        h = jnp.maximum(m * a_ref[...] + c_ref[...], 0.0)
        y2_ref[...] = jnp.dot(h, w_ref[...], preferred_element_type=jnp.float32) * dv_ref[...]

    return pl.pallas_call(
        body,
        grid=(Npad // BN,),
        in_specs=[
            pl.BlockSpec((BN, H), lambda i: (i, 0)),
            pl.BlockSpec((BN, H), lambda i: (i, 0)),
            pl.BlockSpec((BN, H), lambda i: (i, 0)),
            pl.BlockSpec((BN, 1), lambda i: (i, 0)),
            pl.BlockSpec((1, H), lambda i: (0, 0)),
            pl.BlockSpec((1, H), lambda i: (0, 0)),
            pl.BlockSpec((H, H), lambda i: (0, 0)),
        ],
        out_specs=pl.BlockSpec((BN, H), lambda i: (i, 0)),
        out_shape=jax.ShapeDtypeStruct((Npad, H), jnp.float32),
    )(sp0, sp1, y1, dinv, a1, c1, W2)


def _tc3(sp0, sp1, y2, dinv, a2, c2, Wc1, bc1, Wc2, bc2, BN=640):
    Npad, H = y2.shape
    C1 = Wc1.shape[1]

    def body(s0_ref, s1_ref, y2_ref, dv_ref, a_ref, c_ref, wc1_ref, bc1_ref,
             wc2_ref, bc2_ref, o_ref):
        s = s0_ref[...] + s1_ref[...] + y2_ref[...]
        m = s * dv_ref[...]
        h = jnp.maximum(m * a_ref[...] + c_ref[...], 0.0)
        z = jnp.maximum(
            jnp.dot(h, wc1_ref[...], preferred_element_type=jnp.float32)
            + bc1_ref[...], 0.0)
        o = jnp.dot(z, wc2_ref[...], preferred_element_type=jnp.float32) + bc2_ref[...]
        o_ref[...] = jax.nn.sigmoid(o)

    return pl.pallas_call(
        body,
        grid=(Npad // BN,),
        in_specs=[
            pl.BlockSpec((BN, H), lambda i: (i, 0)),
            pl.BlockSpec((BN, H), lambda i: (i, 0)),
            pl.BlockSpec((BN, H), lambda i: (i, 0)),
            pl.BlockSpec((BN, 1), lambda i: (i, 0)),
            pl.BlockSpec((1, H), lambda i: (0, 0)),
            pl.BlockSpec((1, H), lambda i: (0, 0)),
            pl.BlockSpec((H, C1), lambda i: (0, 0)),
            pl.BlockSpec((1, C1), lambda i: (0, 0)),
            pl.BlockSpec((C1, 1), lambda i: (0, 0)),
            pl.BlockSpec((1, 1), lambda i: (0, 0)),
        ],
        out_specs=pl.BlockSpec((BN, 1), lambda i: (i, 0)),
        out_shape=jax.ShapeDtypeStruct((Npad, 1), jnp.float32),
    )(sp0, sp1, y2, dinv, a2, c2, Wc1, bc1, Wc2, bc2)


def kernel(x, edge_index, edge_attr, W1, b1, g1, be1, W2, b2, g2, be2,
           Wc1, bc1, Wc2, bc2):
    N, F = x.shape
    H = W1.shape[1]
    C1 = Wc1.shape[1]
    E = edge_attr.shape[0]
    Npad = ((N + NS * L - 1) // (NS * L)) * (NS * L)

    C = 40
    EU = NW * C
    Epad = ((E + EU - 1) // EU) * EU
    pad = Epad - E
    rowf = edge_index[0].astype(jnp.int32)
    colf = edge_index[1].astype(jnp.int32)
    ewf = edge_attr.astype(jnp.float32)
    if pad:
        zi = jnp.zeros((pad,), jnp.int32)
        rowf = jnp.concatenate([rowf, zi])
        colf = jnp.concatenate([colf, zi])
        ewf = jnp.concatenate([ewf, jnp.zeros((pad,), jnp.float32)])
    row = rowf.reshape(Epad // C, C)
    col = colf.reshape(Epad // C, C)
    ew = ewf.reshape(Epad // C, C)

    deg_call = _make_deg_kernel(Epad, Npad, C)
    msg_call = _make_msg_kernel(Npad, Epad, H, C)

    degp = deg_call(col, ew)
    y1, dinv = _tc1(x, W1, degp[0].reshape(Npad, 1), degp[1].reshape(Npad, 1),
                    Npad)

    isq = float(1.0 + 1e-5) ** -0.5
    a1 = (g1 * isq).reshape(1, H)
    c1 = (g1 * isq * b1 + be1).reshape(1, H)
    a2 = (g2 * isq).reshape(1, H)
    c2 = (g2 * isq * b2 + be2).reshape(1, H)

    sp1 = msg_call(y1, row, col, ew)
    y2 = _tc2(sp1[0], sp1[1], y1, dinv, a1, c1, W2)
    sp2 = msg_call(y2, row, col, ew)
    out = _tc3(sp2[0], sp2[1], y2, dinv, a2, c2, Wc1, bc1.reshape(1, C1),
               Wc2, bc2.reshape(1, 1))
    return out.reshape(Npad)[:N]

# --- scband reference (transcript-rebuilt; emitter-appended) ---
"""Pipeline reference for scband-static-gnn-7679401525531 (READ-ONLY COPY).

The authoritative reference and input builder live on the scoring server;
editing this copy changes nothing except your own understanding.
"""

import jax, jax.numpy as jnp
import numpy as np


def _bn(x, g, b):
    # BatchNorm1d in eval mode: running_mean=0, running_var=1, eps=1e-5
    return g * x / jnp.sqrt(1.0 + 1e-5) + b


def _gcn(x, row, col, ew, W, b, N):
    # PyG GCNConv: linear -> symmetric-normalized propagation -> bias
    x = x @ W
    deg = jnp.zeros((N,), x.dtype).at[col].add(ew)
    dinv = jnp.where(deg > 0, jax.lax.rsqrt(deg), 0.0)
    norm = dinv[row] * ew * dinv[col]
    out = jnp.zeros_like(x).at[col].add(x[row] * norm[:, None])
    return out + b


def setup_inputs(seed: int = 0):
    key = jax.random.key(seed)
    ks = jax.random.split(key, 16)
    N, E, F, H, C1 = 10000, 320000, 128, 64, 32
    x = jax.random.normal(ks[0], (N, F), dtype=jnp.float32)
    edge_index = jax.random.randint(ks[1], (2, E), 0, N).astype(jnp.int64)
    edge_attr = jax.random.uniform(ks[2], (E,), dtype=jnp.float32)
    W1 = jax.random.normal(ks[3], (F, H), dtype=jnp.float32) * 0.05
    b1 = jnp.zeros((H,), dtype=jnp.float32)
    g1 = jnp.ones((H,), dtype=jnp.float32)
    be1 = jnp.zeros((H,), dtype=jnp.float32)
    W2 = jax.random.normal(ks[4], (H, H), dtype=jnp.float32) * 0.05
    b2 = jnp.zeros((H,), dtype=jnp.float32)
    g2 = jnp.ones((H,), dtype=jnp.float32)
    be2 = jnp.zeros((H,), dtype=jnp.float32)
    Wc1 = jax.random.normal(ks[5], (H, C1), dtype=jnp.float32) * 0.05
    bc1 = jnp.zeros((C1,), dtype=jnp.float32)
    Wc2 = jax.random.normal(ks[6], (C1, 1), dtype=jnp.float32) * 0.05
    bc2 = jnp.zeros((1,), dtype=jnp.float32)
    return {"x": x, "edge_index": edge_index, "edge_attr": edge_attr,
            "W1": W1, "b1": b1, "g1": g1, "be1": be1,
            "W2": W2, "b2": b2, "g2": g2, "be2": be2,
            "Wc1": Wc1, "bc1": bc1, "Wc2": Wc2, "bc2": bc2}


def reference(x, edge_index, edge_attr, W1, b1, g1, be1, W2, b2, g2, be2, Wc1, bc1, Wc2, bc2):
    N = x.shape[0]
    loop = jnp.arange(N, dtype=edge_index.dtype)
    row = jnp.concatenate([edge_index[0], loop])
    col = jnp.concatenate([edge_index[1], loop])
    ew = jnp.concatenate([edge_attr, jnp.ones((N,), edge_attr.dtype)])
    h = _gcn(x, row, col, ew, W1, b1, N)
    h = jax.nn.relu(_bn(h, g1, be1))
    # dropout is identity in eval mode
    h = _gcn(h, row, col, ew, W2, b2, N)
    h = jax.nn.relu(_bn(h, g2, be2))
    h = jax.nn.relu(h @ Wc1 + bc1)
    out = h @ Wc2 + bc2
    return jax.nn.sigmoid(out).squeeze(-1)

if __name__ == "__main__":
    import jax
    _d = setup_inputs()
    print(jax.jit(kernel)(*tuple(_d.values())))

</pallas_src>

<mosaic_0001>
#map = affine_map<(d0, d1) -> (0, 0)>
#map1 = affine_map<(d0, d1) -> (0, 0, 0)>
module attributes {stable_mosaic.version = 14 : i64} {
  func.func @msg_kernel(%arg0: i32, %arg1: i32, %arg2: memref<10240x64xf32, #tpu.memory_space<hbm>>, %arg3: memref<8000x40xi32, #tpu.memory_space<hbm>>, %arg4: memref<8000x40xi32, #tpu.memory_space<hbm>>, %arg5: memref<8000x40xf32, #tpu.memory_space<hbm>>, %arg6: memref<2x10240x64xf32, #tpu.memory_space<hbm>>, %arg7: memref<5x40xi32, #tpu.memory_space<vmem>>, %arg8: memref<5x40xi32, #tpu.memory_space<vmem>>, %arg9: memref<5x40xi32, #tpu.memory_space<vmem>>, %arg10: memref<5x40xi32, #tpu.memory_space<vmem>>, %arg11: memref<6x40xf32, #tpu.memory_space<vmem>>, %arg12: memref<6x40xf32, #tpu.memory_space<vmem>>, %arg13: memref<200x64xf32, #tpu.memory_space<vmem>>, %arg14: memref<200x64xf32, #tpu.memory_space<vmem>>, %arg15: memref<640x64xf32, #tpu.memory_space<vmem>>, %arg16: memref<10240x64xf32, #tpu.memory_space<vmem_shared>>, %arg17: memref<!tpu.dma_semaphore, #tpu.memory_space<semaphore_mem>>, %arg18: memref<!tpu.dma_semaphore, #tpu.memory_space<semaphore_mem>>, %arg19: memref<!tpu.dma_semaphore, #tpu.memory_space<semaphore_mem>>) attributes {dimension_semantics = [#tpu.dimension_semantics<core_parallel>, #tpu.dimension_semantics<subcore_parallel>], iteration_bounds = array<i64: 2, 16>, scalar_prefetch = 0 : i64, scratch_operands = 13 : i64, tpu.core_type = #tpu.core_type<sc_vector_subcore>, window_params = [{transform_indices = #map}, {transform_indices = #map}, {transform_indices = #map}, {transform_indices = #map}, {transform_indices = #map1}]} {
    %mul3A = arith.constant 2 : i32
    %mul3A_0 = arith.muli %arg1, %mul3A : i32
    %add3A = arith.addi %mul3A_0, %arg0 : i32
    %mul3A_1 = arith.constant 640 : i32
    %mul3A_2 = arith.muli %arg1, %mul3A_1 : i32
    %broadcast_in_dim3A = arith.constant 0.000000e+00 : f32
    %broadcast_in_dim3A_3 = vector.broadcast %broadcast_in_dim3A : f32 to vector<16xf32>
    %scan3A = arith.constant 0 : i32
    %scan3A_4 = arith.constant 0 : i32
    %scan3A_5 = arith.constant 2560 : i32
    %scan3A_6 = arith.addi %scan3A_4, %scan3A_5 : i32
    %scan3A_7 = arith.constant 1 : i32
    scf.for %scan3A_18 = %scan3A_4 to %scan3A_6 step %scan3A_7  : i32 {
      %jit3A = arith.constant 4 : i32
      %div3A = arith.divsi %scan3A_18, %jit3A : i32
      %sign3A = arith.constant 0 : i32
      %sign3A_19 = arith.cmpi sgt, %scan3A_18, %sign3A : i32
      %sign3A_20 = arith.extui %sign3A_19 : i1 to i32
      %sign3A_21 = arith.constant 0 : i32
      %sign3A_22 = arith.cmpi slt, %scan3A_18, %sign3A_21 : i32
      %sign3A_23 = arith.extui %sign3A_22 : i1 to i32
      %sign3A_24 = arith.subi %sign3A_20, %sign3A_23 : i32
      %sign3A_25 = arith.constant 0 : i32
      %sign3A_26 = arith.cmpi sgt, %jit3A, %sign3A_25 : i32
      %sign3A_27 = arith.extui %sign3A_26 : i1 to i32
      %sign3A_28 = arith.constant 0 : i32
      %sign3A_29 = arith.cmpi slt, %jit3A, %sign3A_28 : i32
      %sign3A_30 = arith.extui %sign3A_29 : i1 to i32
      %sign3A_31 = arith.subi %sign3A_27, %sign3A_30 : i32
      %ne3A = arith.cmpi ne, %sign3A_24, %sign3A_31 : i32
      %rem3A = arith.remsi %scan3A_18, %jit3A : i32
      %ne3A_32 = arith.constant 0 : i32
      %ne3A_33 = arith.cmpi ne, %rem3A, %ne3A_32 : i32
      %and3A = arith.andi %ne3A, %ne3A_33 : i1
      %sub3A = arith.constant 1 : i32
      %sub3A_34 = arith.subi %div3A, %sub3A : i32
      %select_n3A = arith.select %and3A, %sub3A_34, %div3A : i32
      %jit3A_35 = arith.constant 4 : i32
      %eq3A = arith.constant 0 : i32
      %eq3A_36 = arith.cmpi eq, %jit3A_35, %eq3A : i32
      %jit3A_37 = arith.constant 1 : i32
      %select_n3A_38 = arith.select %eq3A_36, %jit3A_37, %jit3A_35 : i32
      %rem3A_39 = arith.remsi %scan3A_18, %select_n3A_38 : i32
      %ne3A_40 = arith.constant 0 : i32
      %ne3A_41 = arith.cmpi ne, %rem3A_39, %ne3A_40 : i32
      %lt3A = arith.constant 0 : i32
      %lt3A_42 = arith.cmpi slt, %rem3A_39, %lt3A : i32
      %lt3A_43 = arith.constant 0 : i32
      %lt3A_44 = arith.cmpi slt, %select_n3A_38, %lt3A_43 : i32
      %ne3A_45 = arith.xori %lt3A_42, %lt3A_44 : i1
      %and3A_46 = arith.andi %ne3A_45, %ne3A_41 : i1
      %add3A_47 = arith.addi %rem3A_39, %select_n3A_38 : i32
      %select_n3A_48 = arith.select %and3A_46, %add3A_47, %rem3A_39 : i32
      %mul3A_49 = arith.constant 16 : i32
      %mul3A_50 = arith.muli %select_n3A_48, %mul3A_49 : i32
      %swap3A = arith.index_cast %select_n3A : i32 to index
      %swap3A_51 = arith.index_cast %mul3A_50 : i32 to index
      %swap3A_52 = tpu.vector_load %arg15[%swap3A, %swap3A_51] {strides = array<i32>} : memref<640x64xf32, #tpu.memory_space<vmem>>, vector<1x16xf32>,
      %swap3A_53 = vector.shape_cast %swap3A_52 : vector<1x16xf32> to vector<16xf32>
      %swap3A_54 = vector.shape_cast %broadcast_in_dim3A_3 : vector<16xf32> to vector<1x16xf32>
      tpu.vector_store %arg15[%swap3A, %swap3A_51], %swap3A_54 {strides = array<i32>} : memref<640x64xf32, #tpu.memory_space<vmem>>, vector<1x16xf32>,
    }
    %scan3A_8 = arith.constant 2560 : i32
    "tpu.region"() ({
      %run_scoped3A = tpu.sem_alloc : memref<!tpu.dma_semaphore, #tpu.memory_space<semaphore_mem>>
      %dma_start3A = arith.constant 0 : i32
      %dma_start3A_18 = tpu.memref_slice %arg16[%mul3A_2, %dma_start3A] : memref<10240x64xf32, #tpu.memory_space<vmem_shared>> -> memref<640x64xf32, #tpu.memory_space<vmem_shared>>
      %dma_start3A_19 = arith.constant 0 : i32
      %dma_start3A_20 = tpu.memref_slice %arg16[%mul3A_2, %dma_start3A_19] : memref<10240x64xf32, #tpu.memory_space<vmem_shared>> -> memref<640x64xf32, #tpu.memory_space<vmem_shared>>
      tpu.enqueue_dma source(%arg15 : memref<640x64xf32, #tpu.memory_space<vmem>>) target(%dma_start3A_20 : memref<640x64xf32, #tpu.memory_space<vmem_shared>>) target_semaphore(%run_scoped3A : memref<!tpu.dma_semaphore, #tpu.memory_space<semaphore_mem>>)
      %dma_wait3A = arith.constant 0 : i32
      %dma_wait3A_21 = tpu.memref_slice %arg16[%mul3A_2, %dma_wait3A] : memref<10240x64xf32, #tpu.memory_space<vmem_shared>> -> memref<640x64xf32, #tpu.memory_space<vmem_shared>>
      %dma_wait3A_22 = arith.constant 0 : i32
      %dma_wait3A_23 = tpu.memref_slice %arg16[%mul3A_2, %dma_wait3A_22] : memref<10240x64xf32, #tpu.memory_space<vmem_shared>> -> memref<640x64xf32, #tpu.memory_space<vmem_shared>>
      tpu.wait_dma2 semaphore(%run_scoped3A : memref<!tpu.dma_semaphore, #tpu.memory_space<semaphore_mem>>) src(%arg15 : memref<640x64xf32, #tpu.memory_space<vmem>>) dst(%dma_wait3A_23 : memref<640x64xf32, #tpu.memory_space<vmem_shared>>)
      tpu.yield
    }) : () -> ()
    %barrier3A = arith.constant 0 : index
    tpu.barrier barrier_id(%barrier3A)
    %mul3A_9 = arith.constant 250 : i32
    %mul3A_10 = arith.muli %add3A, %mul3A_9 : i32
    %scan3A_11 = arith.constant 0 : i32
    %scan3A_12 = arith.constant 0 : i32
    %scan3A_13 = arith.constant 25 : i32
    %scan3A_14 = arith.addi %scan3A_12, %scan3A_13 : i32
    %scan3A_15 = arith.constant 1 : i32
    scf.for %scan3A_18 = %scan3A_12 to %scan3A_14 step %scan3A_15  : i32 {
      %mul3A_19 = arith.constant 2 : i32
      %mul3A_20 = arith.muli %mul3A_19, %scan3A_18 : i32
      %mul3A_21 = arith.constant 5 : i32
      %mul3A_22 = arith.muli %mul3A_20, %mul3A_21 : i32
      %add3A_23 = arith.addi %mul3A_10, %mul3A_22 : i32
      %dma_start3A = arith.constant 0 : i32
      %dma_start3A_24 = tpu.memref_slice %arg3[%add3A_23, %dma_start3A] : memref<8000x40xi32, #tpu.memory_space<hbm>> -> memref<5x40xi32, #tpu.memory_space<hbm>>
      %dma_start3A_25 = arith.constant 0 : i32
      %dma_start3A_26 = tpu.memref_slice %arg3[%add3A_23, %dma_start3A_25] : memref<8000x40xi32, #tpu.memory_space<hbm>> -> memref<5x40xi32, #tpu.memory_space<hbm>>
      tpu.enqueue_dma source(%dma_start3A_26 : memref<5x40xi32, #tpu.memory_space<hbm>>) target(%arg7 : memref<5x40xi32, #tpu.memory_space<vmem>>) target_semaphore(%arg17 : memref<!tpu.dma_semaphore, #tpu.memory_space<semaphore_mem>>)
      %dma_start3A_27 = arith.constant 0 : i32
      %dma_start3A_28 = tpu.memref_slice %arg4[%add3A_23, %dma_start3A_27] : memref<8000x40xi32, #tpu.memory_space<hbm>> -> memref<5x40xi32, #tpu.memory_space<hbm>>
      %dma_start3A_29 = arith.constant 0 : i32
      %dma_start3A_30 = tpu.memref_slice %arg4[%add3A_23, %dma_start3A_29] : memref<8000x40xi32, #tpu.memory_space<hbm>> -> memref<5x40xi32, #tpu.memory_space<hbm>>
      tpu.enqueue_dma source(%dma_start3A_30 : memref<5x40xi32, #tpu.memory_space<hbm>>) target(%arg9 : memref<5x40xi32, #tpu.memory_space<vmem>>) target_semaphore(%arg17 : memref<!tpu.dma_semaphore, #tpu.memory_space<semaphore_mem>>)
      %dma_start3A_31 = arith.constant 0 : i32
      %dma_start3A_32 = arith.constant 0 : i32
      %dma_start3A_33 = tpu.memref_slice %arg11[%dma_start3A_31, %dma_start3A_32] : memref<6x40xf32, #tpu.memory_space<vmem>> -> memref<5x40xf32, #tpu.memory_space<vmem>>
      %dma_start3A_34 = arith.constant 0 : i32
      %dma_start3A_35 = tpu.memref_slice %arg5[%add3A_23, %dma_start3A_34] : memref<8000x40xf32, #tpu.memory_space<hbm>> -> memref<5x40xf32, #tpu.memory_space<hbm>>
      %dma_start3A_36 = arith.constant 0 : i32
      %dma_start3A_37 = arith.constant 0 : i32
      %dma_start3A_38 = tpu.memref_slice %arg11[%dma_start3A_36, %dma_start3A_37] : memref<6x40xf32, #tpu.memory_space<vmem>> -> memref<5x40xf32, #tpu.memory_space<vmem>>
      %dma_start3A_39 = arith.constant 0 : i32
      %dma_start3A_40 = tpu.memref_slice %arg5[%add3A_23, %dma_start3A_39] : memref<8000x40xf32, #tpu.memory_space<hbm>> -> memref<5x40xf32, #tpu.memory_space<hbm>>
      tpu.enqueue_dma source(%dma_start3A_40 : memref<5x40xf32, #tpu.memory_space<hbm>>) target(%dma_start3A_38 : memref<5x40xf32, #tpu.memory_space<vmem>>) target_semaphore(%arg17 : memref<!tpu.dma_semaphore, #tpu.memory_space<semaphore_mem>>)
      %add3A_41 = arith.constant 5 : i32
      %add3A_42 = arith.addi %add3A_23, %add3A_41 : i32
      %dma_start3A_43 = arith.constant 0 : i32
      %dma_start3A_44 = tpu.memref_slice %arg3[%add3A_42, %dma_start3A_43] : memref<8000x40xi32, #tpu.memory_space<hbm>> -> memref<5x40xi32, #tpu.memory_space<hbm>>
      %dma_start3A_45 = arith.constant 0 : i32
      %dma_start3A_46 = tpu.memref_slice %arg3[%add3A_42, %dma_start3A_45] : memref<8000x40xi32, #tpu.memory_space<hbm>> -> memref<5x40xi32, #tpu.memory_space<hbm>>
      tpu.enqueue_dma source(%dma_start3A_46 : memref<5x40xi32, #tpu.memory_space<hbm>>) target(%arg8 : memref<5x40xi32, #tpu.memory_space<vmem>>) target_semaphore(%arg17 : memref<!tpu.dma_semaphore, #tpu.memory_space<semaphore_mem>>)
      %dma_start3A_47 = arith.constant 0 : i32
      %dma_start3A_48 = tpu.memref_slice %arg4[%add3A_42, %dma_start3A_47] : memref<8000x40xi32, #tpu.memory_space<hbm>> -> memref<5x40xi32, #tpu.memory_space<hbm>>
      %dma_start3A_49 = arith.constant 0 : i32
      %dma_start3A_50 = tpu.memref_slice %arg4[%add3A_42, %dma_start3A_49] : memref<8000x40xi32, #tpu.memory_space<hbm>> -> memref<5x40xi32, #tpu.memory_space<hbm>>
      tpu.enqueue_dma source(%dma_start3A_50 : memref<5x40xi32, #tpu.memory_space<hbm>>) target(%arg10 : memref<5x40xi32, #tpu.memory_space<vmem>>) target_semaphore(%arg17 : memref<!tpu.dma_semaphore, #tpu.memory_space<semaphore_mem>>)
      %dma_start3A_51 = arith.constant 0 : i32
      %dma_start3A_52 = arith.constant 0 : i32
      %dma_start3A_53 = tpu.memref_slice %arg12[%dma_start3A_51, %dma_start3A_52] : memref<6x40xf32, #tpu.memory_space<vmem>> -> memref<5x40xf32, #tpu.memory_space<vmem>>
      %dma_start3A_54 = arith.constant 0 : i32
      %dma_start3A_55 = tpu.memref_slice %arg5[%add3A_42, %dma_start3A_54] : memref<8000x40xf32, #tpu.memory_space<hbm>> -> memref<5x40xf32, #tpu.memory_space<hbm>>
      %dma_start3A_56 = arith.constant 0 : i32
      %dma_start3A_57 = arith.constant 0 : i32
      %dma_start3A_58 = tpu.memref_slice %arg12[%dma_start3A_56, %dma_start3A_57] : memref<6x40xf32, #tpu.memory_space<vmem>> -> memref<5x40xf32, #tpu.memory_space<vmem>>
      %dma_start3A_59 = arith.constant 0 : i32
      %dma_start3A_60 = tpu.memref_slice %arg5[%add3A_42, %dma_start3A_59] : memref<8000x40xf32, #tpu.memory_space<hbm>> -> memref<5x40xf32, #tpu.memory_space<hbm>>
      tpu.enqueue_dma source(%dma_start3A_60 : memref<5x40xf32, #tpu.memory_space<hbm>>) target(%dma_start3A_58 : memref<5x40xf32, #tpu.memory_space<vmem>>) target_semaphore(%arg17 : memref<!tpu.dma_semaphore, #tpu.memory_space<semaphore_mem>>)
      %dma_wait3A = arith.constant 0 : i32
      %dma_wait3A_61 = tpu.memref_slice %arg3[%add3A_23, %dma_wait3A] : memref<8000x40xi32, #tpu.memory_space<hbm>> -> memref<5x40xi32, #tpu.memory_space<hbm>>
      %dma_wait3A_62 = arith.constant 0 : i32
      %dma_wait3A_63 = tpu.memref_slice %arg3[%add3A_23, %dma_wait3A_62] : memref<8000x40xi32, #tpu.memory_space<hbm>> -> memref<5x40xi32, #tpu.memory_space<hbm>>
      tpu.wait_dma2 semaphore(%arg17 : memref<!tpu.dma_semaphore, #tpu.memory_space<semaphore_mem>>) src(%dma_wait3A_63 : memref<5x40xi32, #tpu.memory_space<hbm>>) dst(%arg7 : memref<5x40xi32, #tpu.memory_space<vmem>>)
      %dma_wait3A_64 = arith.constant 0 : i32
      %dma_wait3A_65 = tpu.memref_slice %arg4[%add3A_23, %dma_wait3A_64] : memref<8000x40xi32, #tpu.memory_space<hbm>> -> memref<5x40xi32, #tpu.memory_space<hbm>>
      %dma_wait3A_66 = arith.constant 0 : i32
      %dma_wait3A_67 = tpu.memref_slice %arg4[%add3A_23, %dma_wait3A_66] : memref<8000x40xi32, #tpu.memory_space<hbm>> -> memref<5x40xi32, #tpu.memory_space<hbm>>
      tpu.wait_dma2 semaphore(%arg17 : memref<!tpu.dma_semaphore, #tpu.memory_space<semaphore_mem>>) src(%dma_wait3A_67 : memref<5x40xi32, #tpu.memory_space<hbm>>) dst(%arg9 : memref<5x40xi32, #tpu.memory_space<vmem>>)
      %dma_wait3A_68 = arith.constant 0 : i32
      %dma_wait3A_69 = arith.constant 0 : i32
      %dma_wait3A_70 = tpu.memref_slice %arg11[%dma_wait3A_68, %dma_wait3A_69] : memref<6x40xf32, #tpu.memory_space<vmem>> -> memref<5x40xf32, #tpu.memory_space<vmem>>
      %dma_wait3A_71 = arith.constant 0 : i32
      %dma_wait3A_72 = tpu.memref_slice %arg5[%add3A_23, %dma_wait3A_71] : memref<8000x40xf32, #tpu.memory_space<hbm>> -> memref<5x40xf32, #tpu.memory_space<hbm>>
      %dma_wait3A_73 = arith.constant 0 : i32
      %dma_wait3A_74 = arith.constant 0 : i32
      %dma_wait3A_75 = tpu.memref_slice %arg11[%dma_wait3A_73, %dma_wait3A_74] : memref<6x40xf32, #tpu.memory_space<vmem>> -> memref<5x40xf32, #tpu.memory_space<vmem>>
      %dma_wait3A_76 = arith.constant 0 : i32
      %dma_wait3A_77 = tpu.memref_slice %arg5[%add3A_23, %dma_wait3A_76] : memref<8000x40xf32, #tpu.memory_space<hbm>> -> memref<5x40xf32, #tpu.memory_space<hbm>>
      tpu.wait_dma2 semaphore(%arg17 : memref<!tpu.dma_semaphore, #tpu.memory_space<semaphore_mem>>) src(%dma_wait3A_77 : memref<5x40xf32, #tpu.memory_space<hbm>>) dst(%dma_wait3A_75 : memref<5x40xf32, #tpu.memory_space<vmem>>)
      %dma_wait3A_78 = arith.constant 0 : i32
      %dma_wait3A_79 = tpu.memref_slice %arg3[%add3A_42, %dma_wait3A_78] : memref<8000x40xi32, #tpu.memory_space<hbm>> -> memref<5x40xi32, #tpu.memory_space<hbm>>
      %dma_wait3A_80 = arith.constant 0 : i32
      %dma_wait3A_81 = tpu.memref_slice %arg3[%add3A_42, %dma_wait3A_80] : memref<8000x40xi32, #tpu.memory_space<hbm>> -> memref<5x40xi32, #tpu.memory_space<hbm>>
      tpu.wait_dma2 semaphore(%arg17 : memref<!tpu.dma_semaphore, #tpu.memory_space<semaphore_mem>>) src(%dma_wait3A_81 : memref<5x40xi32, #tpu.memory_space<hbm>>) dst(%arg8 : memref<5x40xi32, #tpu.memory_space<vmem>>)
      %dma_wait3A_82 = arith.constant 0 : i32
      %dma_wait3A_83 = tpu.memref_slice %arg4[%add3A_42, %dma_wait3A_82] : memref<8000x40xi32, #tpu.memory_space<hbm>> -> memref<5x40xi32, #tpu.memory_space<hbm>>
      %dma_wait3A_84 = arith.constant 0 : i32
      %dma_wait3A_85 = tpu.memref_slice %arg4[%add3A_42, %dma_wait3A_84] : memref<8000x40xi32, #tpu.memory_space<hbm>> -> memref<5x40xi32, #tpu.memory_space<hbm>>
      tpu.wait_dma2 semaphore(%arg17 : memref<!tpu.dma_semaphore, #tpu.memory_space<semaphore_mem>>) src(%dma_wait3A_85 : memref<5x40xi32, #tpu.memory_space<hbm>>) dst(%arg10 : memref<5x40xi32, #tpu.memory_space<vmem>>)
      %dma_wait3A_86 = arith.constant 0 : i32
      %dma_wait3A_87 = arith.constant 0 : i32
      %dma_wait3A_88 = tpu.memref_slice %arg12[%dma_wait3A_86, %dma_wait3A_87] : memref<6x40xf32, #tpu.memory_space<vmem>> -> memref<5x40xf32, #tpu.memory_space<vmem>>
      %dma_wait3A_89 = arith.constant 0 : i32
      %dma_wait3A_90 = tpu.memref_slice %arg5[%add3A_42, %dma_wait3A_89] : memref<8000x40xf32, #tpu.memory_space<hbm>> -> memref<5x40xf32, #tpu.memory_space<hbm>>
      %dma_wait3A_91 = arith.constant 0 : i32
      %dma_wait3A_92 = arith.constant 0 : i32
      %dma_wait3A_93 = tpu.memref_slice %arg12[%dma_wait3A_91, %dma_wait3A_92] : memref<6x40xf32, #tpu.memory_space<vmem>> -> memref<5x40xf32, #tpu.memory_space<vmem>>
      %dma_wait3A_94 = arith.constant 0 : i32
      %dma_wait3A_95 = tpu.memref_slice %arg5[%add3A_42, %dma_wait3A_94] : memref<8000x40xf32, #tpu.memory_space<hbm>> -> memref<5x40xf32, #tpu.memory_space<hbm>>
      tpu.wait_dma2 semaphore(%arg17 : memref<!tpu.dma_semaphore, #tpu.memory_space<semaphore_mem>>) src(%dma_wait3A_95 : memref<5x40xf32, #tpu.memory_space<hbm>>) dst(%dma_wait3A_93 : memref<5x40xf32, #tpu.memory_space<vmem>>)
      %scan3A_96 = arith.constant 0 : i32
      %scan3A_97 = arith.constant 0 : i32
      %scan3A_98 = arith.constant 5 : i32
      %scan3A_99 = arith.addi %scan3A_97, %scan3A_98 : i32
      %scan3A_100 = arith.constant 1 : i32
      scf.for %scan3A_204 = %scan3A_97 to %scan3A_99 step %scan3A_100  : i32 {
        %mul3A_205 = arith.constant 40 : i32
        %mul3A_206 = arith.muli %scan3A_204, %mul3A_205 : i32
        %dma_start3A_207 = arith.constant 0 : i32
        %dma_start3A_208 = tpu.memref_slice %arg13[%mul3A_206, %dma_start3A_207] : memref<200x64xf32, #tpu.memory_space<vmem>> -> memref<40x64xf32, #tpu.memory_space<vmem>>
        %dma_start3A_209 = arith.constant 0 : i32
        %dma_start3A_210 = tpu.memref_slice %arg7[%scan3A_204, %dma_start3A_209] : memref<5x40xi32, #tpu.memory_space<vmem>> -> memref<1x40xi32, #tpu.memory_space<vmem>>
        %dma_start3A_211 = tpu.memref_squeeze %dma_start3A_210 : memref<1x40xi32, #tpu.memory_space<vmem>> -> memref<40xi32, #tpu.memory_space<vmem>>
        %dma_start3A_212 = arith.constant 0 : i32
        %dma_start3A_213 = arith.constant 0 : i32
        %dma_start3A_214 = tpu.memref_slice %arg2[%dma_start3A_212, %dma_start3A_213] : memref<10240x64xf32, #tpu.memory_space<hbm>> -> memref<10240x64xf32, #tpu.memory_space<hbm>>
        tpu.enqueue_indirect_dma source(%dma_start3A_214 : memref<10240x64xf32, #tpu.memory_space<hbm>>) target(%dma_start3A_208 : memref<40x64xf32, #tpu.memory_space<vmem>>) offsets(%dma_start3A_211 : memref<40xi32, #tpu.memory_space<vmem>>) semaphore(%arg18 : memref<!tpu.dma_semaphore, #tpu.memory_space<semaphore_mem>>)
      }
      %scan3A_101 = arith.constant 5 : i32
      %scan3A_102 = arith.constant 0 : i32
      %scan3A_103 = arith.constant 0 : i32
      %scan3A_104 = arith.constant 5 : i32
      %scan3A_105 = arith.addi %scan3A_103, %scan3A_104 : i32
      %scan3A_106 = arith.constant 1 : i32
      scf.for %scan3A_204 = %scan3A_103 to %scan3A_105 step %scan3A_106  : i32 {
        %mul3A_205 = arith.constant 40 : i32
        %mul3A_206 = arith.muli %scan3A_204, %mul3A_205 : i32
        %dma_start3A_207 = arith.constant 0 : i32
        %dma_start3A_208 = tpu.memref_slice %arg14[%mul3A_206, %dma_start3A_207] : memref<200x64xf32, #tpu.memory_space<vmem>> -> memref<40x64xf32, #tpu.memory_space<vmem>>
        %dma_start3A_209 = arith.constant 0 : i32
        %dma_start3A_210 = tpu.memref_slice %arg8[%scan3A_204, %dma_start3A_209] : memref<5x40xi32, #tpu.memory_space<vmem>> -> memref<1x40xi32, #tpu.memory_space<vmem>>
        %dma_start3A_211 = tpu.memref_squeeze %dma_start3A_210 : memref<1x40xi32, #tpu.memory_space<vmem>> -> memref<40xi32, #tpu.memory_space<vmem>>
        %dma_start3A_212 = arith.constant 0 : i32
        %dma_start3A_213 = arith.constant 0 : i32
        %dma_start3A_214 = tpu.memref_slice %arg2[%dma_start3A_212, %dma_start3A_213] : memref<10240x64xf32, #tpu.memory_space<hbm>> -> memref<10240x64xf32, #tpu.memory_space<hbm>>
        tpu.enqueue_indirect_dma source(%dma_start3A_214 : memref<10240x64xf32, #tpu.memory_space<hbm>>) target(%dma_start3A_208 : memref<40x64xf32, #tpu.memory_space<vmem>>) offsets(%dma_start3A_211 : memref<40xi32, #tpu.memory_space<vmem>>) semaphore(%arg18 : memref<!tpu.dma_semaphore, #tpu.memory_space<semaphore_mem>>)
      }
      %scan3A_107 = arith.constant 5 : i32
      %dma_wait3A_108 = arith.constant 0 : i32
      %dma_wait3A_109 = arith.constant 0 : i32
      %dma_wait3A_110 = tpu.memref_slice %arg2[%dma_wait3A_108, %dma_wait3A_109] : memref<10240x64xf32, #tpu.memory_space<hbm>> -> memref<200x64xf32, #tpu.memory_space<hbm>>
      %dma_wait3A_111 = arith.constant 0 : i32
      %dma_wait3A_112 = arith.constant 0 : i32
      %dma_wait3A_113 = tpu.memref_slice %arg2[%dma_wait3A_111, %dma_wait3A_112] : memref<10240x64xf32, #tpu.memory_space<hbm>> -> memref<200x64xf32, #tpu.memory_space<hbm>>
      tpu.wait_dma2 semaphore(%arg18 : memref<!tpu.dma_semaphore, #tpu.memory_space<semaphore_mem>>) src(%dma_wait3A_113 : memref<200x64xf32, #tpu.memory_space<hbm>>) dst(%arg13 : memref<200x64xf32, #tpu.memory_space<vmem>>)
      %dma_wait3A_114 = arith.constant 0 : i32
      %dma_wait3A_115 = arith.constant 0 : i32
      %dma_wait3A_116 = tpu.memref_slice %arg2[%dma_wait3A_114, %dma_wait3A_115] : memref<10240x64xf32, #tpu.memory_space<hbm>> -> memref<200x64xf32, #tpu.memory_space<hbm>>
      %dma_wait3A_117 = arith.constant 0 : i32
      %dma_wait3A_118 = arith.constant 0 : i32
      %dma_wait3A_119 = tpu.memref_slice %arg2[%dma_wait3A_117, %dma_wait3A_118] : memref<10240x64xf32, #tpu.memory_space<hbm>> -> memref<200x64xf32, #tpu.memory_space<hbm>>
      tpu.wait_dma2 semaphore(%arg18 : memref<!tpu.dma_semaphore, #tpu.memory_space<semaphore_mem>>) src(%dma_wait3A_119 : memref<200x64xf32, #tpu.memory_space<hbm>>) dst(%arg14 : memref<200x64xf32, #tpu.memory_space<vmem>>)
      %scan3A_120 = arith.constant 0 : i32
      %scan3A_121 = arith.constant 0 : i32
      %scan3A_122 = arith.constant 40 : i32
      %scan3A_123 = arith.addi %scan3A_121, %scan3A_122 : i32
      %scan3A_124 = arith.constant 1 : i32
      scf.for %scan3A_204 = %scan3A_121 to %scan3A_123 step %scan3A_124  : i32 {
        %get3A = arith.constant 0 : i32
        %get3A_205 = arith.index_cast %get3A : i32 to index
        %get3A_206 = arith.index_cast %scan3A_204 : i32 to index
        %get3A_207 = tpu.vector_load %arg11[%get3A_205, %get3A_206] {strides = array<i32>} : memref<6x40xf32, #tpu.memory_space<vmem>>, vector<1x16xf32>,
        %get3A_208 = vector.shape_cast %get3A_207 : vector<1x16xf32> to vector<16xf32>
        %slice3A = vector.extract_strided_slice %get3A_208 {offsets = [0], sizes = [1], strides = [1]} : vector<16xf32> to vector<1xf32>
        %squeeze3A = vector.extract %slice3A[0] : f32 from vector<1xf32>
        %add3A_209 = arith.constant 0 : i32
        %add3A_210 = arith.addi %add3A_209, %scan3A_204 : i32
        %get3A_211 = arith.index_cast %add3A_210 : i32 to index
        %get3A_212 = arith.constant 0 : index
        %get3A_213 = tpu.vector_load %arg13[%get3A_211, %get3A_212] {strides = array<i32>} : memref<200x64xf32, #tpu.memory_space<vmem>>, vector<1x16xf32>,
        %get3A_214 = vector.shape_cast %get3A_213 : vector<1x16xf32> to vector<16xf32>
        %mul3A_215 = vector.broadcast %squeeze3A : f32 to vector<16xf32>
        %mul3A_216 = arith.mulf %get3A_214, %mul3A_215 : vector<16xf32>
        %add3A_217 = arith.constant 0 : i32
        %add3A_218 = arith.addi %add3A_217, %scan3A_204 : i32
        %swap3A = arith.index_cast %add3A_218 : i32 to index
        %swap3A_219 = arith.constant 0 : index
        %swap3A_220 = tpu.vector_load %arg13[%swap3A, %swap3A_219] {strides = array<i32>} : memref<200x64xf32, #tpu.memory_space<vmem>>, vector<1x16xf32>,
        %swap3A_221 = vector.shape_cast %swap3A_220 : vector<1x16xf32> to vector<16xf32>
        %swap3A_222 = vector.shape_cast %mul3A_216 : vector<16xf32> to vector<1x16xf32>
        tpu.vector_store %arg13[%swap3A, %swap3A_219], %swap3A_222 {strides = array<i32>} : memref<200x64xf32, #tpu.memory_space<vmem>>, vector<1x16xf32>,
        %add3A_223 = arith.constant 0 : i32
        %add3A_224 = arith.addi %add3A_223, %scan3A_204 : i32
        %get3A_225 = arith.index_cast %add3A_224 : i32 to index
        %get3A_226 = arith.constant 16 : index
        %get3A_227 = tpu.vector_load %arg13[%get3A_225, %get3A_226] {strides = array<i32>} : memref<200x64xf32, #tpu.memory_space<vmem>>, vector<1x16xf32>,
        %get3A_228 = vector.shape_cast %get3A_227 : vector<1x16xf32> to vector<16xf32>
        %mul3A_229 = vector.broadcast %squeeze3A : f32 to vector<16xf32>
        %mul3A_230 = arith.mulf %get3A_228, %mul3A_229 : vector<16xf32>
        %add3A_231 = arith.constant 0 : i32
        %add3A_232 = arith.addi %add3A_231, %scan3A_204 : i32
        %swap3A_233 = arith.index_cast %add3A_232 : i32 to index
        %swap3A_234 = arith.constant 16 : index
        %swap3A_235 = tpu.vector_load %arg13[%swap3A_233, %swap3A_234] {strides = array<i32>} : memref<200x64xf32, #tpu.memory_space<vmem>>, vector<1x16xf32>,
        %swap3A_236 = vector.shape_cast %swap3A_235 : vector<1x16xf32> to vector<16xf32>
        %swap3A_237 = vector.shape_cast %mul3A_230 : vector<16xf32> to vector<1x16xf32>
        tpu.vector_store %arg13[%swap3A_233, %swap3A_234], %swap3A_237 {strides = array<i32>} : memref<200x64xf32, #tpu.memory_space<vmem>>, vector<1x16xf32>,
        %add3A_238 = arith.constant 0 : i32
        %add3A_239 = arith.addi %add3A_238, %scan3A_204 : i32
        %get3A_240 = arith.index_cast %add3A_239 : i32 to index
        %get3A_241 = arith.constant 32 : index
        %get3A_242 = tpu.vector_load %arg13[%get3A_240, %get3A_241] {strides = array<i32>} : memref<200x64xf32, #tpu.memory_space<vmem>>, vector<1x16xf32>,
        %get3A_243 = vector.shape_cast %get3A_242 : vector<1x16xf32> to vector<16xf32>
        %mul3A_244 = vector.broadcast %squeeze3A : f32 to vector<16xf32>
        %mul3A_245 = arith.mulf %get3A_243, %mul3A_244 : vector<16xf32>
        %add3A_246 = arith.constant 0 : i32
        %add3A_247 = arith.addi %add3A_246, %scan3A_204 : i32
        %swap3A_248 = arith.index_cast %add3A_247 : i32 to index
        %swap3A_249 = arith.constant 32 : index
        %swap3A_250 = tpu.vector_load %arg13[%swap3A_248, %swap3A_249] {strides = array<i32>} : memref<200x64xf32, #tpu.memory_space<vmem>>, vector<1x16xf32>,
        %swap3A_251 = vector.shape_cast %swap3A_250 : vector<1x16xf32> to vector<16xf32>
        %swap3A_252 = vector.shape_cast %mul3A_245 : vector<16xf32> to vector<1x16xf32>
        tpu.vector_store %arg13[%swap3A_248, %swap3A_249], %swap3A_252 {strides = array<i32>} : memref<200x64xf32, #tpu.memory_space<vmem>>, vector<1x16xf32>,
        %add3A_253 = arith.constant 0 : i32
        %add3A_254 = arith.addi %add3A_253, %scan3A_204 : i32
        %get3A_255 = arith.index_cast %add3A_254 : i32 to index
        %get3A_256 = arith.constant 48 : index
        %get3A_257 = tpu.vector_load %arg13[%get3A_255, %get3A_256] {strides = array<i32>} : memref<200x64xf32, #tpu.memory_space<vmem>>, vector<1x16xf32>,
        %get3A_258 = vector.shape_cast %get3A_257 : vector<1x16xf32> to vector<16xf32>
        %mul3A_259 = vector.broadcast %squeeze3A : f32 to vector<16xf32>
        %mul3A_260 = arith.mulf %get3A_258, %mul3A_259 : vector<16xf32>
        %add3A_261 = arith.constant 0 : i32
        %add3A_262 = arith.addi %add3A_261, %scan3A_204 : i32
        %swap3A_263 = arith.index_cast %add3A_262 : i32 to index
        %swap3A_264 = arith.constant 48 : index
        %swap3A_265 = tpu.vector_load %arg13[%swap3A_263, %swap3A_264] {strides = array<i32>} : memref<200x64xf32, #tpu.memory_space<vmem>>, vector<1x16xf32>,
        %swap3A_266 = vector.shape_cast %swap3A_265 : vector<1x16xf32> to vector<16xf32>
        %swap3A_267 = vector.shape_cast %mul3A_260 : vector<16xf32> to vector<1x16xf32>
        tpu.vector_store %arg13[%swap3A_263, %swap3A_264], %swap3A_267 {strides = array<i32>} : memref<200x64xf32, #tpu.memory_space<vmem>>, vector<1x16xf32>,
      }
      %scan3A_125 = arith.constant 40 : i32
      %scan3A_126 = arith.constant 0 : i32
      %scan3A_127 = arith.constant 0 : i32
      %scan3A_128 = arith.constant 40 : i32
      %scan3A_129 = arith.addi %scan3A_127, %scan3A_128 : i32
      %scan3A_130 = arith.constant 1 : i32
      scf.for %scan3A_204 = %scan3A_127 to %scan3A_129 step %scan3A_130  : i32 {
        %get3A = arith.constant 1 : i32
        %get3A_205 = arith.index_cast %get3A : i32 to index
        %get3A_206 = arith.index_cast %scan3A_204 : i32 to index
        %get3A_207 = tpu.vector_load %arg11[%get3A_205, %get3A_206] {strides = array<i32>} : memref<6x40xf32, #tpu.memory_space<vmem>>, vector<1x16xf32>,
        %get3A_208 = vector.shape_cast %get3A_207 : vector<1x16xf32> to vector<16xf32>
        %slice3A = vector.extract_strided_slice %get3A_208 {offsets = [0], sizes = [1], strides = [1]} : vector<16xf32> to vector<1xf32>
        %squeeze3A = vector.extract %slice3A[0] : f32 from vector<1xf32>
        %add3A_209 = arith.constant 40 : i32
        %add3A_210 = arith.addi %add3A_209, %scan3A_204 : i32
        %get3A_211 = arith.index_cast %add3A_210 : i32 to index
        %get3A_212 = arith.constant 0 : index
        %get3A_213 = tpu.vector_load %arg13[%get3A_211, %get3A_212] {strides = array<i32>} : memref<200x64xf32, #tpu.memory_space<vmem>>, vector<1x16xf32>,
        %get3A_214 = vector.shape_cast %get3A_213 : vector<1x16xf32> to vector<16xf32>
        %mul3A_215 = vector.broadcast %squeeze3A : f32 to vector<16xf32>
        %mul3A_216 = arith.mulf %get3A_214, %mul3A_215 : vector<16xf32>
        %add3A_217 = arith.constant 40 : i32
        %add3A_218 = arith.addi %add3A_217, %scan3A_204 : i32
        %swap3A = arith.index_cast %add3A_218 : i32 to index
        %swap3A_219 = arith.constant 0 : index
        %swap3A_220 = tpu.vector_load %arg13[%swap3A, %swap3A_219] {strides = array<i32>} : memref<200x64xf32, #tpu.memory_space<vmem>>, vector<1x16xf32>,
        %swap3A_221 = vector.shape_cast %swap3A_220 : vector<1x16xf32> to vector<16xf32>
        %swap3A_222 = vector.shape_cast %mul3A_216 : vector<16xf32> to vector<1x16xf32>
        tpu.vector_store %arg13[%swap3A, %swap3A_219], %swap3A_222 {strides = array<i32>} : memref<200x64xf32, #tpu.memory_space<vmem>>, vector<1x16xf32>,
        %add3A_223 = arith.constant 40 : i32
        %add3A_224 = arith.addi %add3A_223, %scan3A_204 : i32
        %get3A_225 = arith.index_cast %add3A_224 : i32 to index
        %get3A_226 = arith.constant 16 : index
        %get3A_227 = tpu.vector_load %arg13[%get3A_225, %get3A_226] {strides = array<i32>} : memref<200x64xf32, #tpu.memory_space<vmem>>, vector<1x16xf32>,
        %get3A_228 = vector.shape_cast %get3A_227 : vector<1x16xf32> to vector<16xf32>
        %mul3A_229 = vector.broadcast %squeeze3A : f32 to vector<16xf32>
        %mul3A_230 = arith.mulf %get3A_228, %mul3A_229 : vector<16xf32>
        %add3A_231 = arith.constant 40 : i32
        %add3A_232 = arith.addi %add3A_231, %scan3A_204 : i32
        %swap3A_233 = arith.index_cast %add3A_232 : i32 to index
        %swap3A_234 = arith.constant 16 : index
        %swap3A_235 = tpu.vector_load %arg13[%swap3A_233, %swap3A_234] {strides = array<i32>} : memref<200x64xf32, #tpu.memory_space<vmem>>, vector<1x16xf32>,
        %swap3A_236 = vector.shape_cast %swap3A_235 : vector<1x16xf32> to vector<16xf32>
        %swap3A_237 = vector.shape_cast %mul3A_230 : vector<16xf32> to vector<1x16xf32>
        tpu.vector_store %arg13[%swap3A_233, %swap3A_234], %swap3A_237 {strides = array<i32>} : memref<200x64xf32, #tpu.memory_space<vmem>>, vector<1x16xf32>,
        %add3A_238 = arith.constant 40 : i32
        %add3A_239 = arith.addi %add3A_238, %scan3A_204 : i32
        %get3A_240 = arith.index_cast %add3A_239 : i32 to index
        %get3A_241 = arith.constant 32 : index
        %get3A_242 = tpu.vector_load %arg13[%get3A_240, %get3A_241] {strides = array<i32>} : memref<200x64xf32, #tpu.memory_space<vmem>>, vector<1x16xf32>,
        %get3A_243 = vector.shape_cast %get3A_242 : vector<1x16xf32> to vector<16xf32>
        %mul3A_244 = vector.broadcast %squeeze3A : f32 to vector<16xf32>
        %mul3A_245 = arith.mulf %get3A_243, %mul3A_244 : vector<16xf32>
        %add3A_246 = arith.constant 40 : i32
        %add3A_247 = arith.addi %add3A_246, %scan3A_204 : i32
        %swap3A_248 = arith.index_cast %add3A_247 : i32 to index
        %swap3A_249 = arith.constant 32 : index
        %swap3A_250 = tpu.vector_load %arg13[%swap3A_248, %swap3A_249] {strides = array<i32>} : memref<200x64xf32, #tpu.memory_space<vmem>>, vector<1x16xf32>,
        %swap3A_251 = vector.shape_cast %swap3A_250 : vector<1x16xf32> to vector<16xf32>
        %swap3A_252 = vector.shape_cast %mul3A_245 : vector<16xf32> to vector<1x16xf32>
        tpu.vector_store %arg13[%swap3A_248, %swap3A_249], %swap3A_252 {strides = array<i32>} : memref<200x64xf32, #tpu.memory_space<vmem>>, vector<1x16xf32>,
        %add3A_253 = arith.constant 40 : i32
        %add3A_254 = arith.addi %add3A_253, %scan3A_204 : i32
        %get3A_255 = arith.index_cast %add3A_254 : i32 to index
        %get3A_256 = arith.constant 48 : index
        %get3A_257 = tpu.vector_load %arg13[%get3A_255, %get3A_256] {strides = array<i32>} : memref<200x64xf32, #tpu.memory_space<vmem>>, vector<1x16xf32>,
        %get3A_258 = vector.shape_cast %get3A_257 : vector<1x16xf32> to vector<16xf32>
        %mul3A_259 = vector.broadcast %squeeze3A : f32 to vector<16xf32>
        %mul3A_260 = arith.mulf %get3A_258, %mul3A_259 : vector<16xf32>
        %add3A_261 = arith.constant 40 : i32
        %add3A_262 = arith.addi %add3A_261, %scan3A_204 : i32
        %swap3A_263 = arith.index_cast %add3A_262 : i32 to index
        %swap3A_264 = arith.constant 48 : index
        %swap3A_265 = tpu.vector_load %arg13[%swap3A_263, %swap3A_264] {strides = array<i32>} : memref<200x64xf32, #tpu.memory_space<vmem>>, vector<1x16xf32>,
        %swap3A_266 = vector.shape_cast %swap3A_265 : vector<1x16xf32> to vector<16xf32>
        %swap3A_267 = vector.shape_cast %mul3A_260 : vector<16xf32> to vector<1x16xf32>
        tpu.vector_store %arg13[%swap3A_263, %swap3A_264], %swap3A_267 {strides = array<i32>} : memref<200x64xf32, #tpu.memory_space<vmem>>, vector<1x16xf32>,
      }
      %scan3A_131 = arith.constant 40 : i32
      %scan3A_132 = arith.constant 0 : i32
      %scan3A_133 = arith.constant 0 : i32
      %scan3A_134 = arith.constant 40 : i32
      %scan3A_135 = arith.addi %scan3A_133, %scan3A_134 : i32
      %scan3A_136 = arith.constant 1 : i32
      scf.for %scan3A_204 = %scan3A_133 to %scan3A_135 step %scan3A_136  : i32 {
        %get3A = arith.constant 2 : i32
        %get3A_205 = arith.index_cast %get3A : i32 to index
        %get3A_206 = arith.index_cast %scan3A_204 : i32 to index
        %get3A_207 = tpu.vector_load %arg11[%get3A_205, %get3A_206] {strides = array<i32>} : memref<6x40xf32, #tpu.memory_space<vmem>>, vector<1x16xf32>,
        %get3A_208 = vector.shape_cast %get3A_207 : vector<1x16xf32> to vector<16xf32>
        %slice3A = vector.extract_strided_slice %get3A_208 {offsets = [0], sizes = [1], strides = [1]} : vector<16xf32> to vector<1xf32>
        %squeeze3A = vector.extract %slice3A[0] : f32 from vector<1xf32>
        %add3A_209 = arith.constant 80 : i32
        %add3A_210 = arith.addi %add3A_209, %scan3A_204 : i32
        %get3A_211 = arith.index_cast %add3A_210 : i32 to index
        %get3A_212 = arith.constant 0 : index
        %get3A_213 = tpu.vector_load %arg13[%get3A_211, %get3A_212] {strides = array<i32>} : memref<200x64xf32, #tpu.memory_space<vmem>>, vector<1x16xf32>,
        %get3A_214 = vector.shape_cast %get3A_213 : vector<1x16xf32> to vector<16xf32>
        %mul3A_215 = vector.broadcast %squeeze3A : f32 to vector<16xf32>
        %mul3A_216 = arith.mulf %get3A_214, %mul3A_215 : vector<16xf32>
        %add3A_217 = arith.constant 80 : i32
        %add3A_218 = arith.addi %add3A_217, %scan3A_204 : i32
        %swap3A = arith.index_cast %add3A_218 : i32 to index
        %swap3A_219 = arith.constant 0 : index
        %swap3A_220 = tpu.vector_load %arg13[%swap3A, %swap3A_219] {strides = array<i32>} : memref<200x64xf32, #tpu.memory_space<vmem>>, vector<1x16xf32>,
        %swap3A_221 = vector.shape_cast %swap3A_220 : vector<1x16xf32> to vector<16xf32>
        %swap3A_222 = vector.shape_cast %mul3A_216 : vector<16xf32> to vector<1x16xf32>
        tpu.vector_store %arg13[%swap3A, %swap3A_219], %swap3A_222 {strides = array<i32>} : memref<200x64xf32, #tpu.memory_space<vmem>>, vector<1x16xf32>,
        %add3A_223 = arith.constant 80 : i32
        %add3A_224 = arith.addi %add3A_223, %scan3A_204 : i32
        %get3A_225 = arith.index_cast %add3A_224 : i32 to index
        %get3A_226 = arith.constant 16 : index
        %get3A_227 = tpu.vector_load %arg13[%get3A_225, %get3A_226] {strides = array<i32>} : memref<200x64xf32, #tpu.memory_space<vmem>>, vector<1x16xf32>,
        %get3A_228 = vector.shape_cast %get3A_227 : vector<1x16xf32> to vector<16xf32>
        %mul3A_229 = vector.broadcast %squeeze3A : f32 to vector<16xf32>
        %mul3A_230 = arith.mulf %get3A_228, %mul3A_229 : vector<16xf32>
        %add3A_231 = arith.constant 80 : i32
        %add3A_232 = arith.addi %add3A_231, %scan3A_204 : i32
        %swap3A_233 = arith.index_cast %add3A_232 : i32 to index
        %swap3A_234 = arith.constant 16 : index
        %swap3A_235 = tpu.vector_load %arg13[%swap3A_233, %swap3A_234] {strides = array<i32>} : memref<200x64xf32, #tpu.memory_space<vmem>>, vector<1x16xf32>,
        %swap3A_236 = vector.shape_cast %swap3A_235 : vector<1x16xf32> to vector<16xf32>
        %swap3A_237 = vector.shape_cast %mul3A_230 : vector<16xf32> to vector<1x16xf32>
        tpu.vector_store %arg13[%swap3A_233, %swap3A_234], %swap3A_237 {strides = array<i32>} : memref<200x64xf32, #tpu.memory_space<vmem>>, vector<1x16xf32>,
        %add3A_238 = arith.constant 80 : i32
        %add3A_239 = arith.addi %add3A_238, %scan3A_204 : i32
        %get3A_240 = arith.index_cast %add3A_239 : i32 to index
        %get3A_241 = arith.constant 32 : index
        %get3A_242 = tpu.vector_load %arg13[%get3A_240, %get3A_241] {strides = array<i32>} : memref<200x64xf32, #tpu.memory_space<vmem>>, vector<1x16xf32>,
        %get3A_243 = vector.shape_cast %get3A_242 : vector<1x16xf32> to vector<16xf32>
        %mul3A_244 = vector.broadcast %squeeze3A : f32 to vector<16xf32>
        %mul3A_245 = arith.mulf %get3A_243, %mul3A_244 : vector<16xf32>
        %add3A_246 = arith.constant 80 : i32
        %add3A_247 = arith.addi %add3A_246, %scan3A_204 : i32
        %swap3A_248 = arith.index_cast %add3A_247 : i32 to index
        %swap3A_249 = arith.constant 32 : index
        %swap3A_250 = tpu.vector_load %arg13[%swap3A_248, %swap3A_249] {strides = array<i32>} : memref<200x64xf32, #tpu.memory_space<vmem>>, vector<1x16xf32>,
        %swap3A_251 = vector.shape_cast %swap3A_250 : vector<1x16xf32> to vector<16xf32>
        %swap3A_252 = vector.shape_cast %mul3A_245 : vector<16xf32> to vector<1x16xf32>
        tpu.vector_store %arg13[%swap3A_248, %swap3A_249], %swap3A_252 {strides = array<i32>} : memref<200x64xf32, #tpu.memory_space<vmem>>, vector<1x16xf32>,
        %add3A_253 = arith.constant 80 : i32
        %add3A_254 = arith.addi %add3A_253, %scan3A_204 : i32
        %get3A_255 = arith.index_cast %add3A_254 : i32 to index
        %get3A_256 = arith.constant 48 : index
        %get3A_257 = tpu.vector_load %arg13[%get3A_255, %get3A_256] {strides = array<i32>} : memref<200x64xf32, #tpu.memory_space<vmem>>, vector<1x16xf32>,
        %get3A_258 = vector.shape_cast %get3A_257 : vector<1x16xf32> to vector<16xf32>
        %mul3A_259 = vector.broadcast %squeeze3A : f32 to vector<16xf32>
        %mul3A_260 = arith.mulf %get3A_258, %mul3A_259 : vector<16xf32>
        %add3A_261 = arith.constant 80 : i32
        %add3A_262 = arith.addi %add3A_261, %scan3A_204 : i32
        %swap3A_263 = arith.index_cast %add3A_262 : i32 to index
        %swap3A_264 = arith.constant 48 : index
        %swap3A_265 = tpu.vector_load %arg13[%swap3A_263, %swap3A_264] {strides = array<i32>} : memref<200x64xf32, #tpu.memory_space<vmem>>, vector<1x16xf32>,
        %swap3A_266 = vector.shape_cast %swap3A_265 : vector<1x16xf32> to vector<16xf32>
        %swap3A_267 = vector.shape_cast %mul3A_260 : vector<16xf32> to vector<1x16xf32>
        tpu.vector_store %arg13[%swap3A_263, %swap3A_264], %swap3A_267 {strides = array<i32>} : memref<200x64xf32, #tpu.memory_space<vmem>>, vector<1x16xf32>,
      }
      %scan3A_137 = arith.constant 40 : i32
      %scan3A_138 = arith.constant 0 : i32
      %scan3A_139 = arith.constant 0 : i32
      %scan3A_140 = arith.constant 40 : i32
      %scan3A_141 = arith.addi %scan3A_139, %scan3A_140 : i32
      %scan3A_142 = arith.constant 1 : i32
      scf.for %scan3A_204 = %scan3A_139 to %scan3A_141 step %scan3A_142  : i32 {
        %get3A = arith.constant 3 : i32
        %get3A_205 = arith.index_cast %get3A : i32 to index
        %get3A_206 = arith.index_cast %scan3A_204 : i32 to index
        %get3A_207 = tpu.vector_load %arg11[%get3A_205, %get3A_206] {strides = array<i32>} : memref<6x40xf32, #tpu.memory_space<vmem>>, vector<1x16xf32>,
        %get3A_208 = vector.shape_cast %get3A_207 : vector<1x16xf32> to vector<16xf32>
        %slice3A = vector.extract_strided_slice %get3A_208 {offsets = [0], sizes = [1], strides = [1]} : vector<16xf32> to vector<1xf32>
        %squeeze3A = vector.extract %slice3A[0] : f32 from vector<1xf32>
        %add3A_209 = arith.constant 120 : i32
        %add3A_210 = arith.addi %add3A_209, %scan3A_204 : i32
        %get3A_211 = arith.index_cast %add3A_210 : i32 to index
        %get3A_212 = arith.constant 0 : index
        %get3A_213 = tpu.vector_load %arg13[%get3A_211, %get3A_212] {strides = array<i32>} : memref<200x64xf32, #tpu.memory_space<vmem>>, vector<1x16xf32>,
        %get3A_214 = vector.shape_cast %get3A_213 : vector<1x16xf32> to vector<16xf32>
        %mul3A_215 = vector.broadcast %squeeze3A : f32 to vector<16xf32>
        %mul3A_216 = arith.mulf %get3A_214, %mul3A_215 : vector<16xf32>
        %add3A_217 = arith.constant 120 : i32
        %add3A_218 = arith.addi %add3A_217, %scan3A_204 : i32
        %swap3A = arith.index_cast %add3A_218 : i32 to index
        %swap3A_219 = arith.constant 0 : index
        %swap3A_220 = tpu.vector_load %arg13[%swap3A, %swap3A_219] {strides = array<i32>} : memref<200x64xf32, #tpu.memory_space<vmem>>, vector<1x16xf32>,
        %swap3A_221 = vector.shape_cast %swap3A_220 : vector<1x16xf32> to vector<16xf32>
        %swap3A_222 = vector.shape_cast %mul3A_216 : vector<16xf32> to vector<1x16xf32>
        tpu.vector_store %arg13[%swap3A, %swap3A_219], %swap3A_222 {strides = array<i32>} : memref<200x64xf32, #tpu.memory_space<vmem>>, vector<1x16xf32>,
        %add3A_223 = arith.constant 120 : i32
        %add3A_224 = arith.addi %add3A_223, %scan3A_204 : i32
        %get3A_225 = arith.index_cast %add3A_224 : i32 to index
        %get3A_226 = arith.constant 16 : index
        %get3A_227 = tpu.vector_load %arg13[%get3A_225, %get3A_226] {strides = array<i32>} : memref<200x64xf32, #tpu.memory_space<vmem>>, vector<1x16xf32>,
        %get3A_228 = vector.shape_cast %get3A_227 : vector<1x16xf32> to vector<16xf32>
        %mul3A_229 = vector.broadcast %squeeze3A : f32 to vector<16xf32>
        %mul3A_230 = arith.mulf %get3A_228, %mul3A_229 : vector<16xf32>
        %add3A_231 = arith.constant 120 : i32
        %add3A_232 = arith.addi %add3A_231, %scan3A_204 : i32
        %swap3A_233 = arith.index_cast %add3A_232 : i32 to index
        %swap3A_234 = arith.constant 16 : index
        %swap3A_235 = tpu.vector_load %arg13[%swap3A_233, %swap3A_234] {strides = array<i32>} : memref<200x64xf32, #tpu.memory_space<vmem>>, vector<1x16xf32>,
        %swap3A_236 = vector.shape_cast %swap3A_235 : vector<1x16xf32> to vector<16xf32>
        %swap3A_237 = vector.shape_cast %mul3A_230 : vector<16xf32> to vector<1x16xf32>
        tpu.vector_store %arg13[%swap3A_233, %swap3A_234], %swap3A_237 {strides = array<i32>} : memref<200x64xf32, #tpu.memory_space<vmem>>, vector<1x16xf32>,
        %add3A_238 = arith.constant 120 : i32
        %add3A_239 = arith.addi %add3A_238, %scan3A_204 : i32
        %get3A_240 = arith.index_cast %add3A_239 : i32 to index
        %get3A_241 = arith.constant 32 : index
        %get3A_242 = tpu.vector_load %arg13[%get3A_240, %get3A_241] {strides = array<i32>} : memref<200x64xf32, #tpu.memory_space<vmem>>, vector<1x16xf32>,
        %get3A_243 = vector.shape_cast %get3A_242 : vector<1x16xf32> to vector<16xf32>
        %mul3A_244 = vector.broadcast %squeeze3A : f32 to vector<16xf32>
        %mul3A_245 = arith.mulf %get3A_243, %mul3A_244 : vector<16xf32>
        %add3A_246 = arith.constant 120 : i32
        %add3A_247 = arith.addi %add3A_246, %scan3A_204 : i32
        %swap3A_248 = arith.index_cast %add3A_247 : i32 to index
        %swap3A_249 = arith.constant 32 : index
        %swap3A_250 = tpu.vector_load %arg13[%swap3A_248, %swap3A_249] {strides = array<i32>} : memref<200x64xf32, #tpu.memory_space<vmem>>, vector<1x16xf32>,
        %swap3A_251 = vector.shape_cast %swap3A_250 : vector<1x16xf32> to vector<16xf32>
        %swap3A_252 = vector.shape_cast %mul3A_245 : vector<16xf32> to vector<1x16xf32>
        tpu.vector_store %arg13[%swap3A_248, %swap3A_249], %swap3A_252 {strides = array<i32>} : memref<200x64xf32, #tpu.memory_space<vmem>>, vector<1x16xf32>,
        %add3A_253 = arith.constant 120 : i32
        %add3A_254 = arith.addi %add3A_253, %scan3A_204 : i32
        %get3A_255 = arith.index_cast %add3A_254 : i32 to index
        %get3A_256 = arith.constant 48 : index
        %get3A_257 = tpu.vector_load %arg13[%get3A_255, %get3A_256] {strides = array<i32>} : memref<200x64xf32, #tpu.memory_space<vmem>>, vector<1x16xf32>,
        %get3A_258 = vector.shape_cast %get3A_257 : vector<1x16xf32> to vector<16xf32>
        %mul3A_259 = vector.broadcast %squeeze3A : f32 to vector<16xf32>
        %mul3A_260 = arith.mulf %get3A_258, %mul3A_259 : vector<16xf32>
        %add3A_261 = arith.constant 120 : i32
        %add3A_262 = arith.addi %add3A_261, %scan3A_204 : i32
        %swap3A_263 = arith.index_cast %add3A_262 : i32 to index
        %swap3A_264 = arith.constant 48 : index
        %swap3A_265 = tpu.vector_load %arg13[%swap3A_263, %swap3A_264] {strides = array<i32>} : memref<200x64xf32, #tpu.memory_space<vmem>>, vector<1x16xf32>,
        %swap3A_266 = vector.shape_cast %swap3A_265 : vector<1x16xf32> to vector<16xf32>
        %swap3A_267 = vector.shape_cast %mul3A_260 : vector<16xf32> to vector<1x16xf32>
        tpu.vector_store %arg13[%swap3A_263, %swap3A_264], %swap3A_267 {strides = array<i32>} : memref<200x64xf32, #tpu.memory_space<vmem>>, vector<1x16xf32>,
      }
      %scan3A_143 = arith.constant 40 : i32
      %scan3A_144 = arith.constant 0 : i32
      %scan3A_145 = arith.constant 0 : i32
      %scan3A_146 = arith.constant 40 : i32
      %scan3A_147 = arith.addi %scan3A_145, %scan3A_146 : i32
      %scan3A_148 = arith.constant 1 : i32
      scf.for %scan3A_204 = %scan3A_145 to %scan3A_147 step %scan3A_148  : i32 {
        %get3A = arith.constant 4 : i32
        %get3A_205 = arith.index_cast %get3A : i32 to index
        %get3A_206 = arith.index_cast %scan3A_204 : i32 to index
        %get3A_207 = tpu.vector_load %arg11[%get3A_205, %get3A_206] {strides = array<i32>} : memref<6x40xf32, #tpu.memory_space<vmem>>, vector<1x16xf32>,
        %get3A_208 = vector.shape_cast %get3A_207 : vector<1x16xf32> to vector<16xf32>
        %slice3A = vector.extract_strided_slice %get3A_208 {offsets = [0], sizes = [1], strides = [1]} : vector<16xf32> to vector<1xf32>
        %squeeze3A = vector.extract %slice3A[0] : f32 from vector<1xf32>
        %add3A_209 = arith.constant 160 : i32
        %add3A_210 = arith.addi %add3A_209, %scan3A_204 : i32
        %get3A_211 = arith.index_cast %add3A_210 : i32 to index
        %get3A_212 = arith.constant 0 : index
        %get3A_213 = tpu.vector_load %arg13[%get3A_211, %get3A_212] {strides = array<i32>} : memref<200x64xf32, #tpu.memory_space<vmem>>, vector<1x16xf32>,
        %get3A_214 = vector.shape_cast %get3A_213 : vector<1x16xf32> to vector<16xf32>
        %mul3A_215 = vector.broadcast %squeeze3A : f32 to vector<16xf32>
        %mul3A_216 = arith.mulf %get3A_214, %mul3A_215 : vector<16xf32>
        %add3A_217 = arith.constant 160 : i32
        %add3A_218 = arith.addi %add3A_217, %scan3A_204 : i32
        %swap3A = arith.index_cast %add3A_218 : i32 to index
        %swap3A_219 = arith.constant 0 : index
        %swap3A_220 = tpu.vector_load %arg13[%swap3A, %swap3A_219] {strides = array<i32>} : memref<200x64xf32, #tpu.memory_space<vmem>>, vector<1x16xf32>,
        %swap3A_221 = vector.shape_cast %swap3A_220 : vector<1x16xf32> to vector<16xf32>
        %swap3A_222 = vector.shape_cast %mul3A_216 : vector<16xf32> to vector<1x16xf32>
        tpu.vector_store %arg13[%swap3A, %swap3A_219], %swap3A_222 {strides = array<i32>} : memref<200x64xf32, #tpu.memory_space<vmem>>, vector<1x16xf32>,
        %add3A_223 = arith.constant 160 : i32
        %add3A_224 = arith.addi %add3A_223, %scan3A_204 : i32
        %get3A_225 = arith.index_cast %add3A_224 : i32 to index
        %get3A_226 = arith.constant 16 : index
        %get3A_227 = tpu.vector_load %arg13[%get3A_225, %get3A_226] {strides = array<i32>} : memref<200x64xf32, #tpu.memory_space<vmem>>, vector<1x16xf32>,
        %get3A_228 = vector.shape_cast %get3A_227 : vector<1x16xf32> to vector<16xf32>
        %mul3A_229 = vector.broadcast %squeeze3A : f32 to vector<16xf32>
        %mul3A_230 = arith.mulf %get3A_228, %mul3A_229 : vector<16xf32>
        %add3A_231 = arith.constant 160 : i32
        %add3A_232 = arith.addi %add3A_231, %scan3A_204 : i32
        %swap3A_233 = arith.index_cast %add3A_232 : i32 to index
        %swap3A_234 = arith.constant 16 : index
        %swap3A_235 = tpu.vector_load %arg13[%swap3A_233, %swap3A_234] {strides = array<i32>} : memref<200x64xf32, #tpu.memory_space<vmem>>, vector<1x16xf32>,
        %swap3A_236 = vector.shape_cast %swap3A_235 : vector<1x16xf32> to vector<16xf32>
        %swap3A_237 = vector.shape_cast %mul3A_230 : vector<16xf32> to vector<1x16xf32>
        tpu.vector_store %arg13[%swap3A_233, %swap3A_234], %swap3A_237 {strides = array<i32>} : memref<200x64xf32, #tpu.memory_space<vmem>>, vector<1x16xf32>,
        %add3A_238 = arith.constant 160 : i32
        %add3A_239 = arith.addi %add3A_238, %scan3A_204 : i32
        %get3A_240 = arith.index_cast %add3A_239 : i32 to index
        %get3A_241 = arith.constant 32 : index
        %get3A_242 = tpu.vector_load %arg13[%get3A_240, %get3A_241] {strides = array<i32>} : memref<200x64xf32, #tpu.memory_space<vmem>>, vector<1x16xf32>,
        %get3A_243 = vector.shape_cast %get3A_242 : vector<1x16xf32> to vector<16xf32>
        %mul3A_244 = vector.broadcast %squeeze3A : f32 to vector<16xf32>
        %mul3A_245 = arith.mulf %get3A_243, %mul3A_244 : vector<16xf32>
        %add3A_246 = arith.constant 160 : i32
        %add3A_247 = arith.addi %add3A_246, %scan3A_204 : i32
        %swap3A_248 = arith.index_cast %add3A_247 : i32 to index
        %swap3A_249 = arith.constant 32 : index
        %swap3A_250 = tpu.vector_load %arg13[%swap3A_248, %swap3A_249] {strides = array<i32>} : memref<200x64xf32, #tpu.memory_space<vmem>>, vector<1x16xf32>,
        %swap3A_251 = vector.shape_cast %swap3A_250 : vector<1x16xf32> to vector<16xf32>
        %swap3A_252 = vector.shape_cast %mul3A_245 : vector<16xf32> to vector<1x16xf32>
        tpu.vector_store %arg13[%swap3A_248, %swap3A_249], %swap3A_252 {strides = array<i32>} : memref<200x64xf32, #tpu.memory_space<vmem>>, vector<1x16xf32>,
        %add3A_253 = arith.constant 160 : i32
        %add3A_254 = arith.addi %add3A_253, %scan3A_204 : i32
        %get3A_255 = arith.index_cast %add3A_254 : i32 to index
        %get3A_256 = arith.constant 48 : index
        %get3A_257 = tpu.vector_load %arg13[%get3A_255, %get3A_256] {strides = array<i32>} : memref<200x64xf32, #tpu.memory_space<vmem>>, vector<1x16xf32>,
        %get3A_258 = vector.shape_cast %get3A_257 : vector<1x16xf32> to vector<16xf32>
        %mul3A_259 = vector.broadcast %squeeze3A : f32 to vector<16xf32>
        %mul3A_260 = arith.mulf %get3A_258, %mul3A_259 : vector<16xf32>
        %add3A_261 = arith.constant 160 : i32
        %add3A_262 = arith.addi %add3A_261, %scan3A_204 : i32
        %swap3A_263 = arith.index_cast %add3A_262 : i32 to index
        %swap3A_264 = arith.constant 48 : index
        %swap3A_265 = tpu.vector_load %arg13[%swap3A_263, %swap3A_264] {strides = array<i32>} : memref<200x64xf32, #tpu.memory_space<vmem>>, vector<1x16xf32>,
        %swap3A_266 = vector.shape_cast %swap3A_265 : vector<1x16xf32> to vector<16xf32>
        %swap3A_267 = vector.shape_cast %mul3A_260 : vector<16xf32> to vector<1x16xf32>
        tpu.vector_store %arg13[%swap3A_263, %swap3A_264], %swap3A_267 {strides = array<i32>} : memref<200x64xf32, #tpu.memory_space<vmem>>, vector<1x16xf32>,
      }
      %scan3A_149 = arith.constant 40 : i32
      %scan3A_150 = arith.constant 0 : i32
      %scan3A_151 = arith.constant 0 : i32
      %scan3A_152 = arith.constant 5 : i32
      %scan3A_153 = arith.addi %scan3A_151, %scan3A_152 : i32
      %scan3A_154 = arith.constant 1 : i32
      scf.for %scan3A_204 = %scan3A_151 to %scan3A_153 step %scan3A_154  : i32 {
        %mul3A_205 = arith.constant 40 : i32
        %mul3A_206 = arith.muli %scan3A_204, %mul3A_205 : i32
        %dma_start3A_207 = arith.constant 0 : i32
        %dma_start3A_208 = tpu.memref_slice %arg13[%mul3A_206, %dma_start3A_207] : memref<200x64xf32, #tpu.memory_space<vmem>> -> memref<40x64xf32, #tpu.memory_space<vmem>>
        %dma_start3A_209 = arith.constant 0 : i32
        %dma_start3A_210 = tpu.memref_slice %arg9[%scan3A_204, %dma_start3A_209] : memref<5x40xi32, #tpu.memory_space<vmem>> -> memref<1x40xi32, #tpu.memory_space<vmem>>
        %dma_start3A_211 = tpu.memref_squeeze %dma_start3A_210 : memref<1x40xi32, #tpu.memory_space<vmem>> -> memref<40xi32, #tpu.memory_space<vmem>>
        %dma_start3A_212 = arith.constant 0 : i32
        %dma_start3A_213 = arith.constant 0 : i32
        %dma_start3A_214 = tpu.memref_slice %arg16[%dma_start3A_212, %dma_start3A_213] : memref<10240x64xf32, #tpu.memory_space<vmem_shared>> -> memref<10240x64xf32, #tpu.memory_space<vmem_shared>>
        tpu.enqueue_indirect_dma source(%dma_start3A_208 : memref<40x64xf32, #tpu.memory_space<vmem>>) target(%dma_start3A_214 : memref<10240x64xf32, #tpu.memory_space<vmem_shared>>) offsets(%dma_start3A_211 : memref<40xi32, #tpu.memory_space<vmem>>) semaphore(%arg19 : memref<!tpu.dma_semaphore, #tpu.memory_space<semaphore_mem>>) {add = true}
      }
      %scan3A_155 = arith.constant 5 : i32
      %scan3A_156 = arith.constant 0 : i32
      %scan3A_157 = arith.constant 0 : i32
      %scan3A_158 = arith.constant 40 : i32
      %scan3A_159 = arith.addi %scan3A_157, %scan3A_158 : i32
      %scan3A_160 = arith.constant 1 : i32
      scf.for %scan3A_204 = %scan3A_157 to %scan3A_159 step %scan3A_160  : i32 {
        %get3A = arith.constant 0 : i32
        %get3A_205 = arith.index_cast %get3A : i32 to index
        %get3A_206 = arith.index_cast %scan3A_204 : i32 to index
        %get3A_207 = tpu.vector_load %arg12[%get3A_205, %get3A_206] {strides = array<i32>} : memref<6x40xf32, #tpu.memory_space<vmem>>, vector<1x16xf32>,
        %get3A_208 = vector.shape_cast %get3A_207 : vector<1x16xf32> to vector<16xf32>
        %slice3A = vector.extract_strided_slice %get3A_208 {offsets = [0], sizes = [1], strides = [1]} : vector<16xf32> to vector<1xf32>
        %squeeze3A = vector.extract %slice3A[0] : f32 from vector<1xf32>
        %add3A_209 = arith.constant 0 : i32
        %add3A_210 = arith.addi %add3A_209, %scan3A_204 : i32
        %get3A_211 = arith.index_cast %add3A_210 : i32 to index
        %get3A_212 = arith.constant 0 : index
        %get3A_213 = tpu.vector_load %arg14[%get3A_211, %get3A_212] {strides = array<i32>} : memref<200x64xf32, #tpu.memory_space<vmem>>, vector<1x16xf32>,
        %get3A_214 = vector.shape_cast %get3A_213 : vector<1x16xf32> to vector<16xf32>
        %mul3A_215 = vector.broadcast %squeeze3A : f32 to vector<16xf32>
        %mul3A_216 = arith.mulf %get3A_214, %mul3A_215 : vector<16xf32>
        %add3A_217 = arith.constant 0 : i32
        %add3A_218 = arith.addi %add3A_217, %scan3A_204 : i32
        %swap3A = arith.index_cast %add3A_218 : i32 to index
        %swap3A_219 = arith.constant 0 : index
        %swap3A_220 = tpu.vector_load %arg14[%swap3A, %swap3A_219] {strides = array<i32>} : memref<200x64xf32, #tpu.memory_space<vmem>>, vector<1x16xf32>,
        %swap3A_221 = vector.shape_cast %swap3A_220 : vector<1x16xf32> to vector<16xf32>
        %swap3A_222 = vector.shape_cast %mul3A_216 : vector<16xf32> to vector<1x16xf32>
        tpu.vector_store %arg14[%swap3A, %swap3A_219], %swap3A_222 {strides = array<i32>} : memref<200x64xf32, #tpu.memory_space<vmem>>, vector<1x16xf32>,
        %add3A_223 = arith.constant 0 : i32
        %add3A_224 = arith.addi %add3A_223, %scan3A_204 : i32
        %get3A_225 = arith.index_cast %add3A_224 : i32 to index
        %get3A_226 = arith.constant 16 : index
        %get3A_227 = tpu.vector_load %arg14[%get3A_225, %get3A_226] {strides = array<i32>} : memref<200x64xf32, #tpu.memory_space<vmem>>, vector<1x16xf32>,
        %get3A_228 = vector.shape_cast %get3A_227 : vector<1x16xf32> to vector<16xf32>
        %mul3A_229 = vector.broadcast %squeeze3A : f32 to vector<16xf32>
        %mul3A_230 = arith.mulf %get3A_228, %mul3A_229 : vector<16xf32>
        %add3A_231 = arith.constant 0 : i32
        %add3A_232 = arith.addi %add3A_231, %scan3A_204 : i32
        %swap3A_233 = arith.index_cast %add3A_232 : i32 to index
        %swap3A_234 = arith.constant 16 : index
        %swap3A_235 = tpu.vector_load %arg14[%swap3A_233, %swap3A_234] {strides = array<i32>} : memref<200x64xf32, #tpu.memory_space<vmem>>, vector<1x16xf32>,
        %swap3A_236 = vector.shape_cast %swap3A_235 : vector<1x16xf32> to vector<16xf32>
        %swap3A_237 = vector.shape_cast %mul3A_230 : vector<16xf32> to vector<1x16xf32>
        tpu.vector_store %arg14[%swap3A_233, %swap3A_234], %swap3A_237 {strides = array<i32>} : memref<200x64xf32, #tpu.memory_space<vmem>>, vector<1x16xf32>,
        %add3A_238 = arith.constant 0 : i32
        %add3A_239 = arith.addi %add3A_238, %scan3A_204 : i32
        %get3A_240 = arith.index_cast %add3A_239 : i32 to index
        %get3A_241 = arith.constant 32 : index
        %get3A_242 = tpu.vector_load %arg14[%get3A_240, %get3A_241] {strides = array<i32>} : memref<200x64xf32, #tpu.memory_space<vmem>>, vector<1x16xf32>,
        %get3A_243 = vector.shape_cast %get3A_242 : vector<1x16xf32> to vector<16xf32>
        %mul3A_244 = vector.broadcast %squeeze3A : f32 to vector<16xf32>
        %mul3A_245 = arith.mulf %get3A_243, %mul3A_244 : vector<16xf32>
        %add3A_246 = arith.constant 0 : i32
        %add3A_247 = arith.addi %add3A_246, %scan3A_204 : i32
        %swap3A_248 = arith.index_cast %add3A_247 : i32 to index
        %swap3A_249 = arith.constant 32 : index
        %swap3A_250 = tpu.vector_load %arg14[%swap3A_248, %swap3A_249] {strides = array<i32>} : memref<200x64xf32, #tpu.memory_space<vmem>>, vector<1x16xf32>,
        %swap3A_251 = vector.shape_cast %swap3A_250 : vector<1x16xf32> to vector<16xf32>
        %swap3A_252 = vector.shape_cast %mul3A_245 : vector<16xf32> to vector<1x16xf32>
        tpu.vector_store %arg14[%swap3A_248, %swap3A_249], %swap3A_252 {strides = array<i32>} : memref<200x64xf32, #tpu.memory_space<vmem>>, vector<1x16xf32>,
        %add3A_253 = arith.constant 0 : i32
        %add3A_254 = arith.addi %add3A_253, %scan3A_204 : i32
        %get3A_255 = arith.index_cast %add3A_254 : i32 to index
        %get3A_256 = arith.constant 48 : index
        %get3A_257 = tpu.vector_load %arg14[%get3A_255, %get3A_256] {strides = array<i32>} : memref<200x64xf32, #tpu.memory_space<vmem>>, vector<1x16xf32>,
        %get3A_258 = vector.shape_cast %get3A_257 : vector<1x16xf32> to vector<16xf32>
        %mul3A_259 = vector.broadcast %squeeze3A : f32 to vector<16xf32>
        %mul3A_260 = arith.mulf %get3A_258, %mul3A_259 : vector<16xf32>
        %add3A_261 = arith.constant 0 : i32
        %add3A_262 = arith.addi %add3A_261, %scan3A_204 : i32
        %swap3A_263 = arith.index_cast %add3A_262 : i32 to index
        %swap3A_264 = arith.constant 48 : index
        %swap3A_265 = tpu.vector_load %arg14[%swap3A_263, %swap3A_264] {strides = array<i32>} : memref<200x64xf32, #tpu.memory_space<vmem>>, vector<1x16xf32>,
        %swap3A_266 = vector.shape_cast %swap3A_265 : vector<1x16xf32> to vector<16xf32>
        %swap3A_267 = vector.shape_cast %mul3A_260 : vector<16xf32> to vector<1x16xf32>
        tpu.vector_store %arg14[%swap3A_263, %swap3A_264], %swap3A_267 {strides = array<i32>} : memref<200x64xf32, #tpu.memory_space<vmem>>, vector<1x16xf32>,
      }
      %scan3A_161 = arith.constant 40 : i32
      %scan3A_162 = arith.constant 0 : i32
      %scan3A_163 = arith.constant 0 : i32
      %scan3A_164 = arith.constant 40 : i32
      %scan3A_165 = arith.addi %scan3A_163, %scan3A_164 : i32
      %scan3A_166 = arith.constant 1 : i32
      scf.for %scan3A_204 = %scan3A_163 to %scan3A_165 step %scan3A_166  : i32 {
        %get3A = arith.constant 1 : i32
        %get3A_205 = arith.index_cast %get3A : i32 to index
        %get3A_206 = arith.index_cast %scan3A_204 : i32 to index
        %get3A_207 = tpu.vector_load %arg12[%get3A_205, %get3A_206] {strides = array<i32>} : memref<6x40xf32, #tpu.memory_space<vmem>>, vector<1x16xf32>,
        %get3A_208 = vector.shape_cast %get3A_207 : vector<1x16xf32> to vector<16xf32>
        %slice3A = vector.extract_strided_slice %get3A_208 {offsets = [0], sizes = [1], strides = [1]} : vector<16xf32> to vector<1xf32>
        %squeeze3A = vector.extract %slice3A[0] : f32 from vector<1xf32>
        %add3A_209 = arith.constant 40 : i32
        %add3A_210 = arith.addi %add3A_209, %scan3A_204 : i32
        %get3A_211 = arith.index_cast %add3A_210 : i32 to index
        %get3A_212 = arith.constant 0 : index
        %get3A_213 = tpu.vector_load %arg14[%get3A_211, %get3A_212] {strides = array<i32>} : memref<200x64xf32, #tpu.memory_space<vmem>>, vector<1x16xf32>,
        %get3A_214 = vector.shape_cast %get3A_213 : vector<1x16xf32> to vector<16xf32>
        %mul3A_215 = vector.broadcast %squeeze3A : f32 to vector<16xf32>
        %mul3A_216 = arith.mulf %get3A_214, %mul3A_215 : vector<16xf32>
        %add3A_217 = arith.constant 40 : i32
        %add3A_218 = arith.addi %add3A_217, %scan3A_204 : i32
        %swap3A = arith.index_cast %add3A_218 : i32 to index
        %swap3A_219 = arith.constant 0 : index
        %swap3A_220 = tpu.vector_load %arg14[%swap3A, %swap3A_219] {strides = array<i32>} : memref<200x64xf32, #tpu.memory_space<vmem>>, vector<1x16xf32>,
        %swap3A_221 = vector.shape_cast %swap3A_220 : vector<1x16xf32> to vector<16xf32>
        %swap3A_222 = vector.shape_cast %mul3A_216 : vector<16xf32> to vector<1x16xf32>
        tpu.vector_store %arg14[%swap3A, %swap3A_219], %swap3A_222 {strides = array<i32>} : memref<200x64xf32, #tpu.memory_space<vmem>>, vector<1x16xf32>,
        %add3A_223 = arith.constant 40 : i32
        %add3A_224 = arith.addi %add3A_223, %scan3A_204 : i32
        %get3A_225 = arith.index_cast %add3A_224 : i32 to index
        %get3A_226 = arith.constant 16 : index
        %get3A_227 = tpu.vector_load %arg14[%get3A_225, %get3A_226] {strides = array<i32>} : memref<200x64xf32, #tpu.memory_space<vmem>>, vector<1x16xf32>,
        %get3A_228 = vector.shape_cast %get3A_227 : vector<1x16xf32> to vector<16xf32>
        %mul3A_229 = vector.broadcast %squeeze3A : f32 to vector<16xf32>
        %mul3A_230 = arith.mulf %get3A_228, %mul3A_229 : vector<16xf32>
        %add3A_231 = arith.constant 40 : i32
        %add3A_232 = arith.addi %add3A_231, %scan3A_204 : i32
        %swap3A_233 = arith.index_cast %add3A_232 : i32 to index
        %swap3A_234 = arith.constant 16 : index
        %swap3A_235 = tpu.vector_load %arg14[%swap3A_233, %swap3A_234] {strides = array<i32>} : memref<200x64xf32, #tpu.memory_space<vmem>>, vector<1x16xf32>,
        %swap3A_236 = vector.shape_cast %swap3A_235 : vector<1x16xf32> to vector<16xf32>
        %swap3A_237 = vector.shape_cast %mul3A_230 : vector<16xf32> to vector<1x16xf32>
        tpu.vector_store %arg14[%swap3A_233, %swap3A_234], %swap3A_237 {strides = array<i32>} : memref<200x64xf32, #tpu.memory_space<vmem>>, vector<1x16xf32>,
        %add3A_238 = arith.constant 40 : i32
        %add3A_239 = arith.addi %add3A_238, %scan3A_204 : i32
        %get3A_240 = arith.index_cast %add3A_239 : i32 to index
        %get3A_241 = arith.constant 32 : index
        %get3A_242 = tpu.vector_load %arg14[%get3A_240, %get3A_241] {strides = array<i32>} : memref<200x64xf32, #tpu.memory_space<vmem>>, vector<1x16xf32>,
        %get3A_243 = vector.shape_cast %get3A_242 : vector<1x16xf32> to vector<16xf32>
        %mul3A_244 = vector.broadcast %squeeze3A : f32 to vector<16xf32>
        %mul3A_245 = arith.mulf %get3A_243, %mul3A_244 : vector<16xf32>
        %add3A_246 = arith.constant 40 : i32
        %add3A_247 = arith.addi %add3A_246, %scan3A_204 : i32
        %swap3A_248 = arith.index_cast %add3A_247 : i32 to index
        %swap3A_249 = arith.constant 32 : index
        %swap3A_250 = tpu.vector_load %arg14[%swap3A_248, %swap3A_249] {strides = array<i32>} : memref<200x64xf32, #tpu.memory_space<vmem>>, vector<1x16xf32>,
        %swap3A_251 = vector.shape_cast %swap3A_250 : vector<1x16xf32> to vector<16xf32>
        %swap3A_252 = vector.shape_cast %mul3A_245 : vector<16xf32> to vector<1x16xf32>
        tpu.vector_store %arg14[%swap3A_248, %swap3A_249], %swap3A_252 {strides = array<i32>} : memref<200x64xf32, #tpu.memory_space<vmem>>, vector<1x16xf32>,
        %add3A_253 = arith.constant 40 : i32
        %add3A_254 = arith.addi %add3A_253, %scan3A_204 : i32
        %get3A_255 = arith.index_cast %add3A_254 : i32 to index
        %get3A_256 = arith.constant 48 : index
        %get3A_257 = tpu.vector_load %arg14[%get3A_255, %get3A_256] {strides = array<i32>} : memref<200x64xf32, #tpu.memory_space<vmem>>, vector<1x16xf32>,
        %get3A_258 = vector.shape_cast %get3A_257 : vector<1x16xf32> to vector<16xf32>
        %mul3A_259 = vector.broadcast %squeeze3A : f32 to vector<16xf32>
        %mul3A_260 = arith.mulf %get3A_258, %mul3A_259 : vector<16xf32>
        %add3A_261 = arith.constant 40 : i32
        %add3A_262 = arith.addi %add3A_261, %scan3A_204 : i32
        %swap3A_263 = arith.index_cast %add3A_262 : i32 to index
        %swap3A_264 = arith.constant 48 : index
        %swap3A_265 = tpu.vector_load %arg14[%swap3A_263, %swap3A_264] {strides = array<i32>} : memref<200x64xf32, #tpu.memory_space<vmem>>, vector<1x16xf32>,
        %swap3A_266 = vector.shape_cast %swap3A_265 : vector<1x16xf32> to vector<16xf32>
        %swap3A_267 = vector.shape_cast %mul3A_260 : vector<16xf32> to vector<1x16xf32>
        tpu.vector_store %arg14[%swap3A_263, %swap3A_264], %swap3A_267 {strides = array<i32>} : memref<200x64xf32, #tpu.memory_space<vmem>>, vector<1x16xf32>,
      }
      %scan3A_167 = arith.constant 40 : i32
      %scan3A_168 = arith.constant 0 : i32
      %scan3A_169 = arith.constant 0 : i32
      %scan3A_170 = arith.constant 40 : i32
      %scan3A_171 = arith.addi %scan3A_169, %scan3A_170 : i32
      %scan3A_172 = arith.constant 1 : i32
      scf.for %scan3A_204 = %scan3A_169 to %scan3A_171 step %scan3A_172  : i32 {
        %get3A = arith.constant 2 : i32
        %get3A_205 = arith.index_cast %get3A : i32 to index
        %get3A_206 = arith.index_cast %scan3A_204 : i32 to index
        %get3A_207 = tpu.vector_load %arg12[%get3A_205, %get3A_206] {strides = array<i32>} : memref<6x40xf32, #tpu.memory_space<vmem>>, vector<1x16xf32>,
        %get3A_208 = vector.shape_cast %get3A_207 : vector<1x16xf32> to vector<16xf32>
        %slice3A = vector.extract_strided_slice %get3A_208 {offsets = [0], sizes = [1], strides = [1]} : vector<16xf32> to vector<1xf32>
        %squeeze3A = vector.extract %slice3A[0] : f32 from vector<1xf32>
        %add3A_209 = arith.constant 80 : i32
        %add3A_210 = arith.addi %add3A_209, %scan3A_204 : i32
        %get3A_211 = arith.index_cast %add3A_210 : i32 to index
        %get3A_212 = arith.constant 0 : index
        %get3A_213 = tpu.vector_load %arg14[%get3A_211, %get3A_212] {strides = array<i32>} : memref<200x64xf32, #tpu.memory_space<vmem>>, vector<1x16xf32>,
        %get3A_214 = vector.shape_cast %get3A_213 : vector<1x16xf32> to vector<16xf32>
        %mul3A_215 = vector.broadcast %squeeze3A : f32 to vector<16xf32>
        %mul3A_216 = arith.mulf %get3A_214, %mul3A_215 : vector<16xf32>
        %add3A_217 = arith.constant 80 : i32
        %add3A_218 = arith.addi %add3A_217, %scan3A_204 : i32
        %swap3A = arith.index_cast %add3A_218 : i32 to index
        %swap3A_219 = arith.constant 0 : index
        %swap3A_220 = tpu.vector_load %arg14[%swap3A, %swap3A_219] {strides = array<i32>} : memref<200x64xf32, #tpu.memory_space<vmem>>, vector<1x16xf32>,
        %swap3A_221 = vector.shape_cast %swap3A_220 : vector<1x16xf32> to vector<16xf32>
        %swap3A_222 = vector.shape_cast %mul3A_216 : vector<16xf32> to vector<1x16xf32>
        tpu.vector_store %arg14[%swap3A, %swap3A_219], %swap3A_222 {strides = array<i32>} : memref<200x64xf32, #tpu.memory_space<vmem>>, vector<1x16xf32>,
        %add3A_223 = arith.constant 80 : i32
        %add3A_224 = arith.addi %add3A_223, %scan3A_204 : i32
        %get3A_225 = arith.index_cast %add3A_224 : i32 to index
        %get3A_226 = arith.constant 16 : index
        %get3A_227 = tpu.vector_load %arg14[%get3A_225, %get3A_226] {strides = array<i32>} : memref<200x64xf32, #tpu.memory_space<vmem>>, vector<1x16xf32>,
        %get3A_228 = vector.shape_cast %get3A_227 : vector<1x16xf32> to vector<16xf32>
        %mul3A_229 = vector.broadcast %squeeze3A : f32 to vector<16xf32>
        %mul3A_230 = arith.mulf %get3A_228, %mul3A_229 : vector<16xf32>
        %add3A_231 = arith.constant 80 : i32
        %add3A_232 = arith.addi %add3A_231, %scan3A_204 : i32
        %swap3A_233 = arith.index_cast %add3A_232 : i32 to index
        %swap3A_234 = arith.constant 16 : index
        %swap3A_235 = tpu.vector_load %arg14[%swap3A_233, %swap3A_234] {strides = array<i32>} : memref<200x64xf32, #tpu.memory_space<vmem>>, vector<1x16xf32>,
        %swap3A_236 = vector.shape_cast %swap3A_235 : vector<1x16xf32> to vector<16xf32>
        %swap3A_237 = vector.shape_cast %mul3A_230 : vector<16xf32> to vector<1x16xf32>
        tpu.vector_store %arg14[%swap3A_233, %swap3A_234], %swap3A_237 {strides = array<i32>} : memref<200x64xf32, #tpu.memory_space<vmem>>, vector<1x16xf32>,
        %add3A_238 = arith.constant 80 : i32
        %add3A_239 = arith.addi %add3A_238, %scan3A_204 : i32
        %get3A_240 = arith.index_cast %add3A_239 : i32 to index
        %get3A_241 = arith.constant 32 : index
        %get3A_242 = tpu.vector_load %arg14[%get3A_240, %get3A_241] {strides = array<i32>} : memref<200x64xf32, #tpu.memory_space<vmem>>, vector<1x16xf32>,
        %get3A_243 = vector.shape_cast %get3A_242 : vector<1x16xf32> to vector<16xf32>
        %mul3A_244 = vector.broadcast %squeeze3A : f32 to vector<16xf32>
        %mul3A_245 = arith.mulf %get3A_243, %mul3A_244 : vector<16xf32>
        %add3A_246 = arith.constant 80 : i32
        %add3A_247 = arith.addi %add3A_246, %scan3A_204 : i32
        %swap3A_248 = arith.index_cast %add3A_247 : i32 to index
        %swap3A_249 = arith.constant 32 : index
        %swap3A_250 = tpu.vector_load %arg14[%swap3A_248, %swap3A_249] {strides = array<i32>} : memref<200x64xf32, #tpu.memory_space<vmem>>, vector<1x16xf32>,
        %swap3A_251 = vector.shape_cast %swap3A_250 : vector<1x16xf32> to vector<16xf32>
        %swap3A_252 = vector.shape_cast %mul3A_245 : vector<16xf32> to vector<1x16xf32>
        tpu.vector_store %arg14[%swap3A_248, %swap3A_249], %swap3A_252 {strides = array<i32>} : memref<200x64xf32, #tpu.memory_space<vmem>>, vector<1x16xf32>,
        %add3A_253 = arith.constant 80 : i32
        %add3A_254 = arith.addi %add3A_253, %scan3A_204 : i32
        %get3A_255 = arith.index_cast %add3A_254 : i32 to index
        %get3A_256 = arith.constant 48 : index
        %get3A_257 = tpu.vector_load %arg14[%get3A_255, %get3A_256] {strides = array<i32>} : memref<200x64xf32, #tpu.memory_space<vmem>>, vector<1x16xf32>,
        %get3A_258 = vector.shape_cast %get3A_257 : vector<1x16xf32> to vector<16xf32>
        %mul3A_259 = vector.broadcast %squeeze3A : f32 to vector<16xf32>
        %mul3A_260 = arith.mulf %get3A_258, %mul3A_259 : vector<16xf32>
        %add3A_261 = arith.constant 80 : i32
        %add3A_262 = arith.addi %add3A_261, %scan3A_204 : i32
        %swap3A_263 = arith.index_cast %add3A_262 : i32 to index
        %swap3A_264 = arith.constant 48 : index
        %swap3A_265 = tpu.vector_load %arg14[%swap3A_263, %swap3A_264] {strides = array<i32>} : memref<200x64xf32, #tpu.memory_space<vmem>>, vector<1x16xf32>,
        %swap3A_266 = vector.shape_cast %swap3A_265 : vector<1x16xf32> to vector<16xf32>
        %swap3A_267 = vector.shape_cast %mul3A_260 : vector<16xf32> to vector<1x16xf32>
        tpu.vector_store %arg14[%swap3A_263, %swap3A_264], %swap3A_267 {strides = array<i32>} : memref<200x64xf32, #tpu.memory_space<vmem>>, vector<1x16xf32>,
      }
      %scan3A_173 = arith.constant 40 : i32
      %scan3A_174 = arith.constant 0 : i32
      %scan3A_175 = arith.constant 0 : i32
      %scan3A_176 = arith.constant 40 : i32
      %scan3A_177 = arith.addi %scan3A_175, %scan3A_176 : i32
      %scan3A_178 = arith.constant 1 : i32
      scf.for %scan3A_204 = %scan3A_175 to %scan3A_177 step %scan3A_178  : i32 {
        %get3A = arith.constant 3 : i32
        %get3A_205 = arith.index_cast %get3A : i32 to index
        %get3A_206 = arith.index_cast %scan3A_204 : i32 to index
        %get3A_207 = tpu.vector_load %arg12[%get3A_205, %get3A_206] {strides = array<i32>} : memref<6x40xf32, #tpu.memory_space<vmem>>, vector<1x16xf32>,
        %get3A_208 = vector.shape_cast %get3A_207 : vector<1x16xf32> to vector<16xf32>
        %slice3A = vector.extract_strided_slice %get3A_208 {offsets = [0], sizes = [1], strides = [1]} : vector<16xf32> to vector<1xf32>
        %squeeze3A = vector.extract %slice3A[0] : f32 from vector<1xf32>
        %add3A_209 = arith.constant 120 : i32
        %add3A_210 = arith.addi %add3A_209, %scan3A_204 : i32
        %get3A_211 = arith.index_cast %add3A_210 : i32 to index
        %get3A_212 = arith.constant 0 : index
        %get3A_213 = tpu.vector_load %arg14[%get3A_211, %get3A_212] {strides = array<i32>} : memref<200x64xf32, #tpu.memory_space<vmem>>, vector<1x16xf32>,
        %get3A_214 = vector.shape_cast %get3A_213 : vector<1x16xf32> to vector<16xf32>
        %mul3A_215 = vector.broadcast %squeeze3A : f32 to vector<16xf32>
        %mul3A_216 = arith.mulf %get3A_214, %mul3A_215 : vector<16xf32>
        %add3A_217 = arith.constant 120 : i32
        %add3A_218 = arith.addi %add3A_217, %scan3A_204 : i32
        %swap3A = arith.index_cast %add3A_218 : i32 to index
        %swap3A_219 = arith.constant 0 : index
        %swap3A_220 = tpu.vector_load %arg14[%swap3A, %swap3A_219] {strides = array<i32>} : memref<200x64xf32, #tpu.memory_space<vmem>>, vector<1x16xf32>,
        %swap3A_221 = vector.shape_cast %swap3A_220 : vector<1x16xf32> to vector<16xf32>
        %swap3A_222 = vector.shape_cast %mul3A_216 : vector<16xf32> to vector<1x16xf32>
        tpu.vector_store %arg14[%swap3A, %swap3A_219], %swap3A_222 {strides = array<i32>} : memref<200x64xf32, #tpu.memory_space<vmem>>, vector<1x16xf32>,
        %add3A_223 = arith.constant 120 : i32
        %add3A_224 = arith.addi %add3A_223, %scan3A_204 : i32
        %get3A_225 = arith.index_cast %add3A_224 : i32 to index
        %get3A_226 = arith.constant 16 : index
        %get3A_227 = tpu.vector_load %arg14[%get3A_225, %get3A_226] {strides = array<i32>} : memref<200x64xf32, #tpu.memory_space<vmem>>, vector<1x16xf32>,
        %get3A_228 = vector.shape_cast %get3A_227 : vector<1x16xf32> to vector<16xf32>
        %mul3A_229 = vector.broadcast %squeeze3A : f32 to vector<16xf32>
        %mul3A_230 = arith.mulf %get3A_228, %mul3A_229 : vector<16xf32>
        %add3A_231 = arith.constant 120 : i32
        %add3A_232 = arith.addi %add3A_231, %scan3A_204 : i32
        %swap3A_233 = arith.index_cast %add3A_232 : i32 to index
        %swap3A_234 = arith.constant 16 : index
        %swap3A_235 = tpu.vector_load %arg14[%swap3A_233, %swap3A_234] {strides = array<i32>} : memref<200x64xf32, #tpu.memory_space<vmem>>, vector<1x16xf32>,
        %swap3A_236 = vector.shape_cast %swap3A_235 : vector<1x16xf32> to vector<16xf32>
        %swap3A_237 = vector.shape_cast %mul3A_230 : vector<16xf32> to vector<1x16xf32>
        tpu.vector_store %arg14[%swap3A_233, %swap3A_234], %swap3A_237 {strides = array<i32>} : memref<200x64xf32, #tpu.memory_space<vmem>>, vector<1x16xf32>,
        %add3A_238 = arith.constant 120 : i32
        %add3A_239 = arith.addi %add3A_238, %scan3A_204 : i32
        %get3A_240 = arith.index_cast %add3A_239 : i32 to index
        %get3A_241 = arith.constant 32 : index
        %get3A_242 = tpu.vector_load %arg14[%get3A_240, %get3A_241] {strides = array<i32>} : memref<200x64xf32, #tpu.memory_space<vmem>>, vector<1x16xf32>,
        %get3A_243 = vector.shape_cast %get3A_242 : vector<1x16xf32> to vector<16xf32>
        %mul3A_244 = vector.broadcast %squeeze3A : f32 to vector<16xf32>
        %mul3A_245 = arith.mulf %get3A_243, %mul3A_244 : vector<16xf32>
        %add3A_246 = arith.constant 120 : i32
        %add3A_247 = arith.addi %add3A_246, %scan3A_204 : i32
        %swap3A_248 = arith.index_cast %add3A_247 : i32 to index
        %swap3A_249 = arith.constant 32 : index
        %swap3A_250 = tpu.vector_load %arg14[%swap3A_248, %swap3A_249] {strides = array<i32>} : memref<200x64xf32, #tpu.memory_space<vmem>>, vector<1x16xf32>,
        %swap3A_251 = vector.shape_cast %swap3A_250 : vector<1x16xf32> to vector<16xf32>
        %swap3A_252 = vector.shape_cast %mul3A_245 : vector<16xf32> to vector<1x16xf32>
        tpu.vector_store %arg14[%swap3A_248, %swap3A_249], %swap3A_252 {strides = array<i32>} : memref<200x64xf32, #tpu.memory_space<vmem>>, vector<1x16xf32>,
        %add3A_253 = arith.constant 120 : i32
        %add3A_254 = arith.addi %add3A_253, %scan3A_204 : i32
        %get3A_255 = arith.index_cast %add3A_254 : i32 to index
        %get3A_256 = arith.constant 48 : index
        %get3A_257 = tpu.vector_load %arg14[%get3A_255, %get3A_256] {strides = array<i32>} : memref<200x64xf32, #tpu.memory_space<vmem>>, vector<1x16xf32>,
        %get3A_258 = vector.shape_cast %get3A_257 : vector<1x16xf32> to vector<16xf32>
        %mul3A_259 = vector.broadcast %squeeze3A : f32 to vector<16xf32>
        %mul3A_260 = arith.mulf %get3A_258, %mul3A_259 : vector<16xf32>
        %add3A_261 = arith.constant 120 : i32
        %add3A_262 = arith.addi %add3A_261, %scan3A_204 : i32
        %swap3A_263 = arith.index_cast %add3A_262 : i32 to index
        %swap3A_264 = arith.constant 48 : index
        %swap3A_265 = tpu.vector_load %arg14[%swap3A_263, %swap3A_264] {strides = array<i32>} : memref<200x64xf32, #tpu.memory_space<vmem>>, vector<1x16xf32>,
        %swap3A_266 = vector.shape_cast %swap3A_265 : vector<1x16xf32> to vector<16xf32>
        %swap3A_267 = vector.shape_cast %mul3A_260 : vector<16xf32> to vector<1x16xf32>
        tpu.vector_store %arg14[%swap3A_263, %swap3A_264], %swap3A_267 {strides = array<i32>} : memref<200x64xf32, #tpu.memory_space<vmem>>, vector<1x16xf32>,
      }
      %scan3A_179 = arith.constant 40 : i32
      %scan3A_180 = arith.constant 0 : i32
      %scan3A_181 = arith.constant 0 : i32
      %scan3A_182 = arith.constant 40 : i32
      %scan3A_183 = arith.addi %scan3A_181, %scan3A_182 : i32
      %scan3A_184 = arith.constant 1 : i32
      scf.for %scan3A_204 = %scan3A_181 to %scan3A_183 step %scan3A_184  : i32 {
        %get3A = arith.constant 4 : i32
        %get3A_205 = arith.index_cast %get3A : i32 to index
        %get3A_206 = arith.index_cast %scan3A_204 : i32 to index
        %get3A_207 = tpu.vector_load %arg12[%get3A_205, %get3A_206] {strides = array<i32>} : memref<6x40xf32, #tpu.memory_space<vmem>>, vector<1x16xf32>,
        %get3A_208 = vector.shape_cast %get3A_207 : vector<1x16xf32> to vector<16xf32>
        %slice3A = vector.extract_strided_slice %get3A_208 {offsets = [0], sizes = [1], strides = [1]} : vector<16xf32> to vector<1xf32>
        %squeeze3A = vector.extract %slice3A[0] : f32 from vector<1xf32>
        %add3A_209 = arith.constant 160 : i32
        %add3A_210 = arith.addi %add3A_209, %scan3A_204 : i32
        %get3A_211 = arith.index_cast %add3A_210 : i32 to index
        %get3A_212 = arith.constant 0 : index
        %get3A_213 = tpu.vector_load %arg14[%get3A_211, %get3A_212] {strides = array<i32>} : memref<200x64xf32, #tpu.memory_space<vmem>>, vector<1x16xf32>,
        %get3A_214 = vector.shape_cast %get3A_213 : vector<1x16xf32> to vector<16xf32>
        %mul3A_215 = vector.broadcast %squeeze3A : f32 to vector<16xf32>
        %mul3A_216 = arith.mulf %get3A_214, %mul3A_215 : vector<16xf32>
        %add3A_217 = arith.constant 160 : i32
        %add3A_218 = arith.addi %add3A_217, %scan3A_204 : i32
        %swap3A = arith.index_cast %add3A_218 : i32 to index
        %swap3A_219 = arith.constant 0 : index
        %swap3A_220 = tpu.vector_load %arg14[%swap3A, %swap3A_219] {strides = array<i32>} : memref<200x64xf32, #tpu.memory_space<vmem>>, vector<1x16xf32>,
        %swap3A_221 = vector.shape_cast %swap3A_220 : vector<1x16xf32> to vector<16xf32>
        %swap3A_222 = vector.shape_cast %mul3A_216 : vector<16xf32> to vector<1x16xf32>
        tpu.vector_store %arg14[%swap3A, %swap3A_219], %swap3A_222 {strides = array<i32>} : memref<200x64xf32, #tpu.memory_space<vmem>>, vector<1x16xf32>,
        %add3A_223 = arith.constant 160 : i32
        %add3A_224 = arith.addi %add3A_223, %scan3A_204 : i32
        %get3A_225 = arith.index_cast %add3A_224 : i32 to index
        %get3A_226 = arith.constant 16 : index
        %get3A_227 = tpu.vector_load %arg14[%get3A_225, %get3A_226] {strides = array<i32>} : memref<200x64xf32, #tpu.memory_space<vmem>>, vector<1x16xf32>,
        %get3A_228 = vector.shape_cast %get3A_227 : vector<1x16xf32> to vector<16xf32>
        %mul3A_229 = vector.broadcast %squeeze3A : f32 to vector<16xf32>
        %mul3A_230 = arith.mulf %get3A_228, %mul3A_229 : vector<16xf32>
        %add3A_231 = arith.constant 160 : i32
        %add3A_232 = arith.addi %add3A_231, %scan3A_204 : i32
        %swap3A_233 = arith.index_cast %add3A_232 : i32 to index
        %swap3A_234 = arith.constant 16 : index
        %swap3A_235 = tpu.vector_load %arg14[%swap3A_233, %swap3A_234] {strides = array<i32>} : memref<200x64xf32, #tpu.memory_space<vmem>>, vector<1x16xf32>,
        %swap3A_236 = vector.shape_cast %swap3A_235 : vector<1x16xf32> to vector<16xf32>
        %swap3A_237 = vector.shape_cast %mul3A_230 : vector<16xf32> to vector<1x16xf32>
        tpu.vector_store %arg14[%swap3A_233, %swap3A_234], %swap3A_237 {strides = array<i32>} : memref<200x64xf32, #tpu.memory_space<vmem>>, vector<1x16xf32>,
        %add3A_238 = arith.constant 160 : i32
        %add3A_239 = arith.addi %add3A_238, %scan3A_204 : i32
        %get3A_240 = arith.index_cast %add3A_239 : i32 to index
        %get3A_241 = arith.constant 32 : index
        %get3A_242 = tpu.vector_load %arg14[%get3A_240, %get3A_241] {strides = array<i32>} : memref<200x64xf32, #tpu.memory_space<vmem>>, vector<1x16xf32>,
        %get3A_243 = vector.shape_cast %get3A_242 : vector<1x16xf32> to vector<16xf32>
        %mul3A_244 = vector.broadcast %squeeze3A : f32 to vector<16xf32>
        %mul3A_245 = arith.mulf %get3A_243, %mul3A_244 : vector<16xf32>
        %add3A_246 = arith.constant 160 : i32
        %add3A_247 = arith.addi %add3A_246, %scan3A_204 : i32
        %swap3A_248 = arith.index_cast %add3A_247 : i32 to index
        %swap3A_249 = arith.constant 32 : index
        %swap3A_250 = tpu.vector_load %arg14[%swap3A_248, %swap3A_249] {strides = array<i32>} : memref<200x64xf32, #tpu.memory_space<vmem>>, vector<1x16xf32>,
        %swap3A_251 = vector.shape_cast %swap3A_250 : vector<1x16xf32> to vector<16xf32>
        %swap3A_252 = vector.shape_cast %mul3A_245 : vector<16xf32> to vector<1x16xf32>
        tpu.vector_store %arg14[%swap3A_248, %swap3A_249], %swap3A_252 {strides = array<i32>} : memref<200x64xf32, #tpu.memory_space<vmem>>, vector<1x16xf32>,
        %add3A_253 = arith.constant 160 : i32
        %add3A_254 = arith.addi %add3A_253, %scan3A_204 : i32
        %get3A_255 = arith.index_cast %add3A_254 : i32 to index
        %get3A_256 = arith.constant 48 : index
        %get3A_257 = tpu.vector_load %arg14[%get3A_255, %get3A_256] {strides = array<i32>} : memref<200x64xf32, #tpu.memory_space<vmem>>, vector<1x16xf32>,
        %get3A_258 = vector.shape_cast %get3A_257 : vector<1x16xf32> to vector<16xf32>
        %mul3A_259 = vector.broadcast %squeeze3A : f32 to vector<16xf32>
        %mul3A_260 = arith.mulf %get3A_258, %mul3A_259 : vector<16xf32>
        %add3A_261 = arith.constant 160 : i32
        %add3A_262 = arith.addi %add3A_261, %scan3A_204 : i32
        %swap3A_263 = arith.index_cast %add3A_262 : i32 to index
        %swap3A_264 = arith.constant 48 : index
        %swap3A_265 = tpu.vector_load %arg14[%swap3A_263, %swap3A_264] {strides = array<i32>} : memref<200x64xf32, #tpu.memory_space<vmem>>, vector<1x16xf32>,
        %swap3A_266 = vector.shape_cast %swap3A_265 : vector<1x16xf32> to vector<16xf32>
        %swap3A_267 = vector.shape_cast %mul3A_260 : vector<16xf32> to vector<1x16xf32>
        tpu.vector_store %arg14[%swap3A_263, %swap3A_264], %swap3A_267 {strides = array<i32>} : memref<200x64xf32, #tpu.memory_space<vmem>>, vector<1x16xf32>,
      }
      %scan3A_185 = arith.constant 40 : i32
      %scan3A_186 = arith.constant 0 : i32
      %scan3A_187 = arith.constant 0 : i32
      %scan3A_188 = arith.constant 5 : i32
      %scan3A_189 = arith.addi %scan3A_187, %scan3A_188 : i32
      %scan3A_190 = arith.constant 1 : i32
      scf.for %scan3A_204 = %scan3A_187 to %scan3A_189 step %scan3A_190  : i32 {
        %mul3A_205 = arith.constant 40 : i32
        %mul3A_206 = arith.muli %scan3A_204, %mul3A_205 : i32
        %dma_start3A_207 = arith.constant 0 : i32
        %dma_start3A_208 = tpu.memref_slice %arg14[%mul3A_206, %dma_start3A_207] : memref<200x64xf32, #tpu.memory_space<vmem>> -> memref<40x64xf32, #tpu.memory_space<vmem>>
        %dma_start3A_209 = arith.constant 0 : i32
        %dma_start3A_210 = tpu.memref_slice %arg10[%scan3A_204, %dma_start3A_209] : memref<5x40xi32, #tpu.memory_space<vmem>> -> memref<1x40xi32, #tpu.memory_space<vmem>>
        %dma_start3A_211 = tpu.memref_squeeze %dma_start3A_210 : memref<1x40xi32, #tpu.memory_space<vmem>> -> memref<40xi32, #tpu.memory_space<vmem>>
        %dma_start3A_212 = arith.constant 0 : i32
        %dma_start3A_213 = arith.constant 0 : i32
        %dma_start3A_214 = tpu.memref_slice %arg16[%dma_start3A_212, %dma_start3A_213] : memref<10240x64xf32, #tpu.memory_space<vmem_shared>> -> memref<10240x64xf32, #tpu.memory_space<vmem_shared>>
        tpu.enqueue_indirect_dma source(%dma_start3A_208 : memref<40x64xf32, #tpu.memory_space<vmem>>) target(%dma_start3A_214 : memref<10240x64xf32, #tpu.memory_space<vmem_shared>>) offsets(%dma_start3A_211 : memref<40xi32, #tpu.memory_space<vmem>>) semaphore(%arg19 : memref<!tpu.dma_semaphore, #tpu.memory_space<semaphore_mem>>) {add = true}
      }
      %scan3A_191 = arith.constant 5 : i32
      %dma_wait3A_192 = arith.constant 0 : i32
      %dma_wait3A_193 = arith.constant 0 : i32
      %dma_wait3A_194 = tpu.memref_slice %arg2[%dma_wait3A_192, %dma_wait3A_193] : memref<10240x64xf32, #tpu.memory_space<hbm>> -> memref<200x64xf32, #tpu.memory_space<hbm>>
      %dma_wait3A_195 = arith.constant 0 : i32
      %dma_wait3A_196 = arith.constant 0 : i32
      %dma_wait3A_197 = tpu.memref_slice %arg2[%dma_wait3A_195, %dma_wait3A_196] : memref<10240x64xf32, #tpu.memory_space<hbm>> -> memref<200x64xf32, #tpu.memory_space<hbm>>
      tpu.wait_dma2 semaphore(%arg19 : memref<!tpu.dma_semaphore, #tpu.memory_space<semaphore_mem>>) src(%dma_wait3A_197 : memref<200x64xf32, #tpu.memory_space<hbm>>) dst(%arg13 : memref<200x64xf32, #tpu.memory_space<vmem>>)
      %dma_wait3A_198 = arith.constant 0 : i32
      %dma_wait3A_199 = arith.constant 0 : i32
      %dma_wait3A_200 = tpu.memref_slice %arg2[%dma_wait3A_198, %dma_wait3A_199] : memref<10240x64xf32, #tpu.memory_space<hbm>> -> memref<200x64xf32, #tpu.memory_space<hbm>>
      %dma_wait3A_201 = arith.constant 0 : i32
      %dma_wait3A_202 = arith.constant 0 : i32
      %dma_wait3A_203 = tpu.memref_slice %arg2[%dma_wait3A_201, %dma_wait3A_202] : memref<10240x64xf32, #tpu.memory_space<hbm>> -> memref<200x64xf32, #tpu.memory_space<hbm>>
      tpu.wait_dma2 semaphore(%arg19 : memref<!tpu.dma_semaphore, #tpu.memory_space<semaphore_mem>>) src(%dma_wait3A_203 : memref<200x64xf32, #tpu.memory_space<hbm>>) dst(%arg14 : memref<200x64xf32, #tpu.memory_space<vmem>>)
    }
    %scan3A_16 = arith.constant 25 : i32
    %barrier3A_17 = arith.constant 0 : index
    tpu.barrier barrier_id(%barrier3A_17)
    "tpu.region"() ({
      %run_scoped3A = tpu.sem_alloc : memref<!tpu.dma_semaphore, #tpu.memory_space<semaphore_mem>>
      %dma_start3A = arith.constant 0 : i32
      %dma_start3A_18 = tpu.memref_slice %arg16[%mul3A_2, %dma_start3A] : memref<10240x64xf32, #tpu.memory_space<vmem_shared>> -> memref<640x64xf32, #tpu.memory_space<vmem_shared>>
      %dma_start3A_19 = arith.constant 0 : i32
      %dma_start3A_20 = tpu.memref_slice %arg16[%mul3A_2, %dma_start3A_19] : memref<10240x64xf32, #tpu.memory_space<vmem_shared>> -> memref<640x64xf32, #tpu.memory_space<vmem_shared>>
      tpu.enqueue_dma source(%dma_start3A_20 : memref<640x64xf32, #tpu.memory_space<vmem_shared>>) target(%arg15 : memref<640x64xf32, #tpu.memory_space<vmem>>) target_semaphore(%run_scoped3A : memref<!tpu.dma_semaphore, #tpu.memory_space<semaphore_mem>>)
      %dma_wait3A = arith.constant 0 : i32
      %dma_wait3A_21 = tpu.memref_slice %arg16[%mul3A_2, %dma_wait3A] : memref<10240x64xf32, #tpu.memory_space<vmem_shared>> -> memref<640x64xf32, #tpu.memory_space<vmem_shared>>
      %dma_wait3A_22 = arith.constant 0 : i32
      %dma_wait3A_23 = tpu.memref_slice %arg16[%mul3A_2, %dma_wait3A_22] : memref<10240x64xf32, #tpu.memory_space<vmem_shared>> -> memref<640x64xf32, #tpu.memory_space<vmem_shared>>
      tpu.wait_dma2 semaphore(%run_scoped3A : memref<!tpu.dma_semaphore, #tpu.memory_space<semaphore_mem>>) src(%dma_wait3A_23 : memref<640x64xf32, #tpu.memory_space<vmem_shared>>) dst(%arg15 : memref<640x64xf32, #tpu.memory_space<vmem>>)
      tpu.yield
    }) : () -> ()
    "tpu.region"() ({
      %run_scoped3A = tpu.sem_alloc : memref<!tpu.dma_semaphore, #tpu.memory_space<semaphore_mem>>
      %dma_start3A = arith.constant 0 : i32
      %dma_start3A_18 = tpu.memref_slice %arg6[%arg0, %mul3A_2, %dma_start3A] : memref<2x10240x64xf32, #tpu.memory_space<hbm>> -> memref<1x640x64xf32, #tpu.memory_space<hbm>>
      %dma_start3A_19 = tpu.memref_squeeze %dma_start3A_18 : memref<1x640x64xf32, #tpu.memory_space<hbm>> -> memref<640x64xf32, #tpu.memory_space<hbm>>
      %dma_start3A_20 = arith.constant 0 : i32
      %dma_start3A_21 = tpu.memref_slice %arg6[%arg0, %mul3A_2, %dma_start3A_20] : memref<2x10240x64xf32, #tpu.memory_space<hbm>> -> memref<1x640x64xf32, #tpu.memory_space<hbm>>
      %dma_start3A_22 = tpu.memref_squeeze %dma_start3A_21 : memref<1x640x64xf32, #tpu.memory_space<hbm>> -> memref<640x64xf32, #tpu.memory_space<hbm>>
      tpu.enqueue_dma source(%arg15 : memref<640x64xf32, #tpu.memory_space<vmem>>) target(%dma_start3A_22 : memref<640x64xf32, #tpu.memory_space<hbm>>) target_semaphore(%run_scoped3A : memref<!tpu.dma_semaphore, #tpu.memory_space<semaphore_mem>>)
      %dma_wait3A = arith.constant 0 : i32
      %dma_wait3A_23 = tpu.memref_slice %arg6[%arg0, %mul3A_2, %dma_wait3A] : memref<2x10240x64xf32, #tpu.memory_space<hbm>> -> memref<1x640x64xf32, #tpu.memory_space<hbm>>
      %dma_wait3A_24 = tpu.memref_squeeze %dma_wait3A_23 : memref<1x640x64xf32, #tpu.memory_space<hbm>> -> memref<640x64xf32, #tpu.memory_space<hbm>>
      %dma_wait3A_25 = arith.constant 0 : i32
      %dma_wait3A_26 = tpu.memref_slice %arg6[%arg0, %mul3A_2, %dma_wait3A_25] : memref<2x10240x64xf32, #tpu.memory_space<hbm>> -> memref<1x640x64xf32, #tpu.memory_space<hbm>>
      %dma_wait3A_27 = tpu.memref_squeeze %dma_wait3A_26 : memref<1x640x64xf32, #tpu.memory_space<hbm>> -> memref<640x64xf32, #tpu.memory_space<hbm>>
      tpu.wait_dma2 semaphore(%run_scoped3A : memref<!tpu.dma_semaphore, #tpu.memory_space<semaphore_mem>>) src(%arg15 : memref<640x64xf32, #tpu.memory_space<vmem>>) dst(%dma_wait3A_27 : memref<640x64xf32, #tpu.memory_space<hbm>>)
      tpu.yield
    }) : () -> ()
    return
  }
}

#map = affine_map<(d0, d1) -> (0, 0)>
#map1 = affine_map<(d0, d1) -> (0, 0, 0)>
module attributes {stable_mosaic.version = 14 : i64} {
  func.func @msg_kernel(%arg0: i32, %arg1: i32, %arg2: memref<10240x64xf32, #tpu.memory_space<hbm>>, %arg3: memref<8000x40xi32, #tpu.memory_space<hbm>>, %arg4: memref<8000x40xi32, #tpu.memory_space<hbm>>, %arg5: memref<8000x40xf32, #tpu.memory_space<hbm>>, %arg6: memref<2x10240x64xf32, #tpu.memory_space<hbm>>, %arg7: memref<5x40xi32, #tpu.memory_space<vmem>>, %arg8: memref<5x40xi32, #tpu.memory_space<vmem>>, %arg9: memref<5x40xi32, #tpu.memory_space<vmem>>, %arg10: memref<5x40xi32, #tpu.memory_space<vmem>>, %arg11: memref<6x40xf32, #tpu.memory_space<vmem>>, %arg12: memref<6x40xf32, #tpu.memory_space<vmem>>, %arg13: memref<200x64xf32, #tpu.memory_space<vmem>>, %arg14: memref<200x64xf32, #tpu.memory_space<vmem>>, %arg15: memref<640x64xf32, #tpu.memory_space<vmem>>, %arg16: memref<10240x64xf32, #tpu.memory_space<vmem_shared>>, %arg17: memref<!tpu.dma_semaphore, #tpu.memory_space<semaphore_mem>>, %arg18: memref<!tpu.dma_semaphore, #tpu.memory_space<semaphore_mem>>, %arg19: memref<!tpu.dma_semaphore, #tpu.memory_space<semaphore_mem>>) attributes {dimension_semantics = [#tpu.dimension_semantics<core_parallel>, #tpu.dimension_semantics<subcore_parallel>], iteration_bounds = array<i64: 2, 16>, scalar_prefetch = 0 : i64, scratch_operands = 13 : i64, tpu.core_type = #tpu.core_type<sc_vector_subcore>, window_params = [{transform_indices = #map}, {transform_indices = #map}, {transform_indices = #map}, {transform_indices = #map}, {transform_indices = #map1}]} {
    %mul3A = arith.constant 2 : i32
    %mul3A_0 = arith.muli %arg1, %mul3A : i32
    %add3A = arith.addi %mul3A_0, %arg0 : i32
    %mul3A_1 = arith.constant 640 : i32
    %mul3A_2 = arith.muli %arg1, %mul3A_1 : i32
    %broadcast_in_dim3A = arith.constant 0.000000e+00 : f32
    %broadcast_in_dim3A_3 = vector.broadcast %broadcast_in_dim3A : f32 to vector<16xf32>
    %scan3A = arith.constant 0 : i32
    %scan3A_4 = arith.constant 0 : i32
    %scan3A_5 = arith.constant 2560 : i32
    %scan3A_6 = arith.addi %scan3A_4, %scan3A_5 : i32
    %scan3A_7 = arith.constant 1 : i32
    scf.for %scan3A_18 = %scan3A_4 to %scan3A_6 step %scan3A_7  : i32 {
      %jit3A = arith.constant 4 : i32
      %div3A = arith.divsi %scan3A_18, %jit3A : i32
      %sign3A = arith.constant 0 : i32
      %sign3A_19 = arith.cmpi sgt, %scan3A_18, %sign3A : i32
      %sign3A_20 = arith.extui %sign3A_19 : i1 to i32
      %sign3A_21 = arith.constant 0 : i32
      %sign3A_22 = arith.cmpi slt, %scan3A_18, %sign3A_21 : i32
      %sign3A_23 = arith.extui %sign3A_22 : i1 to i32
      %sign3A_24 = arith.subi %sign3A_20, %sign3A_23 : i32
      %sign3A_25 = arith.constant 0 : i32
      %sign3A_26 = arith.cmpi sgt, %jit3A, %sign3A_25 : i32
      %sign3A_27 = arith.extui %sign3A_26 : i1 to i32
      %sign3A_28 = arith.constant 0 : i32
      %sign3A_29 = arith.cmpi slt, %jit3A, %sign3A_28 : i32
      %sign3A_30 = arith.extui %sign3A_29 : i1 to i32
      %sign3A_31 = arith.subi %sign3A_27, %sign3A_30 : i32
      %ne3A = arith.cmpi ne, %sign3A_24, %sign3A_31 : i32
      %rem3A = arith.remsi %scan3A_18, %jit3A : i32
      %ne3A_32 = arith.constant 0 : i32
      %ne3A_33 = arith.cmpi ne, %rem3A, %ne3A_32 : i32
      %and3A = arith.andi %ne3A, %ne3A_33 : i1
      %sub3A = arith.constant 1 : i32
      %sub3A_34 = arith.subi %div3A, %sub3A : i32
      %select_n3A = arith.select %and3A, %sub3A_34, %div3A : i32
      %jit3A_35 = arith.constant 4 : i32
      %eq3A = arith.constant 0 : i32
      %eq3A_36 = arith.cmpi eq, %jit3A_35, %eq3A : i32
      %jit3A_37 = arith.constant 1 : i32
      %select_n3A_38 = arith.select %eq3A_36, %jit3A_37, %jit3A_35 : i32
      %rem3A_39 = arith.remsi %scan3A_18, %select_n3A_38 : i32
      %ne3A_40 = arith.constant 0 : i32
      %ne3A_41 = arith.cmpi ne, %rem3A_39, %ne3A_40 : i32
      %lt3A = arith.constant 0 : i32
      %lt3A_42 = arith.cmpi slt, %rem3A_39, %lt3A : i32
      %lt3A_43 = arith.constant 0 : i32
      %lt3A_44 = arith.cmpi slt, %select_n3A_38, %lt3A_43 : i32
      %ne3A_45 = arith.xori %lt3A_42, %lt3A_44 : i1
      %and3A_46 = arith.andi %ne3A_45, %ne3A_41 : i1
      %add3A_47 = arith.addi %rem3A_39, %select_n3A_38 : i32
      %select_n3A_48 = arith.select %and3A_46, %add3A_47, %rem3A_39 : i32
      %mul3A_49 = arith.constant 16 : i32
      %mul3A_50 = arith.muli %select_n3A_48, %mul3A_49 : i32
      %swap3A = arith.index_cast %select_n3A : i32 to index
      %swap3A_51 = arith.index_cast %mul3A_50 : i32 to index
      %swap3A_52 = tpu.vector_load %arg15[%swap3A, %swap3A_51] {strides = array<i32>} : memref<640x64xf32, #tpu.memory_space<vmem>>, vector<1x16xf32>,
      %swap3A_53 = vector.shape_cast %swap3A_52 : vector<1x16xf32> to vector<16xf32>
      %swap3A_54 = vector.shape_cast %broadcast_in_dim3A_3 : vector<16xf32> to vector<1x16xf32>
      tpu.vector_store %arg15[%swap3A, %swap3A_51], %swap3A_54 {strides = array<i32>} : memref<640x64xf32, #tpu.memory_space<vmem>>, vector<1x16xf32>,
    }
    %scan3A_8 = arith.constant 2560 : i32
    "tpu.region"() ({
      %run_scoped3A = tpu.sem_alloc : memref<!tpu.dma_semaphore, #tpu.memory_space<semaphore_mem>>
      %dma_start3A = arith.constant 0 : i32
      %dma_start3A_18 = tpu.memref_slice %arg16[%mul3A_2, %dma_start3A] : memref<10240x64xf32, #tpu.memory_space<vmem_shared>> -> memref<640x64xf32, #tpu.memory_space<vmem_shared>>
      %dma_start3A_19 = arith.constant 0 : i32
      %dma_start3A_20 = tpu.memref_slice %arg16[%mul3A_2, %dma_start3A_19] : memref<10240x64xf32, #tpu.memory_space<vmem_shared>> -> memref<640x64xf32, #tpu.memory_space<vmem_shared>>
      tpu.enqueue_dma source(%arg15 : memref<640x64xf32, #tpu.memory_space<vmem>>) target(%dma_start3A_20 : memref<640x64xf32, #tpu.memory_space<vmem_shared>>) target_semaphore(%run_scoped3A : memref<!tpu.dma_semaphore, #tpu.memory_space<semaphore_mem>>)
      %dma_wait3A = arith.constant 0 : i32
      %dma_wait3A_21 = tpu.memref_slice %arg16[%mul3A_2, %dma_wait3A] : memref<10240x64xf32, #tpu.memory_space<vmem_shared>> -> memref<640x64xf32, #tpu.memory_space<vmem_shared>>
      %dma_wait3A_22 = arith.constant 0 : i32
      %dma_wait3A_23 = tpu.memref_slice %arg16[%mul3A_2, %dma_wait3A_22] : memref<10240x64xf32, #tpu.memory_space<vmem_shared>> -> memref<640x64xf32, #tpu.memory_space<vmem_shared>>
      tpu.wait_dma2 semaphore(%run_scoped3A : memref<!tpu.dma_semaphore, #tpu.memory_space<semaphore_mem>>) src(%arg15 : memref<640x64xf32, #tpu.memory_space<vmem>>) dst(%dma_wait3A_23 : memref<640x64xf32, #tpu.memory_space<vmem_shared>>)
      tpu.yield
    }) : () -> ()
    %barrier3A = arith.constant 0 : index
    tpu.barrier barrier_id(%barrier3A)
    %mul3A_9 = arith.constant 250 : i32
    %mul3A_10 = arith.muli %add3A, %mul3A_9 : i32
    %scan3A_11 = arith.constant 0 : i32
    %scan3A_12 = arith.constant 0 : i32
    %scan3A_13 = arith.constant 25 : i32
    %scan3A_14 = arith.addi %scan3A_12, %scan3A_13 : i32
    %scan3A_15 = arith.constant 1 : i32
    scf.for %scan3A_18 = %scan3A_12 to %scan3A_14 step %scan3A_15  : i32 {
      %mul3A_19 = arith.constant 2 : i32
      %mul3A_20 = arith.muli %mul3A_19, %scan3A_18 : i32
      %mul3A_21 = arith.constant 5 : i32
      %mul3A_22 = arith.muli %mul3A_20, %mul3A_21 : i32
      %add3A_23 = arith.addi %mul3A_10, %mul3A_22 : i32
      %dma_start3A = arith.constant 0 : i32
      %dma_start3A_24 = tpu.memref_slice %arg3[%add3A_23, %dma_start3A] : memref<8000x40xi32, #tpu.memory_space<hbm>> -> memref<5x40xi32, #tpu.memory_space<hbm>>
      %dma_start3A_25 = arith.constant 0 : i32
      %dma_start3A_26 = tpu.memref_slice %arg3[%add3A_23, %dma_start3A_25] : memref<8000x40xi32, #tpu.memory_space<hbm>> -> memref<5x40xi32, #tpu.memory_space<hbm>>
      tpu.enqueue_dma source(%dma_start3A_26 : memref<5x40xi32, #tpu.memory_space<hbm>>) target(%arg7 : memref<5x40xi32, #tpu.memory_space<vmem>>) target_semaphore(%arg17 : memref<!tpu.dma_semaphore, #tpu.memory_space<semaphore_mem>>)
      %dma_start3A_27 = arith.constant 0 : i32
      %dma_start3A_28 = tpu.memref_slice %arg4[%add3A_23, %dma_start3A_27] : memref<8000x40xi32, #tpu.memory_space<hbm>> -> memref<5x40xi32, #tpu.memory_space<hbm>>
      %dma_start3A_29 = arith.constant 0 : i32
      %dma_start3A_30 = tpu.memref_slice %arg4[%add3A_23, %dma_start3A_29] : memref<8000x40xi32, #tpu.memory_space<hbm>> -> memref<5x40xi32, #tpu.memory_space<hbm>>
      tpu.enqueue_dma source(%dma_start3A_30 : memref<5x40xi32, #tpu.memory_space<hbm>>) target(%arg9 : memref<5x40xi32, #tpu.memory_space<vmem>>) target_semaphore(%arg17 : memref<!tpu.dma_semaphore, #tpu.memory_space<semaphore_mem>>)
      %dma_start3A_31 = arith.constant 0 : i32
      %dma_start3A_32 = arith.constant 0 : i32
      %dma_start3A_33 = tpu.memref_slice %arg11[%dma_start3A_31, %dma_start3A_32] : memref<6x40xf32, #tpu.memory_space<vmem>> -> memref<5x40xf32, #tpu.memory_space<vmem>>
      %dma_start3A_34 = arith.constant 0 : i32
      %dma_start3A_35 = tpu.memref_slice %arg5[%add3A_23, %dma_start3A_34] : memref<8000x40xf32, #tpu.memory_space<hbm>> -> memref<5x40xf32, #tpu.memory_space<hbm>>
      %dma_start3A_36 = arith.constant 0 : i32
      %dma_start3A_37 = arith.constant 0 : i32
      %dma_start3A_38 = tpu.memref_slice %arg11[%dma_start3A_36, %dma_start3A_37] : memref<6x40xf32, #tpu.memory_space<vmem>> -> memref<5x40xf32, #tpu.memory_space<vmem>>
      %dma_start3A_39 = arith.constant 0 : i32
      %dma_start3A_40 = tpu.memref_slice %arg5[%add3A_23, %dma_start3A_39] : memref<8000x40xf32, #tpu.memory_space<hbm>> -> memref<5x40xf32, #tpu.memory_space<hbm>>
      tpu.enqueue_dma source(%dma_start3A_40 : memref<5x40xf32, #tpu.memory_space<hbm>>) target(%dma_start3A_38 : memref<5x40xf32, #tpu.memory_space<vmem>>) target_semaphore(%arg17 : memref<!tpu.dma_semaphore, #tpu.memory_space<semaphore_mem>>)
      %add3A_41 = arith.constant 5 : i32
      %add3A_42 = arith.addi %add3A_23, %add3A_41 : i32
      %dma_start3A_43 = arith.constant 0 : i32
      %dma_start3A_44 = tpu.memref_slice %arg3[%add3A_42, %dma_start3A_43] : memref<8000x40xi32, #tpu.memory_space<hbm>> -> memref<5x40xi32, #tpu.memory_space<hbm>>
      %dma_start3A_45 = arith.constant 0 : i32
      %dma_start3A_46 = tpu.memref_slice %arg3[%add3A_42, %dma_start3A_45] : memref<8000x40xi32, #tpu.memory_space<hbm>> -> memref<5x40xi32, #tpu.memory_space<hbm>>
      tpu.enqueue_dma source(%dma_start3A_46 : memref<5x40xi32, #tpu.memory_space<hbm>>) target(%arg8 : memref<5x40xi32, #tpu.memory_space<vmem>>) target_semaphore(%arg17 : memref<!tpu.dma_semaphore, #tpu.memory_space<semaphore_mem>>)
      %dma_start3A_47 = arith.constant 0 : i32
      %dma_start3A_48 = tpu.memref_slice %arg4[%add3A_42, %dma_start3A_47] : memref<8000x40xi32, #tpu.memory_space<hbm>> -> memref<5x40xi32, #tpu.memory_space<hbm>>
      %dma_start3A_49 = arith.constant 0 : i32
      %dma_start3A_50 = tpu.memref_slice %arg4[%add3A_42, %dma_start3A_49] : memref<8000x40xi32, #tpu.memory_space<hbm>> -> memref<5x40xi32, #tpu.memory_space<hbm>>
      tpu.enqueue_dma source(%dma_start3A_50 : memref<5x40xi32, #tpu.memory_space<hbm>>) target(%arg10 : memref<5x40xi32, #tpu.memory_space<vmem>>) target_semaphore(%arg17 : memref<!tpu.dma_semaphore, #tpu.memory_space<semaphore_mem>>)
      %dma_start3A_51 = arith.constant 0 : i32
      %dma_start3A_52 = arith.constant 0 : i32
      %dma_start3A_53 = tpu.memref_slice %arg12[%dma_start3A_51, %dma_start3A_52] : memref<6x40xf32, #tpu.memory_space<vmem>> -> memref<5x40xf32, #tpu.memory_space<vmem>>
      %dma_start3A_54 = arith.constant 0 : i32
      %dma_start3A_55 = tpu.memref_slice %arg5[%add3A_42, %dma_start3A_54] : memref<8000x40xf32, #tpu.memory_space<hbm>> -> memref<5x40xf32, #tpu.memory_space<hbm>>
      %dma_start3A_56 = arith.constant 0 : i32
      %dma_start3A_57 = arith.constant 0 : i32
      %dma_start3A_58 = tpu.memref_slice %arg12[%dma_start3A_56, %dma_start3A_57] : memref<6x40xf32, #tpu.memory_space<vmem>> -> memref<5x40xf32, #tpu.memory_space<vmem>>
      %dma_start3A_59 = arith.constant 0 : i32
      %dma_start3A_60 = tpu.memref_slice %arg5[%add3A_42, %dma_start3A_59] : memref<8000x40xf32, #tpu.memory_space<hbm>> -> memref<5x40xf32, #tpu.memory_space<hbm>>
      tpu.enqueue_dma source(%dma_start3A_60 : memref<5x40xf32, #tpu.memory_space<hbm>>) target(%dma_start3A_58 : memref<5x40xf32, #tpu.memory_space<vmem>>) target_semaphore(%arg17 : memref<!tpu.dma_semaphore, #tpu.memory_space<semaphore_mem>>)
      %dma_wait3A = arith.constant 0 : i32
      %dma_wait3A_61 = tpu.memref_slice %arg3[%add3A_23, %dma_wait3A] : memref<8000x40xi32, #tpu.memory_space<hbm>> -> memref<5x40xi32, #tpu.memory_space<hbm>>
      %dma_wait3A_62 = arith.constant 0 : i32
      %dma_wait3A_63 = tpu.memref_slice %arg3[%add3A_23, %dma_wait3A_62] : memref<8000x40xi32, #tpu.memory_space<hbm>> -> memref<5x40xi32, #tpu.memory_space<hbm>>
      tpu.wait_dma2 semaphore(%arg17 : memref<!tpu.dma_semaphore, #tpu.memory_space<semaphore_mem>>) src(%dma_wait3A_63 : memref<5x40xi32, #tpu.memory_space<hbm>>) dst(%arg7 : memref<5x40xi32, #tpu.memory_space<vmem>>)
      %dma_wait3A_64 = arith.constant 0 : i32
      %dma_wait3A_65 = tpu.memref_slice %arg4[%add3A_23, %dma_wait3A_64] : memref<8000x40xi32, #tpu.memory_space<hbm>> -> memref<5x40xi32, #tpu.memory_space<hbm>>
      %dma_wait3A_66 = arith.constant 0 : i32
      %dma_wait3A_67 = tpu.memref_slice %arg4[%add3A_23, %dma_wait3A_66] : memref<8000x40xi32, #tpu.memory_space<hbm>> -> memref<5x40xi32, #tpu.memory_space<hbm>>
      tpu.wait_dma2 semaphore(%arg17 : memref<!tpu.dma_semaphore, #tpu.memory_space<semaphore_mem>>) src(%dma_wait3A_67 : memref<5x40xi32, #tpu.memory_space<hbm>>) dst(%arg9 : memref<5x40xi32, #tpu.memory_space<vmem>>)
      %dma_wait3A_68 = arith.constant 0 : i32
      %dma_wait3A_69 = arith.constant 0 : i32
      %dma_wait3A_70 = tpu.memref_slice %arg11[%dma_wait3A_68, %dma_wait3A_69] : memref<6x40xf32, #tpu.memory_space<vmem>> -> memref<5x40xf32, #tpu.memory_space<vmem>>
      %dma_wait3A_71 = arith.constant 0 : i32
      %dma_wait3A_72 = tpu.memref_slice %arg5[%add3A_23, %dma_wait3A_71] : memref<8000x40xf32, #tpu.memory_space<hbm>> -> memref<5x40xf32, #tpu.memory_space<hbm>>
      %dma_wait3A_73 = arith.constant 0 : i32
      %dma_wait3A_74 = arith.constant 0 : i32
      %dma_wait3A_75 = tpu.memref_slice %arg11[%dma_wait3A_73, %dma_wait3A_74] : memref<6x40xf32, #tpu.memory_space<vmem>> -> memref<5x40xf32, #tpu.memory_space<vmem>>
      %dma_wait3A_76 = arith.constant 0 : i32
      %dma_wait3A_77 = tpu.memref_slice %arg5[%add3A_23, %dma_wait3A_76] : memref<8000x40xf32, #tpu.memory_space<hbm>> -> memref<5x40xf32, #tpu.memory_space<hbm>>
      tpu.wait_dma2 semaphore(%arg17 : memref<!tpu.dma_semaphore, #tpu.memory_space<semaphore_mem>>) src(%dma_wait3A_77 : memref<5x40xf32, #tpu.memory_space<hbm>>) dst(%dma_wait3A_75 : memref<5x40xf32, #tpu.memory_space<vmem>>)
      %dma_wait3A_78 = arith.constant 0 : i32
      %dma_wait3A_79 = tpu.memref_slice %arg3[%add3A_42, %dma_wait3A_78] : memref<8000x40xi32, #tpu.memory_space<hbm>> -> memref<5x40xi32, #tpu.memory_space<hbm>>
      %dma_wait3A_80 = arith.constant 0 : i32
      %dma_wait3A_81 = tpu.memref_slice %arg3[%add3A_42, %dma_wait3A_80] : memref<8000x40xi32, #tpu.memory_space<hbm>> -> memref<5x40xi32, #tpu.memory_space<hbm>>
      tpu.wait_dma2 semaphore(%arg17 : memref<!tpu.dma_semaphore, #tpu.memory_space<semaphore_mem>>) src(%dma_wait3A_81 : memref<5x40xi32, #tpu.memory_space<hbm>>) dst(%arg8 : memref<5x40xi32, #tpu.memory_space<vmem>>)
      %dma_wait3A_82 = arith.constant 0 : i32
      %dma_wait3A_83 = tpu.memref_slice %arg4[%add3A_42, %dma_wait3A_82] : memref<8000x40xi32, #tpu.memory_space<hbm>> -> memref<5x40xi32, #tpu.memory_space<hbm>>
      %dma_wait3A_84 = arith.constant 0 : i32
      %dma_wait3A_85 = tpu.memref_slice %arg4[%add3A_42, %dma_wait3A_84] : memref<8000x40xi32, #tpu.memory_space<hbm>> -> memref<5x40xi32, #tpu.memory_space<hbm>>
      tpu.wait_dma2 semaphore(%arg17 : memref<!tpu.dma_semaphore, #tpu.memory_space<semaphore_mem>>) src(%dma_wait3A_85 : memref<5x40xi32, #tpu.memory_space<hbm>>) dst(%arg10 : memref<5x40xi32, #tpu.memory_space<vmem>>)
      %dma_wait3A_86 = arith.constant 0 : i32
      %dma_wait3A_87 = arith.constant 0 : i32
      %dma_wait3A_88 = tpu.memref_slice %arg12[%dma_wait3A_86, %dma_wait3A_87] : memref<6x40xf32, #tpu.memory_space<vmem>> -> memref<5x40xf32, #tpu.memory_space<vmem>>
      %dma_wait3A_89 = arith.constant 0 : i32
      %dma_wait3A_90 = tpu.memref_slice %arg5[%add3A_42, %dma_wait3A_89] : memref<8000x40xf32, #tpu.memory_space<hbm>> -> memref<5x40xf32, #tpu.memory_space<hbm>>
      %dma_wait3A_91 = arith.constant 0 : i32
      %dma_wait3A_92 = arith.constant 0 : i32
      %dma_wait3A_93 = tpu.memref_slice %arg12[%dma_wait3A_91, %dma_wait3A_92] : memref<6x40xf32, #tpu.memory_space<vmem>> -> memref<5x40xf32, #tpu.memory_space<vmem>>
      %dma_wait3A_94 = arith.constant 0 : i32
      %dma_wait3A_95 = tpu.memref_slice %arg5[%add3A_42, %dma_wait3A_94] : memref<8000x40xf32, #tpu.memory_space<hbm>> -> memref<5x40xf32, #tpu.memory_space<hbm>>
      tpu.wait_dma2 semaphore(%arg17 : memref<!tpu.dma_semaphore, #tpu.memory_space<semaphore_mem>>) src(%dma_wait3A_95 : memref<5x40xf32, #tpu.memory_space<hbm>>) dst(%dma_wait3A_93 : memref<5x40xf32, #tpu.memory_space<vmem>>)
      %scan3A_96 = arith.constant 0 : i32
      %scan3A_97 = arith.constant 0 : i32
      %scan3A_98 = arith.constant 5 : i32
      %scan3A_99 = arith.addi %scan3A_97, %scan3A_98 : i32
      %scan3A_100 = arith.constant 1 : i32
      scf.for %scan3A_204 = %scan3A_97 to %scan3A_99 step %scan3A_100  : i32 {
        %mul3A_205 = arith.constant 40 : i32
        %mul3A_206 = arith.muli %scan3A_204, %mul3A_205 : i32
        %dma_start3A_207 = arith.constant 0 : i32
        %dma_start3A_208 = tpu.memref_slice %arg13[%mul3A_206, %dma_start3A_207] : memref<200x64xf32, #tpu.memory_space<vmem>> -> memref<40x64xf32, #tpu.memory_space<vmem>>
        %dma_start3A_209 = arith.constant 0 : i32
        %dma_start3A_210 = tpu.memref_slice %arg7[%scan3A_204, %dma_start3A_209] : memref<5x40xi32, #tpu.memory_space<vmem>> -> memref<1x40xi32, #tpu.memory_space<vmem>>
        %dma_start3A_211 = tpu.memref_squeeze %dma_start3A_210 : memref<1x40xi32, #tpu.memory_space<vmem>> -> memref<40xi32, #tpu.memory_space<vmem>>
        %dma_start3A_212 = arith.constant 0 : i32
        %dma_start3A_213 = arith.constant 0 : i32
        %dma_start3A_214 = tpu.memref_slice %arg2[%dma_start3A_212, %dma_start3A_213] : memref<10240x64xf32, #tpu.memory_space<hbm>> -> memref<10240x64xf32, #tpu.memory_space<hbm>>
        tpu.enqueue_indirect_dma source(%dma_start3A_214 : memref<10240x64xf32, #tpu.memory_space<hbm>>) target(%dma_start3A_208 : memref<40x64xf32, #tpu.memory_space<vmem>>) offsets(%dma_start3A_211 : memref<40xi32, #tpu.memory_space<vmem>>) semaphore(%arg18 : memref<!tpu.dma_semaphore, #tpu.memory_space<semaphore_mem>>)
      }
      %scan3A_101 = arith.constant 5 : i32
      %scan3A_102 = arith.constant 0 : i32
      %scan3A_103 = arith.constant 0 : i32
      %scan3A_104 = arith.constant 5 : i32
      %scan3A_105 = arith.addi %scan3A_103, %scan3A_104 : i32
      %scan3A_106 = arith.constant 1 : i32
      scf.for %scan3A_204 = %scan3A_103 to %scan3A_105 step %scan3A_106  : i32 {
        %mul3A_205 = arith.constant 40 : i32
        %mul3A_206 = arith.muli %scan3A_204, %mul3A_205 : i32
        %dma_start3A_207 = arith.constant 0 : i32
        %dma_start3A_208 = tpu.memref_slice %arg14[%mul3A_206, %dma_start3A_207] : memref<200x64xf32, #tpu.memory_space<vmem>> -> memref<40x64xf32, #tpu.memory_space<vmem>>
        %dma_start3A_209 = arith.constant 0 : i32
        %dma_start3A_210 = tpu.memref_slice %arg8[%scan3A_204, %dma_start3A_209] : memref<5x40xi32, #tpu.memory_space<vmem>> -> memref<1x40xi32, #tpu.memory_space<vmem>>
        %dma_start3A_211 = tpu.memref_squeeze %dma_start3A_210 : memref<1x40xi32, #tpu.memory_space<vmem>> -> memref<40xi32, #tpu.memory_space<vmem>>
        %dma_start3A_212 = arith.constant 0 : i32
        %dma_start3A_213 = arith.constant 0 : i32
        %dma_start3A_214 = tpu.memref_slice %arg2[%dma_start3A_212, %dma_start3A_213] : memref<10240x64xf32, #tpu.memory_space<hbm>> -> memref<10240x64xf32, #tpu.memory_space<hbm>>
        tpu.enqueue_indirect_dma source(%dma_start3A_214 : memref<10240x64xf32, #tpu.memory_space<hbm>>) target(%dma_start3A_208 : memref<40x64xf32, #tpu.memory_space<vmem>>) offsets(%dma_start3A_211 : memref<40xi32, #tpu.memory_space<vmem>>) semaphore(%arg18 : memref<!tpu.dma_semaphore, #tpu.memory_space<semaphore_mem>>)
      }
      %scan3A_107 = arith.constant 5 : i32
      %dma_wait3A_108 = arith.constant 0 : i32
      %dma_wait3A_109 = arith.constant 0 : i32
      %dma_wait3A_110 = tpu.memref_slice %arg2[%dma_wait3A_108, %dma_wait3A_109] : memref<10240x64xf32, #tpu.memory_space<hbm>> -> memref<200x64xf32, #tpu.memory_space<hbm>>
      %dma_wait3A_111 = arith.constant 0 : i32
      %dma_wait3A_112 = arith.constant 0 : i32
      %dma_wait3A_113 = tpu.memref_slice %arg2[%dma_wait3A_111, %dma_wait3A_112] : memref<10240x64xf32, #tpu.memory_space<hbm>> -> memref<200x64xf32, #tpu.memory_space<hbm>>
      tpu.wait_dma2 semaphore(%arg18 : memref<!tpu.dma_semaphore, #tpu.memory_space<semaphore_mem>>) src(%dma_wait3A_113 : memref<200x64xf32, #tpu.memory_space<hbm>>) dst(%arg13 : memref<200x64xf32, #tpu.memory_space<vmem>>)
      %dma_wait3A_114 = arith.constant 0 : i32
      %dma_wait3A_115 = arith.constant 0 : i32
      %dma_wait3A_116 = tpu.memref_slice %arg2[%dma_wait3A_114, %dma_wait3A_115] : memref<10240x64xf32, #tpu.memory_space<hbm>> -> memref<200x64xf32, #tpu.memory_space<hbm>>
      %dma_wait3A_117 = arith.constant 0 : i32
      %dma_wait3A_118 = arith.constant 0 : i32
      %dma_wait3A_119 = tpu.memref_slice %arg2[%dma_wait3A_117, %dma_wait3A_118] : memref<10240x64xf32, #tpu.memory_space<hbm>> -> memref<200x64xf32, #tpu.memory_space<hbm>>
      tpu.wait_dma2 semaphore(%arg18 : memref<!tpu.dma_semaphore, #tpu.memory_space<semaphore_mem>>) src(%dma_wait3A_119 : memref<200x64xf32, #tpu.memory_space<hbm>>) dst(%arg14 : memref<200x64xf32, #tpu.memory_space<vmem>>)
      %scan3A_120 = arith.constant 0 : i32
      %scan3A_121 = arith.constant 0 : i32
      %scan3A_122 = arith.constant 40 : i32
      %scan3A_123 = arith.addi %scan3A_121, %scan3A_122 : i32
      %scan3A_124 = arith.constant 1 : i32
      scf.for %scan3A_204 = %scan3A_121 to %scan3A_123 step %scan3A_124  : i32 {
        %get3A = arith.constant 0 : i32
        %get3A_205 = arith.index_cast %get3A : i32 to index
        %get3A_206 = arith.index_cast %scan3A_204 : i32 to index
        %get3A_207 = tpu.vector_load %arg11[%get3A_205, %get3A_206] {strides = array<i32>} : memref<6x40xf32, #tpu.memory_space<vmem>>, vector<1x16xf32>,
        %get3A_208 = vector.shape_cast %get3A_207 : vector<1x16xf32> to vector<16xf32>
        %slice3A = vector.extract_strided_slice %get3A_208 {offsets = [0], sizes = [1], strides = [1]} : vector<16xf32> to vector<1xf32>
        %squeeze3A = vector.extract %slice3A[0] : f32 from vector<1xf32>
        %add3A_209 = arith.constant 0 : i32
        %add3A_210 = arith.addi %add3A_209, %scan3A_204 : i32
        %get3A_211 = arith.index_cast %add3A_210 : i32 to index
        %get3A_212 = arith.constant 0 : index
        %get3A_213 = tpu.vector_load %arg13[%get3A_211, %get3A_212] {strides = array<i32>} : memref<200x64xf32, #tpu.memory_space<vmem>>, vector<1x16xf32>,
        %get3A_214 = vector.shape_cast %get3A_213 : vector<1x16xf32> to vector<16xf32>
        %mul3A_215 = vector.broadcast %squeeze3A : f32 to vector<16xf32>
        %mul3A_216 = arith.mulf %get3A_214, %mul3A_215 : vector<16xf32>
        %add3A_217 = arith.constant 0 : i32
        %add3A_218 = arith.addi %add3A_217, %scan3A_204 : i32
        %swap3A = arith.index_cast %add3A_218 : i32 to index
        %swap3A_219 = arith.constant 0 : index
        %swap3A_220 = tpu.vector_load %arg13[%swap3A, %swap3A_219] {strides = array<i32>} : memref<200x64xf32, #tpu.memory_space<vmem>>, vector<1x16xf32>,
        %swap3A_221 = vector.shape_cast %swap3A_220 : vector<1x16xf32> to vector<16xf32>
        %swap3A_222 = vector.shape_cast %mul3A_216 : vector<16xf32> to vector<1x16xf32>
        tpu.vector_store %arg13[%swap3A, %swap3A_219], %swap3A_222 {strides = array<i32>} : memref<200x64xf32, #tpu.memory_space<vmem>>, vector<1x16xf32>,
        %add3A_223 = arith.constant 0 : i32
        %add3A_224 = arith.addi %add3A_223, %scan3A_204 : i32
        %get3A_225 = arith.index_cast %add3A_224 : i32 to index
        %get3A_226 = arith.constant 16 : index
        %get3A_227 = tpu.vector_load %arg13[%get3A_225, %get3A_226] {strides = array<i32>} : memref<200x64xf32, #tpu.memory_space<vmem>>, vector<1x16xf32>,
        %get3A_228 = vector.shape_cast %get3A_227 : vector<1x16xf32> to vector<16xf32>
        %mul3A_229 = vector.broadcast %squeeze3A : f32 to vector<16xf32>
        %mul3A_230 = arith.mulf %get3A_228, %mul3A_229 : vector<16xf32>
        %add3A_231 = arith.constant 0 : i32
        %add3A_232 = arith.addi %add3A_231, %scan3A_204 : i32
        %swap3A_233 = arith.index_cast %add3A_232 : i32 to index
        %swap3A_234 = arith.constant 16 : index
        %swap3A_235 = tpu.vector_load %arg13[%swap3A_233, %swap3A_234] {strides = array<i32>} : memref<200x64xf32, #tpu.memory_space<vmem>>, vector<1x16xf32>,
        %swap3A_236 = vector.shape_cast %swap3A_235 : vector<1x16xf32> to vector<16xf32>
        %swap3A_237 = vector.shape_cast %mul3A_230 : vector<16xf32> to vector<1x16xf32>
        tpu.vector_store %arg13[%swap3A_233, %swap3A_234], %swap3A_237 {strides = array<i32>} : memref<200x64xf32, #tpu.memory_space<vmem>>, vector<1x16xf32>,
        %add3A_238 = arith.constant 0 : i32
        %add3A_239 = arith.addi %add3A_238, %scan3A_204 : i32
        %get3A_240 = arith.index_cast %add3A_239 : i32 to index
        %get3A_241 = arith.constant 32 : index
        %get3A_242 = tpu.vector_load %arg13[%get3A_240, %get3A_241] {strides = array<i32>} : memref<200x64xf32, #tpu.memory_space<vmem>>, vector<1x16xf32>,
        %get3A_243 = vector.shape_cast %get3A_242 : vector<1x16xf32> to vector<16xf32>
        %mul3A_244 = vector.broadcast %squeeze3A : f32 to vector<16xf32>
        %mul3A_245 = arith.mulf %get3A_243, %mul3A_244 : vector<16xf32>
        %add3A_246 = arith.constant 0 : i32
        %add3A_247 = arith.addi %add3A_246, %scan3A_204 : i32
        %swap3A_248 = arith.index_cast %add3A_247 : i32 to index
        %swap3A_249 = arith.constant 32 : index
        %swap3A_250 = tpu.vector_load %arg13[%swap3A_248, %swap3A_249] {strides = array<i32>} : memref<200x64xf32, #tpu.memory_space<vmem>>, vector<1x16xf32>,
        %swap3A_251 = vector.shape_cast %swap3A_250 : vector<1x16xf32> to vector<16xf32>
        %swap3A_252 = vector.shape_cast %mul3A_245 : vector<16xf32> to vector<1x16xf32>
        tpu.vector_store %arg13[%swap3A_248, %swap3A_249], %swap3A_252 {strides = array<i32>} : memref<200x64xf32, #tpu.memory_space<vmem>>, vector<1x16xf32>,
        %add3A_253 = arith.constant 0 : i32
        %add3A_254 = arith.addi %add3A_253, %scan3A_204 : i32
        %get3A_255 = arith.index_cast %add3A_254 : i32 to index
        %get3A_256 = arith.constant 48 : index
        %get3A_257 = tpu.vector_load %arg13[%get3A_255, %get3A_256] {strides = array<i32>} : memref<200x64xf32, #tpu.memory_space<vmem>>, vector<1x16xf32>,
        %get3A_258 = vector.shape_cast %get3A_257 : vector<1x16xf32> to vector<16xf32>
        %mul3A_259 = vector.broadcast %squeeze3A : f32 to vector<16xf32>
        %mul3A_260 = arith.mulf %get3A_258, %mul3A_259 : vector<16xf32>
        %add3A_261 = arith.constant 0 : i32
        %add3A_262 = arith.addi %add3A_261, %scan3A_204 : i32
        %swap3A_263 = arith.index_cast %add3A_262 : i32 to index
        %swap3A_264 = arith.constant 48 : index
        %swap3A_265 = tpu.vector_load %arg13[%swap3A_263, %swap3A_264] {strides = array<i32>} : memref<200x64xf32, #tpu.memory_space<vmem>>, vector<1x16xf32>,
        %swap3A_266 = vector.shape_cast %swap3A_265 : vector<1x16xf32> to vector<16xf32>
        %swap3A_267 = vector.shape_cast %mul3A_260 : vector<16xf32> to vector<1x16xf32>
        tpu.vector_store %arg13[%swap3A_263, %swap3A_264], %swap3A_267 {strides = array<i32>} : memref<200x64xf32, #tpu.memory_space<vmem>>, vector<1x16xf32>,
      }
      %scan3A_125 = arith.constant 40 : i32
      %scan3A_126 = arith.constant 0 : i32
      %scan3A_127 = arith.constant 0 : i32
      %scan3A_128 = arith.constant 40 : i32
      %scan3A_129 = arith.addi %scan3A_127, %scan3A_128 : i32
      %scan3A_130 = arith.constant 1 : i32
      scf.for %scan3A_204 = %scan3A_127 to %scan3A_129 step %scan3A_130  : i32 {
        %get3A = arith.constant 1 : i32
        %get3A_205 = arith.index_cast %get3A : i32 to index
        %get3A_206 = arith.index_cast %scan3A_204 : i32 to index
        %get3A_207 = tpu.vector_load %arg11[%get3A_205, %get3A_206] {strides = array<i32>} : memref<6x40xf32, #tpu.memory_space<vmem>>, vector<1x16xf32>,
        %get3A_208 = vector.shape_cast %get3A_207 : vector<1x16xf32> to vector<16xf32>
        %slice3A = vector.extract_strided_slice %get3A_208 {offsets = [0], sizes = [1], strides = [1]} : vector<16xf32> to vector<1xf32>
        %squeeze3A = vector.extract %slice3A[0] : f32 from vector<1xf32>
        %add3A_209 = arith.constant 40 : i32
        %add3A_210 = arith.addi %add3A_209, %scan3A_204 : i32
        %get3A_211 = arith.index_cast %add3A_210 : i32 to index
        %get3A_212 = arith.constant 0 : index
        %get3A_213 = tpu.vector_load %arg13[%get3A_211, %get3A_212] {strides = array<i32>} : memref<200x64xf32, #tpu.memory_space<vmem>>, vector<1x16xf32>,
        %get3A_214 = vector.shape_cast %get3A_213 : vector<1x16xf32> to vector<16xf32>
        %mul3A_215 = vector.broadcast %squeeze3A : f32 to vector<16xf32>
        %mul3A_216 = arith.mulf %get3A_214, %mul3A_215 : vector<16xf32>
        %add3A_217 = arith.constant 40 : i32
        %add3A_218 = arith.addi %add3A_217, %scan3A_204 : i32
        %swap3A = arith.index_cast %add3A_218 : i32 to index
        %swap3A_219 = arith.constant 0 : index
        %swap3A_220 = tpu.vector_load %arg13[%swap3A, %swap3A_219] {strides = array<i32>} : memref<200x64xf32, #tpu.memory_space<vmem>>, vector<1x16xf32>,
        %swap3A_221 = vector.shape_cast %swap3A_220 : vector<1x16xf32> to vector<16xf32>
        %swap3A_222 = vector.shape_cast %mul3A_216 : vector<16xf32> to vector<1x16xf32>
        tpu.vector_store %arg13[%swap3A, %swap3A_219], %swap3A_222 {strides = array<i32>} : memref<200x64xf32, #tpu.memory_space<vmem>>, vector<1x16xf32>,
        %add3A_223 = arith.constant 40 : i32
        %add3A_224 = arith.addi %add3A_223, %scan3A_204 : i32
        %get3A_225 = arith.index_cast %add3A_224 : i32 to index
        %get3A_226 = arith.constant 16 : index
        %get3A_227 = tpu.vector_load %arg13[%get3A_225, %get3A_226] {strides = array<i32>} : memref<200x64xf32, #tpu.memory_space<vmem>>, vector<1x16xf32>,
        %get3A_228 = vector.shape_cast %get3A_227 : vector<1x16xf32> to vector<16xf32>
        %mul3A_229 = vector.broadcast %squeeze3A : f32 to vector<16xf32>
        %mul3A_230 = arith.mulf %get3A_228, %mul3A_229 : vector<16xf32>
        %add3A_231 = arith.constant 40 : i32
        %add3A_232 = arith.addi %add3A_231, %scan3A_204 : i32
        %swap3A_233 = arith.index_cast %add3A_232 : i32 to index
        %swap3A_234 = arith.constant 16 : index
        %swap3A_235 = tpu.vector_load %arg13[%swap3A_233, %swap3A_234] {strides = array<i32>} : memref<200x64xf32, #tpu.memory_space<vmem>>, vector<1x16xf32>,
        %swap3A_236 = vector.shape_cast %swap3A_235 : vector<1x16xf32> to vector<16xf32>
        %swap3A_237 = vector.shape_cast %mul3A_230 : vector<16xf32> to vector<1x16xf32>
        tpu.vector_store %arg13[%swap3A_233, %swap3A_234], %swap3A_237 {strides = array<i32>} : memref<200x64xf32, #tpu.memory_space<vmem>>, vector<1x16xf32>,
        %add3A_238 = arith.constant 40 : i32
        %add3A_239 = arith.addi %add3A_238, %scan3A_204 : i32
        %get3A_240 = arith.index_cast %add3A_239 : i32 to index
        %get3A_241 = arith.constant 32 : index
        %get3A_242 = tpu.vector_load %arg13[%get3A_240, %get3A_241] {strides = array<i32>} : memref<200x64xf32, #tpu.memory_space<vmem>>, vector<1x16xf32>,
        %get3A_243 = vector.shape_cast %get3A_242 : vector<1x16xf32> to vector<16xf32>
        %mul3A_244 = vector.broadcast %squeeze3A : f32 to vector<16xf32>
        %mul3A_245 = arith.mulf %get3A_243, %mul3A_244 : vector<16xf32>
        %add3A_246 = arith.constant 40 : i32
        %add3A_247 = arith.addi %add3A_246, %scan3A_204 : i32
        %swap3A_248 = arith.index_cast %add3A_247 : i32 to index
        %swap3A_249 = arith.constant 32 : index
        %swap3A_250 = tpu.vector_load %arg13[%swap3A_248, %swap3A_249] {strides = array<i32>} : memref<200x64xf32, #tpu.memory_space<vmem>>, vector<1x16xf32>,
        %swap3A_251 = vector.shape_cast %swap3A_250 : vector<1x16xf32> to vector<16xf32>
        %swap3A_252 = vector.shape_cast %mul3A_245 : vector<16xf32> to vector<1x16xf32>
        tpu.vector_store %arg13[%swap3A_248, %swap3A_249], %swap3A_252 {strides = array<i32>} : memref<200x64xf32, #tpu.memory_space<vmem>>, vector<1x16xf32>,
        %add3A_253 = arith.constant 40 : i32
        %add3A_254 = arith.addi %add3A_253, %scan3A_204 : i32
        %get3A_255 = arith.index_cast %add3A_254 : i32 to index
        %get3A_256 = arith.constant 48 : index
        %get3A_257 = tpu.vector_load %arg13[%get3A_255, %get3A_256] {strides = array<i32>} : memref<200x64xf32, #tpu.memory_space<vmem>>, vector<1x16xf32>,
        %get3A_258 = vector.shape_cast %get3A_257 : vector<1x16xf32> to vector<16xf32>
        %mul3A_259 = vector.broadcast %squeeze3A : f32 to vector<16xf32>
        %mul3A_260 = arith.mulf %get3A_258, %mul3A_259 : vector<16xf32>
        %add3A_261 = arith.constant 40 : i32
        %add3A_262 = arith.addi %add3A_261, %scan3A_204 : i32
        %swap3A_263 = arith.index_cast %add3A_262 : i32 to index
        %swap3A_264 = arith.constant 48 : index
        %swap3A_265 = tpu.vector_load %arg13[%swap3A_263, %swap3A_264] {strides = array<i32>} : memref<200x64xf32, #tpu.memory_space<vmem>>, vector<1x16xf32>,
        %swap3A_266 = vector.shape_cast %swap3A_265 : vector<1x16xf32> to vector<16xf32>
        %swap3A_267 = vector.shape_cast %mul3A_260 : vector<16xf32> to vector<1x16xf32>
        tpu.vector_store %arg13[%swap3A_263, %swap3A_264], %swap3A_267 {strides = array<i32>} : memref<200x64xf32, #tpu.memory_space<vmem>>, vector<1x16xf32>,
      }
      %scan3A_131 = arith.constant 40 : i32
      %scan3A_132 = arith.constant 0 : i32
      %scan3A_133 = arith.constant 0 : i32
      %scan3A_134 = arith.constant 40 : i32
      %scan3A_135 = arith.addi %scan3A_133, %scan3A_134 : i32
      %scan3A_136 = arith.constant 1 : i32
      scf.for %scan3A_204 = %scan3A_133 to %scan3A_135 step %scan3A_136  : i32 {
        %get3A = arith.constant 2 : i32
        %get3A_205 = arith.index_cast %get3A : i32 to index
        %get3A_206 = arith.index_cast %scan3A_204 : i32 to index
        %get3A_207 = tpu.vector_load %arg11[%get3A_205, %get3A_206] {strides = array<i32>} : memref<6x40xf32, #tpu.memory_space<vmem>>, vector<1x16xf32>,
        %get3A_208 = vector.shape_cast %get3A_207 : vector<1x16xf32> to vector<16xf32>
        %slice3A = vector.extract_strided_slice %get3A_208 {offsets = [0], sizes = [1], strides = [1]} : vector<16xf32> to vector<1xf32>
        %squeeze3A = vector.extract %slice3A[0] : f32 from vector<1xf32>
        %add3A_209 = arith.constant 80 : i32
        %add3A_210 = arith.addi %add3A_209, %scan3A_204 : i32
        %get3A_211 = arith.index_cast %add3A_210 : i32 to index
        %get3A_212 = arith.constant 0 : index
        %get3A_213 = tpu.vector_load %arg13[%get3A_211, %get3A_212] {strides = array<i32>} : memref<200x64xf32, #tpu.memory_space<vmem>>, vector<1x16xf32>,
        %get3A_214 = vector.shape_cast %get3A_213 : vector<1x16xf32> to vector<16xf32>
        %mul3A_215 = vector.broadcast %squeeze3A : f32 to vector<16xf32>
        %mul3A_216 = arith.mulf %get3A_214, %mul3A_215 : vector<16xf32>
        %add3A_217 = arith.constant 80 : i32
        %add3A_218 = arith.addi %add3A_217, %scan3A_204 : i32
        %swap3A = arith.index_cast %add3A_218 : i32 to index
        %swap3A_219 = arith.constant 0 : index
        %swap3A_220 = tpu.vector_load %arg13[%swap3A, %swap3A_219] {strides = array<i32>} : memref<200x64xf32, #tpu.memory_space<vmem>>, vector<1x16xf32>,
        %swap3A_221 = vector.shape_cast %swap3A_220 : vector<1x16xf32> to vector<16xf32>
        %swap3A_222 = vector.shape_cast %mul3A_216 : vector<16xf32> to vector<1x16xf32>
        tpu.vector_store %arg13[%swap3A, %swap3A_219], %swap3A_222 {strides = array<i32>} : memref<200x64xf32, #tpu.memory_space<vmem>>, vector<1x16xf32>,
        %add3A_223 = arith.constant 80 : i32
        %add3A_224 = arith.addi %add3A_223, %scan3A_204 : i32
        %get3A_225 = arith.index_cast %add3A_224 : i32 to index
        %get3A_226 = arith.constant 16 : index
        %get3A_227 = tpu.vector_load %arg13[%get3A_225, %get3A_226] {strides = array<i32>} : memref<200x64xf32, #tpu.memory_space<vmem>>, vector<1x16xf32>,
        %get3A_228 = vector.shape_cast %get3A_227 : vector<1x16xf32> to vector<16xf32>
        %mul3A_229 = vector.broadcast %squeeze3A : f32 to vector<16xf32>
        %mul3A_230 = arith.mulf %get3A_228, %mul3A_229 : vector<16xf32>
        %add3A_231 = arith.constant 80 : i32
        %add3A_232 = arith.addi %add3A_231, %scan3A_204 : i32
        %swap3A_233 = arith.index_cast %add3A_232 : i32 to index
        %swap3A_234 = arith.constant 16 : index
        %swap3A_235 = tpu.vector_load %arg13[%swap3A_233, %swap3A_234] {strides = array<i32>} : memref<200x64xf32, #tpu.memory_space<vmem>>, vector<1x16xf32>,
        %swap3A_236 = vector.shape_cast %swap3A_235 : vector<1x16xf32> to vector<16xf32>
        %swap3A_237 = vector.shape_cast %mul3A_230 : vector<16xf32> to vector<1x16xf32>
        tpu.vector_store %arg13[%swap3A_233, %swap3A_234], %swap3A_237 {strides = array<i32>} : memref<200x64xf32, #tpu.memory_space<vmem>>, vector<1x16xf32>,
        %add3A_238 = arith.constant 80 : i32
        %add3A_239 = arith.addi %add3A_238, %scan3A_204 : i32
        %get3A_240 = arith.index_cast %add3A_239 : i32 to index
        %get3A_241 = arith.constant 32 : index
        %get3A_242 = tpu.vector_load %arg13[%get3A_240, %get3A_241] {strides = array<i32>} : memref<200x64xf32, #tpu.memory_space<vmem>>, vector<1x16xf32>,
        %get3A_243 = vector.shape_cast %get3A_242 : vector<1x16xf32> to vector<16xf32>
        %mul3A_244 = vector.broadcast %squeeze3A : f32 to vector<16xf32>
        %mul3A_245 = arith.mulf %get3A_243, %mul3A_244 : vector<16xf32>
        %add3A_246 = arith.constant 80 : i32
        %add3A_247 = arith.addi %add3A_246, %scan3A_204 : i32
        %swap3A_248 = arith.index_cast %add3A_247 : i32 to index
        %swap3A_249 = arith.constant 32 : index
        %swap3A_250 = tpu.vector_load %arg13[%swap3A_248, %swap3A_249] {strides = array<i32>} : memref<200x64xf32, #tpu.memory_space<vmem>>, vector<1x16xf32>,
        %swap3A_251 = vector.shape_cast %swap3A_250 : vector<1x16xf32> to vector<16xf32>
        %swap3A_252 = vector.shape_cast %mul3A_245 : vector<16xf32> to vector<1x16xf32>
        tpu.vector_store %arg13[%swap3A_248, %swap3A_249], %swap3A_252 {strides = array<i32>} : memref<200x64xf32, #tpu.memory_space<vmem>>, vector<1x16xf32>,
        %add3A_253 = arith.constant 80 : i32
        %add3A_254 = arith.addi %add3A_253, %scan3A_204 : i32
        %get3A_255 = arith.index_cast %add3A_254 : i32 to index
        %get3A_256 = arith.constant 48 : index
        %get3A_257 = tpu.vector_load %arg13[%get3A_255, %get3A_256] {strides = array<i32>} : memref<200x64xf32, #tpu.memory_space<vmem>>, vector<1x16xf32>,
        %get3A_258 = vector.shape_cast %get3A_257 : vector<1x16xf32> to vector<16xf32>
        %mul3A_259 = vector.broadcast %squeeze3A : f32 to vector<16xf32>
        %mul3A_260 = arith.mulf %get3A_258, %mul3A_259 : vector<16xf32>
        %add3A_261 = arith.constant 80 : i32
        %add3A_262 = arith.addi %add3A_261, %scan3A_204 : i32
        %swap3A_263 = arith.index_cast %add3A_262 : i32 to index
        %swap3A_264 = arith.constant 48 : index
        %swap3A_265 = tpu.vector_load %arg13[%swap3A_263, %swap3A_264] {strides = array<i32>} : memref<200x64xf32, #tpu.memory_space<vmem>>, vector<1x16xf32>,
        %swap3A_266 = vector.shape_cast %swap3A_265 : vector<1x16xf32> to vector<16xf32>
        %swap3A_267 = vector.shape_cast %mul3A_260 : vector<16xf32> to vector<1x16xf32>
        tpu.vector_store %arg13[%swap3A_263, %swap3A_264], %swap3A_267 {strides = array<i32>} : memref<200x64xf32, #tpu.memory_space<vmem>>, vector<1x16xf32>,
      }
      %scan3A_137 = arith.constant 40 : i32
      %scan3A_138 = arith.constant 0 : i32
      %scan3A_139 = arith.constant 0 : i32
      %scan3A_140 = arith.constant 40 : i32
      %scan3A_141 = arith.addi %scan3A_139, %scan3A_140 : i32
      %scan3A_142 = arith.constant 1 : i32
      scf.for %scan3A_204 = %scan3A_139 to %scan3A_141 step %scan3A_142  : i32 {
        %get3A = arith.constant 3 : i32
        %get3A_205 = arith.index_cast %get3A : i32 to index
        %get3A_206 = arith.index_cast %scan3A_204 : i32 to index
        %get3A_207 = tpu.vector_load %arg11[%get3A_205, %get3A_206] {strides = array<i32>} : memref<6x40xf32, #tpu.memory_space<vmem>>, vector<1x16xf32>,
        %get3A_208 = vector.shape_cast %get3A_207 : vector<1x16xf32> to vector<16xf32>
        %slice3A = vector.extract_strided_slice %get3A_208 {offsets = [0], sizes = [1], strides = [1]} : vector<16xf32> to vector<1xf32>
        %squeeze3A = vector.extract %slice3A[0] : f32 from vector<1xf32>
        %add3A_209 = arith.constant 120 : i32
        %add3A_210 = arith.addi %add3A_209, %scan3A_204 : i32
        %get3A_211 = arith.index_cast %add3A_210 : i32 to index
        %get3A_212 = arith.constant 0 : index
        %get3A_213 = tpu.vector_load %arg13[%get3A_211, %get3A_212] {strides = array<i32>} : memref<200x64xf32, #tpu.memory_space<vmem>>, vector<1x16xf32>,
        %get3A_214 = vector.shape_cast %get3A_213 : vector<1x16xf32> to vector<16xf32>
        %mul3A_215 = vector.broadcast %squeeze3A : f32 to vector<16xf32>
        %mul3A_216 = arith.mulf %get3A_214, %mul3A_215 : vector<16xf32>
        %add3A_217 = arith.constant 120 : i32
        %add3A_218 = arith.addi %add3A_217, %scan3A_204 : i32
        %swap3A = arith.index_cast %add3A_218 : i32 to index
        %swap3A_219 = arith.constant 0 : index
        %swap3A_220 = tpu.vector_load %arg13[%swap3A, %swap3A_219] {strides = array<i32>} : memref<200x64xf32, #tpu.memory_space<vmem>>, vector<1x16xf32>,
        %swap3A_221 = vector.shape_cast %swap3A_220 : vector<1x16xf32> to vector<16xf32>
        %swap3A_222 = vector.shape_cast %mul3A_216 : vector<16xf32> to vector<1x16xf32>
        tpu.vector_store %arg13[%swap3A, %swap3A_219], %swap3A_222 {strides = array<i32>} : memref<200x64xf32, #tpu.memory_space<vmem>>, vector<1x16xf32>,
        %add3A_223 = arith.constant 120 : i32
        %add3A_224 = arith.addi %add3A_223, %scan3A_204 : i32
        %get3A_225 = arith.index_cast %add3A_224 : i32 to index
        %get3A_226 = arith.constant 16 : index
        %get3A_227 = tpu.vector_load %arg13[%get3A_225, %get3A_226] {strides = array<i32>} : memref<200x64xf32, #tpu.memory_space<vmem>>, vector<1x16xf32>,
        %get3A_228 = vector.shape_cast %get3A_227 : vector<1x16xf32> to vector<16xf32>
        %mul3A_229 = vector.broadcast %squeeze3A : f32 to vector<16xf32>
        %mul3A_230 = arith.mulf %get3A_228, %mul3A_229 : vector<16xf32>
        %add3A_231 = arith.constant 120 : i32
        %add3A_232 = arith.addi %add3A_231, %scan3A_204 : i32
        %swap3A_233 = arith.index_cast %add3A_232 : i32 to index
        %swap3A_234 = arith.constant 16 : index
        %swap3A_235 = tpu.vector_load %arg13[%swap3A_233, %swap3A_234] {strides = array<i32>} : memref<200x64xf32, #tpu.memory_space<vmem>>, vector<1x16xf32>,
        %swap3A_236 = vector.shape_cast %swap3A_235 : vector<1x16xf32> to vector<16xf32>
        %swap3A_237 = vector.shape_cast %mul3A_230 : vector<16xf32> to vector<1x16xf32>
        tpu.vector_store %arg13[%swap3A_233, %swap3A_234], %swap3A_237 {strides = array<i32>} : memref<200x64xf32, #tpu.memory_space<vmem>>, vector<1x16xf32>,
        %add3A_238 = arith.constant 120 : i32
        %add3A_239 = arith.addi %add3A_238, %scan3A_204 : i32
        %get3A_240 = arith.index_cast %add3A_239 : i32 to index
        %get3A_241 = arith.constant 32 : index
        %get3A_242 = tpu.vector_load %arg13[%get3A_240, %get3A_241] {strides = array<i32>} : memref<200x64xf32, #tpu.memory_space<vmem>>, vector<1x16xf32>,
        %get3A_243 = vector.shape_cast %get3A_242 : vector<1x16xf32> to vector<16xf32>
        %mul3A_244 = vector.broadcast %squeeze3A : f32 to vector<16xf32>
        %mul3A_245 = arith.mulf %get3A_243, %mul3A_244 : vector<16xf32>
        %add3A_246 = arith.constant 120 : i32
        %add3A_247 = arith.addi %add3A_246, %scan3A_204 : i32
        %swap3A_248 = arith.index_cast %add3A_247 : i32 to index
        %swap3A_249 = arith.constant 32 : index
        %swap3A_250 = tpu.vector_load %arg13[%swap3A_248, %swap3A_249] {strides = array<i32>} : memref<200x64xf32, #tpu.memory_space<vmem>>, vector<1x16xf32>,
        %swap3A_251 = vector.shape_cast %swap3A_250 : vector<1x16xf32> to vector<16xf32>
        %swap3A_252 = vector.shape_cast %mul3A_245 : vector<16xf32> to vector<1x16xf32>
        tpu.vector_store %arg13[%swap3A_248, %swap3A_249], %swap3A_252 {strides = array<i32>} : memref<200x64xf32, #tpu.memory_space<vmem>>, vector<1x16xf32>,
        %add3A_253 = arith.constant 120 : i32
        %add3A_254 = arith.addi %add3A_253, %scan3A_204 : i32
        %get3A_255 = arith.index_cast %add3A_254 : i32 to index
        %get3A_256 = arith.constant 48 : index
        %get3A_257 = tpu.vector_load %arg13[%get3A_255, %get3A_256] {strides = array<i32>} : memref<200x64xf32, #tpu.memory_space<vmem>>, vector<1x16xf32>,
        %get3A_258 = vector.shape_cast %get3A_257 : vector<1x16xf32> to vector<16xf32>
        %mul3A_259 = vector.broadcast %squeeze3A : f32 to vector<16xf32>
        %mul3A_260 = arith.mulf %get3A_258, %mul3A_259 : vector<16xf32>
        %add3A_261 = arith.constant 120 : i32
        %add3A_262 = arith.addi %add3A_261, %scan3A_204 : i32
        %swap3A_263 = arith.index_cast %add3A_262 : i32 to index
        %swap3A_264 = arith.constant 48 : index
        %swap3A_265 = tpu.vector_load %arg13[%swap3A_263, %swap3A_264] {strides = array<i32>} : memref<200x64xf32, #tpu.memory_space<vmem>>, vector<1x16xf32>,
        %swap3A_266 = vector.shape_cast %swap3A_265 : vector<1x16xf32> to vector<16xf32>
        %swap3A_267 = vector.shape_cast %mul3A_260 : vector<16xf32> to vector<1x16xf32>
        tpu.vector_store %arg13[%swap3A_263, %swap3A_264], %swap3A_267 {strides = array<i32>} : memref<200x64xf32, #tpu.memory_space<vmem>>, vector<1x16xf32>,
      }
      %scan3A_143 = arith.constant 40 : i32
      %scan3A_144 = arith.constant 0 : i32
      %scan3A_145 = arith.constant 0 : i32
      %scan3A_146 = arith.constant 40 : i32
      %scan3A_147 = arith.addi %scan3A_145, %scan3A_146 : i32
      %scan3A_148 = arith.constant 1 : i32
      scf.for %scan3A_204 = %scan3A_145 to %scan3A_147 step %scan3A_148  : i32 {
        %get3A = arith.constant 4 : i32
        %get3A_205 = arith.index_cast %get3A : i32 to index
        %get3A_206 = arith.index_cast %scan3A_204 : i32 to index
        %get3A_207 = tpu.vector_load %arg11[%get3A_205, %get3A_206] {strides = array<i32>} : memref<6x40xf32, #tpu.memory_space<vmem>>, vector<1x16xf32>,
        %get3A_208 = vector.shape_cast %get3A_207 : vector<1x16xf32> to vector<16xf32>
        %slice3A = vector.extract_strided_slice %get3A_208 {offsets = [0], sizes = [1], strides = [1]} : vector<16xf32> to vector<1xf32>
        %squeeze3A = vector.extract %slice3A[0] : f32 from vector<1xf32>
        %add3A_209 = arith.constant 160 : i32
        %add3A_210 = arith.addi %add3A_209, %scan3A_204 : i32
        %get3A_211 = arith.index_cast %add3A_210 : i32 to index
        %get3A_212 = arith.constant 0 : index
        %get3A_213 = tpu.vector_load %arg13[%get3A_211, %get3A_212] {strides = array<i32>} : memref<200x64xf32, #tpu.memory_space<vmem>>, vector<1x16xf32>,
        %get3A_214 = vector.shape_cast %get3A_213 : vector<1x16xf32> to vector<16xf32>
        %mul3A_215 = vector.broadcast %squeeze3A : f32 to vector<16xf32>
        %mul3A_216 = arith.mulf %get3A_214, %mul3A_215 : vector<16xf32>
        %add3A_217 = arith.constant 160 : i32
        %add3A_218 = arith.addi %add3A_217, %scan3A_204 : i32
        %swap3A = arith.index_cast %add3A_218 : i32 to index
        %swap3A_219 = arith.constant 0 : index
        %swap3A_220 = tpu.vector_load %arg13[%swap3A, %swap3A_219] {strides = array<i32>} : memref<200x64xf32, #tpu.memory_space<vmem>>, vector<1x16xf32>,
        %swap3A_221 = vector.shape_cast %swap3A_220 : vector<1x16xf32> to vector<16xf32>
        %swap3A_222 = vector.shape_cast %mul3A_216 : vector<16xf32> to vector<1x16xf32>
        tpu.vector_store %arg13[%swap3A, %swap3A_219], %swap3A_222 {strides = array<i32>} : memref<200x64xf32, #tpu.memory_space<vmem>>, vector<1x16xf32>,
        %add3A_223 = arith.constant 160 : i32
        %add3A_224 = arith.addi %add3A_223, %scan3A_204 : i32
        %get3A_225 = arith.index_cast %add3A_224 : i32 to index
        %get3A_226 = arith.constant 16 : index
        %get3A_227 = tpu.vector_load %arg13[%get3A_225, %get3A_226] {strides = array<i32>} : memref<200x64xf32, #tpu.memory_space<vmem>>, vector<1x16xf32>,
        %get3A_228 = vector.shape_cast %get3A_227 : vector<1x16xf32> to vector<16xf32>
        %mul3A_229 = vector.broadcast %squeeze3A : f32 to vector<16xf32>
        %mul3A_230 = arith.mulf %get3A_228, %mul3A_229 : vector<16xf32>
        %add3A_231 = arith.constant 160 : i32
        %add3A_232 = arith.addi %add3A_231, %scan3A_204 : i32
        %swap3A_233 = arith.index_cast %add3A_232 : i32 to index
        %swap3A_234 = arith.constant 16 : index
        %swap3A_235 = tpu.vector_load %arg13[%swap3A_233, %swap3A_234] {strides = array<i32>} : memref<200x64xf32, #tpu.memory_space<vmem>>, vector<1x16xf32>,
        %swap3A_236 = vector.shape_cast %swap3A_235 : vector<1x16xf32> to vector<16xf32>
        %swap3A_237 = vector.shape_cast %mul3A_230 : vector<16xf32> to vector<1x16xf32>
        tpu.vector_store %arg13[%swap3A_233, %swap3A_234], %swap3A_237 {strides = array<i32>} : memref<200x64xf32, #tpu.memory_space<vmem>>, vector<1x16xf32>,
        %add3A_238 = arith.constant 160 : i32
        %add3A_239 = arith.addi %add3A_238, %scan3A_204 : i32
        %get3A_240 = arith.index_cast %add3A_239 : i32 to index
        %get3A_241 = arith.constant 32 : index
        %get3A_242 = tpu.vector_load %arg13[%get3A_240, %get3A_241] {strides = array<i32>} : memref<200x64xf32, #tpu.memory_space<vmem>>, vector<1x16xf32>,
        %get3A_243 = vector.shape_cast %get3A_242 : vector<1x16xf32> to vector<16xf32>
        %mul3A_244 = vector.broadcast %squeeze3A : f32 to vector<16xf32>
        %mul3A_245 = arith.mulf %get3A_243, %mul3A_244 : vector<16xf32>
        %add3A_246 = arith.constant 160 : i32
        %add3A_247 = arith.addi %add3A_246, %scan3A_204 : i32
        %swap3A_248 = arith.index_cast %add3A_247 : i32 to index
        %swap3A_249 = arith.constant 32 : index
        %swap3A_250 = tpu.vector_load %arg13[%swap3A_248, %swap3A_249] {strides = array<i32>} : memref<200x64xf32, #tpu.memory_space<vmem>>, vector<1x16xf32>,
        %swap3A_251 = vector.shape_cast %swap3A_250 : vector<1x16xf32> to vector<16xf32>
        %swap3A_252 = vector.shape_cast %mul3A_245 : vector<16xf32> to vector<1x16xf32>
        tpu.vector_store %arg13[%swap3A_248, %swap3A_249], %swap3A_252 {strides = array<i32>} : memref<200x64xf32, #tpu.memory_space<vmem>>, vector<1x16xf32>,
        %add3A_253 = arith.constant 160 : i32
        %add3A_254 = arith.addi %add3A_253, %scan3A_204 : i32
        %get3A_255 = arith.index_cast %add3A_254 : i32 to index
        %get3A_256 = arith.constant 48 : index
        %get3A_257 = tpu.vector_load %arg13[%get3A_255, %get3A_256] {strides = array<i32>} : memref<200x64xf32, #tpu.memory_space<vmem>>, vector<1x16xf32>,
        %get3A_258 = vector.shape_cast %get3A_257 : vector<1x16xf32> to vector<16xf32>
        %mul3A_259 = vector.broadcast %squeeze3A : f32 to vector<16xf32>
        %mul3A_260 = arith.mulf %get3A_258, %mul3A_259 : vector<16xf32>
        %add3A_261 = arith.constant 160 : i32
        %add3A_262 = arith.addi %add3A_261, %scan3A_204 : i32
        %swap3A_263 = arith.index_cast %add3A_262 : i32 to index
        %swap3A_264 = arith.constant 48 : index
        %swap3A_265 = tpu.vector_load %arg13[%swap3A_263, %swap3A_264] {strides = array<i32>} : memref<200x64xf32, #tpu.memory_space<vmem>>, vector<1x16xf32>,
        %swap3A_266 = vector.shape_cast %swap3A_265 : vector<1x16xf32> to vector<16xf32>
        %swap3A_267 = vector.shape_cast %mul3A_260 : vector<16xf32> to vector<1x16xf32>
        tpu.vector_store %arg13[%swap3A_263, %swap3A_264], %swap3A_267 {strides = array<i32>} : memref<200x64xf32, #tpu.memory_space<vmem>>, vector<1x16xf32>,
      }
      %scan3A_149 = arith.constant 40 : i32
      %scan3A_150 = arith.constant 0 : i32
      %scan3A_151 = arith.constant 0 : i32
      %scan3A_152 = arith.constant 5 : i32
      %scan3A_153 = arith.addi %scan3A_151, %scan3A_152 : i32
      %scan3A_154 = arith.constant 1 : i32
      scf.for %scan3A_204 = %scan3A_151 to %scan3A_153 step %scan3A_154  : i32 {
        %mul3A_205 = arith.constant 40 : i32
        %mul3A_206 = arith.muli %scan3A_204, %mul3A_205 : i32
        %dma_start3A_207 = arith.constant 0 : i32
        %dma_start3A_208 = tpu.memref_slice %arg13[%mul3A_206, %dma_start3A_207] : memref<200x64xf32, #tpu.memory_space<vmem>> -> memref<40x64xf32, #tpu.memory_space<vmem>>
        %dma_start3A_209 = arith.constant 0 : i32
        %dma_start3A_210 = tpu.memref_slice %arg9[%scan3A_204, %dma_start3A_209] : memref<5x40xi32, #tpu.memory_space<vmem>> -> memref<1x40xi32, #tpu.memory_space<vmem>>
        %dma_start3A_211 = tpu.memref_squeeze %dma_start3A_210 : memref<1x40xi32, #tpu.memory_space<vmem>> -> memref<40xi32, #tpu.memory_space<vmem>>
        %dma_start3A_212 = arith.constant 0 : i32
        %dma_start3A_213 = arith.constant 0 : i32
        %dma_start3A_214 = tpu.memref_slice %arg16[%dma_start3A_212, %dma_start3A_213] : memref<10240x64xf32, #tpu.memory_space<vmem_shared>> -> memref<10240x64xf32, #tpu.memory_space<vmem_shared>>
        tpu.enqueue_indirect_dma source(%dma_start3A_208 : memref<40x64xf32, #tpu.memory_space<vmem>>) target(%dma_start3A_214 : memref<10240x64xf32, #tpu.memory_space<vmem_shared>>) offsets(%dma_start3A_211 : memref<40xi32, #tpu.memory_space<vmem>>) semaphore(%arg19 : memref<!tpu.dma_semaphore, #tpu.memory_space<semaphore_mem>>) {add = true}
      }
      %scan3A_155 = arith.constant 5 : i32
      %scan3A_156 = arith.constant 0 : i32
      %scan3A_157 = arith.constant 0 : i32
      %scan3A_158 = arith.constant 40 : i32
      %scan3A_159 = arith.addi %scan3A_157, %scan3A_158 : i32
      %scan3A_160 = arith.constant 1 : i32
      scf.for %scan3A_204 = %scan3A_157 to %scan3A_159 step %scan3A_160  : i32 {
        %get3A = arith.constant 0 : i32
        %get3A_205 = arith.index_cast %get3A : i32 to index
        %get3A_206 = arith.index_cast %scan3A_204 : i32 to index
        %get3A_207 = tpu.vector_load %arg12[%get3A_205, %get3A_206] {strides = array<i32>} : memref<6x40xf32, #tpu.memory_space<vmem>>, vector<1x16xf32>,
        %get3A_208 = vector.shape_cast %get3A_207 : vector<1x16xf32> to vector<16xf32>
        %slice3A = vector.extract_strided_slice %get3A_208 {offsets = [0], sizes = [1], strides = [1]} : vector<16xf32> to vector<1xf32>
        %squeeze3A = vector.extract %slice3A[0] : f32 from vector<1xf32>
        %add3A_209 = arith.constant 0 : i32
        %add3A_210 = arith.addi %add3A_209, %scan3A_204 : i32
        %get3A_211 = arith.index_cast %add3A_210 : i32 to index
        %get3A_212 = arith.constant 0 : index
        %get3A_213 = tpu.vector_load %arg14[%get3A_211, %get3A_212] {strides = array<i32>} : memref<200x64xf32, #tpu.memory_space<vmem>>, vector<1x16xf32>,
        %get3A_214 = vector.shape_cast %get3A_213 : vector<1x16xf32> to vector<16xf32>
        %mul3A_215 = vector.broadcast %squeeze3A : f32 to vector<16xf32>
        %mul3A_216 = arith.mulf %get3A_214, %mul3A_215 : vector<16xf32>
        %add3A_217 = arith.constant 0 : i32
        %add3A_218 = arith.addi %add3A_217, %scan3A_204 : i32
        %swap3A = arith.index_cast %add3A_218 : i32 to index
        %swap3A_219 = arith.constant 0 : index
        %swap3A_220 = tpu.vector_load %arg14[%swap3A, %swap3A_219] {strides = array<i32>} : memref<200x64xf32, #tpu.memory_space<vmem>>, vector<1x16xf32>,
        %swap3A_221 = vector.shape_cast %swap3A_220 : vector<1x16xf32> to vector<16xf32>
        %swap3A_222 = vector.shape_cast %mul3A_216 : vector<16xf32> to vector<1x16xf32>
        tpu.vector_store %arg14[%swap3A, %swap3A_219], %swap3A_222 {strides = array<i32>} : memref<200x64xf32, #tpu.memory_space<vmem>>, vector<1x16xf32>,
        %add3A_223 = arith.constant 0 : i32
        %add3A_224 = arith.addi %add3A_223, %scan3A_204 : i32
        %get3A_225 = arith.index_cast %add3A_224 : i32 to index
        %get3A_226 = arith.constant 16 : index
        %get3A_227 = tpu.vector_load %arg14[%get3A_225, %get3A_226] {strides = array<i32>} : memref<200x64xf32, #tpu.memory_space<vmem>>, vector<1x16xf32>,
        %get3A_228 = vector.shape_cast %get3A_227 : vector<1x16xf32> to vector<16xf32>
        %mul3A_229 = vector.broadcast %squeeze3A : f32 to vector<16xf32>
        %mul3A_230 = arith.mulf %get3A_228, %mul3A_229 : vector<16xf32>
        %add3A_231 = arith.constant 0 : i32
        %add3A_232 = arith.addi %add3A_231, %scan3A_204 : i32
        %swap3A_233 = arith.index_cast %add3A_232 : i32 to index
        %swap3A_234 = arith.constant 16 : index
        %swap3A_235 = tpu.vector_load %arg14[%swap3A_233, %swap3A_234] {strides = array<i32>} : memref<200x64xf32, #tpu.memory_space<vmem>>, vector<1x16xf32>,
        %swap3A_236 = vector.shape_cast %swap3A_235 : vector<1x16xf32> to vector<16xf32>
        %swap3A_237 = vector.shape_cast %mul3A_230 : vector<16xf32> to vector<1x16xf32>
        tpu.vector_store %arg14[%swap3A_233, %swap3A_234], %swap3A_237 {strides = array<i32>} : memref<200x64xf32, #tpu.memory_space<vmem>>, vector<1x16xf32>,
        %add3A_238 = arith.constant 0 : i32
        %add3A_239 = arith.addi %add3A_238, %scan3A_204 : i32
        %get3A_240 = arith.index_cast %add3A_239 : i32 to index
        %get3A_241 = arith.constant 32 : index
        %get3A_242 = tpu.vector_load %arg14[%get3A_240, %get3A_241] {strides = array<i32>} : memref<200x64xf32, #tpu.memory_space<vmem>>, vector<1x16xf32>,
        %get3A_243 = vector.shape_cast %get3A_242 : vector<1x16xf32> to vector<16xf32>
        %mul3A_244 = vector.broadcast %squeeze3A : f32 to vector<16xf32>
        %mul3A_245 = arith.mulf %get3A_243, %mul3A_244 : vector<16xf32>
        %add3A_246 = arith.constant 0 : i32
        %add3A_247 = arith.addi %add3A_246, %scan3A_204 : i32
        %swap3A_248 = arith.index_cast %add3A_247 : i32 to index
        %swap3A_249 = arith.constant 32 : index
        %swap3A_250 = tpu.vector_load %arg14[%swap3A_248, %swap3A_249] {strides = array<i32>} : memref<200x64xf32, #tpu.memory_space<vmem>>, vector<1x16xf32>,
        %swap3A_251 = vector.shape_cast %swap3A_250 : vector<1x16xf32> to vector<16xf32>
        %swap3A_252 = vector.shape_cast %mul3A_245 : vector<16xf32> to vector<1x16xf32>
        tpu.vector_store %arg14[%swap3A_248, %swap3A_249], %swap3A_252 {strides = array<i32>} : memref<200x64xf32, #tpu.memory_space<vmem>>, vector<1x16xf32>,
        %add3A_253 = arith.constant 0 : i32
        %add3A_254 = arith.addi %add3A_253, %scan3A_204 : i32
        %get3A_255 = arith.index_cast %add3A_254 : i32 to index
        %get3A_256 = arith.constant 48 : index
        %get3A_257 = tpu.vector_load %arg14[%get3A_255, %get3A_256] {strides = array<i32>} : memref<200x64xf32, #tpu.memory_space<vmem>>, vector<1x16xf32>,
        %get3A_258 = vector.shape_cast %get3A_257 : vector<1x16xf32> to vector<16xf32>
        %mul3A_259 = vector.broadcast %squeeze3A : f32 to vector<16xf32>
        %mul3A_260 = arith.mulf %get3A_258, %mul3A_259 : vector<16xf32>
        %add3A_261 = arith.constant 0 : i32
        %add3A_262 = arith.addi %add3A_261, %scan3A_204 : i32
        %swap3A_263 = arith.index_cast %add3A_262 : i32 to index
        %swap3A_264 = arith.constant 48 : index
        %swap3A_265 = tpu.vector_load %arg14[%swap3A_263, %swap3A_264] {strides = array<i32>} : memref<200x64xf32, #tpu.memory_space<vmem>>, vector<1x16xf32>,
        %swap3A_266 = vector.shape_cast %swap3A_265 : vector<1x16xf32> to vector<16xf32>
        %swap3A_267 = vector.shape_cast %mul3A_260 : vector<16xf32> to vector<1x16xf32>
        tpu.vector_store %arg14[%swap3A_263, %swap3A_264], %swap3A_267 {strides = array<i32>} : memref<200x64xf32, #tpu.memory_space<vmem>>, vector<1x16xf32>,
      }
      %scan3A_161 = arith.constant 40 : i32
      %scan3A_162 = arith.constant 0 : i32
      %scan3A_163 = arith.constant 0 : i32
      %scan3A_164 = arith.constant 40 : i32
      %scan3A_165 = arith.addi %scan3A_163, %scan3A_164 : i32
      %scan3A_166 = arith.constant 1 : i32
      scf.for %scan3A_204 = %scan3A_163 to %scan3A_165 step %scan3A_166  : i32 {
        %get3A = arith.constant 1 : i32
        %get3A_205 = arith.index_cast %get3A : i32 to index
        %get3A_206 = arith.index_cast %scan3A_204 : i32 to index
        %get3A_207 = tpu.vector_load %arg12[%get3A_205, %get3A_206] {strides = array<i32>} : memref<6x40xf32, #tpu.memory_space<vmem>>, vector<1x16xf32>,
        %get3A_208 = vector.shape_cast %get3A_207 : vector<1x16xf32> to vector<16xf32>
        %slice3A = vector.extract_strided_slice %get3A_208 {offsets = [0], sizes = [1], strides = [1]} : vector<16xf32> to vector<1xf32>
        %squeeze3A = vector.extract %slice3A[0] : f32 from vector<1xf32>
        %add3A_209 = arith.constant 40 : i32
        %add3A_210 = arith.addi %add3A_209, %scan3A_204 : i32
        %get3A_211 = arith.index_cast %add3A_210 : i32 to index
        %get3A_212 = arith.constant 0 : index
        %get3A_213 = tpu.vector_load %arg14[%get3A_211, %get3A_212] {strides = array<i32>} : memref<200x64xf32, #tpu.memory_space<vmem>>, vector<1x16xf32>,
        %get3A_214 = vector.shape_cast %get3A_213 : vector<1x16xf32> to vector<16xf32>
        %mul3A_215 = vector.broadcast %squeeze3A : f32 to vector<16xf32>
        %mul3A_216 = arith.mulf %get3A_214, %mul3A_215 : vector<16xf32>
        %add3A_217 = arith.constant 40 : i32
        %add3A_218 = arith.addi %add3A_217, %scan3A_204 : i32
        %swap3A = arith.index_cast %add3A_218 : i32 to index
        %swap3A_219 = arith.constant 0 : index
        %swap3A_220 = tpu.vector_load %arg14[%swap3A, %swap3A_219] {strides = array<i32>} : memref<200x64xf32, #tpu.memory_space<vmem>>, vector<1x16xf32>,
        %swap3A_221 = vector.shape_cast %swap3A_220 : vector<1x16xf32> to vector<16xf32>
        %swap3A_222 = vector.shape_cast %mul3A_216 : vector<16xf32> to vector<1x16xf32>
        tpu.vector_store %arg14[%swap3A, %swap3A_219], %swap3A_222 {strides = array<i32>} : memref<200x64xf32, #tpu.memory_space<vmem>>, vector<1x16xf32>,
        %add3A_223 = arith.constant 40 : i32
        %add3A_224 = arith.addi %add3A_223, %scan3A_204 : i32
        %get3A_225 = arith.index_cast %add3A_224 : i32 to index
        %get3A_226 = arith.constant 16 : index
        %get3A_227 = tpu.vector_load %arg14[%get3A_225, %get3A_226] {strides = array<i32>} : memref<200x64xf32, #tpu.memory_space<vmem>>, vector<1x16xf32>,
        %get3A_228 = vector.shape_cast %get3A_227 : vector<1x16xf32> to vector<16xf32>
        %mul3A_229 = vector.broadcast %squeeze3A : f32 to vector<16xf32>
        %mul3A_230 = arith.mulf %get3A_228, %mul3A_229 : vector<16xf32>
        %add3A_231 = arith.constant 40 : i32
        %add3A_232 = arith.addi %add3A_231, %scan3A_204 : i32
        %swap3A_233 = arith.index_cast %add3A_232 : i32 to index
        %swap3A_234 = arith.constant 16 : index
        %swap3A_235 = tpu.vector_load %arg14[%swap3A_233, %swap3A_234] {strides = array<i32>} : memref<200x64xf32, #tpu.memory_space<vmem>>, vector<1x16xf32>,
        %swap3A_236 = vector.shape_cast %swap3A_235 : vector<1x16xf32> to vector<16xf32>
        %swap3A_237 = vector.shape_cast %mul3A_230 : vector<16xf32> to vector<1x16xf32>
        tpu.vector_store %arg14[%swap3A_233, %swap3A_234], %swap3A_237 {strides = array<i32>} : memref<200x64xf32, #tpu.memory_space<vmem>>, vector<1x16xf32>,
        %add3A_238 = arith.constant 40 : i32
        %add3A_239 = arith.addi %add3A_238, %scan3A_204 : i32
        %get3A_240 = arith.index_cast %add3A_239 : i32 to index
        %get3A_241 = arith.constant 32 : index
        %get3A_242 = tpu.vector_load %arg14[%get3A_240, %get3A_241] {strides = array<i32>} : memref<200x64xf32, #tpu.memory_space<vmem>>, vector<1x16xf32>,
        %get3A_243 = vector.shape_cast %get3A_242 : vector<1x16xf32> to vector<16xf32>
        %mul3A_244 = vector.broadcast %squeeze3A : f32 to vector<16xf32>
        %mul3A_245 = arith.mulf %get3A_243, %mul3A_244 : vector<16xf32>
        %add3A_246 = arith.constant 40 : i32
        %add3A_247 = arith.addi %add3A_246, %scan3A_204 : i32
        %swap3A_248 = arith.index_cast %add3A_247 : i32 to index
        %swap3A_249 = arith.constant 32 : index
        %swap3A_250 = tpu.vector_load %arg14[%swap3A_248, %swap3A_249] {strides = array<i32>} : memref<200x64xf32, #tpu.memory_space<vmem>>, vector<1x16xf32>,
        %swap3A_251 = vector.shape_cast %swap3A_250 : vector<1x16xf32> to vector<16xf32>
        %swap3A_252 = vector.shape_cast %mul3A_245 : vector<16xf32> to vector<1x16xf32>
        tpu.vector_store %arg14[%swap3A_248, %swap3A_249], %swap3A_252 {strides = array<i32>} : memref<200x64xf32, #tpu.memory_space<vmem>>, vector<1x16xf32>,
        %add3A_253 = arith.constant 40 : i32
        %add3A_254 = arith.addi %add3A_253, %scan3A_204 : i32
        %get3A_255 = arith.index_cast %add3A_254 : i32 to index
        %get3A_256 = arith.constant 48 : index
        %get3A_257 = tpu.vector_load %arg14[%get3A_255, %get3A_256] {strides = array<i32>} : memref<200x64xf32, #tpu.memory_space<vmem>>, vector<1x16xf32>,
        %get3A_258 = vector.shape_cast %get3A_257 : vector<1x16xf32> to vector<16xf32>
        %mul3A_259 = vector.broadcast %squeeze3A : f32 to vector<16xf32>
        %mul3A_260 = arith.mulf %get3A_258, %mul3A_259 : vector<16xf32>
        %add3A_261 = arith.constant 40 : i32
        %add3A_262 = arith.addi %add3A_261, %scan3A_204 : i32
        %swap3A_263 = arith.index_cast %add3A_262 : i32 to index
        %swap3A_264 = arith.constant 48 : index
        %swap3A_265 = tpu.vector_load %arg14[%swap3A_263, %swap3A_264] {strides = array<i32>} : memref<200x64xf32, #tpu.memory_space<vmem>>, vector<1x16xf32>,
        %swap3A_266 = vector.shape_cast %swap3A_265 : vector<1x16xf32> to vector<16xf32>
        %swap3A_267 = vector.shape_cast %mul3A_260 : vector<16xf32> to vector<1x16xf32>
        tpu.vector_store %arg14[%swap3A_263, %swap3A_264], %swap3A_267 {strides = array<i32>} : memref<200x64xf32, #tpu.memory_space<vmem>>, vector<1x16xf32>,
      }
      %scan3A_167 = arith.constant 40 : i32
      %scan3A_168 = arith.constant 0 : i32
      %scan3A_169 = arith.constant 0 : i32
      %scan3A_170 = arith.constant 40 : i32
      %scan3A_171 = arith.addi %scan3A_169, %scan3A_170 : i32
      %scan3A_172 = arith.constant 1 : i32
      scf.for %scan3A_204 = %scan3A_169 to %scan3A_171 step %scan3A_172  : i32 {
        %get3A = arith.constant 2 : i32
        %get3A_205 = arith.index_cast %get3A : i32 to index
        %get3A_206 = arith.index_cast %scan3A_204 : i32 to index
        %get3A_207 = tpu.vector_load %arg12[%get3A_205, %get3A_206] {strides = array<i32>} : memref<6x40xf32, #tpu.memory_space<vmem>>, vector<1x16xf32>,
        %get3A_208 = vector.shape_cast %get3A_207 : vector<1x16xf32> to vector<16xf32>
        %slice3A = vector.extract_strided_slice %get3A_208 {offsets = [0], sizes = [1], strides = [1]} : vector<16xf32> to vector<1xf32>
        %squeeze3A = vector.extract %slice3A[0] : f32 from vector<1xf32>
        %add3A_209 = arith.constant 80 : i32
        %add3A_210 = arith.addi %add3A_209, %scan3A_204 : i32
        %get3A_211 = arith.index_cast %add3A_210 : i32 to index
        %get3A_212 = arith.constant 0 : index
        %get3A_213 = tpu.vector_load %arg14[%get3A_211, %get3A_212] {strides = array<i32>} : memref<200x64xf32, #tpu.memory_space<vmem>>, vector<1x16xf32>,
        %get3A_214 = vector.shape_cast %get3A_213 : vector<1x16xf32> to vector<16xf32>
        %mul3A_215 = vector.broadcast %squeeze3A : f32 to vector<16xf32>
        %mul3A_216 = arith.mulf %get3A_214, %mul3A_215 : vector<16xf32>
        %add3A_217 = arith.constant 80 : i32
        %add3A_218 = arith.addi %add3A_217, %scan3A_204 : i32
        %swap3A = arith.index_cast %add3A_218 : i32 to index
        %swap3A_219 = arith.constant 0 : index
        %swap3A_220 = tpu.vector_load %arg14[%swap3A, %swap3A_219] {strides = array<i32>} : memref<200x64xf32, #tpu.memory_space<vmem>>, vector<1x16xf32>,
        %swap3A_221 = vector.shape_cast %swap3A_220 : vector<1x16xf32> to vector<16xf32>
        %swap3A_222 = vector.shape_cast %mul3A_216 : vector<16xf32> to vector<1x16xf32>
        tpu.vector_store %arg14[%swap3A, %swap3A_219], %swap3A_222 {strides = array<i32>} : memref<200x64xf32, #tpu.memory_space<vmem>>, vector<1x16xf32>,
        %add3A_223 = arith.constant 80 : i32
        %add3A_224 = arith.addi %add3A_223, %scan3A_204 : i32
        %get3A_225 = arith.index_cast %add3A_224 : i32 to index
        %get3A_226 = arith.constant 16 : index
        %get3A_227 = tpu.vector_load %arg14[%get3A_225, %get3A_226] {strides = array<i32>} : memref<200x64xf32, #tpu.memory_space<vmem>>, vector<1x16xf32>,
        %get3A_228 = vector.shape_cast %get3A_227 : vector<1x16xf32> to vector<16xf32>
        %mul3A_229 = vector.broadcast %squeeze3A : f32 to vector<16xf32>
        %mul3A_230 = arith.mulf %get3A_228, %mul3A_229 : vector<16xf32>
        %add3A_231 = arith.constant 80 : i32
        %add3A_232 = arith.addi %add3A_231, %scan3A_204 : i32
        %swap3A_233 = arith.index_cast %add3A_232 : i32 to index
        %swap3A_234 = arith.constant 16 : index
        %swap3A_235 = tpu.vector_load %arg14[%swap3A_233, %swap3A_234] {strides = array<i32>} : memref<200x64xf32, #tpu.memory_space<vmem>>, vector<1x16xf32>,
        %swap3A_236 = vector.shape_cast %swap3A_235 : vector<1x16xf32> to vector<16xf32>
        %swap3A_237 = vector.shape_cast %mul3A_230 : vector<16xf32> to vector<1x16xf32>
        tpu.vector_store %arg14[%swap3A_233, %swap3A_234], %swap3A_237 {strides = array<i32>} : memref<200x64xf32, #tpu.memory_space<vmem>>, vector<1x16xf32>,
        %add3A_238 = arith.constant 80 : i32
        %add3A_239 = arith.addi %add3A_238, %scan3A_204 : i32
        %get3A_240 = arith.index_cast %add3A_239 : i32 to index
        %get3A_241 = arith.constant 32 : index
        %get3A_242 = tpu.vector_load %arg14[%get3A_240, %get3A_241] {strides = array<i32>} : memref<200x64xf32, #tpu.memory_space<vmem>>, vector<1x16xf32>,
        %get3A_243 = vector.shape_cast %get3A_242 : vector<1x16xf32> to vector<16xf32>
        %mul3A_244 = vector.broadcast %squeeze3A : f32 to vector<16xf32>
        %mul3A_245 = arith.mulf %get3A_243, %mul3A_244 : vector<16xf32>
        %add3A_246 = arith.constant 80 : i32
        %add3A_247 = arith.addi %add3A_246, %scan3A_204 : i32
        %swap3A_248 = arith.index_cast %add3A_247 : i32 to index
        %swap3A_249 = arith.constant 32 : index
        %swap3A_250 = tpu.vector_load %arg14[%swap3A_248, %swap3A_249] {strides = array<i32>} : memref<200x64xf32, #tpu.memory_space<vmem>>, vector<1x16xf32>,
        %swap3A_251 = vector.shape_cast %swap3A_250 : vector<1x16xf32> to vector<16xf32>
        %swap3A_252 = vector.shape_cast %mul3A_245 : vector<16xf32> to vector<1x16xf32>
        tpu.vector_store %arg14[%swap3A_248, %swap3A_249], %swap3A_252 {strides = array<i32>} : memref<200x64xf32, #tpu.memory_space<vmem>>, vector<1x16xf32>,
        %add3A_253 = arith.constant 80 : i32
        %add3A_254 = arith.addi %add3A_253, %scan3A_204 : i32
        %get3A_255 = arith.index_cast %add3A_254 : i32 to index
        %get3A_256 = arith.constant 48 : index
        %get3A_257 = tpu.vector_load %arg14[%get3A_255, %get3A_256] {strides = array<i32>} : memref<200x64xf32, #tpu.memory_space<vmem>>, vector<1x16xf32>,
        %get3A_258 = vector.shape_cast %get3A_257 : vector<1x16xf32> to vector<16xf32>
        %mul3A_259 = vector.broadcast %squeeze3A : f32 to vector<16xf32>
        %mul3A_260 = arith.mulf %get3A_258, %mul3A_259 : vector<16xf32>
        %add3A_261 = arith.constant 80 : i32
        %add3A_262 = arith.addi %add3A_261, %scan3A_204 : i32
        %swap3A_263 = arith.index_cast %add3A_262 : i32 to index
        %swap3A_264 = arith.constant 48 : index
        %swap3A_265 = tpu.vector_load %arg14[%swap3A_263, %swap3A_264] {strides = array<i32>} : memref<200x64xf32, #tpu.memory_space<vmem>>, vector<1x16xf32>,
        %swap3A_266 = vector.shape_cast %swap3A_265 : vector<1x16xf32> to vector<16xf32>
        %swap3A_267 = vector.shape_cast %mul3A_260 : vector<16xf32> to vector<1x16xf32>
        tpu.vector_store %arg14[%swap3A_263, %swap3A_264], %swap3A_267 {strides = array<i32>} : memref<200x64xf32, #tpu.memory_space<vmem>>, vector<1x16xf32>,
      }
      %scan3A_173 = arith.constant 40 : i32
      %scan3A_174 = arith.constant 0 : i32
      %scan3A_175 = arith.constant 0 : i32
      %scan3A_176 = arith.constant 40 : i32
      %scan3A_177 = arith.addi %scan3A_175, %scan3A_176 : i32
      %scan3A_178 = arith.constant 1 : i32
      scf.for %scan3A_204 = %scan3A_175 to %scan3A_177 step %scan3A_178  : i32 {
        %get3A = arith.constant 3 : i32
        %get3A_205 = arith.index_cast %get3A : i32 to index
        %get3A_206 = arith.index_cast %scan3A_204 : i32 to index
        %get3A_207 = tpu.vector_load %arg12[%get3A_205, %get3A_206] {strides = array<i32>} : memref<6x40xf32, #tpu.memory_space<vmem>>, vector<1x16xf32>,
        %get3A_208 = vector.shape_cast %get3A_207 : vector<1x16xf32> to vector<16xf32>
        %slice3A = vector.extract_strided_slice %get3A_208 {offsets = [0], sizes = [1], strides = [1]} : vector<16xf32> to vector<1xf32>
        %squeeze3A = vector.extract %slice3A[0] : f32 from vector<1xf32>
        %add3A_209 = arith.constant 120 : i32
        %add3A_210 = arith.addi %add3A_209, %scan3A_204 : i32
        %get3A_211 = arith.index_cast %add3A_210 : i32 to index
        %get3A_212 = arith.constant 0 : index
        %get3A_213 = tpu.vector_load %arg14[%get3A_211, %get3A_212] {strides = array<i32>} : memref<200x64xf32, #tpu.memory_space<vmem>>, vector<1x16xf32>,
        %get3A_214 = vector.shape_cast %get3A_213 : vector<1x16xf32> to vector<16xf32>
        %mul3A_215 = vector.broadcast %squeeze3A : f32 to vector<16xf32>
        %mul3A_216 = arith.mulf %get3A_214, %mul3A_215 : vector<16xf32>
        %add3A_217 = arith.constant 120 : i32
        %add3A_218 = arith.addi %add3A_217, %scan3A_204 : i32
        %swap3A = arith.index_cast %add3A_218 : i32 to index
        %swap3A_219 = arith.constant 0 : index
        %swap3A_220 = tpu.vector_load %arg14[%swap3A, %swap3A_219] {strides = array<i32>} : memref<200x64xf32, #tpu.memory_space<vmem>>, vector<1x16xf32>,
        %swap3A_221 = vector.shape_cast %swap3A_220 : vector<1x16xf32> to vector<16xf32>
        %swap3A_222 = vector.shape_cast %mul3A_216 : vector<16xf32> to vector<1x16xf32>
        tpu.vector_store %arg14[%swap3A, %swap3A_219], %swap3A_222 {strides = array<i32>} : memref<200x64xf32, #tpu.memory_space<vmem>>, vector<1x16xf32>,
        %add3A_223 = arith.constant 120 : i32
        %add3A_224 = arith.addi %add3A_223, %scan3A_204 : i32
        %get3A_225 = arith.index_cast %add3A_224 : i32 to index
        %get3A_226 = arith.constant 16 : index
        %get3A_227 = tpu.vector_load %arg14[%get3A_225, %get3A_226] {strides = array<i32>} : memref<200x64xf32, #tpu.memory_space<vmem>>, vector<1x16xf32>,
        %get3A_228 = vector.shape_cast %get3A_227 : vector<1x16xf32> to vector<16xf32>
        %mul3A_229 = vector.broadcast %squeeze3A : f32 to vector<16xf32>
        %mul3A_230 = arith.mulf %get3A_228, %mul3A_229 : vector<16xf32>
        %add3A_231 = arith.constant 120 : i32
        %add3A_232 = arith.addi %add3A_231, %scan3A_204 : i32
        %swap3A_233 = arith.index_cast %add3A_232 : i32 to index
        %swap3A_234 = arith.constant 16 : index
        %swap3A_235 = tpu.vector_load %arg14[%swap3A_233, %swap3A_234] {strides = array<i32>} : memref<200x64xf32, #tpu.memory_space<vmem>>, vector<1x16xf32>,
        %swap3A_236 = vector.shape_cast %swap3A_235 : vector<1x16xf32> to vector<16xf32>
        %swap3A_237 = vector.shape_cast %mul3A_230 : vector<16xf32> to vector<1x16xf32>
        tpu.vector_store %arg14[%swap3A_233, %swap3A_234], %swap3A_237 {strides = array<i32>} : memref<200x64xf32, #tpu.memory_space<vmem>>, vector<1x16xf32>,
        %add3A_238 = arith.constant 120 : i32
        %add3A_239 = arith.addi %add3A_238, %scan3A_204 : i32
        %get3A_240 = arith.index_cast %add3A_239 : i32 to index
        %get3A_241 = arith.constant 32 : index
        %get3A_242 = tpu.vector_load %arg14[%get3A_240, %get3A_241] {strides = array<i32>} : memref<200x64xf32, #tpu.memory_space<vmem>>, vector<1x16xf32>,
        %get3A_243 = vector.shape_cast %get3A_242 : vector<1x16xf32> to vector<16xf32>
        %mul3A_244 = vector.broadcast %squeeze3A : f32 to vector<16xf32>
        %mul3A_245 = arith.mulf %get3A_243, %mul3A_244 : vector<16xf32>
        %add3A_246 = arith.constant 120 : i32
        %add3A_247 = arith.addi %add3A_246, %scan3A_204 : i32
        %swap3A_248 = arith.index_cast %add3A_247 : i32 to index
        %swap3A_249 = arith.constant 32 : index
        %swap3A_250 = tpu.vector_load %arg14[%swap3A_248, %swap3A_249] {strides = array<i32>} : memref<200x64xf32, #tpu.memory_space<vmem>>, vector<1x16xf32>,
        %swap3A_251 = vector.shape_cast %swap3A_250 : vector<1x16xf32> to vector<16xf32>
        %swap3A_252 = vector.shape_cast %mul3A_245 : vector<16xf32> to vector<1x16xf32>
        tpu.vector_store %arg14[%swap3A_248, %swap3A_249], %swap3A_252 {strides = array<i32>} : memref<200x64xf32, #tpu.memory_space<vmem>>, vector<1x16xf32>,
        %add3A_253 = arith.constant 120 : i32
        %add3A_254 = arith.addi %add3A_253, %scan3A_204 : i32
        %get3A_255 = arith.index_cast %add3A_254 : i32 to index
        %get3A_256 = arith.constant 48 : index
        %get3A_257 = tpu.vector_load %arg14[%get3A_255, %get3A_256] {strides = array<i32>} : memref<200x64xf32, #tpu.memory_space<vmem>>, vector<1x16xf32>,
        %get3A_258 = vector.shape_cast %get3A_257 : vector<1x16xf32> to vector<16xf32>
        %mul3A_259 = vector.broadcast %squeeze3A : f32 to vector<16xf32>
        %mul3A_260 = arith.mulf %get3A_258, %mul3A_259 : vector<16xf32>
        %add3A_261 = arith.constant 120 : i32
        %add3A_262 = arith.addi %add3A_261, %scan3A_204 : i32
        %swap3A_263 = arith.index_cast %add3A_262 : i32 to index
        %swap3A_264 = arith.constant 48 : index
        %swap3A_265 = tpu.vector_load %arg14[%swap3A_263, %swap3A_264] {strides = array<i32>} : memref<200x64xf32, #tpu.memory_space<vmem>>, vector<1x16xf32>,
        %swap3A_266 = vector.shape_cast %swap3A_265 : vector<1x16xf32> to vector<16xf32>
        %swap3A_267 = vector.shape_cast %mul3A_260 : vector<16xf32> to vector<1x16xf32>
        tpu.vector_store %arg14[%swap3A_263, %swap3A_264], %swap3A_267 {strides = array<i32>} : memref<200x64xf32, #tpu.memory_space<vmem>>, vector<1x16xf32>,
      }
      %scan3A_179 = arith.constant 40 : i32
      %scan3A_180 = arith.constant 0 : i32
      %scan3A_181 = arith.constant 0 : i32
      %scan3A_182 = arith.constant 40 : i32
      %scan3A_183 = arith.addi %scan3A_181, %scan3A_182 : i32
      %scan3A_184 = arith.constant 1 : i32
      scf.for %scan3A_204 = %scan3A_181 to %scan3A_183 step %scan3A_184  : i32 {
        %get3A = arith.constant 4 : i32
        %get3A_205 = arith.index_cast %get3A : i32 to index
        %get3A_206 = arith.index_cast %scan3A_204 : i32 to index
        %get3A_207 = tpu.vector_load %arg12[%get3A_205, %get3A_206] {strides = array<i32>} : memref<6x40xf32, #tpu.memory_space<vmem>>, vector<1x16xf32>,
        %get3A_208 = vector.shape_cast %get3A_207 : vector<1x16xf32> to vector<16xf32>
        %slice3A = vector.extract_strided_slice %get3A_208 {offsets = [0], sizes = [1], strides = [1]} : vector<16xf32> to vector<1xf32>
        %squeeze3A = vector.extract %slice3A[0] : f32 from vector<1xf32>
        %add3A_209 = arith.constant 160 : i32
        %add3A_210 = arith.addi %add3A_209, %scan3A_204 : i32
        %get3A_211 = arith.index_cast %add3A_210 : i32 to index
        %get3A_212 = arith.constant 0 : index
        %get3A_213 = tpu.vector_load %arg14[%get3A_211, %get3A_212] {strides = array<i32>} : memref<200x64xf32, #tpu.memory_space<vmem>>, vector<1x16xf32>,
        %get3A_214 = vector.shape_cast %get3A_213 : vector<1x16xf32> to vector<16xf32>
        %mul3A_215 = vector.broadcast %squeeze3A : f32 to vector<16xf32>
        %mul3A_216 = arith.mulf %get3A_214, %mul3A_215 : vector<16xf32>
        %add3A_217 = arith.constant 160 : i32
        %add3A_218 = arith.addi %add3A_217, %scan3A_204 : i32
        %swap3A = arith.index_cast %add3A_218 : i32 to index
        %swap3A_219 = arith.constant 0 : index
        %swap3A_220 = tpu.vector_load %arg14[%swap3A, %swap3A_219] {strides = array<i32>} : memref<200x64xf32, #tpu.memory_space<vmem>>, vector<1x16xf32>,
        %swap3A_221 = vector.shape_cast %swap3A_220 : vector<1x16xf32> to vector<16xf32>
        %swap3A_222 = vector.shape_cast %mul3A_216 : vector<16xf32> to vector<1x16xf32>
        tpu.vector_store %arg14[%swap3A, %swap3A_219], %swap3A_222 {strides = array<i32>} : memref<200x64xf32, #tpu.memory_space<vmem>>, vector<1x16xf32>,
        %add3A_223 = arith.constant 160 : i32
        %add3A_224 = arith.addi %add3A_223, %scan3A_204 : i32
        %get3A_225 = arith.index_cast %add3A_224 : i32 to index
        %get3A_226 = arith.constant 16 : index
        %get3A_227 = tpu.vector_load %arg14[%get3A_225, %get3A_226] {strides = array<i32>} : memref<200x64xf32, #tpu.memory_space<vmem>>, vector<1x16xf32>,
        %get3A_228 = vector.shape_cast %get3A_227 : vector<1x16xf32> to vector<16xf32>
        %mul3A_229 = vector.broadcast %squeeze3A : f32 to vector<16xf32>
        %mul3A_230 = arith.mulf %get3A_228, %mul3A_229 : vector<16xf32>
        %add3A_231 = arith.constant 160 : i32
        %add3A_232 = arith.addi %add3A_231, %scan3A_204 : i32
        %swap3A_233 = arith.index_cast %add3A_232 : i32 to index
        %swap3A_234 = arith.constant 16 : index
        %swap3A_235 = tpu.vector_load %arg14[%swap3A_233, %swap3A_234] {strides = array<i32>} : memref<200x64xf32, #tpu.memory_space<vmem>>, vector<1x16xf32>,
        %swap3A_236 = vector.shape_cast %swap3A_235 : vector<1x16xf32> to vector<16xf32>
        %swap3A_237 = vector.shape_cast %mul3A_230 : vector<16xf32> to vector<1x16xf32>
        tpu.vector_store %arg14[%swap3A_233, %swap3A_234], %swap3A_237 {strides = array<i32>} : memref<200x64xf32, #tpu.memory_space<vmem>>, vector<1x16xf32>,
        %add3A_238 = arith.constant 160 : i32
        %add3A_239 = arith.addi %add3A_238, %scan3A_204 : i32
        %get3A_240 = arith.index_cast %add3A_239 : i32 to index
        %get3A_241 = arith.constant 32 : index
        %get3A_242 = tpu.vector_load %arg14[%get3A_240, %get3A_241] {strides = array<i32>} : memref<200x64xf32, #tpu.memory_space<vmem>>, vector<1x16xf32>,
        %get3A_243 = vector.shape_cast %get3A_242 : vector<1x16xf32> to vector<16xf32>
        %mul3A_244 = vector.broadcast %squeeze3A : f32 to vector<16xf32>
        %mul3A_245 = arith.mulf %get3A_243, %mul3A_244 : vector<16xf32>
        %add3A_246 = arith.constant 160 : i32
        %add3A_247 = arith.addi %add3A_246, %scan3A_204 : i32
        %swap3A_248 = arith.index_cast %add3A_247 : i32 to index
        %swap3A_249 = arith.constant 32 : index
        %swap3A_250 = tpu.vector_load %arg14[%swap3A_248, %swap3A_249] {strides = array<i32>} : memref<200x64xf32, #tpu.memory_space<vmem>>, vector<1x16xf32>,
        %swap3A_251 = vector.shape_cast %swap3A_250 : vector<1x16xf32> to vector<16xf32>
        %swap3A_252 = vector.shape_cast %mul3A_245 : vector<16xf32> to vector<1x16xf32>
        tpu.vector_store %arg14[%swap3A_248, %swap3A_249], %swap3A_252 {strides = array<i32>} : memref<200x64xf32, #tpu.memory_space<vmem>>, vector<1x16xf32>,
        %add3A_253 = arith.constant 160 : i32
        %add3A_254 = arith.addi %add3A_253, %scan3A_204 : i32
        %get3A_255 = arith.index_cast %add3A_254 : i32 to index
        %get3A_256 = arith.constant 48 : index
        %get3A_257 = tpu.vector_load %arg14[%get3A_255, %get3A_256] {strides = array<i32>} : memref<200x64xf32, #tpu.memory_space<vmem>>, vector<1x16xf32>,
        %get3A_258 = vector.shape_cast %get3A_257 : vector<1x16xf32> to vector<16xf32>
        %mul3A_259 = vector.broadcast %squeeze3A : f32 to vector<16xf32>
        %mul3A_260 = arith.mulf %get3A_258, %mul3A_259 : vector<16xf32>
        %add3A_261 = arith.constant 160 : i32
        %add3A_262 = arith.addi %add3A_261, %scan3A_204 : i32
        %swap3A_263 = arith.index_cast %add3A_262 : i32 to index
        %swap3A_264 = arith.constant 48 : index
        %swap3A_265 = tpu.vector_load %arg14[%swap3A_263, %swap3A_264] {strides = array<i32>} : memref<200x64xf32, #tpu.memory_space<vmem>>, vector<1x16xf32>,
        %swap3A_266 = vector.shape_cast %swap3A_265 : vector<1x16xf32> to vector<16xf32>
        %swap3A_267 = vector.shape_cast %mul3A_260 : vector<16xf32> to vector<1x16xf32>
        tpu.vector_store %arg14[%swap3A_263, %swap3A_264], %swap3A_267 {strides = array<i32>} : memref<200x64xf32, #tpu.memory_space<vmem>>, vector<1x16xf32>,
      }
      %scan3A_185 = arith.constant 40 : i32
      %scan3A_186 = arith.constant 0 : i32
      %scan3A_187 = arith.constant 0 : i32
      %scan3A_188 = arith.constant 5 : i32
      %scan3A_189 = arith.addi %scan3A_187, %scan3A_188 : i32
      %scan3A_190 = arith.constant 1 : i32
      scf.for %scan3A_204 = %scan3A_187 to %scan3A_189 step %scan3A_190  : i32 {
        %mul3A_205 = arith.constant 40 : i32
        %mul3A_206 = arith.muli %scan3A_204, %mul3A_205 : i32
        %dma_start3A_207 = arith.constant 0 : i32
        %dma_start3A_208 = tpu.memref_slice %arg14[%mul3A_206, %dma_start3A_207] : memref<200x64xf32, #tpu.memory_space<vmem>> -> memref<40x64xf32, #tpu.memory_space<vmem>>
        %dma_start3A_209 = arith.constant 0 : i32
        %dma_start3A_210 = tpu.memref_slice %arg10[%scan3A_204, %dma_start3A_209] : memref<5x40xi32, #tpu.memory_space<vmem>> -> memref<1x40xi32, #tpu.memory_space<vmem>>
        %dma_start3A_211 = tpu.memref_squeeze %dma_start3A_210 : memref<1x40xi32, #tpu.memory_space<vmem>> -> memref<40xi32, #tpu.memory_space<vmem>>
        %dma_start3A_212 = arith.constant 0 : i32
        %dma_start3A_213 = arith.constant 0 : i32
        %dma_start3A_214 = tpu.memref_slice %arg16[%dma_start3A_212, %dma_start3A_213] : memref<10240x64xf32, #tpu.memory_space<vmem_shared>> -> memref<10240x64xf32, #tpu.memory_space<vmem_shared>>
        tpu.enqueue_indirect_dma source(%dma_start3A_208 : memref<40x64xf32, #tpu.memory_space<vmem>>) target(%dma_start3A_214 : memref<10240x64xf32, #tpu.memory_space<vmem_shared>>) offsets(%dma_start3A_211 : memref<40xi32, #tpu.memory_space<vmem>>) semaphore(%arg19 : memref<!tpu.dma_semaphore, #tpu.memory_space<semaphore_mem>>) {add = true}
      }
      %scan3A_191 = arith.constant 5 : i32
      %dma_wait3A_192 = arith.constant 0 : i32
      %dma_wait3A_193 = arith.constant 0 : i32
      %dma_wait3A_194 = tpu.memref_slice %arg2[%dma_wait3A_192, %dma_wait3A_193] : memref<10240x64xf32, #tpu.memory_space<hbm>> -> memref<200x64xf32, #tpu.memory_space<hbm>>
      %dma_wait3A_195 = arith.constant 0 : i32
      %dma_wait3A_196 = arith.constant 0 : i32
      %dma_wait3A_197 = tpu.memref_slice %arg2[%dma_wait3A_195, %dma_wait3A_196] : memref<10240x64xf32, #tpu.memory_space<hbm>> -> memref<200x64xf32, #tpu.memory_space<hbm>>
      tpu.wait_dma2 semaphore(%arg19 : memref<!tpu.dma_semaphore, #tpu.memory_space<semaphore_mem>>) src(%dma_wait3A_197 : memref<200x64xf32, #tpu.memory_space<hbm>>) dst(%arg13 : memref<200x64xf32, #tpu.memory_space<vmem>>)
      %dma_wait3A_198 = arith.constant 0 : i32
      %dma_wait3A_199 = arith.constant 0 : i32
      %dma_wait3A_200 = tpu.memref_slice %arg2[%dma_wait3A_198, %dma_wait3A_199] : memref<10240x64xf32, #tpu.memory_space<hbm>> -> memref<200x64xf32, #tpu.memory_space<hbm>>
      %dma_wait3A_201 = arith.constant 0 : i32
      %dma_wait3A_202 = arith.constant 0 : i32
      %dma_wait3A_203 = tpu.memref_slice %arg2[%dma_wait3A_201, %dma_wait3A_202] : memref<10240x64xf32, #tpu.memory_space<hbm>> -> memref<200x64xf32, #tpu.memory_space<hbm>>
      tpu.wait_dma2 semaphore(%arg19 : memref<!tpu.dma_semaphore, #tpu.memory_space<semaphore_mem>>) src(%dma_wait3A_203 : memref<200x64xf32, #tpu.memory_space<hbm>>) dst(%arg14 : memref<200x64xf32, #tpu.memory_space<vmem>>)
    }
    %scan3A_16 = arith.constant 25 : i32
    %barrier3A_17 = arith.constant 0 : index
    tpu.barrier barrier_id(%barrier3A_17)
    "tpu.region"() ({
      %run_scoped3A = tpu.sem_alloc : memref<!tpu.dma_semaphore, #tpu.memory_space<semaphore_mem>>
      %dma_start3A = arith.constant 0 : i32
      %dma_start3A_18 = tpu.memref_slice %arg16[%mul3A_2, %dma_start3A] : memref<10240x64xf32, #tpu.memory_space<vmem_shared>> -> memref<640x64xf32, #tpu.memory_space<vmem_shared>>
      %dma_start3A_19 = arith.constant 0 : i32
      %dma_start3A_20 = tpu.memref_slice %arg16[%mul3A_2, %dma_start3A_19] : memref<10240x64xf32, #tpu.memory_space<vmem_shared>> -> memref<640x64xf32, #tpu.memory_space<vmem_shared>>
      tpu.enqueue_dma source(%dma_start3A_20 : memref<640x64xf32, #tpu.memory_space<vmem_shared>>) target(%arg15 : memref<640x64xf32, #tpu.memory_space<vmem>>) target_semaphore(%run_scoped3A : memref<!tpu.dma_semaphore, #tpu.memory_space<semaphore_mem>>)
      %dma_wait3A = arith.constant 0 : i32
      %dma_wait3A_21 = tpu.memref_slice %arg16[%mul3A_2, %dma_wait3A] : memref<10240x64xf32, #tpu.memory_space<vmem_shared>> -> memref<640x64xf32, #tpu.memory_space<vmem_shared>>
      %dma_wait3A_22 = arith.constant 0 : i32
      %dma_wait3A_23 = tpu.memref_slice %arg16[%mul3A_2, %dma_wait3A_22] : memref<10240x64xf32, #tpu.memory_space<vmem_shared>> -> memref<640x64xf32, #tpu.memory_space<vmem_shared>>
      tpu.wait_dma2 semaphore(%run_scoped3A : memref<!tpu.dma_semaphore, #tpu.memory_space<semaphore_mem>>) src(%dma_wait3A_23 : memref<640x64xf32, #tpu.memory_space<vmem_shared>>) dst(%arg15 : memref<640x64xf32, #tpu.memory_space<vmem>>)
      tpu.yield
    }) : () -> ()
    "tpu.region"() ({
      %run_scoped3A = tpu.sem_alloc : memref<!tpu.dma_semaphore, #tpu.memory_space<semaphore_mem>>
      %dma_start3A = arith.constant 0 : i32
      %dma_start3A_18 = tpu.memref_slice %arg6[%arg0, %mul3A_2, %dma_start3A] : memref<2x10240x64xf32, #tpu.memory_space<hbm>> -> memref<1x640x64xf32, #tpu.memory_space<hbm>>
      %dma_start3A_19 = tpu.memref_squeeze %dma_start3A_18 : memref<1x640x64xf32, #tpu.memory_space<hbm>> -> memref<640x64xf32, #tpu.memory_space<hbm>>
      %dma_start3A_20 = arith.constant 0 : i32
      %dma_start3A_21 = tpu.memref_slice %arg6[%arg0, %mul3A_2, %dma_start3A_20] : memref<2x10240x64xf32, #tpu.memory_space<hbm>> -> memref<1x640x64xf32, #tpu.memory_space<hbm>>
      %dma_start3A_22 = tpu.memref_squeeze %dma_start3A_21 : memref<1x640x64xf32, #tpu.memory_space<hbm>> -> memref<640x64xf32, #tpu.memory_space<hbm>>
      tpu.enqueue_dma source(%arg15 : memref<640x64xf32, #tpu.memory_space<vmem>>) target(%dma_start3A_22 : memref<640x64xf32, #tpu.memory_space<hbm>>) target_semaphore(%run_scoped3A : memref<!tpu.dma_semaphore, #tpu.memory_space<semaphore_mem>>)
      %dma_wait3A = arith.constant 0 : i32
      %dma_wait3A_23 = tpu.memref_slice %arg6[%arg0, %mul3A_2, %dma_wait3A] : memref<2x10240x64xf32, #tpu.memory_space<hbm>> -> memref<1x640x64xf32, #tpu.memory_space<hbm>>
      %dma_wait3A_24 = tpu.memref_squeeze %dma_wait3A_23 : memref<1x640x64xf32, #tpu.memory_space<hbm>> -> memref<640x64xf32, #tpu.memory_space<hbm>>
      %dma_wait3A_25 = arith.constant 0 : i32
      %dma_wait3A_26 = tpu.memref_slice %arg6[%arg0, %mul3A_2, %dma_wait3A_25] : memref<2x10240x64xf32, #tpu.memory_space<hbm>> -> memref<1x640x64xf32, #tpu.memory_space<hbm>>
      %dma_wait3A_27 = tpu.memref_squeeze %dma_wait3A_26 : memref<1x640x64xf32, #tpu.memory_space<hbm>> -> memref<640x64xf32, #tpu.memory_space<hbm>>
      tpu.wait_dma2 semaphore(%run_scoped3A : memref<!tpu.dma_semaphore, #tpu.memory_space<semaphore_mem>>) src(%arg15 : memref<640x64xf32, #tpu.memory_space<vmem>>) dst(%dma_wait3A_27 : memref<640x64xf32, #tpu.memory_space<hbm>>)
      tpu.yield
    }) : () -> ()
    return
  }
}

#map = affine_map<(d0, d1) -> (0, 0)>
module attributes {stable_mosaic.version = 14 : i64} {
  func.func @deg_kernel(%arg0: i32, %arg1: i32, %arg2: memref<8000x40xi32, #tpu.memory_space<hbm>>, %arg3: memref<8000x40xf32, #tpu.memory_space<hbm>>, %arg4: memref<2x10240xf32, #tpu.memory_space<hbm>>, %arg5: memref<50x40xi32, #tpu.memory_space<vmem>>, %arg6: memref<50x40xf32, #tpu.memory_space<vmem>>, %arg7: memref<640xf32, #tpu.memory_space<vmem>>, %arg8: memref<10240xf32, #tpu.memory_space<vmem_shared>>, %arg9: memref<!tpu.dma_semaphore, #tpu.memory_space<semaphore_mem>>) attributes {dimension_semantics = [#tpu.dimension_semantics<core_parallel>, #tpu.dimension_semantics<subcore_parallel>], iteration_bounds = array<i64: 2, 16>, scalar_prefetch = 0 : i64, scratch_operands = 5 : i64, tpu.core_type = #tpu.core_type<sc_vector_subcore>, window_params = [{transform_indices = #map}, {transform_indices = #map}, {transform_indices = #map}]} {
    %mul3A = arith.constant 2 : i32
    %mul3A_0 = arith.muli %arg1, %mul3A : i32
    %add3A = arith.addi %mul3A_0, %arg0 : i32
    %mul3A_1 = arith.constant 640 : i32
    %mul3A_2 = arith.muli %arg1, %mul3A_1 : i32
    %broadcast_in_dim3A = arith.constant 0.000000e+00 : f32
    %broadcast_in_dim3A_3 = vector.broadcast %broadcast_in_dim3A : f32 to vector<16xf32>
    %scan3A = arith.constant 0 : i32
    %scan3A_4 = arith.constant 0 : i32
    %scan3A_5 = arith.constant 40 : i32
    %scan3A_6 = arith.addi %scan3A_4, %scan3A_5 : i32
    %scan3A_7 = arith.constant 1 : i32
    scf.for %scan3A_18 = %scan3A_4 to %scan3A_6 step %scan3A_7  : i32 {
      %mul3A_19 = arith.constant 16 : i32
      %mul3A_20 = arith.muli %scan3A_18, %mul3A_19 : i32
      %swap3A = arith.index_cast %mul3A_20 : i32 to index
      %swap3A_21 = tpu.vector_load %arg7[%swap3A] {strides = array<i32>} : memref<640xf32, #tpu.memory_space<vmem>>, vector<16xf32>,
      %swap3A_22 = vector.shape_cast %swap3A_21 : vector<16xf32> to vector<16xf32>
      %swap3A_23 = vector.shape_cast %broadcast_in_dim3A_3 : vector<16xf32> to vector<16xf32>
      tpu.vector_store %arg7[%swap3A], %swap3A_23 {strides = array<i32>} : memref<640xf32, #tpu.memory_space<vmem>>, vector<16xf32>,
    }
    %scan3A_8 = arith.constant 40 : i32
    "tpu.region"() ({
      %run_scoped3A = tpu.sem_alloc : memref<!tpu.dma_semaphore, #tpu.memory_space<semaphore_mem>>
      %dma_start3A = tpu.memref_slice %arg8[%mul3A_2] : memref<10240xf32, #tpu.memory_space<vmem_shared>> -> memref<640xf32, #tpu.memory_space<vmem_shared>>
      %dma_start3A_18 = tpu.memref_slice %arg8[%mul3A_2] : memref<10240xf32, #tpu.memory_space<vmem_shared>> -> memref<640xf32, #tpu.memory_space<vmem_shared>>
      tpu.enqueue_dma source(%arg7 : memref<640xf32, #tpu.memory_space<vmem>>) target(%dma_start3A_18 : memref<640xf32, #tpu.memory_space<vmem_shared>>) target_semaphore(%run_scoped3A : memref<!tpu.dma_semaphore, #tpu.memory_space<semaphore_mem>>)
      %dma_wait3A = tpu.memref_slice %arg8[%mul3A_2] : memref<10240xf32, #tpu.memory_space<vmem_shared>> -> memref<640xf32, #tpu.memory_space<vmem_shared>>
      %dma_wait3A_19 = tpu.memref_slice %arg8[%mul3A_2] : memref<10240xf32, #tpu.memory_space<vmem_shared>> -> memref<640xf32, #tpu.memory_space<vmem_shared>>
      tpu.wait_dma2 semaphore(%run_scoped3A : memref<!tpu.dma_semaphore, #tpu.memory_space<semaphore_mem>>) src(%arg7 : memref<640xf32, #tpu.memory_space<vmem>>) dst(%dma_wait3A_19 : memref<640xf32, #tpu.memory_space<vmem_shared>>)
      tpu.yield
    }) : () -> ()
    %barrier3A = arith.constant 0 : index
    tpu.barrier barrier_id(%barrier3A)
    %mul3A_9 = arith.constant 250 : i32
    %mul3A_10 = arith.muli %add3A, %mul3A_9 : i32
    %scan3A_11 = arith.constant 0 : i32
    %scan3A_12 = arith.constant 0 : i32
    %scan3A_13 = arith.constant 5 : i32
    %scan3A_14 = arith.addi %scan3A_12, %scan3A_13 : i32
    %scan3A_15 = arith.constant 1 : i32
    scf.for %scan3A_18 = %scan3A_12 to %scan3A_14 step %scan3A_15  : i32 {
      %mul3A_19 = arith.constant 50 : i32
      %mul3A_20 = arith.muli %scan3A_18, %mul3A_19 : i32
      %add3A_21 = arith.addi %mul3A_10, %mul3A_20 : i32
      "tpu.region"() ({
        %run_scoped3A = tpu.sem_alloc : memref<!tpu.dma_semaphore, #tpu.memory_space<semaphore_mem>>
        %dma_start3A = arith.constant 0 : i32
        %dma_start3A_33 = tpu.memref_slice %arg2[%add3A_21, %dma_start3A] : memref<8000x40xi32, #tpu.memory_space<hbm>> -> memref<50x40xi32, #tpu.memory_space<hbm>>
        %dma_start3A_34 = arith.constant 0 : i32
        %dma_start3A_35 = tpu.memref_slice %arg2[%add3A_21, %dma_start3A_34] : memref<8000x40xi32, #tpu.memory_space<hbm>> -> memref<50x40xi32, #tpu.memory_space<hbm>>
        tpu.enqueue_dma source(%dma_start3A_35 : memref<50x40xi32, #tpu.memory_space<hbm>>) target(%arg5 : memref<50x40xi32, #tpu.memory_space<vmem>>) target_semaphore(%run_scoped3A : memref<!tpu.dma_semaphore, #tpu.memory_space<semaphore_mem>>)
        %dma_wait3A_36 = arith.constant 0 : i32
        %dma_wait3A_37 = tpu.memref_slice %arg2[%add3A_21, %dma_wait3A_36] : memref<8000x40xi32, #tpu.memory_space<hbm>> -> memref<50x40xi32, #tpu.memory_space<hbm>>
        %dma_wait3A_38 = arith.constant 0 : i32
        %dma_wait3A_39 = tpu.memref_slice %arg2[%add3A_21, %dma_wait3A_38] : memref<8000x40xi32, #tpu.memory_space<hbm>> -> memref<50x40xi32, #tpu.memory_space<hbm>>
        tpu.wait_dma2 semaphore(%run_scoped3A : memref<!tpu.dma_semaphore, #tpu.memory_space<semaphore_mem>>) src(%dma_wait3A_39 : memref<50x40xi32, #tpu.memory_space<hbm>>) dst(%arg5 : memref<50x40xi32, #tpu.memory_space<vmem>>)
        tpu.yield
      }) : () -> ()
      "tpu.region"() ({
        %run_scoped3A = tpu.sem_alloc : memref<!tpu.dma_semaphore, #tpu.memory_space<semaphore_mem>>
        %dma_start3A = arith.constant 0 : i32
        %dma_start3A_33 = tpu.memref_slice %arg3[%add3A_21, %dma_start3A] : memref<8000x40xf32, #tpu.memory_space<hbm>> -> memref<50x40xf32, #tpu.memory_space<hbm>>
        %dma_start3A_34 = arith.constant 0 : i32
        %dma_start3A_35 = tpu.memref_slice %arg3[%add3A_21, %dma_start3A_34] : memref<8000x40xf32, #tpu.memory_space<hbm>> -> memref<50x40xf32, #tpu.memory_space<hbm>>
        tpu.enqueue_dma source(%dma_start3A_35 : memref<50x40xf32, #tpu.memory_space<hbm>>) target(%arg6 : memref<50x40xf32, #tpu.memory_space<vmem>>) target_semaphore(%run_scoped3A : memref<!tpu.dma_semaphore, #tpu.memory_space<semaphore_mem>>)
        %dma_wait3A_36 = arith.constant 0 : i32
        %dma_wait3A_37 = tpu.memref_slice %arg3[%add3A_21, %dma_wait3A_36] : memref<8000x40xf32, #tpu.memory_space<hbm>> -> memref<50x40xf32, #tpu.memory_space<hbm>>
        %dma_wait3A_38 = arith.constant 0 : i32
        %dma_wait3A_39 = tpu.memref_slice %arg3[%add3A_21, %dma_wait3A_38] : memref<8000x40xf32, #tpu.memory_space<hbm>> -> memref<50x40xf32, #tpu.memory_space<hbm>>
        tpu.wait_dma2 semaphore(%run_scoped3A : memref<!tpu.dma_semaphore, #tpu.memory_space<semaphore_mem>>) src(%dma_wait3A_39 : memref<50x40xf32, #tpu.memory_space<hbm>>) dst(%arg6 : memref<50x40xf32, #tpu.memory_space<vmem>>)
        tpu.yield
      }) : () -> ()
      %scan3A_22 = arith.constant 0 : i32
      %scan3A_23 = arith.constant 0 : i32
      %scan3A_24 = arith.constant 50 : i32
      %scan3A_25 = arith.addi %scan3A_23, %scan3A_24 : i32
      %scan3A_26 = arith.constant 1 : i32
      scf.for %scan3A_33 = %scan3A_23 to %scan3A_25 step %scan3A_26  : i32 {
        %dma_start3A = arith.constant 0 : i32
        %dma_start3A_34 = tpu.memref_slice %arg6[%scan3A_33, %dma_start3A] : memref<50x40xf32, #tpu.memory_space<vmem>> -> memref<1x40xf32, #tpu.memory_space<vmem>>
        %dma_start3A_35 = tpu.memref_squeeze %dma_start3A_34 : memref<1x40xf32, #tpu.memory_space<vmem>> -> memref<40xf32, #tpu.memory_space<vmem>>
        %dma_start3A_36 = arith.constant 0 : i32
        %dma_start3A_37 = tpu.memref_slice %arg5[%scan3A_33, %dma_start3A_36] : memref<50x40xi32, #tpu.memory_space<vmem>> -> memref<1x40xi32, #tpu.memory_space<vmem>>
        %dma_start3A_38 = tpu.memref_squeeze %dma_start3A_37 : memref<1x40xi32, #tpu.memory_space<vmem>> -> memref<40xi32, #tpu.memory_space<vmem>>
        %dma_start3A_39 = arith.constant 0 : i32
        %dma_start3A_40 = tpu.memref_slice %arg8[%dma_start3A_39] : memref<10240xf32, #tpu.memory_space<vmem_shared>> -> memref<10240xf32, #tpu.memory_space<vmem_shared>>
        tpu.enqueue_indirect_dma source(%dma_start3A_35 : memref<40xf32, #tpu.memory_space<vmem>>) target(%dma_start3A_40 : memref<10240xf32, #tpu.memory_space<vmem_shared>>) offsets(%dma_start3A_38 : memref<40xi32, #tpu.memory_space<vmem>>) semaphore(%arg9 : memref<!tpu.dma_semaphore, #tpu.memory_space<semaphore_mem>>) {add = true}
      }
      %scan3A_27 = arith.constant 50 : i32
      %dma_wait3A = arith.constant 0 : i32
      %dma_wait3A_28 = arith.constant 0 : i32
      %dma_wait3A_29 = tpu.memref_slice %arg3[%dma_wait3A, %dma_wait3A_28] : memref<8000x40xf32, #tpu.memory_space<hbm>> -> memref<50x40xf32, #tpu.memory_space<hbm>>
      %dma_wait3A_30 = arith.constant 0 : i32
      %dma_wait3A_31 = arith.constant 0 : i32
      %dma_wait3A_32 = tpu.memref_slice %arg3[%dma_wait3A_30, %dma_wait3A_31] : memref<8000x40xf32, #tpu.memory_space<hbm>> -> memref<50x40xf32, #tpu.memory_space<hbm>>
      tpu.wait_dma2 semaphore(%arg9 : memref<!tpu.dma_semaphore, #tpu.memory_space<semaphore_mem>>) src(%dma_wait3A_32 : memref<50x40xf32, #tpu.memory_space<hbm>>) dst(%arg6 : memref<50x40xf32, #tpu.memory_space<vmem>>)
    }
    %scan3A_16 = arith.constant 5 : i32
    %barrier3A_17 = arith.constant 0 : index
    tpu.barrier barrier_id(%barrier3A_17)
    "tpu.region"() ({
      %run_scoped3A = tpu.sem_alloc : memref<!tpu.dma_semaphore, #tpu.memory_space<semaphore_mem>>
      %dma_start3A = tpu.memref_slice %arg8[%mul3A_2] : memref<10240xf32, #tpu.memory_space<vmem_shared>> -> memref<640xf32, #tpu.memory_space<vmem_shared>>
      %dma_start3A_18 = tpu.memref_slice %arg8[%mul3A_2] : memref<10240xf32, #tpu.memory_space<vmem_shared>> -> memref<640xf32, #tpu.memory_space<vmem_shared>>
      tpu.enqueue_dma source(%dma_start3A_18 : memref<640xf32, #tpu.memory_space<vmem_shared>>) target(%arg7 : memref<640xf32, #tpu.memory_space<vmem>>) target_semaphore(%run_scoped3A : memref<!tpu.dma_semaphore, #tpu.memory_space<semaphore_mem>>)
      %dma_wait3A = tpu.memref_slice %arg8[%mul3A_2] : memref<10240xf32, #tpu.memory_space<vmem_shared>> -> memref<640xf32, #tpu.memory_space<vmem_shared>>
      %dma_wait3A_19 = tpu.memref_slice %arg8[%mul3A_2] : memref<10240xf32, #tpu.memory_space<vmem_shared>> -> memref<640xf32, #tpu.memory_space<vmem_shared>>
      tpu.wait_dma2 semaphore(%run_scoped3A : memref<!tpu.dma_semaphore, #tpu.memory_space<semaphore_mem>>) src(%dma_wait3A_19 : memref<640xf32, #tpu.memory_space<vmem_shared>>) dst(%arg7 : memref<640xf32, #tpu.memory_space<vmem>>)
      tpu.yield
    }) : () -> ()
    "tpu.region"() ({
      %run_scoped3A = tpu.sem_alloc : memref<!tpu.dma_semaphore, #tpu.memory_space<semaphore_mem>>
      %dma_start3A = tpu.memref_slice %arg4[%arg0, %mul3A_2] : memref<2x10240xf32, #tpu.memory_space<hbm>> -> memref<1x640xf32, #tpu.memory_space<hbm>>
      %dma_start3A_18 = tpu.memref_squeeze %dma_start3A : memref<1x640xf32, #tpu.memory_space<hbm>> -> memref<640xf32, #tpu.memory_space<hbm>>
      %dma_start3A_19 = tpu.memref_slice %arg4[%arg0, %mul3A_2] : memref<2x10240xf32, #tpu.memory_space<hbm>> -> memref<1x640xf32, #tpu.memory_space<hbm>>
      %dma_start3A_20 = tpu.memref_squeeze %dma_start3A_19 : memref<1x640xf32, #tpu.memory_space<hbm>> -> memref<640xf32, #tpu.memory_space<hbm>>
      tpu.enqueue_dma source(%arg7 : memref<640xf32, #tpu.memory_space<vmem>>) target(%dma_start3A_20 : memref<640xf32, #tpu.memory_space<hbm>>) target_semaphore(%run_scoped3A : memref<!tpu.dma_semaphore, #tpu.memory_space<semaphore_mem>>)
      %dma_wait3A = tpu.memref_slice %arg4[%arg0, %mul3A_2] : memref<2x10240xf32, #tpu.memory_space<hbm>> -> memref<1x640xf32, #tpu.memory_space<hbm>>
      %dma_wait3A_21 = tpu.memref_squeeze %dma_wait3A : memref<1x640xf32, #tpu.memory_space<hbm>> -> memref<640xf32, #tpu.memory_space<hbm>>
      %dma_wait3A_22 = tpu.memref_slice %arg4[%arg0, %mul3A_2] : memref<2x10240xf32, #tpu.memory_space<hbm>> -> memref<1x640xf32, #tpu.memory_space<hbm>>
      %dma_wait3A_23 = tpu.memref_squeeze %dma_wait3A_22 : memref<1x640xf32, #tpu.memory_space<hbm>> -> memref<640xf32, #tpu.memory_space<hbm>>
      tpu.wait_dma2 semaphore(%run_scoped3A : memref<!tpu.dma_semaphore, #tpu.memory_space<semaphore_mem>>) src(%arg7 : memref<640xf32, #tpu.memory_space<vmem>>) dst(%dma_wait3A_23 : memref<640xf32, #tpu.memory_space<hbm>>)
      tpu.yield
    }) : () -> ()
    return
  }
}

module attributes {stable_mosaic.version = 14 : i64} {
  func.func @body(%arg0: i32, %arg1: memref<640x128xf32, #tpu.memory_space<vmem>>, %arg2: memref<128x64xf32, #tpu.memory_space<vmem>>, %arg3: memref<640x1xf32, #tpu.memory_space<vmem>>, %arg4: memref<640x1xf32, #tpu.memory_space<vmem>>, %arg5: memref<640x64xf32, #tpu.memory_space<vmem>>, %arg6: memref<640x1xf32, #tpu.memory_space<vmem>>) attributes {dimension_semantics = [#tpu.dimension_semantics<arbitrary>], iteration_bounds = array<i64: 16>, scalar_prefetch = 0 : i64, scratch_operands = 0 : i64, tpu.core_type = #tpu.core_type<tc>, window_params = [{transform_indices = @transform_0, window_bounds = array<i64: 640, 128>}, {pipeline_mode = #tpu.pipeline_mode<synchronous>, transform_indices = @transform_1, window_bounds = array<i64: 128, 64>}, {transform_indices = @transform_2, window_bounds = array<i64: 640, 1>}, {transform_indices = @transform_3, window_bounds = array<i64: 640, 1>}, {transform_indices = @transform_4, window_bounds = array<i64: 640, 64>}, {transform_indices = @transform_5, window_bounds = array<i64: 640, 1>}]} {
    %get3A = arith.constant 0 : index
    %get3A_0 = arith.constant 0 : index
    %get3A_1 = vector.load %arg3[%get3A, %get3A_0] : memref<640x1xf32, #tpu.memory_space<vmem>>, vector<640x1xf32>
    %get3A_2 = arith.constant 0 : index
    %get3A_3 = arith.constant 0 : index
    %get3A_4 = vector.load %arg4[%get3A_2, %get3A_3] : memref<640x1xf32, #tpu.memory_space<vmem>>, vector<640x1xf32>
    %add3A = arith.addf %get3A_1, %get3A_4 : vector<640x1xf32>
    %add3A_5 = arith.constant 1.000000e+00 : f32
    %add3A_6 = vector.broadcast %add3A_5 : f32 to vector<640x1xf32>
    %add3A_7 = arith.addf %add3A, %add3A_6 : vector<640x1xf32>
    %rsqrt3A = math.rsqrt %add3A_7 : vector<640x1xf32>
    %get3A_8 = arith.constant 0 : index
    %get3A_9 = arith.constant 0 : index
    %get3A_10 = vector.load %arg1[%get3A_8, %get3A_9] : memref<640x128xf32, #tpu.memory_space<vmem>>, vector<640x128xf32>
    %get3A_11 = arith.constant 0 : index
    %get3A_12 = arith.constant 0 : index
    %get3A_13 = vector.load %arg2[%get3A_11, %get3A_12] : memref<128x64xf32, #tpu.memory_space<vmem>>, vector<128x64xf32>
    %dot_general3A = arith.constant dense<0.000000e+00> : vector<640x64xf32>
    %dot_general3A_14 = tpu.matmul %get3A_10, %get3A_13, %dot_general3A {dimension_numbers = #tpu.dot_dimension_numbers<[1], [0], [0], [1], [0, 0, 1, 1], [], []>, transpose_lhs_hint = false} : vector<640x128xf32>, vector<128x64xf32>, vector<640x64xf32> -> vector<640x64xf32>
    %mul3A = vector.broadcast %rsqrt3A : vector<640x1xf32> to vector<640x64xf32>
    %mul3A_15 = arith.mulf %dot_general3A_14, %mul3A : vector<640x64xf32>
    %swap3A = arith.constant 0 : index
    %swap3A_16 = arith.constant 0 : index
    %swap3A_17 = vector.load %arg5[%swap3A, %swap3A_16] : memref<640x64xf32, #tpu.memory_space<vmem>>, vector<640x64xf32>
    tpu.vector_store %arg5[%swap3A, %swap3A_16], %mul3A_15 {strides = array<i32>} : memref<640x64xf32, #tpu.memory_space<vmem>>, vector<640x64xf32>,
    %swap3A_18 = arith.constant 0 : index
    %swap3A_19 = arith.constant 0 : index
    %swap3A_20 = vector.load %arg6[%swap3A_18, %swap3A_19] : memref<640x1xf32, #tpu.memory_space<vmem>>, vector<640x1xf32>
    tpu.vector_store %arg6[%swap3A_18, %swap3A_19], %rsqrt3A {strides = array<i32>} : memref<640x1xf32, #tpu.memory_space<vmem>>, vector<640x1xf32>,
    return
  }
  func.func @transform_0(%arg0: i32) -> (i32, i32) {
    %c0_i32 = arith.constant 0 : i32
    %c0_i32_0 = arith.constant 0 : i32
    return %arg0, %c0_i32 : i32, i32
  }
  func.func @transform_1(%arg0: i32) -> (i32, i32) {
    %c0_i32 = arith.constant 0 : i32
    %c0_i32_0 = arith.constant 0 : i32
    %c0_i32_1 = arith.constant 0 : i32
    return %c0_i32, %c0_i32_0 : i32, i32
  }
  func.func @transform_2(%arg0: i32) -> (i32, i32) {
    %c0_i32 = arith.constant 0 : i32
    %c0_i32_0 = arith.constant 0 : i32
    return %arg0, %c0_i32 : i32, i32
  }
  func.func @transform_3(%arg0: i32) -> (i32, i32) {
    %c0_i32 = arith.constant 0 : i32
    %c0_i32_0 = arith.constant 0 : i32
    return %arg0, %c0_i32 : i32, i32
  }
  func.func @transform_4(%arg0: i32) -> (i32, i32) {
    %c0_i32 = arith.constant 0 : i32
    %c0_i32_0 = arith.constant 0 : i32
    return %arg0, %c0_i32 : i32, i32
  }
  func.func @transform_5(%arg0: i32) -> (i32, i32) {
    %c0_i32 = arith.constant 0 : i32
    %c0_i32_0 = arith.constant 0 : i32
    return %arg0, %c0_i32 : i32, i32
  }
}

module attributes {stable_mosaic.version = 14 : i64} {
  func.func @body(%arg0: i32, %arg1: memref<640x64xf32, #tpu.memory_space<vmem>>, %arg2: memref<640x64xf32, #tpu.memory_space<vmem>>, %arg3: memref<640x64xf32, #tpu.memory_space<vmem>>, %arg4: memref<640x1xf32, #tpu.memory_space<vmem>>, %arg5: memref<1x64xf32, #tpu.memory_space<vmem>>, %arg6: memref<1x64xf32, #tpu.memory_space<vmem>>, %arg7: memref<64x64xf32, #tpu.memory_space<vmem>>, %arg8: memref<640x64xf32, #tpu.memory_space<vmem>>) attributes {dimension_semantics = [#tpu.dimension_semantics<arbitrary>], iteration_bounds = array<i64: 16>, scalar_prefetch = 0 : i64, scratch_operands = 0 : i64, tpu.core_type = #tpu.core_type<tc>, window_params = [{transform_indices = @transform_0, window_bounds = array<i64: 640, 64>}, {transform_indices = @transform_1, window_bounds = array<i64: 640, 64>}, {transform_indices = @transform_2, window_bounds = array<i64: 640, 64>}, {transform_indices = @transform_3, window_bounds = array<i64: 640, 1>}, {pipeline_mode = #tpu.pipeline_mode<synchronous>, transform_indices = @transform_4, window_bounds = array<i64: 1, 64>}, {pipeline_mode = #tpu.pipeline_mode<synchronous>, transform_indices = @transform_5, window_bounds = array<i64: 1, 64>}, {pipeline_mode = #tpu.pipeline_mode<synchronous>, transform_indices = @transform_6, window_bounds = array<i64: 64, 64>}, {transform_indices = @transform_7, window_bounds = array<i64: 640, 64>}]} {
    %get3A = arith.constant 0 : index
    %get3A_0 = arith.constant 0 : index
    %get3A_1 = vector.load %arg1[%get3A, %get3A_0] : memref<640x64xf32, #tpu.memory_space<vmem>>, vector<640x64xf32>
    %get3A_2 = arith.constant 0 : index
    %get3A_3 = arith.constant 0 : index
    %get3A_4 = vector.load %arg2[%get3A_2, %get3A_3] : memref<640x64xf32, #tpu.memory_space<vmem>>, vector<640x64xf32>
    %add3A = arith.addf %get3A_1, %get3A_4 : vector<640x64xf32>
    %get3A_5 = arith.constant 0 : index
    %get3A_6 = arith.constant 0 : index
    %get3A_7 = vector.load %arg3[%get3A_5, %get3A_6] : memref<640x64xf32, #tpu.memory_space<vmem>>, vector<640x64xf32>
    %add3A_8 = arith.addf %add3A, %get3A_7 : vector<640x64xf32>
    %get3A_9 = arith.constant 0 : index
    %get3A_10 = arith.constant 0 : index
    %get3A_11 = vector.load %arg4[%get3A_9, %get3A_10] : memref<640x1xf32, #tpu.memory_space<vmem>>, vector<640x1xf32>
    %mul3A = vector.broadcast %get3A_11 : vector<640x1xf32> to vector<640x64xf32>
    %mul3A_12 = arith.mulf %add3A_8, %mul3A : vector<640x64xf32>
    %get3A_13 = arith.constant 0 : index
    %get3A_14 = arith.constant 0 : index
    %get3A_15 = vector.load %arg5[%get3A_13, %get3A_14] : memref<1x64xf32, #tpu.memory_space<vmem>>, vector<1x64xf32>
    %mul3A_16 = vector.broadcast %get3A_15 : vector<1x64xf32> to vector<640x64xf32>
    %mul3A_17 = arith.mulf %mul3A_12, %mul3A_16 : vector<640x64xf32>
    %get3A_18 = arith.constant 0 : index
    %get3A_19 = arith.constant 0 : index
    %get3A_20 = vector.load %arg6[%get3A_18, %get3A_19] : memref<1x64xf32, #tpu.memory_space<vmem>>, vector<1x64xf32>
    %add3A_21 = vector.broadcast %get3A_20 : vector<1x64xf32> to vector<640x64xf32>
    %add3A_22 = arith.addf %mul3A_17, %add3A_21 : vector<640x64xf32>
    %max3A = arith.constant 0.000000e+00 : f32
    %max3A_23 = vector.broadcast %max3A : f32 to vector<640x64xf32>
    %max3A_24 = arith.maximumf %add3A_22, %max3A_23 : vector<640x64xf32>
    %get3A_25 = arith.constant 0 : index
    %get3A_26 = arith.constant 0 : index
    %get3A_27 = vector.load %arg7[%get3A_25, %get3A_26] : memref<64x64xf32, #tpu.memory_space<vmem>>, vector<64x64xf32>
    %dot_general3A = arith.constant dense<0.000000e+00> : vector<640x64xf32>
    %dot_general3A_28 = tpu.matmul %max3A_24, %get3A_27, %dot_general3A {dimension_numbers = #tpu.dot_dimension_numbers<[1], [0], [0], [1], [0, 0, 1, 1], [], []>, transpose_lhs_hint = false} : vector<640x64xf32>, vector<64x64xf32>, vector<640x64xf32> -> vector<640x64xf32>
    %get3A_29 = arith.constant 0 : index
    %get3A_30 = arith.constant 0 : index
    %get3A_31 = vector.load %arg4[%get3A_29, %get3A_30] : memref<640x1xf32, #tpu.memory_space<vmem>>, vector<640x1xf32>
    %mul3A_32 = vector.broadcast %get3A_31 : vector<640x1xf32> to vector<640x64xf32>
    %mul3A_33 = arith.mulf %dot_general3A_28, %mul3A_32 : vector<640x64xf32>
    %swap3A = arith.constant 0 : index
    %swap3A_34 = arith.constant 0 : index
    %swap3A_35 = vector.load %arg8[%swap3A, %swap3A_34] : memref<640x64xf32, #tpu.memory_space<vmem>>, vector<640x64xf32>
    tpu.vector_store %arg8[%swap3A, %swap3A_34], %mul3A_33 {strides = array<i32>} : memref<640x64xf32, #tpu.memory_space<vmem>>, vector<640x64xf32>,
    return
  }
  func.func @transform_0(%arg0: i32) -> (i32, i32) {
    %c0_i32 = arith.constant 0 : i32
    %c0_i32_0 = arith.constant 0 : i32
    return %arg0, %c0_i32 : i32, i32
  }
  func.func @transform_1(%arg0: i32) -> (i32, i32) {
    %c0_i32 = arith.constant 0 : i32
    %c0_i32_0 = arith.constant 0 : i32
    return %arg0, %c0_i32 : i32, i32
  }
  func.func @transform_2(%arg0: i32) -> (i32, i32) {
    %c0_i32 = arith.constant 0 : i32
    %c0_i32_0 = arith.constant 0 : i32
    return %arg0, %c0_i32 : i32, i32
  }
  func.func @transform_3(%arg0: i32) -> (i32, i32) {
    %c0_i32 = arith.constant 0 : i32
    %c0_i32_0 = arith.constant 0 : i32
    return %arg0, %c0_i32 : i32, i32
  }
  func.func @transform_4(%arg0: i32) -> (i32, i32) {
    %c0_i32 = arith.constant 0 : i32
    %c0_i32_0 = arith.constant 0 : i32
    %c0_i32_1 = arith.constant 0 : i32
    return %c0_i32, %c0_i32_0 : i32, i32
  }
  func.func @transform_5(%arg0: i32) -> (i32, i32) {
    %c0_i32 = arith.constant 0 : i32
    %c0_i32_0 = arith.constant 0 : i32
    %c0_i32_1 = arith.constant 0 : i32
    return %c0_i32, %c0_i32_0 : i32, i32
  }
  func.func @transform_6(%arg0: i32) -> (i32, i32) {
    %c0_i32 = arith.constant 0 : i32
    %c0_i32_0 = arith.constant 0 : i32
    %c0_i32_1 = arith.constant 0 : i32
    return %c0_i32, %c0_i32_0 : i32, i32
  }
  func.func @transform_7(%arg0: i32) -> (i32, i32) {
    %c0_i32 = arith.constant 0 : i32
    %c0_i32_0 = arith.constant 0 : i32
    return %arg0, %c0_i32 : i32, i32
  }
}

module attributes {stable_mosaic.version = 14 : i64} {
  func.func @body(%arg0: i32, %arg1: memref<640x64xf32, #tpu.memory_space<vmem>>, %arg2: memref<640x64xf32, #tpu.memory_space<vmem>>, %arg3: memref<640x64xf32, #tpu.memory_space<vmem>>, %arg4: memref<640x1xf32, #tpu.memory_space<vmem>>, %arg5: memref<1x64xf32, #tpu.memory_space<vmem>>, %arg6: memref<1x64xf32, #tpu.memory_space<vmem>>, %arg7: memref<64x32xf32, #tpu.memory_space<vmem>>, %arg8: memref<1x32xf32, #tpu.memory_space<vmem>>, %arg9: memref<32x1xf32, #tpu.memory_space<vmem>>, %arg10: memref<1x1xf32, #tpu.memory_space<vmem>>, %arg11: memref<640x1xf32, #tpu.memory_space<vmem>>) attributes {dimension_semantics = [#tpu.dimension_semantics<arbitrary>], iteration_bounds = array<i64: 16>, scalar_prefetch = 0 : i64, scratch_operands = 0 : i64, tpu.core_type = #tpu.core_type<tc>, window_params = [{transform_indices = @transform_0, window_bounds = array<i64: 640, 64>}, {transform_indices = @transform_1, window_bounds = array<i64: 640, 64>}, {transform_indices = @transform_2, window_bounds = array<i64: 640, 64>}, {transform_indices = @transform_3, window_bounds = array<i64: 640, 1>}, {pipeline_mode = #tpu.pipeline_mode<synchronous>, transform_indices = @transform_4, window_bounds = array<i64: 1, 64>}, {pipeline_mode = #tpu.pipeline_mode<synchronous>, transform_indices = @transform_5, window_bounds = array<i64: 1, 64>}, {pipeline_mode = #tpu.pipeline_mode<synchronous>, transform_indices = @transform_6, window_bounds = array<i64: 64, 32>}, {pipeline_mode = #tpu.pipeline_mode<synchronous>, transform_indices = @transform_7, window_bounds = array<i64: 1, 32>}, {pipeline_mode = #tpu.pipeline_mode<synchronous>, transform_indices = @transform_8, window_bounds = array<i64: 32, 1>}, {pipeline_mode = #tpu.pipeline_mode<synchronous>, transform_indices = @transform_9, window_bounds = array<i64: 1, 1>}, {transform_indices = @transform_10, window_bounds = array<i64: 640, 1>}]} {
    %get3A = arith.constant 0 : index
    %get3A_0 = arith.constant 0 : index
    %get3A_1 = vector.load %arg1[%get3A, %get3A_0] : memref<640x64xf32, #tpu.memory_space<vmem>>, vector<640x64xf32>
    %get3A_2 = arith.constant 0 : index
    %get3A_3 = arith.constant 0 : index
    %get3A_4 = vector.load %arg2[%get3A_2, %get3A_3] : memref<640x64xf32, #tpu.memory_space<vmem>>, vector<640x64xf32>
    %add3A = arith.addf %get3A_1, %get3A_4 : vector<640x64xf32>
    %get3A_5 = arith.constant 0 : index
    %get3A_6 = arith.constant 0 : index
    %get3A_7 = vector.load %arg3[%get3A_5, %get3A_6] : memref<640x64xf32, #tpu.memory_space<vmem>>, vector<640x64xf32>
    %add3A_8 = arith.addf %add3A, %get3A_7 : vector<640x64xf32>
    %get3A_9 = arith.constant 0 : index
    %get3A_10 = arith.constant 0 : index
    %get3A_11 = vector.load %arg4[%get3A_9, %get3A_10] : memref<640x1xf32, #tpu.memory_space<vmem>>, vector<640x1xf32>
    %mul3A = vector.broadcast %get3A_11 : vector<640x1xf32> to vector<640x64xf32>
    %mul3A_12 = arith.mulf %add3A_8, %mul3A : vector<640x64xf32>
    %get3A_13 = arith.constant 0 : index
    %get3A_14 = arith.constant 0 : index
    %get3A_15 = vector.load %arg5[%get3A_13, %get3A_14] : memref<1x64xf32, #tpu.memory_space<vmem>>, vector<1x64xf32>
    %mul3A_16 = vector.broadcast %get3A_15 : vector<1x64xf32> to vector<640x64xf32>
    %mul3A_17 = arith.mulf %mul3A_12, %mul3A_16 : vector<640x64xf32>
    %get3A_18 = arith.constant 0 : index
    %get3A_19 = arith.constant 0 : index
    %get3A_20 = vector.load %arg6[%get3A_18, %get3A_19] : memref<1x64xf32, #tpu.memory_space<vmem>>, vector<1x64xf32>
    %add3A_21 = vector.broadcast %get3A_20 : vector<1x64xf32> to vector<640x64xf32>
    %add3A_22 = arith.addf %mul3A_17, %add3A_21 : vector<640x64xf32>
    %max3A = arith.constant 0.000000e+00 : f32
    %max3A_23 = vector.broadcast %max3A : f32 to vector<640x64xf32>
    %max3A_24 = arith.maximumf %add3A_22, %max3A_23 : vector<640x64xf32>
    %get3A_25 = arith.constant 0 : index
    %get3A_26 = arith.constant 0 : index
    %get3A_27 = vector.load %arg7[%get3A_25, %get3A_26] : memref<64x32xf32, #tpu.memory_space<vmem>>, vector<64x32xf32>
    %dot_general3A = arith.constant dense<0.000000e+00> : vector<640x32xf32>
    %dot_general3A_28 = tpu.matmul %max3A_24, %get3A_27, %dot_general3A {dimension_numbers = #tpu.dot_dimension_numbers<[1], [0], [0], [1], [0, 0, 1, 1], [], []>, transpose_lhs_hint = false} : vector<640x64xf32>, vector<64x32xf32>, vector<640x32xf32> -> vector<640x32xf32>
    %get3A_29 = arith.constant 0 : index
    %get3A_30 = arith.constant 0 : index
    %get3A_31 = vector.load %arg8[%get3A_29, %get3A_30] : memref<1x32xf32, #tpu.memory_space<vmem>>, vector<1x32xf32>
    %add3A_32 = vector.broadcast %get3A_31 : vector<1x32xf32> to vector<640x32xf32>
    %add3A_33 = arith.addf %dot_general3A_28, %add3A_32 : vector<640x32xf32>
    %max3A_34 = arith.constant 0.000000e+00 : f32
    %max3A_35 = vector.broadcast %max3A_34 : f32 to vector<640x32xf32>
    %max3A_36 = arith.maximumf %add3A_33, %max3A_35 : vector<640x32xf32>
    %get3A_37 = arith.constant 0 : index
    %get3A_38 = arith.constant 0 : index
    %get3A_39 = vector.load %arg9[%get3A_37, %get3A_38] : memref<32x1xf32, #tpu.memory_space<vmem>>, vector<32x1xf32>
    %dot_general3A_40 = arith.constant dense<0.000000e+00> : vector<640x1xf32>
    %dot_general3A_41 = tpu.matmul %max3A_36, %get3A_39, %dot_general3A_40 {dimension_numbers = #tpu.dot_dimension_numbers<[1], [0], [0], [1], [0, 0, 1, 1], [], []>, transpose_lhs_hint = false} : vector<640x32xf32>, vector<32x1xf32>, vector<640x1xf32> -> vector<640x1xf32>
    %get3A_42 = arith.constant 0 : index
    %get3A_43 = arith.constant 0 : index
    %get3A_44 = vector.load %arg10[%get3A_42, %get3A_43] : memref<1x1xf32, #tpu.memory_space<vmem>>, vector<1x1xf32>
    %add3A_45 = vector.broadcast %get3A_44 : vector<1x1xf32> to vector<640x1xf32>
    %add3A_46 = arith.addf %dot_general3A_41, %add3A_45 : vector<640x1xf32>
    %logistic3A = arith.negf %add3A_46 : vector<640x1xf32>
    %logistic3A_47 = math.exp %logistic3A : vector<640x1xf32>
    %logistic3A_48 = arith.constant 1.000000e+00 : f32
    %logistic3A_49 = vector.broadcast %logistic3A_48 : f32 to vector<640x1xf32>
    %logistic3A_50 = arith.addf %logistic3A_49, %logistic3A_47 : vector<640x1xf32>
    %logistic3A_51 = arith.divf %logistic3A_49, %logistic3A_50 : vector<640x1xf32>
    %swap3A = arith.constant 0 : index
    %swap3A_52 = arith.constant 0 : index
    %swap3A_53 = vector.load %arg11[%swap3A, %swap3A_52] : memref<640x1xf32, #tpu.memory_space<vmem>>, vector<640x1xf32>
    tpu.vector_store %arg11[%swap3A, %swap3A_52], %logistic3A_51 {strides = array<i32>} : memref<640x1xf32, #tpu.memory_space<vmem>>, vector<640x1xf32>,
    return
  }
  func.func @transform_0(%arg0: i32) -> (i32, i32) {
    %c0_i32 = arith.constant 0 : i32
    %c0_i32_0 = arith.constant 0 : i32
    return %arg0, %c0_i32 : i32, i32
  }
  func.func @transform_1(%arg0: i32) -> (i32, i32) {
    %c0_i32 = arith.constant 0 : i32
    %c0_i32_0 = arith.constant 0 : i32
    return %arg0, %c0_i32 : i32, i32
  }
  func.func @transform_2(%arg0: i32) -> (i32, i32) {
    %c0_i32 = arith.constant 0 : i32
    %c0_i32_0 = arith.constant 0 : i32
    return %arg0, %c0_i32 : i32, i32
  }
  func.func @transform_3(%arg0: i32) -> (i32, i32) {
    %c0_i32 = arith.constant 0 : i32
    %c0_i32_0 = arith.constant 0 : i32
    return %arg0, %c0_i32 : i32, i32
  }
  func.func @transform_4(%arg0: i32) -> (i32, i32) {
    %c0_i32 = arith.constant 0 : i32
    %c0_i32_0 = arith.constant 0 : i32
    %c0_i32_1 = arith.constant 0 : i32
    return %c0_i32, %c0_i32_0 : i32, i32
  }
  func.func @transform_5(%arg0: i32) -> (i32, i32) {
    %c0_i32 = arith.constant 0 : i32
    %c0_i32_0 = arith.constant 0 : i32
    %c0_i32_1 = arith.constant 0 : i32
    return %c0_i32, %c0_i32_0 : i32, i32
  }
  func.func @transform_6(%arg0: i32) -> (i32, i32) {
    %c0_i32 = arith.constant 0 : i32
    %c0_i32_0 = arith.constant 0 : i32
    %c0_i32_1 = arith.constant 0 : i32
    return %c0_i32, %c0_i32_0 : i32, i32
  }
  func.func @transform_7(%arg0: i32) -> (i32, i32) {
    %c0_i32 = arith.constant 0 : i32
    %c0_i32_0 = arith.constant 0 : i32
    %c0_i32_1 = arith.constant 0 : i32
    return %c0_i32, %c0_i32_0 : i32, i32
  }
  func.func @transform_8(%arg0: i32) -> (i32, i32) {
    %c0_i32 = arith.constant 0 : i32
    %c0_i32_0 = arith.constant 0 : i32
    %c0_i32_1 = arith.constant 0 : i32
    return %c0_i32, %c0_i32_0 : i32, i32
  }
  func.func @transform_9(%arg0: i32) -> (i32, i32) {
    %c0_i32 = arith.constant 0 : i32
    %c0_i32_0 = arith.constant 0 : i32
    %c0_i32_1 = arith.constant 0 : i32
    return %c0_i32, %c0_i32_0 : i32, i32
  }
  func.func @transform_10(%arg0: i32) -> (i32, i32) {
    %c0_i32 = arith.constant 0 : i32
    %c0_i32_0 = arith.constant 0 : i32
    return %arg0, %c0_i32 : i32, i32
  }
}

</mosaic_0001>

<sc_bundles>
// kernel: kernel.11.cloned.1.call-start
scs
__scs_entry_jumppad:
0x0: {  	(pc) =	sbr.rel $0x88, $3  }
0x1: {  	(tag) =	ssettag $0x0;
	lr =	simm.s32 $0x1  }
0x2: {  	[smem:$0x3F92] =	sst lr;
	_ =	strace $0xD0000000  }
0x3: {  	_ = 	snop  }
0x4: {  	_ = 	snop  }
0x5: {  	_ = 	snop  }
0x6: {  	_ = 	snop  }
0x7: {  	_ = 	snop  }
__scs_overlays_trampoline_lowered:
0x8: {  	[smem:$0x3FA1] =	sst s0  }
0x9: {  	[smem:$0x3FA2] =	sst s1  }
0xa: {  	[smem:$0x3FA3] =	sst s2  }
0xb: {  	[smem:$0x3FA4] =	sst s3  }
0xc: {  	[smem:$0x3FA5] =	sst s4  }
0xd: {  	[smem:$0x3FA6] =	sst s5  }
0xe: {  	[smem:$0x3FA7] =	sst s6  }
0xf: {  	[smem:$0x3FA8] =	sst s7  }
0x10: {  	[smem:$0x3FA9] =	sst s8  }
0x11: {  	[smem:$0x3FAA] =	sst s9;
	s0 =	simm.s32 @!p0 $0x0  }
0x12: {  	s1 =	sld [smem:$0x3F90];
	s0 =	simm.s32 @p0 $0x1  }
0x13: {  	[smem:$0x3FAB] =	sst s0;
	s0 =	simm.s32 @!p1 $0x0  }
0x14: {  	s2 =	sld [smem:$0x3F8F];
	s0 =	simm.s32 @p1 $0x1  }
0x15: {  	[smem:$0x3FAC] =	sst s0;
	s0 =	simm.s32 @!p2 $0x0  }
0x16: {  	s3 =	sld [smem:$0x3FDB];
	s0 =	simm.s32 @p2 $0x1  }
0x17: {  	s4 =	simm.s32 $0x1BF5;
	[smem:$0x3FAE] =	sst s0  }
0x18: {  	s0 =	sld [smem:$0x3F91];
	_ =	swait.ge [sflag:s4], $0x0  }
0x19: {  	s7 =	sld [smem:$0x3F92]  }
0x1a: {  	s8 =	sadd.s32 $0xFFFFE003, lr  }
0x1b: {  	s9 =	sadd.s32 $0xFFFFFEF7, lr;
	s5 =	simm.s32 $0xFFFFFFFF;
	p2 =	slt.u32 s8, $0xFFFFF086  }
0x1c: {  	p1 =	slt.u32 s9, $0xF7A;
	s5 =	simm.s32 @!p2 $0x0  }
0x1d: {  	s5 =	simm.s32 @p1 $0x1;
	p0 =	seq.s32 s7, s2  }
0x1e: {  	s7 =	smul.u32 @!p0 $0xF7A, s2;
	p2 =	seq.s32 @!p0 s5, $0x0  }
0x1f: {  	s9 =	smul.u32 $0xF7A, s1;
	s8 =	simm.s32 @!p0 $0x1BF5;
	p2 =	por !p2, p0  }
0x20: {  	[sflag:s8] =	ssyncset.s32 @!p0 $0xFFFFF086;
	s6 =	sadd.s32 @!p0 s3, s7;
	s7 =	simm.s32 @!p0 $0x108  }
0x21: {  	s3 =	sadd.s32 s3, s9;
	s6 =	sadd.s32 @!p0 $0x88, s6;
	s7 =	simm.s32 @p2 $0x1082  }
0x22: {  	[simem:s7], [sflag:s8] =	dma.local @!p0 [hbm:s6], $0xF7A  }
0x23: {  	s9 =	sor.u32 $0xD0000000, s2;
	s6 =	simm.s32 $0x108;
	_ =	swait.ge @!p0 [sflag:s8], $0x0  }
0x24: {  	s3 =	sadd.s32 $0x88, s3;
	s6 =	simm.s32 @!p1 $0x1082;
	[sflag:s4] =	ssyncset.s32 $0xFFFFF086  }
0x25: {  	[simem:s6], [sflag:s4] =	dma.local [hbm:s3], $0xF7A  }
0x26: {  	[smem:$0x3F92] =	sst s1;
	(tag) =	ssettag s2;
	_ =	strace s9  }
0x27: {  	s1 =	sld [smem:$0x3FA2]  }
0x28: {  	s2 =	sld [smem:$0x3FA3]  }
0x29: {  	s4 =	sld [smem:$0x3FA5]  }
0x2a: {  	p0 =	seq.s32 s5, $0x0;
	s5 =	sld [smem:$0x3FA6]  }
0x2b: {  	s6 =	sld [smem:$0x3FA7]  }
0x2c: {  	s7 =	sld [smem:$0x3FA8]  }
0x2d: {  	s3 =	simm.s32 $0x108;
	s8 =	sld [smem:$0x3FA9]  }
0x2e: {  	s3 =	simm.s32 @!p0 $0x1082;
	s9 =	sld [smem:$0x3FAA]  }
0x2f: {  	lr =	sadd.s32 s0, s3;
	s0 =	sld [smem:$0x3FA1]  }
0x30: {  	s3 =	sld [smem:$0x3FA4]  }
0x31: {  	[smem:$0x3FAD] =	sst s10  }
0x32: {  	s10 =	sld [smem:$0x3FAB];
	_ =	sdelay $0x3  }
0x33: {  	p0 =	seq.s32 s10, $0x1;
	s10 =	sld [smem:$0x3FAD];
	_ =	sdelay $0x3  }
0x34: {  	[smem:$0x3FAD] =	sst s10  }
0x35: {  	s10 =	sld [smem:$0x3FAC];
	_ =	sdelay $0x3  }
0x36: {  	p1 =	seq.s32 s10, $0x1;
	s10 =	sld [smem:$0x3FAD];
	_ =	sdelay $0x3  }
0x37: {  	[smem:$0x3FAD] =	sst s10  }
0x38: {  	s10 =	sld [smem:$0x3FAE]  }
0x39: {  	_ = 	snop;
	(pc) =	sbr.ind lr, $3  }
0x3a: {  	_ = 	snop  }
0x3b: {  	_ = 	snop  }
0x3c: {  	p2 =	seq.s32 s10, $0x1;
	s10 =	sld [smem:$0x3FAD]  }
0x3d: {  	_ =	shalt  }
0x3e: {  	_ =	shalt  }
0x3f: {  	_ =	shalt  }
0x40: {  	_ =	shalt  }
0x41: {  	_ =	shalt  }
0x42: {  	_ =	shalt  }
0x43: {  	_ =	shalt  }
0x44: {  	_ =	shalt  }
0x45: {  	_ =	shalt  }
0x46: {  	_ =	shalt  }
0x47: {  	_ =	shalt  }
0x48: {  	_ =	shalt  }
0x49: {  	_ =	shalt  }
0x4a: {  	_ =	shalt  }
0x4b: {  	_ =	shalt  }
0x4c: {  	_ =	shalt  }
0x4d: {  	_ =	shalt  }
0x4e: {  	_ =	shalt  }
0x4f: {  	_ =	shalt  }
0x50: {  	_ =	shalt  }
0x51: {  	_ =	shalt  }
0x52: {  	_ =	shalt  }
0x53: {  	_ =	shalt  }
0x54: {  	_ =	shalt  }
0x55: {  	_ =	shalt  }
0x56: {  	_ =	shalt  }
0x57: {  	_ =	shalt  }
0x58: {  	_ =	shalt  }
0x59: {  	_ =	shalt  }
0x5a: {  	_ =	shalt  }
0x5b: {  	_ =	shalt  }
0x5c: {  	_ =	shalt  }
0x5d: {  	_ =	shalt  }
0x5e: {  	_ =	shalt  }
0x5f: {  	_ =	shalt  }
0x60: {  	_ =	shalt  }
0x61: {  	_ =	shalt  }
0x62: {  	_ =	shalt  }
0x63: {  	_ =	shalt  }
0x64: {  	_ =	shalt  }
0x65: {  	_ =	shalt  }
0x66: {  	_ =	shalt  }
0x67: {  	_ =	shalt  }
0x68: {  	_ =	shalt  }
0x69: {  	_ =	shalt  }
0x6a: {  	_ =	shalt  }
0x6b: {  	_ =	shalt  }
0x6c: {  	_ =	shalt  }
0x6d: {  	_ =	shalt  }
0x6e: {  	_ =	shalt  }
0x6f: {  	_ =	shalt  }
0x70: {  	_ =	shalt  }
0x71: {  	_ =	shalt  }
0x72: {  	_ =	shalt  }
0x73: {  	_ =	shalt  }
0x74: {  	_ =	shalt  }
0x75: {  	_ =	shalt  }
0x76: {  	_ =	shalt  }
0x77: {  	_ =	shalt  }
0x78: {  	_ =	shalt  }
0x79: {  	_ =	shalt  }
0x7a: {  	_ =	shalt  }
0x7b: {  	_ =	shalt  }
0x7c: {  	_ =	shalt  }
0x7d: {  	_ =	shalt  }
0x7e: {  	_ =	shalt  }
0x7f: {  	_ =	shalt  }
0x80: {  	_ =	shalt  }
0x81: {  	_ =	shalt  }
0x82: {  	_ =	shalt  }
0x83: {  	_ =	shalt  }
0x84: {  	_ =	shalt  }
0x85: {  	_ =	shalt  }
0x86: {  	_ =	shalt  }
0x87: {  	_ =	shalt  }
.Lfunc_end0:
.L_simem_size_0:
called_computation.1_lowered:
.L_overlay_start_0:
0x88: {  	s2 =	sld [smem:$0x3FD9]  }
0x89: {  	s3 =	sld [smem:$0x3FFE];
	_ =	sdelay $0x1  }
0x8a: {  	s1 =	srdreg.scid  }
0x8b: {  	s0 =	sand.u32 $0x1, s1  }
0x8c: {  	s17 =	sshll.u32 s0, $0xA;
	s2 =	sadd.s32 s3, s2  }
0x8d: {  	s2 =	sadd.s32 s2, s17  }
0x8e: {  	[smem:$0x3FB9] =	sst s2  }
0x8f: {  	_ = 	snop  }
0x90: {  	s2 =	sld [smem:$0x3FC7];
	(tm) =	ssettm $0x1  }
0x91: {  	s18 =	sld [smem:$0x3FFB];
	_ =	sdelay $0x3  }
0x92: {  	_ =	strace s18  }
0x93: {  	s3 =	sld [smem:$0x3FFC];
	_ =	sdelay $0x3  }
0x94: {  	_ =	strace s3  }
0x95: {  	s3 =	sld [smem:$0x3FFD];
	_ =	sdelay $0x3  }
0x96: {  	_ =	strace s3  }
0x97: {  	_ =	strace $0x8FFFFFFF  }
0x98: {  	s19 =	sld [smem:$0x3FDB];
	_ =	sdelay $0x1  }
0x99: {  	s4 =	simm.s32 $_scs_section_size  }
0x9a: {  	s5 =	simm.s32 $_size__tile_overlayer_lowered;
	s6 =	simm.s32 $_tile_overlayer_lowered  }
0x9b: {  	s22 =	simm.s32 $0x1BFF;
	s21 =	sshll.u32 s6, $0x1;
	s3 =	sadd.s32 s4, s19  }
0x9c: {  	s7 =	simm.s32 $0x0;
	s20 =	sshll.u32 s5, $0x1;
	s5 =	sadd.s32 s21, s3  }
0x9d: {  	[timem:s7], [sflag:s22] =	dma.local [hbm:s5], s20  }
0x9e: {  	_ =	swait.ge [sflag:s22], s20  }
0x9f: {  	s4 =	ssub.s32 $0x0, s20;
	[sflag:s22] =	ssyncset.done $0x0  }
0xa0: {  	[sflag:s22] =	ssyncadd.s32 s4;
	_ =	sdelay $0x1  }
0xa1: {  	s23 =	simm.s32 $0x1B8B  }
0xa2: {  	_ =	swait.ge [sflag:s23], $0x1  }
0xa3: {  	[sflag:s23] =	ssyncset.done $0x0  }
0xa4: {  	s25 =	simm.s32 $0x1B8E;
	s24 =	sld [smem:$0x3FFE];
	[sflag:s23] =	ssyncadd.s32 $0xFFFFFFFF  }
0xa5: {  	s26 =	simm.s32 $execute0_lowered;
	[smem:$0x3FD2] =	sst s25  }
0xa6: {  	s5 =	sshll.u32 s26, $0x1;
	_ =	strace $0x80000049;
	[dreg:$0x1] =	wrdreg $0xFFFFFFFF  }
0xa7: {  	s28 =	simm.s32 $_size_execute0_lowered;
	s3 =	sadd.s32 s3, s5;
	[dreg:$0x0] =	wrdreg $0x0  }
0xa8: {  	s5 =	sshll.u32 s28, $0x1;
	[dreg:$0x2] =	wrdreg s3  }
0xa9: {  	[dreg:$0x3] =	wrdreg s5  }
0xaa: {  	[dreg:$0x4] =	wrdreg $0xC0  }
0xab: {  	_ =	task [dreg:s7], $0x5FFFF  }
0xac: {  	[dreg:$0x1] =	wrdreg $0xFFFFFFFF  }
0xad: {  	[dreg:$0x0] =	wrdreg $0x60  }
0xae: {  	[dreg:$0x2] =	wrdreg s24  }
0xaf: {  	[dreg:$0x3] =	wrdreg s2  }
0xb0: {  	[dreg:$0x4] =	wrdreg $0x109000  }
0xb1: {  	[dreg:$0x5] =	wrdreg $0x9  }
0xb2: {  	_ =	task.clear_ibuf [dreg:s7], $0x6FFFF;
	_ =	strace $0x90000049  }
0xb3: {  	s29 =	simm.s32 $0x9;
	_ =	strace $0x8000004B  }
0xb4: {  	_ =	swait.ge [sflag:s29], $0x1  }
0xb5: {  	[sflag:s29] =	ssyncadd.s32 $0xFFFFFFFF  }
0xb6: {  	_ =	strace $0x9000004B  }
0xb7: {  	_ =	sfence  }
0xb8: {  	s30 =	sld [smem:$0x0];
	_ =	sdelay $0x2  }
0xb9: {  	s31 =	sshll.u32 s1, $0xD;
	s1 =	sshrl.u32 s1, $0x2  }
0xba: {  	s3 =	sand.u32 $0x4000, s31;
	s1 =	sadd.s32 s1, s30  }
0xbb: {  	s0 =	sor.u32 s3, s0;
	s1 =	sshll.u32 s1, $0x11  }
0xbc: {  	s0 =	sor.u32 s1, s0  }
0xbd: {  	s0 =	sadd.s32 $0x8F2B, s0  }
0xbe: {  	[sflag:s0] =	ssyncadd.remote.s32 $0x1  }
0xbf: {  	_ =	sfence.sel $0xFFFF  }
0xc0: {  	[dreg:$0x0] =	wrdreg $0xFFFFFFFF;
	(pc) =	sbr.abs _section_cstart, $3  }
0xc1: {  	[dreg:$0x1] =	wrdreg $0xFFFFFFFF  }
0xc2: {  	_ =	task.clear_ibuf [dreg:s7], $0x2FFFF;
	_ =	strace $0x9FFFFFFF  }
0xc3: {  	(tm) =	ssettm $0x7FFFFFFF  }
tec
execute0_lowered:
.L_overlay_start_1:
0x0: {  	(tag) =	ssettag $0x1  }
0x1: {  	s0 =	rddreg [dreg:$0x0]  }
0x2: {  	s2 =	rddreg [dreg:$0x1]  }
0x3: {  	s3 =	rddreg [dreg:$0x2]  }
0x4: {  	s1 =	srdreg.scid;
	s10 =	stileid.u32  }
0x5: {  	s15 =	simm.s32 $0x0;
	s28 =	simm.s32 $0x6900;
	s31 =	simm.s32 $0x4  }
0x6: {  	s14 =	simm.s32 $0x190;
	s16 =	simm.s32 $0xC8;
	s17 =	simm.s32 $0x258  }
0x7: {  	s19 =	simm.s32 $0x1;
	s20 =	simm.s32 $0x28;
	s21 =	simm.s32 $0x500  }
0x8: {  	s22 =	simm.s32 $0xF00;
	s24 =	simm.s32 $0x1900;
	s29 =	simm.s32 $0x2D00  }
0x9: {  	s30 =	simm.s32 $0x3700;
	s13 =	simm.s32 $0x2;
	s11 =	simm.s32 $0x2F8  }
0xa: {  	s12 =	simm.s32 $0x3;
	s1 =	sand.u32 $0x1, s1;
	s4 =	smul.u32 $0xA000, s10  }
0xb: {  	s18 =	simm.s32 $0x0;
	[smem:$0x7FF] =	sst s15;
	s8 =	smul.u32 $0xA0000, s1  }
0xc: {  	s5 =	sadd.s32 $0x3E600, s0;
	s6 =	sadd.s32 $0x2A00, s0;
	s7 =	sadd.s32 $0xC800, s0  }
0xd: {  	s10 =	sshll.u32 s10, $0x1;
	_ =	strace $0x8000004A;
	s8 =	sadd.s32 s4, s8  }
0xe: {  	s9 =	ssub.s32 $0x2, s1;
	s1 =	sor.u32 s1, s10;
	s8 =	sshrl.u32 s8, $0x3  }
0xf: {  	s10 =	simm.s32 $0x4B00;
	s25 =	sshrl.u32 s9, $0x1;
	s0 =	sadd.s32 s8, s0  }
0x10: {  	s8 =	ssub.s32 s9, s25;
	s25 =	sadd.s32 s4, s3;
	s9 =	smul.u32 $0xFA, s1  }
0x11: {  	s4 =	simm.s32 $0x5500;
	s0 =	sadd.s32 $0x52600, s0;
	[dreg:$0x4] =	wrdreg s25  }
0x12: {  	s26 =	smax.u32 s8, $0x1;
	s8 =	simm.s32 $0x5F00;
	[dreg:$0x5] =	wrdreg s0  }
0x13: {  	v0 =	vimm.f32 $0.0e+00;
	[dreg:$0x6] =	wrdreg s26;
	s26 =	simm.s32 $0x2300;
	s0 =	simm.s32 $0x4100  }
.LBB2_1:
0x14: {  	s1 =	sand.u32 $0x3FF00, s15  }
0x15: {  	[dreg:$0x7] =	wrdreg s18;
	s23 =	sand.u32 $0x30, s15;
	s1 =	sshrl.u32 s1, $0x2  }
0x16: {  	s15 =	simm.s32 $0x40;
	s18 =	simm.s32 $0x0;
	s1 =	sor.u32 s23, s1  }
.LBB2_2:
0x17: {  	p0 =	sne.s32 s15, $0x27FC0  }
0x18: {  	[tilespmem:s1+$0x6900] =	vst v0;
	s18 =	sadd.s32 $0x10, s18;
	s1 =	smov.u32 s15;
	s15 =	sadd.s32 $0x40, s15  }
.Ltmp0:
0x19: {  	(pc) =	sbr.rel @p0 .LBB2_2-.Ltmp0, $4  }
0x1a: {  	_ = 	snop  }
0x1b: {  	s1 =	sand.u32 $0x3FF00, s1  }
0x1c: {  	s23 =	sand.u32 $0x30, s18;
	s1 =	sshrl.u32 s1, $0x2  }
0x1d: {  	s1 =	sor.u32 s23, s1  }
0x1e: {  	[tilespmem:s1+$0x6900] =	vst v0  }
0x1f: {  	[spmem:s25] =	stream.linear.scatter [tilespmem:s28], [sflag:$0x4], $0xA000, $0x38;
	[tilespmem:$0x1A900] =	vst v63  }
0x20: {  	_ =	swait.ge [sflag:s31], $0xA000  }
0x21: {  	[sflag:s31] =	ssyncset.done $0x0  }
0x22: {  	[sflag:s31] =	ssyncadd.s32 $0xFFFF6000  }
0x23: {  	s15 =	simm.s32 $0x0;
	s18 =	simm.s32 $0x0;
	[bflag:$0x0] =	sbarrier.arrive $0xFFFF  }
.LBB2_4:
0x24: {  	s1 =	smul.u32 $0xA, s18;
	_ =	sdelay $0x1  }
0x25: {  	s1 =	sadd.s32 s9, s1  }
0x26: {  	s23 =	smul.u32 $0x5, s1;
	_ =	sdelay $0x1  }
0x27: {  	s1 =	smul.u32 $0x28, s1;
	s25 =	sadd.s32 s6, s23  }
0x28: {  	[tilespmem:s15], [sflag:$0x1] =	stream.linear.gather [hbm4b:s25+s15], $0xC8, $0x38;
	[tilespmem:$0x1A900] =	vst v63  }
0x29: {  	s31 =	sadd.s32 s7, s23;
	s1 =	sadd.s32 $0xC8, s1  }
0x2a: {  	[tilespmem:s14], [sflag:$0x1] =	stream.linear.gather [hbm4b:s31+s15], $0xC8, $0x38;
	[tilespmem:$0x1A900] =	vst v63  }
0x2b: {  	s23 =	sadd.s32 s2, s23;
	s1 =	sshrl.u32 s1, $0x3;
	s31 =	simm.s32 $0x320  }
0x2c: {  	[tilespmem:s31], [sflag:$0x1] =	stream.linear.gather [hbm4b:s23+s15], $0xC8, $0x38;
	[tilespmem:$0x1A900] =	vst v63  }
0x2d: {  	s31 =	sadd.s32 s6, s1  }
0x2e: {  	[tilespmem:s16], [sflag:$0x1] =	stream.linear.gather [hbm4b:s31+s15], $0xC8, $0x38;
	[tilespmem:$0x1A900] =	vst v63  }
0x2f: {  	s25 =	sadd.s32 s7, s1  }
0x30: {  	[tilespmem:s17], [sflag:$0x1] =	stream.linear.gather [hbm4b:s25+s15], $0xC8, $0x38;
	[tilespmem:$0x1A900] =	vst v63  }
0x31: {  	s1 =	sadd.s32 s2, s1;
	s31 =	simm.s32 $0x410  }
0x32: {  	[tilespmem:s31], [sflag:$0x1] =	stream.linear.gather [hbm4b:s1+s15], $0xC8, $0x38;
	[tilespmem:$0x1A900] =	vst v63  }
0x33: {  	_ =	swait.ge [sflag:s19], $0xC8  }
0x34: {  	[sflag:s19] =	ssyncset.done $0x0  }
0x35: {  	[sflag:s19] =	ssyncadd.s32 $0xFFFFFF38  }
0x36: {  	_ =	swait.ge [sflag:s19], $0xC8  }
0x37: {  	[sflag:s19] =	ssyncset.done $0x0  }
0x38: {  	[sflag:s19] =	ssyncadd.s32 $0xFFFFFF38  }
0x39: {  	_ =	swait.ge [sflag:s19], $0xC8  }
0x3a: {  	[sflag:s19] =	ssyncset.done $0x0  }
0x3b: {  	[sflag:s19] =	ssyncadd.s32 $0xFFFFFF38  }
0x3c: {  	_ =	swait.ge [sflag:s19], $0xC8  }
0x3d: {  	[sflag:s19] =	ssyncset.done $0x0  }
0x3e: {  	[sflag:s19] =	ssyncadd.s32 $0xFFFFFF38  }
0x3f: {  	_ =	swait.ge [sflag:s19], $0xC8  }
0x40: {  	[sflag:s19] =	ssyncset.done $0x0  }
0x41: {  	[sflag:s19] =	ssyncadd.s32 $0xFFFFFF38  }
0x42: {  	_ =	swait.ge [sflag:s19], $0xC8  }
0x43: {  	[sflag:s19] =	ssyncset.done $0x0  }
0x44: {  	[sflag:s19] =	ssyncadd.s32 $0xFFFFFF38  }
0x45: {  	[tilespmem:s21], [sflag:$0x2] =	stream.indirect.gather [hbm4b:s5+s20], $0x40, s15, s20, $0xb8;
	[tilespmem:$0x1A900] =	vst v63  }
0x46: {  	_ = 	snop  }
0x47: {  	[tilespmem:s22], [sflag:$0x2] =	stream.indirect.gather [hbm4b:s5+s20], $0x40, s20, s20, $0xb8;
	[tilespmem:$0x1A900] =	vst v63  }
0x48: {  	s25 =	simm.s32 $0x50  }
0x49: {  	[tilespmem:s24], [sflag:$0x2] =	stream.indirect.gather [hbm4b:s5+s20], $0x40, s25, s20, $0xb8;
	[tilespmem:$0x1A900] =	vst v63  }
0x4a: {  	s31 =	simm.s32 $0x78  }
0x4b: {  	[tilespmem:s26], [sflag:$0x2] =	stream.indirect.gather [hbm4b:s5+s20], $0x40, s31, s20, $0xb8;
	[tilespmem:$0x1A900] =	vst v63  }
0x4c: {  	s23 =	simm.s32 $0xA0  }
0x4d: {  	[tilespmem:s29], [sflag:$0x2] =	stream.indirect.gather [hbm4b:s5+s20], $0x40, s23, s20, $0xb8;
	[tilespmem:$0x1A900] =	vst v63  }
0x4e: {  	_ = 	snop  }
0x4f: {  	[tilespmem:s30], [sflag:$0x2] =	stream.indirect.gather [hbm4b:s5+s20], $0x40, s16, s20, $0xb8;
	[tilespmem:$0x1A900] =	vst v63  }
0x50: {  	s25 =	simm.s32 $0xF0  }
0x51: {  	[tilespmem:s0], [sflag:$0x2] =	stream.indirect.gather [hbm4b:s5+s20], $0x40, s25, s20, $0xb8;
	[tilespmem:$0x1A900] =	vst v63  }
0x52: {  	s31 =	simm.s32 $0x118  }
0x53: {  	[tilespmem:s10], [sflag:$0x2] =	stream.indirect.gather [hbm4b:s5+s20], $0x40, s31, s20, $0xb8;
	[tilespmem:$0x1A900] =	vst v63  }
0x54: {  	s23 =	simm.s32 $0x140  }
0x55: {  	[tilespmem:s4], [sflag:$0x2] =	stream.indirect.gather [hbm4b:s5+s20], $0x40, s23, s20, $0xb8;
	[tilespmem:$0x1A900] =	vst v63  }
0x56: {  	s25 =	simm.s32 $0x168  }
0x57: {  	[tilespmem:s8], [sflag:$0x2] =	stream.indirect.gather [hbm4b:s5+s20], $0x40, s25, s20, $0xb8;
	[tilespmem:$0x1A900] =	vst v63  }
0x58: {  	_ =	swait.ge [sflag:s13], $0x3200  }
0x59: {  	[sflag:s13] =	ssyncset.done $0x0  }
0x5a: {  	[sflag:s13] =	ssyncadd.s32 $0xFFFFCE00  }
0x5b: {  	_ =	swait.ge [sflag:s13], $0x3200  }
0x5c: {  	[sflag:s13] =	ssyncset.done $0x0  }
0x5d: {  	s23 =	simm.s32 $0x520;
	[sflag:s13] =	ssyncadd.s32 $0xFFFFCE00  }
0x5e: {  	v1 =	vld [tilespmem:s23+$0xFFFFFFF0]  }
0x5f: {  	s31 =	simm.s32 $0x0;
	v3 =	vld [tilespmem:s23+$0x10]  }
0x60: {  	v5 =	vld.msk [tilespmem:s31+$0x320 ss:$0x0], $0xffff  }
0x61: {  	v2 =	vld [tilespmem:s23+$0xFFFFFFE0]  }
0x62: {  	v6 =	vld [tilespmem:s23+$0x0];
	_ =	sdelay $0x3  }
0x63: {  	v2 =	vmul.f32 v5, v2;
	v4 =	vmul.f32 v3, v5  }
0x64: {  	s28 =	simm.s32 $0x520;
	s25 =	simm.s32 $0x4;
	v3 =	vmul.f32 v1, v5;
	v1 =	vmul.f32 v6, v5  }
.LBB2_5:
0x65: {  	p0 =	sne.s32 s25, $0x9C  }
0x66: {  	[tilespmem:s23+$0x10] =	vst v4;
	s28 =	sadd.s32 $0x40, s28;
	s1 =	smov.u32 s25;
	s25 =	sadd.s32 $0x4, s25  }
0x67: {  	[tilespmem:s23+$0xFFFFFFE0] =	vst v2  }
0x68: {  	v5 =	vld [tilespmem:s28+$0xFFFFFFF0];
	[tilespmem:s23+$0xFFFFFFF0] =	vst v3  }
0x69: {  	s1 =	sshra.s32 s1, $0x2;
	v3 =	vld [tilespmem:s28+$0x10];
	[tilespmem:s23+$0x0] =	vst v1;
	s23 =	smov.u32 s28  }
0x6a: {  	v1 =	vld.msk [tilespmem:s1+$0x320 ss:$0x0], $0xffff  }
0x6b: {  	v2 =	vld [tilespmem:s28+$0xFFFFFFE0]  }
0x6c: {  	v6 =	vld [tilespmem:s28+$0x0]  }
.Ltmp1:
0x6d: {  	(pc) =	sbr.rel @p0 .LBB2_5-.Ltmp1, $3  }
0x6e: {  	_ =	sdelay $0x1  }
0x6f: {  	v4 =	vmul.f32 v3, v1;
	v2 =	vmul.f32 v1, v2  }
0x70: {  	v3 =	vmul.f32 v5, v1;
	v1 =	vmul.f32 v6, v1  }
0x71: {  	[tilespmem:s23+$0x10] =	vst v4  }
0x72: {  	[tilespmem:s23+$0xFFFFFFE0] =	vst v2  }
0x73: {  	[tilespmem:s23+$0xFFFFFFF0] =	vst v3  }
0x74: {  	s25 =	simm.s32 $0xF30;
	[tilespmem:s23+$0x0] =	vst v1  }
0x75: {  	s23 =	simm.s32 $0x0;
	v1 =	vld [tilespmem:s25+$0xFFFFFFF0]  }
0x76: {  	s31 =	simm.s32 $0x1;
	s28 =	simm.s32 $0xF30;
	s1 =	sand.u32 $0x3F, s23;
	v2 =	vld [tilespmem:s25+$0xFFFFFFE0]  }
.LBB2_7:
0x77: {  	p0 =	sne.s32 s31, $0x27;
	v3 =	vld.msk [tilespmem:s1+$0x348 ss:$0x0], $0xffff  }
0x78: {  	v4 =	vld [tilespmem:s25+$0xFFFFFFD0]  }
0x79: {  	v5 =	vld [tilespmem:s25+$0x0];
	_ =	sdelay $0x3  }
0x7a: {  	v2 =	vmul.f32 v2, v3;
	v4 =	vmul.f32 v3, v4  }
.Ltmp2:
0x7b: {  	v6 =	vmul.f32 v1, v3;
	v3 =	vmul.f32 v5, v3;
	(pc) =	sbr.rel @p0 .LBB2_7-.Ltmp2, $4  }
0x7c: {  	[tilespmem:s25+$0xFFFFFFD0] =	vst v4  }
0x7d: {  	s25 =	sadd.s32 $0x40, s25;
	[tilespmem:s28+$0xFFFFFFE0] =	vst v2  }
0x7e: {  	v1 =	vld [tilespmem:s25+$0xFFFFFFF0];
	[tilespmem:s28+$0xFFFFFFF0] =	vst v6  }
0x7f: {  	s1 =	sand.u32 $0x3F, s31;
	s31 =	sadd.s32 $0x1, s31;
	v2 =	vld [tilespmem:s25+$0xFFFFFFE0];
	[tilespmem:s28+$0x0] =	vst v3;
	s28 =	smov.u32 s25  }
0x80: {  	v3 =	vld.msk [tilespmem:s1+$0x348 ss:$0x0], $0xffff  }
0x81: {  	v4 =	vld [tilespmem:s25+$0xFFFFFFD0];
	_ =	sdelay $0x2  }
0x82: {  	v5 =	vld [tilespmem:s25+$0x0];
	_ =	sdelay $0x1  }
0x83: {  	v4 =	vmul.f32 v3, v4  }
0x84: {  	v2 =	vmul.f32 v2, v3  }
0x85: {  	v1 =	vmul.f32 v1, v3;
	[tilespmem:s25+$0xFFFFFFD0] =	vst v4  }
0x86: {  	v3 =	vmul.f32 v5, v3;
	[tilespmem:s28+$0xFFFFFFE0] =	vst v2  }
0x87: {  	[tilespmem:s28+$0xFFFFFFF0] =	vst v1  }
0x88: {  	s25 =	simm.s32 $0x1930;
	[tilespmem:s28+$0x0] =	vst v3  }
0x89: {  	v1 =	vld [tilespmem:s25+$0xFFFFFFF0]  }
0x8a: {  	s1 =	sand.u32 $0x3F, s23;
	s23 =	simm.s32 $0x1930;
	s28 =	simm.s32 $0x1;
	v2 =	vld [tilespmem:s25+$0xFFFFFFE0]  }
.LBB2_9:
0x8b: {  	p0 =	sne.s32 s28, $0x27;
	v3 =	vld.msk [tilespmem:s1+$0x370 ss:$0x0], $0xffff  }
0x8c: {  	v4 =	vld [tilespmem:s25+$0xFFFFFFD0]  }
0x8d: {  	v5 =	vld [tilespmem:s25+$0x0];
	_ =	sdelay $0x3  }
0x8e: {  	v2 =	vmul.f32 v2, v3;
	v4 =	vmul.f32 v3, v4  }
.Ltmp3:
0x8f: {  	v6 =	vmul.f32 v1, v3;
	v3 =	vmul.f32 v5, v3;
	(pc) =	sbr.rel @p0 .LBB2_9-.Ltmp3, $4  }
0x90: {  	[tilespmem:s25+$0xFFFFFFD0] =	vst v4  }
0x91: {  	s25 =	sadd.s32 $0x40, s25;
	[tilespmem:s23+$0xFFFFFFE0] =	vst v2  }
0x92: {  	v1 =	vld [tilespmem:s25+$0xFFFFFFF0];
	[tilespmem:s23+$0xFFFFFFF0] =	vst v6  }
0x93: {  	s1 =	sand.u32 $0x3F, s28;
	s28 =	sadd.s32 $0x1, s28;
	v2 =	vld [tilespmem:s25+$0xFFFFFFE0];
	[tilespmem:s23+$0x0] =	vst v3;
	s23 =	smov.u32 s25  }
0x94: {  	v3 =	vld.msk [tilespmem:s1+$0x370 ss:$0x0], $0xffff  }
0x95: {  	v4 =	vld [tilespmem:s25+$0xFFFFFFD0];
	_ =	sdelay $0x2  }
0x96: {  	v5 =	vld [tilespmem:s25+$0x0];
	_ =	sdelay $0x1  }
0x97: {  	v4 =	vmul.f32 v3, v4  }
0x98: {  	v2 =	vmul.f32 v2, v3  }
0x99: {  	v1 =	vmul.f32 v1, v3;
	[tilespmem:s25+$0xFFFFFFD0] =	vst v4  }
0x9a: {  	v3 =	vmul.f32 v5, v3;
	[tilespmem:s23+$0xFFFFFFE0] =	vst v2  }
0x9b: {  	[tilespmem:s23+$0xFFFFFFF0] =	vst v1  }
0x9c: {  	s25 =	simm.s32 $0x2330;
	[tilespmem:s23+$0x0] =	vst v3  }
0x9d: {  	s23 =	simm.s32 $0x0;
	v1 =	vld [tilespmem:s25+$0xFFFFFFF0]  }
0x9e: {  	s31 =	simm.s32 $0x1;
	s28 =	simm.s32 $0x2330;
	s1 =	sand.u32 $0x3F, s23;
	v2 =	vld [tilespmem:s25+$0xFFFFFFE0]  }
.LBB2_11:
0x9f: {  	p0 =	sne.s32 s31, $0x27;
	v3 =	vld.msk [tilespmem:s1+$0x398 ss:$0x0], $0xffff  }
0xa0: {  	v4 =	vld [tilespmem:s25+$0xFFFFFFD0]  }
0xa1: {  	v5 =	vld [tilespmem:s25+$0x0];
	_ =	sdelay $0x3  }
0xa2: {  	v2 =	vmul.f32 v2, v3;
	v4 =	vmul.f32 v3, v4  }
.Ltmp4:
0xa3: {  	v6 =	vmul.f32 v1, v3;
	v3 =	vmul.f32 v5, v3;
	(pc) =	sbr.rel @p0 .LBB2_11-.Ltmp4, $4  }
0xa4: {  	[tilespmem:s25+$0xFFFFFFD0] =	vst v4  }
0xa5: {  	s25 =	sadd.s32 $0x40, s25;
	[tilespmem:s28+$0xFFFFFFE0] =	vst v2  }
0xa6: {  	v1 =	vld [tilespmem:s25+$0xFFFFFFF0];
	[tilespmem:s28+$0xFFFFFFF0] =	vst v6  }
0xa7: {  	s1 =	sand.u32 $0x3F, s31;
	s31 =	sadd.s32 $0x1, s31;
	v2 =	vld [tilespmem:s25+$0xFFFFFFE0];
	[tilespmem:s28+$0x0] =	vst v3;
	s28 =	smov.u32 s25  }
0xa8: {  	v3 =	vld.msk [tilespmem:s1+$0x398 ss:$0x0], $0xffff  }
0xa9: {  	v4 =	vld [tilespmem:s25+$0xFFFFFFD0];
	_ =	sdelay $0x2  }
0xaa: {  	v5 =	vld [tilespmem:s25+$0x0];
	_ =	sdelay $0x1  }
0xab: {  	v4 =	vmul.f32 v3, v4  }
0xac: {  	v2 =	vmul.f32 v2, v3  }
0xad: {  	v1 =	vmul.f32 v1, v3;
	[tilespmem:s25+$0xFFFFFFD0] =	vst v4  }
0xae: {  	v3 =	vmul.f32 v5, v3;
	[tilespmem:s28+$0xFFFFFFE0] =	vst v2  }
0xaf: {  	s25 =	sand.u32 $0x3F, s23;
	[tilespmem:s28+$0xFFFFFFF0] =	vst v1  }
0xb0: {  	[tilespmem:s28+$0x0] =	vst v3;
	s1 =	sor.u32 $0x3C0, s25  }
0xb1: {  	s25 =	simm.s32 $0x2D30;
	v2 =	vld.msk [tilespmem:s1+$0x0 ss:$0x0], $0xffff  }
0xb2: {  	v1 =	vld [tilespmem:s25+$0xFFFFFFD0]  }
0xb3: {  	v3 =	vld [tilespmem:s25+$0xFFFFFFE0]  }
0xb4: {  	v4 =	vld [tilespmem:s25+$0xFFFFFFF0]  }
0xb5: {  	v63 =	vld [tilespmem:s25+$0x0];
	_ =	sdelay $0x1  }
0xb6: {  	v1 =	vmul.f32 v2, v1  }
0xb7: {  	v3 =	vmul.f32 v3, v2  }
0xb8: {  	v4 =	vmul.f32 v4, v2;
	[tilespmem:s25+$0xFFFFFFD0] =	vst v1  }
0xb9: {  	s31 =	simm.s32 $0x1;
	s23 =	simm.s32 $0x2D70;
	v2 =	vmul.f32 v63, v2;
	[tilespmem:s25+$0xFFFFFFE0] =	vst v3  }
0xba: {  	s28 =	simm.s32 $0x2;
	s1 =	sand.u32 $0x3F, s31;
	v1 =	vld [tilespmem:s23+$0xFFFFFFF0];
	[tilespmem:s25+$0xFFFFFFF0] =	vst v4  }
.LBB2_13:
0xbb: {  	p0 =	sne.s32 s28, $0x27;
	s1 =	sor.u32 $0x3C0, s1;
	v3 =	vld [tilespmem:s23+$0xFFFFFFE0];
	[tilespmem:s25+$0x0] =	vst v2;
	s25 =	smov.u32 s23  }
0xbc: {  	v2 =	vld.msk [tilespmem:s1+$0x0 ss:$0x0], $0xffff  }
0xbd: {  	v4 =	vld [tilespmem:s23+$0xFFFFFFD0]  }
0xbe: {  	v5 =	vld [tilespmem:s23+$0x0];
	_ =	sdelay $0x3  }
.Ltmp5:
0xbf: {  	v3 =	vmul.f32 v3, v2;
	v4 =	vmul.f32 v2, v4;
	(pc) =	sbr.rel @p0 .LBB2_13-.Ltmp5, $4  }
0xc0: {  	v6 =	vmul.f32 v1, v2;
	v2 =	vmul.f32 v5, v2  }
0xc1: {  	[tilespmem:s23+$0xFFFFFFD0] =	vst v4  }
0xc2: {  	s23 =	sadd.s32 $0x40, s23;
	[tilespmem:s25+$0xFFFFFFE0] =	vst v3  }
0xc3: {  	s1 =	sand.u32 $0x3F, s28;
	s28 =	sadd.s32 $0x1, s28;
	v1 =	vld [tilespmem:s23+$0xFFFFFFF0];
	[tilespmem:s25+$0xFFFFFFF0] =	vst v6  }
0xc4: {  	v3 =	vld [tilespmem:s23+$0xFFFFFFE0];
	s1 =	sor.u32 $0x3C0, s1;
	[tilespmem:s25+$0x0] =	vst v2  }
0xc5: {  	v2 =	vld.msk [tilespmem:s1+$0x0 ss:$0x0], $0xffff  }
0xc6: {  	v4 =	vld [tilespmem:s23+$0xFFFFFFD0];
	_ =	sdelay $0x2  }
0xc7: {  	v5 =	vld [tilespmem:s23+$0x0];
	_ =	sdelay $0x1  }
0xc8: {  	v4 =	vmul.f32 v2, v4  }
0xc9: {  	v3 =	vmul.f32 v3, v2  }
0xca: {  	v1 =	vmul.f32 v1, v2;
	[tilespmem:s23+$0xFFFFFFD0] =	vst v4  }
0xcb: {  	v2 =	vmul.f32 v5, v2;
	[tilespmem:s23+$0xFFFFFFE0] =	vst v3  }
0xcc: {  	[tilespmem:s23+$0xFFFFFFF0] =	vst v1  }
0xcd: {  	[tilespmem:s23+$0x0] =	vst v2  }
0xce: {  	[spmem:s3] =	stream.indirect.scatter.add.f32 [tilespmem:s21], [sflag:$0x3], $0x40, s14, s20, $0xb8;
	[tilespmem:$0x1A900] =	vst v63  }
0xcf: {  	s25 =	simm.s32 $0x1B8  }
0xd0: {  	[spmem:s3] =	stream.indirect.scatter.add.f32 [tilespmem:s22], [sflag:$0x3], $0x40, s25, s20, $0xb8;
	[tilespmem:$0x1A900] =	vst v63  }
0xd1: {  	s23 =	simm.s32 $0x1E0  }
0xd2: {  	[spmem:s3] =	stream.indirect.scatter.add.f32 [tilespmem:s24], [sflag:$0x3], $0x40, s23, s20, $0xb8;
	[tilespmem:$0x1A900] =	vst v63  }
0xd3: {  	s25 =	simm.s32 $0x208  }
0xd4: {  	[spmem:s3] =	stream.indirect.scatter.add.f32 [tilespmem:s26], [sflag:$0x3], $0x40, s25, s20, $0xb8;
	[tilespmem:$0x1A900] =	vst v63  }
0xd5: {  	s23 =	simm.s32 $0x230  }
0xd6: {  	[spmem:s3] =	stream.indirect.scatter.add.f32 [tilespmem:s29], [sflag:$0x3], $0x40, s23, s20, $0xb8;
	[tilespmem:$0x1A900] =	vst v63  }
0xd7: {  	s23 =	simm.s32 $0x3720  }
0xd8: {  	v2 =	vld [tilespmem:s23+$0xFFFFFFF0]  }
0xd9: {  	s25 =	simm.s32 $0x0;
	v3 =	vld [tilespmem:s23+$0x10]  }
0xda: {  	v5 =	vld.msk [tilespmem:s25+$0x410 ss:$0x0], $0xffff  }
0xdb: {  	v1 =	vld [tilespmem:s23+$0xFFFFFFE0]  }
0xdc: {  	v6 =	vld [tilespmem:s23+$0x0];
	_ =	sdelay $0x3  }
0xdd: {  	v1 =	vmul.f32 v5, v1;
	v4 =	vmul.f32 v3, v5  }
0xde: {  	s28 =	simm.s32 $0x4;
	s31 =	simm.s32 $0x3720;
	s25 =	simm.s32 $0x0;
	v3 =	vmul.f32 v2, v5;
	v2 =	vmul.f32 v6, v5  }
.LBB2_15:
0xdf: {  	p0 =	sne.s32 s28, $0x9C  }
0xe0: {  	[tilespmem:s23+$0x10] =	vst v4;
	s31 =	sadd.s32 $0x40, s31;
	s1 =	smov.u32 s28;
	s28 =	sadd.s32 $0x4, s28  }
0xe1: {  	[tilespmem:s23+$0xFFFFFFE0] =	vst v1  }
0xe2: {  	v5 =	vld [tilespmem:s31+$0xFFFFFFF0];
	[tilespmem:s23+$0xFFFFFFF0] =	vst v3  }
0xe3: {  	s1 =	sshra.s32 s1, $0x2;
	v3 =	vld [tilespmem:s31+$0x10];
	[tilespmem:s23+$0x0] =	vst v2;
	s23 =	smov.u32 s31  }
0xe4: {  	v2 =	vld.msk [tilespmem:s1+$0x410 ss:$0x0], $0xffff  }
0xe5: {  	v1 =	vld [tilespmem:s31+$0xFFFFFFE0]  }
0xe6: {  	v6 =	vld [tilespmem:s31+$0x0]  }
.Ltmp6:
0xe7: {  	(pc) =	sbr.rel @p0 .LBB2_15-.Ltmp6, $3  }
0xe8: {  	_ =	sdelay $0x1  }
0xe9: {  	v4 =	vmul.f32 v3, v2;
	v1 =	vmul.f32 v2, v1  }
0xea: {  	v3 =	vmul.f32 v5, v2;
	v2 =	vmul.f32 v6, v2  }
0xeb: {  	[tilespmem:s23+$0x10] =	vst v4  }
0xec: {  	[tilespmem:s23+$0xFFFFFFE0] =	vst v1  }
0xed: {  	[tilespmem:s23+$0xFFFFFFF0] =	vst v3  }
0xee: {  	[tilespmem:s23+$0x0] =	vst v2;
	s23 =	simm.s32 $0x4130  }
0xef: {  	v1 =	vld [tilespmem:s23+$0xFFFFFFF0]  }
0xf0: {  	s1 =	sand.u32 $0x3F, s25;
	s28 =	simm.s32 $0x1;
	s25 =	simm.s32 $0x4130;
	v2 =	vld [tilespmem:s23+$0xFFFFFFE0]  }
.LBB2_17:
0xf1: {  	p0 =	sne.s32 s28, $0x27;
	v3 =	vld.msk [tilespmem:s1+$0x438 ss:$0x0], $0xffff  }
0xf2: {  	v4 =	vld [tilespmem:s23+$0xFFFFFFD0]  }
0xf3: {  	v5 =	vld [tilespmem:s23+$0x0];
	_ =	sdelay $0x3  }
0xf4: {  	v2 =	vmul.f32 v2, v3;
	v4 =	vmul.f32 v3, v4  }
.Ltmp7:
0xf5: {  	v6 =	vmul.f32 v1, v3;
	v3 =	vmul.f32 v5, v3;
	(pc) =	sbr.rel @p0 .LBB2_17-.Ltmp7, $4  }
0xf6: {  	[tilespmem:s23+$0xFFFFFFD0] =	vst v4  }
0xf7: {  	s23 =	sadd.s32 $0x40, s23;
	[tilespmem:s25+$0xFFFFFFE0] =	vst v2  }
0xf8: {  	v1 =	vld [tilespmem:s23+$0xFFFFFFF0];
	[tilespmem:s25+$0xFFFFFFF0] =	vst v6  }
0xf9: {  	s1 =	sand.u32 $0x3F, s28;
	s28 =	sadd.s32 $0x1, s28;
	v2 =	vld [tilespmem:s23+$0xFFFFFFE0];
	[tilespmem:s25+$0x0] =	vst v3;
	s25 =	smov.u32 s23  }
0xfa: {  	v3 =	vld.msk [tilespmem:s1+$0x438 ss:$0x0], $0xffff  }
0xfb: {  	v4 =	vld [tilespmem:s23+$0xFFFFFFD0];
	_ =	sdelay $0x2  }
0xfc: {  	v5 =	vld [tilespmem:s23+$0x0];
	_ =	sdelay $0x1  }
0xfd: {  	v4 =	vmul.f32 v3, v4  }
0xfe: {  	v2 =	vmul.f32 v2, v3  }
0xff: {  	v1 =	vmul.f32 v1, v3;
	[tilespmem:s23+$0xFFFFFFD0] =	vst v4  }
0x100: {  	v3 =	vmul.f32 v5, v3;
	[tilespmem:s25+$0xFFFFFFE0] =	vst v2  }
0x101: {  	[tilespmem:s25+$0xFFFFFFF0] =	vst v1  }
0x102: {  	[tilespmem:s25+$0x0] =	vst v3;
	s25 =	simm.s32 $0x4B30  }
0x103: {  	s23 =	simm.s32 $0x0;
	v1 =	vld [tilespmem:s25+$0xFFFFFFF0]  }
0x104: {  	s31 =	simm.s32 $0x1;
	s28 =	simm.s32 $0x4B30;
	s1 =	sand.u32 $0x3F, s23;
	v2 =	vld [tilespmem:s25+$0xFFFFFFE0]  }
.LBB2_19:
0x105: {  	p0 =	sne.s32 s31, $0x27;
	v3 =	vld.msk [tilespmem:s1+$0x460 ss:$0x0], $0xffff  }
0x106: {  	v4 =	vld [tilespmem:s25+$0xFFFFFFD0]  }
0x107: {  	v5 =	vld [tilespmem:s25+$0x0];
	_ =	sdelay $0x3  }
0x108: {  	v2 =	vmul.f32 v2, v3;
	v4 =	vmul.f32 v3, v4  }
.Ltmp8:
0x109: {  	v6 =	vmul.f32 v1, v3;
	v3 =	vmul.f32 v5, v3;
	(pc) =	sbr.rel @p0 .LBB2_19-.Ltmp8, $4  }
0x10a: {  	[tilespmem:s25+$0xFFFFFFD0] =	vst v4  }
0x10b: {  	s25 =	sadd.s32 $0x40, s25;
	[tilespmem:s28+$0xFFFFFFE0] =	vst v2  }
0x10c: {  	v1 =	vld [tilespmem:s25+$0xFFFFFFF0];
	[tilespmem:s28+$0xFFFFFFF0] =	vst v6  }
0x10d: {  	s1 =	sand.u32 $0x3F, s31;
	s31 =	sadd.s32 $0x1, s31;
	v2 =	vld [tilespmem:s25+$0xFFFFFFE0];
	[tilespmem:s28+$0x0] =	vst v3;
	s28 =	smov.u32 s25  }
0x10e: {  	v3 =	vld.msk [tilespmem:s1+$0x460 ss:$0x0], $0xffff  }
0x10f: {  	v4 =	vld [tilespmem:s25+$0xFFFFFFD0];
	_ =	sdelay $0x2  }
0x110: {  	v5 =	vld [tilespmem:s25+$0x0];
	_ =	sdelay $0x1  }
0x111: {  	v4 =	vmul.f32 v3, v4  }
0x112: {  	v2 =	vmul.f32 v2, v3  }
0x113: {  	v1 =	vmul.f32 v1, v3;
	[tilespmem:s25+$0xFFFFFFD0] =	vst v4  }
0x114: {  	v3 =	vmul.f32 v5, v3;
	[tilespmem:s28+$0xFFFFFFE0] =	vst v2  }
0x115: {  	[tilespmem:s28+$0xFFFFFFF0] =	vst v1  }
0x116: {  	s25 =	simm.s32 $0x5530;
	[tilespmem:s28+$0x0] =	vst v3  }
0x117: {  	v1 =	vld [tilespmem:s25+$0xFFFFFFF0]  }
0x118: {  	s1 =	sand.u32 $0x3F, s23;
	s23 =	simm.s32 $0x5530;
	s28 =	simm.s32 $0x1;
	v2 =	vld [tilespmem:s25+$0xFFFFFFE0]  }
.LBB2_21:
0x119: {  	p0 =	sne.s32 s28, $0x27;
	v3 =	vld.msk [tilespmem:s1+$0x488 ss:$0x0], $0xffff  }
0x11a: {  	v4 =	vld [tilespmem:s25+$0xFFFFFFD0]  }
0x11b: {  	v5 =	vld [tilespmem:s25+$0x0];
	_ =	sdelay $0x3  }
0x11c: {  	v2 =	vmul.f32 v2, v3;
	v4 =	vmul.f32 v3, v4  }
.Ltmp9:
0x11d: {  	v6 =	vmul.f32 v1, v3;
	v3 =	vmul.f32 v5, v3;
	(pc) =	sbr.rel @p0 .LBB2_21-.Ltmp9, $4  }
0x11e: {  	[tilespmem:s25+$0xFFFFFFD0] =	vst v4  }
0x11f: {  	s25 =	sadd.s32 $0x40, s25;
	[tilespmem:s23+$0xFFFFFFE0] =	vst v2  }
0x120: {  	v1 =	vld [tilespmem:s25+$0xFFFFFFF0];
	[tilespmem:s23+$0xFFFFFFF0] =	vst v6  }
0x121: {  	s1 =	sand.u32 $0x3F, s28;
	s28 =	sadd.s32 $0x1, s28;
	v2 =	vld [tilespmem:s25+$0xFFFFFFE0];
	[tilespmem:s23+$0x0] =	vst v3;
	s23 =	smov.u32 s25  }
0x122: {  	v3 =	vld.msk [tilespmem:s1+$0x488 ss:$0x0], $0xffff  }
0x123: {  	v4 =	vld [tilespmem:s25+$0xFFFFFFD0];
	_ =	sdelay $0x2  }
0x124: {  	v5 =	vld [tilespmem:s25+$0x0];
	_ =	sdelay $0x1  }
0x125: {  	v4 =	vmul.f32 v3, v4  }
0x126: {  	v2 =	vmul.f32 v2, v3  }
0x127: {  	v1 =	vmul.f32 v1, v3;
	[tilespmem:s25+$0xFFFFFFD0] =	vst v4  }
0x128: {  	v3 =	vmul.f32 v5, v3;
	[tilespmem:s23+$0xFFFFFFE0] =	vst v2  }
0x129: {  	[tilespmem:s23+$0xFFFFFFF0] =	vst v1  }
0x12a: {  	[tilespmem:s23+$0x0] =	vst v3;
	s23 =	simm.s32 $0x5F30  }
0x12b: {  	s25 =	simm.s32 $0x0;
	v1 =	vld [tilespmem:s23+$0xFFFFFFF0]  }
0x12c: {  	s28 =	simm.s32 $0x1;
	s31 =	sand.u32 $0x3F, s25;
	s25 =	simm.s32 $0x5F30;
	v2 =	vld [tilespmem:s23+$0xFFFFFFE0]  }
.LBB2_23:
0x12d: {  	p0 =	sne.s32 s28, $0x27;
	v3 =	vld.msk [tilespmem:s31+$0x4B0 ss:$0x0], $0xffff  }
0x12e: {  	v4 =	vld [tilespmem:s23+$0xFFFFFFD0]  }
0x12f: {  	v5 =	vld [tilespmem:s23+$0x0];
	_ =	sdelay $0x3  }
0x130: {  	v2 =	vmul.f32 v2, v3;
	v4 =	vmul.f32 v3, v4  }
.Ltmp10:
0x131: {  	v6 =	vmul.f32 v1, v3;
	v3 =	vmul.f32 v5, v3;
	(pc) =	sbr.rel @p0 .LBB2_23-.Ltmp10, $4  }
0x132: {  	[tilespmem:s23+$0xFFFFFFD0] =	vst v4  }
0x133: {  	s23 =	sadd.s32 $0x40, s23;
	[tilespmem:s25+$0xFFFFFFE0] =	vst v2  }
0x134: {  	v1 =	vld [tilespmem:s23+$0xFFFFFFF0];
	[tilespmem:s25+$0xFFFFFFF0] =	vst v6  }
0x135: {  	s31 =	sand.u32 $0x3F, s28;
	s28 =	sadd.s32 $0x1, s28;
	v2 =	vld [tilespmem:s23+$0xFFFFFFE0];
	[tilespmem:s25+$0x0] =	vst v3;
	s25 =	smov.u32 s23  }
0x136: {  	v3 =	vld.msk [tilespmem:s31+$0x4B0 ss:$0x0], $0xffff  }
0x137: {  	v4 =	vld [tilespmem:s23+$0xFFFFFFD0];
	_ =	sdelay $0x2  }
0x138: {  	v5 =	vld [tilespmem:s23+$0x0];
	_ =	sdelay $0x1  }
0x139: {  	v4 =	vmul.f32 v3, v4  }
0x13a: {  	v2 =	vmul.f32 v2, v3  }
0x13b: {  	v1 =	vmul.f32 v1, v3;
	[tilespmem:s23+$0xFFFFFFD0] =	vst v4  }
0x13c: {  	v3 =	vmul.f32 v5, v3;
	[tilespmem:s25+$0xFFFFFFE0] =	vst v2  }
0x13d: {  	[tilespmem:s25+$0xFFFFFFF0] =	vst v1  }
0x13e: {  	[tilespmem:s25+$0x0] =	vst v3  }
0x13f: {  	[spmem:s3] =	stream.indirect.scatter.add.f32 [tilespmem:s30], [sflag:$0x3], $0x40, s17, s20, $0xb8;
	[tilespmem:$0x1A900] =	vst v63  }
0x140: {  	s1 =	simm.s32 $0x280  }
0x141: {  	[spmem:s3] =	stream.indirect.scatter.add.f32 [tilespmem:s0], [sflag:$0x3], $0x40, s1, s20, $0xb8;
	[tilespmem:$0x1A900] =	vst v63  }
0x142: {  	s28 =	simm.s32 $0x2A8  }
0x143: {  	[spmem:s3] =	stream.indirect.scatter.add.f32 [tilespmem:s10], [sflag:$0x3], $0x40, s28, s20, $0xb8;
	[tilespmem:$0x1A900] =	vst v63  }
0x144: {  	s31 =	simm.s32 $0x2D0  }
0x145: {  	[spmem:s3] =	stream.indirect.scatter.add.f32 [tilespmem:s4], [sflag:$0x3], $0x40, s31, s20, $0xb8;
	[tilespmem:$0x1A900] =	vst v63  }
0x146: {  	s18 =	sadd.s32 $0x1, s18  }
0x147: {  	[spmem:s3] =	stream.indirect.scatter.add.f32 [tilespmem:s8], [sflag:$0x3], $0x40, s11, s20, $0xb8;
	[tilespmem:$0x1A900] =	vst v63  }
0x148: {  	p0 =	sne.s32 s18, $0x19;
	_ =	swait.ge [sflag:s12], $0x3200  }
.Ltmp11:
0x149: {  	[sflag:s12] =	ssyncset.done $0x0;
	(pc) =	sbr.rel @p0 .LBB2_4-.Ltmp11, $4  }
0x14a: {  	[sflag:s12] =	ssyncadd.s32 $0xFFFFCE00  }
0x14b: {  	_ =	swait.ge [sflag:s12], $0x3200  }
0x14c: {  	[sflag:s12] =	ssyncset.done $0x0  }
0x14d: {  	[sflag:s12] =	ssyncadd.s32 $0xFFFFCE00  }
0x14e: {  	[bflag:$0x0] =	sbarrier.arrive $0xFFFF  }
0x14f: {  	s28 =	simm.s32 $0x6900;
	s31 =	simm.s32 $0x4;
	s25 =	rddreg [dreg:$0x4]  }
0x150: {  	[tilespmem:s28], [sflag:$0x4] =	stream.linear.gather [spmem:s25], $0xA000, $0x38;
	[tilespmem:$0x1A900] =	vst v63  }
0x151: {  	_ =	swait.ge [sflag:s31], $0xA000  }
0x152: {  	[sflag:s31] =	ssyncset.done $0x0  }
0x153: {  	s15 =	simm.s32 $0x0;
	s1 =	rddreg [dreg:$0x5];
	[sflag:s31] =	ssyncadd.s32 $0xFFFF6000  }
0x154: {  	[hbm4b:s1+s15] =	stream.linear.scatter [tilespmem:s28], [sflag:$0x4], $0xA000, $0x38;
	[tilespmem:$0x1A900] =	vst v63  }
0x155: {  	_ =	swait.ge [sflag:s31], $0xA000  }
0x156: {  	s18 =	rddreg [dreg:$0x7]  }
0x157: {  	s23 =	rddreg [dreg:$0x6];
	s18 =	sadd.s32 $0x1, s18  }
0x158: {  	p0 =	sne.s32 s18, s23  }
.Ltmp12:
0x159: {  	_ = 	snop;
	(pc) =	sbr.rel @p0 .LBB2_1-.Ltmp12, $3  }
0x15a: {  	_ =	sdelay $0x1  }
0x15b: {  	[sflag:s31] =	ssyncset.done $0x0  }
0x15c: {  	[sflag:s31] =	ssyncadd.s32 $0xFFFF6000  }
0x15d: {  	_ =	sfence.sel $0x180000  }
0x15e: {  	[bflag:$0x0] =	sbarrier.arrive $0xFFFF  }
0x15f: {  	_ =	strace $0x9000004A  }
0x160: {  	s0 =	stileid.u32;
	[bflag:$0x2] =	sbarrier.arrive $0xFFFF  }
0x161: {  	p0 =	sne.s32 s0, $0x0;
	s0 =	rddreg [dreg:$0x3]  }
0x162: {  	s0 =	sadd.s32 @!p0 $0x100000, s0  }
0x163: {  	[sflag:s0] =	ssyncadd.tile.s32 @!p0 $0x1;
	_ =	shalt  }
.Lfunc_end2:
_tile_overlayer_lowered:
.L_overlay_start_2:
0x164: {  	(tag) =	ssettag $0x2  }
0x165: {  	s0 =	rddreg [dreg:$0x0];
	s2 =	stileid.u32  }
0x166: {  	s1 =	rddreg [dreg:$0x1];
	p0 =	sne.s32 s2, $0x0  }
0x167: {  	s3 =	rddreg [dreg:$0x2];
	[bflag:$0x3] =	sbarrier.arrive $0xFFFF;
	s2 =	simm.s32 @!p0 $0x1C04  }
0x168: {  	[timem:s3], [sflag:s2] =	dma.local @!p0 [hbm:s0], s1  }
0x169: {  	s0 =	simm.s32 @!p0 $0x4  }
0x16a: {  	_ =	swait.ge @!p0 [sflag:s0], s1  }
0x16b: {  	s1 =	ssub.s32 @!p0 $0x0, s1;
	[sflag:s0] =	ssyncset.done @!p0 $0x0  }
0x16c: {  	[sflag:s0] =	ssyncadd.s32 @!p0 s1  }
0x16d: {  	[bflag:$0x3] =	sbarrier.arrive $0xFFFF  }
0x16e: {  	_ =	shalt  }

// kernel: kernel.14.cloned.1.call-start
scs
__scs_entry_jumppad:
0x0: {  	(pc) =	sbr.rel $0x88, $3  }
0x1: {  	(tag) =	ssettag $0x0;
	lr =	simm.s32 $0x1  }
0x2: {  	[smem:$0x3F92] =	sst lr;
	_ =	strace $0xD0000000  }
0x3: {  	_ = 	snop  }
0x4: {  	_ = 	snop  }
0x5: {  	_ = 	snop  }
0x6: {  	_ = 	snop  }
0x7: {  	_ = 	snop  }
__scs_overlays_trampoline_lowered:
0x8: {  	[smem:$0x3FA1] =	sst s0  }
0x9: {  	[smem:$0x3FA2] =	sst s1  }
0xa: {  	[smem:$0x3FA3] =	sst s2  }
0xb: {  	[smem:$0x3FA4] =	sst s3  }
0xc: {  	[smem:$0x3FA5] =	sst s4  }
0xd: {  	[smem:$0x3FA6] =	sst s5  }
0xe: {  	[smem:$0x3FA7] =	sst s6  }
0xf: {  	[smem:$0x3FA8] =	sst s7  }
0x10: {  	[smem:$0x3FA9] =	sst s8  }
0x11: {  	[smem:$0x3FAA] =	sst s9;
	s0 =	simm.s32 @!p0 $0x0  }
0x12: {  	s1 =	sld [smem:$0x3F90];
	s0 =	simm.s32 @p0 $0x1  }
0x13: {  	[smem:$0x3FAB] =	sst s0;
	s0 =	simm.s32 @!p1 $0x0  }
0x14: {  	s2 =	sld [smem:$0x3F8F];
	s0 =	simm.s32 @p1 $0x1  }
0x15: {  	[smem:$0x3FAC] =	sst s0;
	s0 =	simm.s32 @!p2 $0x0  }
0x16: {  	s3 =	sld [smem:$0x3FDB];
	s0 =	simm.s32 @p2 $0x1  }
0x17: {  	s4 =	simm.s32 $0x1BF5;
	[smem:$0x3FAE] =	sst s0  }
0x18: {  	s0 =	sld [smem:$0x3F91];
	_ =	swait.ge [sflag:s4], $0x0  }
0x19: {  	s7 =	sld [smem:$0x3F92]  }
0x1a: {  	s8 =	sadd.s32 $0xFFFFE003, lr  }
0x1b: {  	s9 =	sadd.s32 $0xFFFFFEF7, lr;
	s5 =	simm.s32 $0xFFFFFFFF;
	p2 =	slt.u32 s8, $0xFFFFF086  }
0x1c: {  	p1 =	slt.u32 s9, $0xF7A;
	s5 =	simm.s32 @!p2 $0x0  }
0x1d: {  	s5 =	simm.s32 @p1 $0x1;
	p0 =	seq.s32 s7, s2  }
0x1e: {  	s7 =	smul.u32 @!p0 $0xF7A, s2;
	p2 =	seq.s32 @!p0 s5, $0x0  }
0x1f: {  	s9 =	smul.u32 $0xF7A, s1;
	s8 =	simm.s32 @!p0 $0x1BF5;
	p2 =	por !p2, p0  }
0x20: {  	[sflag:s8] =	ssyncset.s32 @!p0 $0xFFFFF086;
	s6 =	sadd.s32 @!p0 s3, s7;
	s7 =	simm.s32 @!p0 $0x108  }
0x21: {  	s3 =	sadd.s32 s3, s9;
	s6 =	sadd.s32 @!p0 $0x88, s6;
	s7 =	simm.s32 @p2 $0x1082  }
0x22: {  	[simem:s7], [sflag:s8] =	dma.local @!p0 [hbm:s6], $0xF7A  }
0x23: {  	s9 =	sor.u32 $0xD0000000, s2;
	s6 =	simm.s32 $0x108;
	_ =	swait.ge @!p0 [sflag:s8], $0x0  }
0x24: {  	s3 =	sadd.s32 $0x88, s3;
	s6 =	simm.s32 @!p1 $0x1082;
	[sflag:s4] =	ssyncset.s32 $0xFFFFF086  }
0x25: {  	[simem:s6], [sflag:s4] =	dma.local [hbm:s3], $0xF7A  }
0x26: {  	[smem:$0x3F92] =	sst s1;
	(tag) =	ssettag s2;
	_ =	strace s9  }
0x27: {  	s1 =	sld [smem:$0x3FA2]  }
0x28: {  	s2 =	sld [smem:$0x3FA3]  }
0x29: {  	s4 =	sld [smem:$0x3FA5]  }
0x2a: {  	p0 =	seq.s32 s5, $0x0;
	s5 =	sld [smem:$0x3FA6]  }
0x2b: {  	s6 =	sld [smem:$0x3FA7]  }
0x2c: {  	s7 =	sld [smem:$0x3FA8]  }
0x2d: {  	s3 =	simm.s32 $0x108;
	s8 =	sld [smem:$0x3FA9]  }
0x2e: {  	s3 =	simm.s32 @!p0 $0x1082;
	s9 =	sld [smem:$0x3FAA]  }
0x2f: {  	lr =	sadd.s32 s0, s3;
	s0 =	sld [smem:$0x3FA1]  }
0x30: {  	s3 =	sld [smem:$0x3FA4]  }
0x31: {  	[smem:$0x3FAD] =	sst s10  }
0x32: {  	s10 =	sld [smem:$0x3FAB];
	_ =	sdelay $0x3  }
0x33: {  	p0 =	seq.s32 s10, $0x1;
	s10 =	sld [smem:$0x3FAD];
	_ =	sdelay $0x3  }
0x34: {  	[smem:$0x3FAD] =	sst s10  }
0x35: {  	s10 =	sld [smem:$0x3FAC];
	_ =	sdelay $0x3  }
0x36: {  	p1 =	seq.s32 s10, $0x1;
	s10 =	sld [smem:$0x3FAD];
	_ =	sdelay $0x3  }
0x37: {  	[smem:$0x3FAD] =	sst s10  }
0x38: {  	s10 =	sld [smem:$0x3FAE]  }
0x39: {  	_ = 	snop;
	(pc) =	sbr.ind lr, $3  }
0x3a: {  	_ = 	snop  }
0x3b: {  	_ = 	snop  }
0x3c: {  	p2 =	seq.s32 s10, $0x1;
	s10 =	sld [smem:$0x3FAD]  }
0x3d: {  	_ =	shalt  }
0x3e: {  	_ =	shalt  }
0x3f: {  	_ =	shalt  }
0x40: {  	_ =	shalt  }
0x41: {  	_ =	shalt  }
0x42: {  	_ =	shalt  }
0x43: {  	_ =	shalt  }
0x44: {  	_ =	shalt  }
0x45: {  	_ =	shalt  }
0x46: {  	_ =	shalt  }
0x47: {  	_ =	shalt  }
0x48: {  	_ =	shalt  }
0x49: {  	_ =	shalt  }
0x4a: {  	_ =	shalt  }
0x4b: {  	_ =	shalt  }
0x4c: {  	_ =	shalt  }
0x4d: {  	_ =	shalt  }
0x4e: {  	_ =	shalt  }
0x4f: {  	_ =	shalt  }
0x50: {  	_ =	shalt  }
0x51: {  	_ =	shalt  }
0x52: {  	_ =	shalt  }
0x53: {  	_ =	shalt  }
0x54: {  	_ =	shalt  }
0x55: {  	_ =	shalt  }
0x56: {  	_ =	shalt  }
0x57: {  	_ =	shalt  }
0x58: {  	_ =	shalt  }
0x59: {  	_ =	shalt  }
0x5a: {  	_ =	shalt  }
0x5b: {  	_ =	shalt  }
0x5c: {  	_ =	shalt  }
0x5d: {  	_ =	shalt  }
0x5e: {  	_ =	shalt  }
0x5f: {  	_ =	shalt  }
0x60: {  	_ =	shalt  }
0x61: {  	_ =	shalt  }
0x62: {  	_ =	shalt  }
0x63: {  	_ =	shalt  }
0x64: {  	_ =	shalt  }
0x65: {  	_ =	shalt  }
0x66: {  	_ =	shalt  }
0x67: {  	_ =	shalt  }
0x68: {  	_ =	shalt  }
0x69: {  	_ =	shalt  }
0x6a: {  	_ =	shalt  }
0x6b: {  	_ =	shalt  }
0x6c: {  	_ =	shalt  }
0x6d: {  	_ =	shalt  }
0x6e: {  	_ =	shalt  }
0x6f: {  	_ =	shalt  }
0x70: {  	_ =	shalt  }
0x71: {  	_ =	shalt  }
0x72: {  	_ =	shalt  }
0x73: {  	_ =	shalt  }
0x74: {  	_ =	shalt  }
0x75: {  	_ =	shalt  }
0x76: {  	_ =	shalt  }
0x77: {  	_ =	shalt  }
0x78: {  	_ =	shalt  }
0x79: {  	_ =	shalt  }
0x7a: {  	_ =	shalt  }
0x7b: {  	_ =	shalt  }
0x7c: {  	_ =	shalt  }
0x7d: {  	_ =	shalt  }
0x7e: {  	_ =	shalt  }
0x7f: {  	_ =	shalt  }
0x80: {  	_ =	shalt  }
0x81: {  	_ =	shalt  }
0x82: {  	_ =	shalt  }
0x83: {  	_ =	shalt  }
0x84: {  	_ =	shalt  }
0x85: {  	_ =	shalt  }
0x86: {  	_ =	shalt  }
0x87: {  	_ =	shalt  }
.Lfunc_end0:
.L_simem_size_0:
called_computation.2_lowered:
.L_overlay_start_0:
0x88: {  	s2 =	sld [smem:$0x3FD9]  }
0x89: {  	s3 =	sld [smem:$0x3FFE];
	_ =	sdelay $0x1  }
0x8a: {  	s1 =	srdreg.scid  }
0x8b: {  	s0 =	sand.u32 $0x1, s1  }
0x8c: {  	s17 =	sshll.u32 s0, $0xA;
	s2 =	sadd.s32 s3, s2  }
0x8d: {  	s2 =	sadd.s32 s2, s17  }
0x8e: {  	[smem:$0x3FB9] =	sst s2  }
0x8f: {  	_ = 	snop  }
0x90: {  	s2 =	sld [smem:$0x3FC7];
	(tm) =	ssettm $0x1  }
0x91: {  	s18 =	sld [smem:$0x3FFB];
	_ =	sdelay $0x3  }
0x92: {  	_ =	strace s18  }
0x93: {  	s3 =	sld [smem:$0x3FFC];
	_ =	sdelay $0x3  }
0x94: {  	_ =	strace s3  }
0x95: {  	s3 =	sld [smem:$0x3FFD];
	_ =	sdelay $0x3  }
0x96: {  	_ =	strace s3  }
0x97: {  	_ =	strace $0x8FFFFFFF  }
0x98: {  	s19 =	sld [smem:$0x3FDB];
	_ =	sdelay $0x1  }
0x99: {  	s4 =	simm.s32 $_scs_section_size  }
0x9a: {  	s5 =	simm.s32 $_size__tile_overlayer_lowered;
	s6 =	simm.s32 $_tile_overlayer_lowered  }
0x9b: {  	s22 =	simm.s32 $0x1BFF;
	s21 =	sshll.u32 s6, $0x1;
	s3 =	sadd.s32 s4, s19  }
0x9c: {  	s7 =	simm.s32 $0x0;
	s20 =	sshll.u32 s5, $0x1;
	s5 =	sadd.s32 s21, s3  }
0x9d: {  	[timem:s7], [sflag:s22] =	dma.local [hbm:s5], s20  }
0x9e: {  	_ =	swait.ge [sflag:s22], s20  }
0x9f: {  	s4 =	ssub.s32 $0x0, s20;
	[sflag:s22] =	ssyncset.done $0x0  }
0xa0: {  	[sflag:s22] =	ssyncadd.s32 s4;
	_ =	sdelay $0x1  }
0xa1: {  	s23 =	simm.s32 $0x1B8B  }
0xa2: {  	_ =	swait.ge [sflag:s23], $0x1  }
0xa3: {  	[sflag:s23] =	ssyncset.done $0x0  }
0xa4: {  	s25 =	simm.s32 $0x1B8E;
	s24 =	sld [smem:$0x3FFE];
	[sflag:s23] =	ssyncadd.s32 $0xFFFFFFFF  }
0xa5: {  	s26 =	simm.s32 $execute0_lowered;
	[smem:$0x3FD2] =	sst s25  }
0xa6: {  	s5 =	sshll.u32 s26, $0x1;
	_ =	strace $0x8000004C;
	[dreg:$0x1] =	wrdreg $0xFFFFFFFF  }
0xa7: {  	s28 =	simm.s32 $_size_execute0_lowered;
	s3 =	sadd.s32 s3, s5;
	[dreg:$0x0] =	wrdreg $0x0  }
0xa8: {  	s5 =	sshll.u32 s28, $0x1;
	[dreg:$0x2] =	wrdreg s3  }
0xa9: {  	[dreg:$0x3] =	wrdreg s5  }
0xaa: {  	[dreg:$0x4] =	wrdreg $0xC0  }
0xab: {  	_ =	task [dreg:s7], $0x5FFFF  }
0xac: {  	[dreg:$0x1] =	wrdreg $0xFFFFFFFF  }
0xad: {  	[dreg:$0x0] =	wrdreg $0x60  }
0xae: {  	[dreg:$0x2] =	wrdreg s24  }
0xaf: {  	[dreg:$0x3] =	wrdreg s2  }
0xb0: {  	[dreg:$0x4] =	wrdreg $0x109000  }
0xb1: {  	[dreg:$0x5] =	wrdreg $0x9  }
0xb2: {  	_ =	task.clear_ibuf [dreg:s7], $0x6FFFF;
	_ =	strace $0x9000004C  }
0xb3: {  	s29 =	simm.s32 $0x9;
	_ =	strace $0x8000004E  }
0xb4: {  	_ =	swait.ge [sflag:s29], $0x1  }
0xb5: {  	[sflag:s29] =	ssyncadd.s32 $0xFFFFFFFF  }
0xb6: {  	_ =	strace $0x9000004E  }
0xb7: {  	_ =	sfence  }
0xb8: {  	s30 =	sld [smem:$0x0];
	_ =	sdelay $0x2  }
0xb9: {  	s31 =	sshll.u32 s1, $0xD;
	s1 =	sshrl.u32 s1, $0x2  }
0xba: {  	s3 =	sand.u32 $0x4000, s31;
	s1 =	sadd.s32 s1, s30  }
0xbb: {  	s0 =	sor.u32 s3, s0;
	s1 =	sshll.u32 s1, $0x11  }
0xbc: {  	s0 =	sor.u32 s1, s0  }
0xbd: {  	s0 =	sadd.s32 $0x8F2B, s0  }
0xbe: {  	[sflag:s0] =	ssyncadd.remote.s32 $0x1  }
0xbf: {  	_ =	sfence.sel $0xFFFF  }
0xc0: {  	[dreg:$0x0] =	wrdreg $0xFFFFFFFF;
	(pc) =	sbr.abs _section_cstart, $3  }
0xc1: {  	[dreg:$0x1] =	wrdreg $0xFFFFFFFF  }
0xc2: {  	_ =	task.clear_ibuf [dreg:s7], $0x2FFFF;
	_ =	strace $0x9FFFFFFF  }
0xc3: {  	(tm) =	ssettm $0x7FFFFFFF  }
tec
execute0_lowered:
.L_overlay_start_1:
0x0: {  	(tag) =	ssettag $0x1  }
0x1: {  	s0 =	rddreg [dreg:$0x0]  }
0x2: {  	s2 =	rddreg [dreg:$0x1]  }
0x3: {  	s3 =	rddreg [dreg:$0x2]  }
0x4: {  	s1 =	srdreg.scid;
	s10 =	stileid.u32  }
0x5: {  	s15 =	simm.s32 $0x0;
	s28 =	simm.s32 $0x6900;
	s31 =	simm.s32 $0x4  }
0x6: {  	s14 =	simm.s32 $0x190;
	s16 =	simm.s32 $0xC8;
	s17 =	simm.s32 $0x258  }
0x7: {  	s19 =	simm.s32 $0x1;
	s20 =	simm.s32 $0x28;
	s21 =	simm.s32 $0x500  }
0x8: {  	s22 =	simm.s32 $0xF00;
	s24 =	simm.s32 $0x1900;
	s29 =	simm.s32 $0x2D00  }
0x9: {  	s30 =	simm.s32 $0x3700;
	s13 =	simm.s32 $0x2;
	s11 =	simm.s32 $0x2F8  }
0xa: {  	s12 =	simm.s32 $0x3;
	s1 =	sand.u32 $0x1, s1;
	s4 =	smul.u32 $0xA000, s10  }
0xb: {  	s18 =	simm.s32 $0x0;
	[smem:$0x7FF] =	sst s15;
	s8 =	smul.u32 $0xA0000, s1  }
0xc: {  	s5 =	sadd.s32 $0x3E600, s0;
	s6 =	sadd.s32 $0x2A00, s0;
	s7 =	sadd.s32 $0xC800, s0  }
0xd: {  	s10 =	sshll.u32 s10, $0x1;
	_ =	strace $0x8000004D;
	s8 =	sadd.s32 s4, s8  }
0xe: {  	s9 =	ssub.s32 $0x2, s1;
	s1 =	sor.u32 s1, s10;
	s8 =	sshrl.u32 s8, $0x3  }
0xf: {  	s10 =	simm.s32 $0x4B00;
	s25 =	sshrl.u32 s9, $0x1;
	s0 =	sadd.s32 s8, s0  }
0x10: {  	s8 =	ssub.s32 s9, s25;
	s25 =	sadd.s32 s4, s3;
	s9 =	smul.u32 $0xFA, s1  }
0x11: {  	s4 =	simm.s32 $0x5500;
	s0 =	sadd.s32 $0x52600, s0;
	[dreg:$0x4] =	wrdreg s25  }
0x12: {  	s26 =	smax.u32 s8, $0x1;
	s8 =	simm.s32 $0x5F00;
	[dreg:$0x5] =	wrdreg s0  }
0x13: {  	v0 =	vimm.f32 $0.0e+00;
	[dreg:$0x6] =	wrdreg s26;
	s26 =	simm.s32 $0x2300;
	s0 =	simm.s32 $0x4100  }
.LBB2_1:
0x14: {  	s1 =	sand.u32 $0x3FF00, s15  }
0x15: {  	[dreg:$0x7] =	wrdreg s18;
	s23 =	sand.u32 $0x30, s15;
	s1 =	sshrl.u32 s1, $0x2  }
0x16: {  	s15 =	simm.s32 $0x40;
	s18 =	simm.s32 $0x0;
	s1 =	sor.u32 s23, s1  }
.LBB2_2:
0x17: {  	p0 =	sne.s32 s15, $0x27FC0  }
0x18: {  	[tilespmem:s1+$0x6900] =	vst v0;
	s18 =	sadd.s32 $0x10, s18;
	s1 =	smov.u32 s15;
	s15 =	sadd.s32 $0x40, s15  }
.Ltmp0:
0x19: {  	(pc) =	sbr.rel @p0 .LBB2_2-.Ltmp0, $4  }
0x1a: {  	_ = 	snop  }
0x1b: {  	s1 =	sand.u32 $0x3FF00, s1  }
0x1c: {  	s23 =	sand.u32 $0x30, s18;
	s1 =	sshrl.u32 s1, $0x2  }
0x1d: {  	s1 =	sor.u32 s23, s1  }
0x1e: {  	[tilespmem:s1+$0x6900] =	vst v0  }
0x1f: {  	[spmem:s25] =	stream.linear.scatter [tilespmem:s28], [sflag:$0x4], $0xA000, $0x38;
	[tilespmem:$0x1A900] =	vst v63  }
0x20: {  	_ =	swait.ge [sflag:s31], $0xA000  }
0x21: {  	[sflag:s31] =	ssyncset.done $0x0  }
0x22: {  	[sflag:s31] =	ssyncadd.s32 $0xFFFF6000  }
0x23: {  	s15 =	simm.s32 $0x0;
	s18 =	simm.s32 $0x0;
	[bflag:$0x0] =	sbarrier.arrive $0xFFFF  }
.LBB2_4:
0x24: {  	s1 =	smul.u32 $0xA, s18;
	_ =	sdelay $0x1  }
0x25: {  	s1 =	sadd.s32 s9, s1  }
0x26: {  	s23 =	smul.u32 $0x5, s1;
	_ =	sdelay $0x1  }
0x27: {  	s1 =	smul.u32 $0x28, s1;
	s25 =	sadd.s32 s6, s23  }
0x28: {  	[tilespmem:s15], [sflag:$0x1] =	stream.linear.gather [hbm4b:s25+s15], $0xC8, $0x38;
	[tilespmem:$0x1A900] =	vst v63  }
0x29: {  	s31 =	sadd.s32 s7, s23;
	s1 =	sadd.s32 $0xC8, s1  }
0x2a: {  	[tilespmem:s14], [sflag:$0x1] =	stream.linear.gather [hbm4b:s31+s15], $0xC8, $0x38;
	[tilespmem:$0x1A900] =	vst v63  }
0x2b: {  	s23 =	sadd.s32 s2, s23;
	s1 =	sshrl.u32 s1, $0x3;
	s31 =	simm.s32 $0x320  }
0x2c: {  	[tilespmem:s31], [sflag:$0x1] =	stream.linear.gather [hbm4b:s23+s15], $0xC8, $0x38;
	[tilespmem:$0x1A900] =	vst v63  }
0x2d: {  	s31 =	sadd.s32 s6, s1  }
0x2e: {  	[tilespmem:s16], [sflag:$0x1] =	stream.linear.gather [hbm4b:s31+s15], $0xC8, $0x38;
	[tilespmem:$0x1A900] =	vst v63  }
0x2f: {  	s25 =	sadd.s32 s7, s1  }
0x30: {  	[tilespmem:s17], [sflag:$0x1] =	stream.linear.gather [hbm4b:s25+s15], $0xC8, $0x38;
	[tilespmem:$0x1A900] =	vst v63  }
0x31: {  	s1 =	sadd.s32 s2, s1;
	s31 =	simm.s32 $0x410  }
0x32: {  	[tilespmem:s31], [sflag:$0x1] =	stream.linear.gather [hbm4b:s1+s15], $0xC8, $0x38;
	[tilespmem:$0x1A900] =	vst v63  }
0x33: {  	_ =	swait.ge [sflag:s19], $0xC8  }
0x34: {  	[sflag:s19] =	ssyncset.done $0x0  }
0x35: {  	[sflag:s19] =	ssyncadd.s32 $0xFFFFFF38  }
0x36: {  	_ =	swait.ge [sflag:s19], $0xC8  }
0x37: {  	[sflag:s19] =	ssyncset.done $0x0  }
0x38: {  	[sflag:s19] =	ssyncadd.s32 $0xFFFFFF38  }
0x39: {  	_ =	swait.ge [sflag:s19], $0xC8  }
0x3a: {  	[sflag:s19] =	ssyncset.done $0x0  }
0x3b: {  	[sflag:s19] =	ssyncadd.s32 $0xFFFFFF38  }
0x3c: {  	_ =	swait.ge [sflag:s19], $0xC8  }
0x3d: {  	[sflag:s19] =	ssyncset.done $0x0  }
0x3e: {  	[sflag:s19] =	ssyncadd.s32 $0xFFFFFF38  }
0x3f: {  	_ =	swait.ge [sflag:s19], $0xC8  }
0x40: {  	[sflag:s19] =	ssyncset.done $0x0  }
0x41: {  	[sflag:s19] =	ssyncadd.s32 $0xFFFFFF38  }
0x42: {  	_ =	swait.ge [sflag:s19], $0xC8  }
0x43: {  	[sflag:s19] =	ssyncset.done $0x0  }
0x44: {  	[sflag:s19] =	ssyncadd.s32 $0xFFFFFF38  }
0x45: {  	[tilespmem:s21], [sflag:$0x2] =	stream.indirect.gather [hbm4b:s5+s20], $0x40, s15, s20, $0xb8;
	[tilespmem:$0x1A900] =	vst v63  }
0x46: {  	_ = 	snop  }
0x47: {  	[tilespmem:s22], [sflag:$0x2] =	stream.indirect.gather [hbm4b:s5+s20], $0x40, s20, s20, $0xb8;
	[tilespmem:$0x1A900] =	vst v63  }
0x48: {  	s25 =	simm.s32 $0x50  }
0x49: {  	[tilespmem:s24], [sflag:$0x2] =	stream.indirect.gather [hbm4b:s5+s20], $0x40, s25, s20, $0xb8;
	[tilespmem:$0x1A900] =	vst v63  }
0x4a: {  	s31 =	simm.s32 $0x78  }
0x4b: {  	[tilespmem:s26], [sflag:$0x2] =	stream.indirect.gather [hbm4b:s5+s20], $0x40, s31, s20, $0xb8;
	[tilespmem:$0x1A900] =	vst v63  }
0x4c: {  	s23 =	simm.s32 $0xA0  }
0x4d: {  	[tilespmem:s29], [sflag:$0x2] =	stream.indirect.gather [hbm4b:s5+s20], $0x40, s23, s20, $0xb8;
	[tilespmem:$0x1A900] =	vst v63  }
0x4e: {  	_ = 	snop  }
0x4f: {  	[tilespmem:s30], [sflag:$0x2] =	stream.indirect.gather [hbm4b:s5+s20], $0x40, s16, s20, $0xb8;
	[tilespmem:$0x1A900] =	vst v63  }
0x50: {  	s25 =	simm.s32 $0xF0  }
0x51: {  	[tilespmem:s0], [sflag:$0x2] =	stream.indirect.gather [hbm4b:s5+s20], $0x40, s25, s20, $0xb8;
	[tilespmem:$0x1A900] =	vst v63  }
0x52: {  	s31 =	simm.s32 $0x118  }
0x53: {  	[tilespmem:s10], [sflag:$0x2] =	stream.indirect.gather [hbm4b:s5+s20], $0x40, s31, s20, $0xb8;
	[tilespmem:$0x1A900] =	vst v63  }
0x54: {  	s23 =	simm.s32 $0x140  }
0x55: {  	[tilespmem:s4], [sflag:$0x2] =	stream.indirect.gather [hbm4b:s5+s20], $0x40, s23, s20, $0xb8;
	[tilespmem:$0x1A900] =	vst v63  }
0x56: {  	s25 =	simm.s32 $0x168  }
0x57: {  	[tilespmem:s8], [sflag:$0x2] =	stream.indirect.gather [hbm4b:s5+s20], $0x40, s25, s20, $0xb8;
	[tilespmem:$0x1A900] =	vst v63  }
0x58: {  	_ =	swait.ge [sflag:s13], $0x3200  }
0x59: {  	[sflag:s13] =	ssyncset.done $0x0  }
0x5a: {  	[sflag:s13] =	ssyncadd.s32 $0xFFFFCE00  }
0x5b: {  	_ =	swait.ge [sflag:s13], $0x3200  }
0x5c: {  	[sflag:s13] =	ssyncset.done $0x0  }
0x5d: {  	s23 =	simm.s32 $0x520;
	[sflag:s13] =	ssyncadd.s32 $0xFFFFCE00  }
0x5e: {  	v1 =	vld [tilespmem:s23+$0xFFFFFFF0]  }
0x5f: {  	s31 =	simm.s32 $0x0;
	v3 =	vld [tilespmem:s23+$0x10]  }
0x60: {  	v5 =	vld.msk [tilespmem:s31+$0x320 ss:$0x0], $0xffff  }
0x61: {  	v2 =	vld [tilespmem:s23+$0xFFFFFFE0]  }
0x62: {  	v6 =	vld [tilespmem:s23+$0x0];
	_ =	sdelay $0x3  }
0x63: {  	v2 =	vmul.f32 v5, v2;
	v4 =	vmul.f32 v3, v5  }
0x64: {  	s28 =	simm.s32 $0x520;
	s25 =	simm.s32 $0x4;
	v3 =	vmul.f32 v1, v5;
	v1 =	vmul.f32 v6, v5  }
.LBB2_5:
0x65: {  	p0 =	sne.s32 s25, $0x9C  }
0x66: {  	[tilespmem:s23+$0x10] =	vst v4;
	s28 =	sadd.s32 $0x40, s28;
	s1 =	smov.u32 s25;
	s25 =	sadd.s32 $0x4, s25  }
0x67: {  	[tilespmem:s23+$0xFFFFFFE0] =	vst v2  }
0x68: {  	v5 =	vld [tilespmem:s28+$0xFFFFFFF0];
	[tilespmem:s23+$0xFFFFFFF0] =	vst v3  }
0x69: {  	s1 =	sshra.s32 s1, $0x2;
	v3 =	vld [tilespmem:s28+$0x10];
	[tilespmem:s23+$0x0] =	vst v1;
	s23 =	smov.u32 s28  }
0x6a: {  	v1 =	vld.msk [tilespmem:s1+$0x320 ss:$0x0], $0xffff  }
0x6b: {  	v2 =	vld [tilespmem:s28+$0xFFFFFFE0]  }
0x6c: {  	v6 =	vld [tilespmem:s28+$0x0]  }
.Ltmp1:
0x6d: {  	(pc) =	sbr.rel @p0 .LBB2_5-.Ltmp1, $3  }
0x6e: {  	_ =	sdelay $0x1  }
0x6f: {  	v4 =	vmul.f32 v3, v1;
	v2 =	vmul.f32 v1, v2  }
0x70: {  	v3 =	vmul.f32 v5, v1;
	v1 =	vmul.f32 v6, v1  }
0x71: {  	[tilespmem:s23+$0x10] =	vst v4  }
0x72: {  	[tilespmem:s23+$0xFFFFFFE0] =	vst v2  }
0x73: {  	[tilespmem:s23+$0xFFFFFFF0] =	vst v3  }
0x74: {  	s25 =	simm.s32 $0xF30;
	[tilespmem:s23+$0x0] =	vst v1  }
0x75: {  	s23 =	simm.s32 $0x0;
	v1 =	vld [tilespmem:s25+$0xFFFFFFF0]  }
0x76: {  	s31 =	simm.s32 $0x1;
	s28 =	simm.s32 $0xF30;
	s1 =	sand.u32 $0x3F, s23;
	v2 =	vld [tilespmem:s25+$0xFFFFFFE0]  }
.LBB2_7:
0x77: {  	p0 =	sne.s32 s31, $0x27;
	v3 =	vld.msk [tilespmem:s1+$0x348 ss:$0x0], $0xffff  }
0x78: {  	v4 =	vld [tilespmem:s25+$0xFFFFFFD0]  }
0x79: {  	v5 =	vld [tilespmem:s25+$0x0];
	_ =	sdelay $0x3  }
0x7a: {  	v2 =	vmul.f32 v2, v3;
	v4 =	vmul.f32 v3, v4  }
.Ltmp2:
0x7b: {  	v6 =	vmul.f32 v1, v3;
	v3 =	vmul.f32 v5, v3;
	(pc) =	sbr.rel @p0 .LBB2_7-.Ltmp2, $4  }
0x7c: {  	[tilespmem:s25+$0xFFFFFFD0] =	vst v4  }
0x7d: {  	s25 =	sadd.s32 $0x40, s25;
	[tilespmem:s28+$0xFFFFFFE0] =	vst v2  }
0x7e: {  	v1 =	vld [tilespmem:s25+$0xFFFFFFF0];
	[tilespmem:s28+$0xFFFFFFF0] =	vst v6  }
0x7f: {  	s1 =	sand.u32 $0x3F, s31;
	s31 =	sadd.s32 $0x1, s31;
	v2 =	vld [tilespmem:s25+$0xFFFFFFE0];
	[tilespmem:s28+$0x0] =	vst v3;
	s28 =	smov.u32 s25  }
0x80: {  	v3 =	vld.msk [tilespmem:s1+$0x348 ss:$0x0], $0xffff  }
0x81: {  	v4 =	vld [tilespmem:s25+$0xFFFFFFD0];
	_ =	sdelay $0x2  }
0x82: {  	v5 =	vld [tilespmem:s25+$0x0];
	_ =	sdelay $0x1  }
0x83: {  	v4 =	vmul.f32 v3, v4  }
0x84: {  	v2 =	vmul.f32 v2, v3  }
0x85: {  	v1 =	vmul.f32 v1, v3;
	[tilespmem:s25+$0xFFFFFFD0] =	vst v4  }
0x86: {  	v3 =	vmul.f32 v5, v3;
	[tilespmem:s28+$0xFFFFFFE0] =	vst v2  }
0x87: {  	[tilespmem:s28+$0xFFFFFFF0] =	vst v1  }
0x88: {  	s25 =	simm.s32 $0x1930;
	[tilespmem:s28+$0x0] =	vst v3  }
0x89: {  	v1 =	vld [tilespmem:s25+$0xFFFFFFF0]  }
0x8a: {  	s1 =	sand.u32 $0x3F, s23;
	s23 =	simm.s32 $0x1930;
	s28 =	simm.s32 $0x1;
	v2 =	vld [tilespmem:s25+$0xFFFFFFE0]  }
.LBB2_9:
0x8b: {  	p0 =	sne.s32 s28, $0x27;
	v3 =	vld.msk [tilespmem:s1+$0x370 ss:$0x0], $0xffff  }
0x8c: {  	v4 =	vld [tilespmem:s25+$0xFFFFFFD0]  }
0x8d: {  	v5 =	vld [tilespmem:s25+$0x0];
	_ =	sdelay $0x3  }
0x8e: {  	v2 =	vmul.f32 v2, v3;
	v4 =	vmul.f32 v3, v4  }
.Ltmp3:
0x8f: {  	v6 =	vmul.f32 v1, v3;
	v3 =	vmul.f32 v5, v3;
	(pc) =	sbr.rel @p0 .LBB2_9-.Ltmp3, $4  }
0x90: {  	[tilespmem:s25+$0xFFFFFFD0] =	vst v4  }
0x91: {  	s25 =	sadd.s32 $0x40, s25;
	[tilespmem:s23+$0xFFFFFFE0] =	vst v2  }
0x92: {  	v1 =	vld [tilespmem:s25+$0xFFFFFFF0];
	[tilespmem:s23+$0xFFFFFFF0] =	vst v6  }
0x93: {  	s1 =	sand.u32 $0x3F, s28;
	s28 =	sadd.s32 $0x1, s28;
	v2 =	vld [tilespmem:s25+$0xFFFFFFE0];
	[tilespmem:s23+$0x0] =	vst v3;
	s23 =	smov.u32 s25  }
0x94: {  	v3 =	vld.msk [tilespmem:s1+$0x370 ss:$0x0], $0xffff  }
0x95: {  	v4 =	vld [tilespmem:s25+$0xFFFFFFD0];
	_ =	sdelay $0x2  }
0x96: {  	v5 =	vld [tilespmem:s25+$0x0];
	_ =	sdelay $0x1  }
0x97: {  	v4 =	vmul.f32 v3, v4  }
0x98: {  	v2 =	vmul.f32 v2, v3  }
0x99: {  	v1 =	vmul.f32 v1, v3;
	[tilespmem:s25+$0xFFFFFFD0] =	vst v4  }
0x9a: {  	v3 =	vmul.f32 v5, v3;
	[tilespmem:s23+$0xFFFFFFE0] =	vst v2  }
0x9b: {  	[tilespmem:s23+$0xFFFFFFF0] =	vst v1  }
0x9c: {  	s25 =	simm.s32 $0x2330;
	[tilespmem:s23+$0x0] =	vst v3  }
0x9d: {  	s23 =	simm.s32 $0x0;
	v1 =	vld [tilespmem:s25+$0xFFFFFFF0]  }
0x9e: {  	s31 =	simm.s32 $0x1;
	s28 =	simm.s32 $0x2330;
	s1 =	sand.u32 $0x3F, s23;
	v2 =	vld [tilespmem:s25+$0xFFFFFFE0]  }
.LBB2_11:
0x9f: {  	p0 =	sne.s32 s31, $0x27;
	v3 =	vld.msk [tilespmem:s1+$0x398 ss:$0x0], $0xffff  }
0xa0: {  	v4 =	vld [tilespmem:s25+$0xFFFFFFD0]  }
0xa1: {  	v5 =	vld [tilespmem:s25+$0x0];
	_ =	sdelay $0x3  }
0xa2: {  	v2 =	vmul.f32 v2, v3;
	v4 =	vmul.f32 v3, v4  }
.Ltmp4:
0xa3: {  	v6 =	vmul.f32 v1, v3;
	v3 =	vmul.f32 v5, v3;
	(pc) =	sbr.rel @p0 .LBB2_11-.Ltmp4, $4  }
0xa4: {  	[tilespmem:s25+$0xFFFFFFD0] =	vst v4  }
0xa5: {  	s25 =	sadd.s32 $0x40, s25;
	[tilespmem:s28+$0xFFFFFFE0] =	vst v2  }
0xa6: {  	v1 =	vld [tilespmem:s25+$0xFFFFFFF0];
	[tilespmem:s28+$0xFFFFFFF0] =	vst v6  }
0xa7: {  	s1 =	sand.u32 $0x3F, s31;
	s31 =	sadd.s32 $0x1, s31;
	v2 =	vld [tilespmem:s25+$0xFFFFFFE0];
	[tilespmem:s28+$0x0] =	vst v3;
	s28 =	smov.u32 s25  }
0xa8: {  	v3 =	vld.msk [tilespmem:s1+$0x398 ss:$0x0], $0xffff  }
0xa9: {  	v4 =	vld [tilespmem:s25+$0xFFFFFFD0];
	_ =	sdelay $0x2  }
0xaa: {  	v5 =	vld [tilespmem:s25+$0x0];
	_ =	sdelay $0x1  }
0xab: {  	v4 =	vmul.f32 v3, v4  }
0xac: {  	v2 =	vmul.f32 v2, v3  }
0xad: {  	v1 =	vmul.f32 v1, v3;
	[tilespmem:s25+$0xFFFFFFD0] =	vst v4  }
0xae: {  	v3 =	vmul.f32 v5, v3;
	[tilespmem:s28+$0xFFFFFFE0] =	vst v2  }
0xaf: {  	s25 =	sand.u32 $0x3F, s23;
	[tilespmem:s28+$0xFFFFFFF0] =	vst v1  }
0xb0: {  	[tilespmem:s28+$0x0] =	vst v3;
	s1 =	sor.u32 $0x3C0, s25  }
0xb1: {  	s25 =	simm.s32 $0x2D30;
	v2 =	vld.msk [tilespmem:s1+$0x0 ss:$0x0], $0xffff  }
0xb2: {  	v1 =	vld [tilespmem:s25+$0xFFFFFFD0]  }
0xb3: {  	v3 =	vld [tilespmem:s25+$0xFFFFFFE0]  }
0xb4: {  	v4 =	vld [tilespmem:s25+$0xFFFFFFF0]  }
0xb5: {  	v63 =	vld [tilespmem:s25+$0x0];
	_ =	sdelay $0x1  }
0xb6: {  	v1 =	vmul.f32 v2, v1  }
0xb7: {  	v3 =	vmul.f32 v3, v2  }
0xb8: {  	v4 =	vmul.f32 v4, v2;
	[tilespmem:s25+$0xFFFFFFD0] =	vst v1  }
0xb9: {  	s31 =	simm.s32 $0x1;
	s23 =	simm.s32 $0x2D70;
	v2 =	vmul.f32 v63, v2;
	[tilespmem:s25+$0xFFFFFFE0] =	vst v3  }
0xba: {  	s28 =	simm.s32 $0x2;
	s1 =	sand.u32 $0x3F, s31;
	v1 =	vld [tilespmem:s23+$0xFFFFFFF0];
	[tilespmem:s25+$0xFFFFFFF0] =	vst v4  }
.LBB2_13:
0xbb: {  	p0 =	sne.s32 s28, $0x27;
	s1 =	sor.u32 $0x3C0, s1;
	v3 =	vld [tilespmem:s23+$0xFFFFFFE0];
	[tilespmem:s25+$0x0] =	vst v2;
	s25 =	smov.u32 s23  }
0xbc: {  	v2 =	vld.msk [tilespmem:s1+$0x0 ss:$0x0], $0xffff  }
0xbd: {  	v4 =	vld [tilespmem:s23+$0xFFFFFFD0]  }
0xbe: {  	v5 =	vld [tilespmem:s23+$0x0];
	_ =	sdelay $0x3  }
.Ltmp5:
0xbf: {  	v3 =	vmul.f32 v3, v2;
	v4 =	vmul.f32 v2, v4;
	(pc) =	sbr.rel @p0 .LBB2_13-.Ltmp5, $4  }
0xc0: {  	v6 =	vmul.f32 v1, v2;
	v2 =	vmul.f32 v5, v2  }
0xc1: {  	[tilespmem:s23+$0xFFFFFFD0] =	vst v4  }
0xc2: {  	s23 =	sadd.s32 $0x40, s23;
	[tilespmem:s25+$0xFFFFFFE0] =	vst v3  }
0xc3: {  	s1 =	sand.u32 $0x3F, s28;
	s28 =	sadd.s32 $0x1, s28;
	v1 =	vld [tilespmem:s23+$0xFFFFFFF0];
	[tilespmem:s25+$0xFFFFFFF0] =	vst v6  }
0xc4: {  	v3 =	vld [tilespmem:s23+$0xFFFFFFE0];
	s1 =	sor.u32 $0x3C0, s1;
	[tilespmem:s25+$0x0] =	vst v2  }
0xc5: {  	v2 =	vld.msk [tilespmem:s1+$0x0 ss:$0x0], $0xffff  }
0xc6: {  	v4 =	vld [tilespmem:s23+$0xFFFFFFD0];
	_ =	sdelay $0x2  }
0xc7: {  	v5 =	vld [tilespmem:s23+$0x0];
	_ =	sdelay $0x1  }
0xc8: {  	v4 =	vmul.f32 v2, v4  }
0xc9: {  	v3 =	vmul.f32 v3, v2  }
0xca: {  	v1 =	vmul.f32 v1, v2;
	[tilespmem:s23+$0xFFFFFFD0] =	vst v4  }
0xcb: {  	v2 =	vmul.f32 v5, v2;
	[tilespmem:s23+$0xFFFFFFE0] =	vst v3  }
0xcc: {  	[tilespmem:s23+$0xFFFFFFF0] =	vst v1  }
0xcd: {  	[tilespmem:s23+$0x0] =	vst v2  }
0xce: {  	[spmem:s3] =	stream.indirect.scatter.add.f32 [tilespmem:s21], [sflag:$0x3], $0x40, s14, s20, $0xb8;
	[tilespmem:$0x1A900] =	vst v63  }
0xcf: {  	s25 =	simm.s32 $0x1B8  }
0xd0: {  	[spmem:s3] =	stream.indirect.scatter.add.f32 [tilespmem:s22], [sflag:$0x3], $0x40, s25, s20, $0xb8;
	[tilespmem:$0x1A900] =	vst v63  }
0xd1: {  	s23 =	simm.s32 $0x1E0  }
0xd2: {  	[spmem:s3] =	stream.indirect.scatter.add.f32 [tilespmem:s24], [sflag:$0x3], $0x40, s23, s20, $0xb8;
	[tilespmem:$0x1A900] =	vst v63  }
0xd3: {  	s25 =	simm.s32 $0x208  }
0xd4: {  	[spmem:s3] =	stream.indirect.scatter.add.f32 [tilespmem:s26], [sflag:$0x3], $0x40, s25, s20, $0xb8;
	[tilespmem:$0x1A900] =	vst v63  }
0xd5: {  	s23 =	simm.s32 $0x230  }
0xd6: {  	[spmem:s3] =	stream.indirect.scatter.add.f32 [tilespmem:s29], [sflag:$0x3], $0x40, s23, s20, $0xb8;
	[tilespmem:$0x1A900] =	vst v63  }
0xd7: {  	s23 =	simm.s32 $0x3720  }
0xd8: {  	v2 =	vld [tilespmem:s23+$0xFFFFFFF0]  }
0xd9: {  	s25 =	simm.s32 $0x0;
	v3 =	vld [tilespmem:s23+$0x10]  }
0xda: {  	v5 =	vld.msk [tilespmem:s25+$0x410 ss:$0x0], $0xffff  }
0xdb: {  	v1 =	vld [tilespmem:s23+$0xFFFFFFE0]  }
0xdc: {  	v6 =	vld [tilespmem:s23+$0x0];
	_ =	sdelay $0x3  }
0xdd: {  	v1 =	vmul.f32 v5, v1;
	v4 =	vmul.f32 v3, v5  }
0xde: {  	s28 =	simm.s32 $0x4;
	s31 =	simm.s32 $0x3720;
	s25 =	simm.s32 $0x0;
	v3 =	vmul.f32 v2, v5;
	v2 =	vmul.f32 v6, v5  }
.LBB2_15:
0xdf: {  	p0 =	sne.s32 s28, $0x9C  }
0xe0: {  	[tilespmem:s23+$0x10] =	vst v4;
	s31 =	sadd.s32 $0x40, s31;
	s1 =	smov.u32 s28;
	s28 =	sadd.s32 $0x4, s28  }
0xe1: {  	[tilespmem:s23+$0xFFFFFFE0] =	vst v1  }
0xe2: {  	v5 =	vld [tilespmem:s31+$0xFFFFFFF0];
	[tilespmem:s23+$0xFFFFFFF0] =	vst v3  }
0xe3: {  	s1 =	sshra.s32 s1, $0x2;
	v3 =	vld [tilespmem:s31+$0x10];
	[tilespmem:s23+$0x0] =	vst v2;
	s23 =	smov.u32 s31  }
0xe4: {  	v2 =	vld.msk [tilespmem:s1+$0x410 ss:$0x0], $0xffff  }
0xe5: {  	v1 =	vld [tilespmem:s31+$0xFFFFFFE0]  }
0xe6: {  	v6 =	vld [tilespmem:s31+$0x0]  }
.Ltmp6:
0xe7: {  	(pc) =	sbr.rel @p0 .LBB2_15-.Ltmp6, $3  }
0xe8: {  	_ =	sdelay $0x1  }
0xe9: {  	v4 =	vmul.f32 v3, v2;
	v1 =	vmul.f32 v2, v1  }
0xea: {  	v3 =	vmul.f32 v5, v2;
	v2 =	vmul.f32 v6, v2  }
0xeb: {  	[tilespmem:s23+$0x10] =	vst v4  }
0xec: {  	[tilespmem:s23+$0xFFFFFFE0] =	vst v1  }
0xed: {  	[tilespmem:s23+$0xFFFFFFF0] =	vst v3  }
0xee: {  	[tilespmem:s23+$0x0] =	vst v2;
	s23 =	simm.s32 $0x4130  }
0xef: {  	v1 =	vld [tilespmem:s23+$0xFFFFFFF0]  }
0xf0: {  	s1 =	sand.u32 $0x3F, s25;
	s28 =	simm.s32 $0x1;
	s25 =	simm.s32 $0x4130;
	v2 =	vld [tilespmem:s23+$0xFFFFFFE0]  }
.LBB2_17:
0xf1: {  	p0 =	sne.s32 s28, $0x27;
	v3 =	vld.msk [tilespmem:s1+$0x438 ss:$0x0], $0xffff  }
0xf2: {  	v4 =	vld [tilespmem:s23+$0xFFFFFFD0]  }
0xf3: {  	v5 =	vld [tilespmem:s23+$0x0];
	_ =	sdelay $0x3  }
0xf4: {  	v2 =	vmul.f32 v2, v3;
	v4 =	vmul.f32 v3, v4  }
.Ltmp7:
0xf5: {  	v6 =	vmul.f32 v1, v3;
	v3 =	vmul.f32 v5, v3;
	(pc) =	sbr.rel @p0 .LBB2_17-.Ltmp7, $4  }
0xf6: {  	[tilespmem:s23+$0xFFFFFFD0] =	vst v4  }
0xf7: {  	s23 =	sadd.s32 $0x40, s23;
	[tilespmem:s25+$0xFFFFFFE0] =	vst v2  }
0xf8: {  	v1 =	vld [tilespmem:s23+$0xFFFFFFF0];
	[tilespmem:s25+$0xFFFFFFF0] =	vst v6  }
0xf9: {  	s1 =	sand.u32 $0x3F, s28;
	s28 =	sadd.s32 $0x1, s28;
	v2 =	vld [tilespmem:s23+$0xFFFFFFE0];
	[tilespmem:s25+$0x0] =	vst v3;
	s25 =	smov.u32 s23  }
0xfa: {  	v3 =	vld.msk [tilespmem:s1+$0x438 ss:$0x0], $0xffff  }
0xfb: {  	v4 =	vld [tilespmem:s23+$0xFFFFFFD0];
	_ =	sdelay $0x2  }
0xfc: {  	v5 =	vld [tilespmem:s23+$0x0];
	_ =	sdelay $0x1  }
0xfd: {  	v4 =	vmul.f32 v3, v4  }
0xfe: {  	v2 =	vmul.f32 v2, v3  }
0xff: {  	v1 =	vmul.f32 v1, v3;
	[tilespmem:s23+$0xFFFFFFD0] =	vst v4  }
0x100: {  	v3 =	vmul.f32 v5, v3;
	[tilespmem:s25+$0xFFFFFFE0] =	vst v2  }
0x101: {  	[tilespmem:s25+$0xFFFFFFF0] =	vst v1  }
0x102: {  	[tilespmem:s25+$0x0] =	vst v3;
	s25 =	simm.s32 $0x4B30  }
0x103: {  	s23 =	simm.s32 $0x0;
	v1 =	vld [tilespmem:s25+$0xFFFFFFF0]  }
0x104: {  	s31 =	simm.s32 $0x1;
	s28 =	simm.s32 $0x4B30;
	s1 =	sand.u32 $0x3F, s23;
	v2 =	vld [tilespmem:s25+$0xFFFFFFE0]  }
.LBB2_19:
0x105: {  	p0 =	sne.s32 s31, $0x27;
	v3 =	vld.msk [tilespmem:s1+$0x460 ss:$0x0], $0xffff  }
0x106: {  	v4 =	vld [tilespmem:s25+$0xFFFFFFD0]  }
0x107: {  	v5 =	vld [tilespmem:s25+$0x0];
	_ =	sdelay $0x3  }
0x108: {  	v2 =	vmul.f32 v2, v3;
	v4 =	vmul.f32 v3, v4  }
.Ltmp8:
0x109: {  	v6 =	vmul.f32 v1, v3;
	v3 =	vmul.f32 v5, v3;
	(pc) =	sbr.rel @p0 .LBB2_19-.Ltmp8, $4  }
0x10a: {  	[tilespmem:s25+$0xFFFFFFD0] =	vst v4  }
0x10b: {  	s25 =	sadd.s32 $0x40, s25;
	[tilespmem:s28+$0xFFFFFFE0] =	vst v2  }
0x10c: {  	v1 =	vld [tilespmem:s25+$0xFFFFFFF0];
	[tilespmem:s28+$0xFFFFFFF0] =	vst v6  }
0x10d: {  	s1 =	sand.u32 $0x3F, s31;
	s31 =	sadd.s32 $0x1, s31;
	v2 =	vld [tilespmem:s25+$0xFFFFFFE0];
	[tilespmem:s28+$0x0] =	vst v3;
	s28 =	smov.u32 s25  }
0x10e: {  	v3 =	vld.msk [tilespmem:s1+$0x460 ss:$0x0], $0xffff  }
0x10f: {  	v4 =	vld [tilespmem:s25+$0xFFFFFFD0];
	_ =	sdelay $0x2  }
0x110: {  	v5 =	vld [tilespmem:s25+$0x0];
	_ =	sdelay $0x1  }
0x111: {  	v4 =	vmul.f32 v3, v4  }
0x112: {  	v2 =	vmul.f32 v2, v3  }
0x113: {  	v1 =	vmul.f32 v1, v3;
	[tilespmem:s25+$0xFFFFFFD0] =	vst v4  }
0x114: {  	v3 =	vmul.f32 v5, v3;
	[tilespmem:s28+$0xFFFFFFE0] =	vst v2  }
0x115: {  	[tilespmem:s28+$0xFFFFFFF0] =	vst v1  }
0x116: {  	s25 =	simm.s32 $0x5530;
	[tilespmem:s28+$0x0] =	vst v3  }
0x117: {  	v1 =	vld [tilespmem:s25+$0xFFFFFFF0]  }
0x118: {  	s1 =	sand.u32 $0x3F, s23;
	s23 =	simm.s32 $0x5530;
	s28 =	simm.s32 $0x1;
	v2 =	vld [tilespmem:s25+$0xFFFFFFE0]  }
.LBB2_21:
0x119: {  	p0 =	sne.s32 s28, $0x27;
	v3 =	vld.msk [tilespmem:s1+$0x488 ss:$0x0], $0xffff  }
0x11a: {  	v4 =	vld [tilespmem:s25+$0xFFFFFFD0]  }
0x11b: {  	v5 =	vld [tilespmem:s25+$0x0];
	_ =	sdelay $0x3  }
0x11c: {  	v2 =	vmul.f32 v2, v3;
	v4 =	vmul.f32 v3, v4  }
.Ltmp9:
0x11d: {  	v6 =	vmul.f32 v1, v3;
	v3 =	vmul.f32 v5, v3;
	(pc) =	sbr.rel @p0 .LBB2_21-.Ltmp9, $4  }
0x11e: {  	[tilespmem:s25+$0xFFFFFFD0] =	vst v4  }
0x11f: {  	s25 =	sadd.s32 $0x40, s25;
	[tilespmem:s23+$0xFFFFFFE0] =	vst v2  }
0x120: {  	v1 =	vld [tilespmem:s25+$0xFFFFFFF0];
	[tilespmem:s23+$0xFFFFFFF0] =	vst v6  }
0x121: {  	s1 =	sand.u32 $0x3F, s28;
	s28 =	sadd.s32 $0x1, s28;
	v2 =	vld [tilespmem:s25+$0xFFFFFFE0];
	[tilespmem:s23+$0x0] =	vst v3;
	s23 =	smov.u32 s25  }
0x122: {  	v3 =	vld.msk [tilespmem:s1+$0x488 ss:$0x0], $0xffff  }
0x123: {  	v4 =	vld [tilespmem:s25+$0xFFFFFFD0];
	_ =	sdelay $0x2  }
0x124: {  	v5 =	vld [tilespmem:s25+$0x0];
	_ =	sdelay $0x1  }
0x125: {  	v4 =	vmul.f32 v3, v4  }
0x126: {  	v2 =	vmul.f32 v2, v3  }
0x127: {  	v1 =	vmul.f32 v1, v3;
	[tilespmem:s25+$0xFFFFFFD0] =	vst v4  }
0x128: {  	v3 =	vmul.f32 v5, v3;
	[tilespmem:s23+$0xFFFFFFE0] =	vst v2  }
0x129: {  	[tilespmem:s23+$0xFFFFFFF0] =	vst v1  }
0x12a: {  	[tilespmem:s23+$0x0] =	vst v3;
	s23 =	simm.s32 $0x5F30  }
0x12b: {  	s25 =	simm.s32 $0x0;
	v1 =	vld [tilespmem:s23+$0xFFFFFFF0]  }
0x12c: {  	s28 =	simm.s32 $0x1;
	s31 =	sand.u32 $0x3F, s25;
	s25 =	simm.s32 $0x5F30;
	v2 =	vld [tilespmem:s23+$0xFFFFFFE0]  }
.LBB2_23:
0x12d: {  	p0 =	sne.s32 s28, $0x27;
	v3 =	vld.msk [tilespmem:s31+$0x4B0 ss:$0x0], $0xffff  }
0x12e: {  	v4 =	vld [tilespmem:s23+$0xFFFFFFD0]  }
0x12f: {  	v5 =	vld [tilespmem:s23+$0x0];
	_ =	sdelay $0x3  }
0x130: {  	v2 =	vmul.f32 v2, v3;
	v4 =	vmul.f32 v3, v4  }
.Ltmp10:
0x131: {  	v6 =	vmul.f32 v1, v3;
	v3 =	vmul.f32 v5, v3;
	(pc) =	sbr.rel @p0 .LBB2_23-.Ltmp10, $4  }
0x132: {  	[tilespmem:s23+$0xFFFFFFD0] =	vst v4  }
0x133: {  	s23 =	sadd.s32 $0x40, s23;
	[tilespmem:s25+$0xFFFFFFE0] =	vst v2  }
0x134: {  	v1 =	vld [tilespmem:s23+$0xFFFFFFF0];
	[tilespmem:s25+$0xFFFFFFF0] =	vst v6  }
0x135: {  	s31 =	sand.u32 $0x3F, s28;
	s28 =	sadd.s32 $0x1, s28;
	v2 =	vld [tilespmem:s23+$0xFFFFFFE0];
	[tilespmem:s25+$0x0] =	vst v3;
	s25 =	smov.u32 s23  }
0x136: {  	v3 =	vld.msk [tilespmem:s31+$0x4B0 ss:$0x0], $0xffff  }
0x137: {  	v4 =	vld [tilespmem:s23+$0xFFFFFFD0];
	_ =	sdelay $0x2  }
0x138: {  	v5 =	vld [tilespmem:s23+$0x0];
	_ =	sdelay $0x1  }
0x139: {  	v4 =	vmul.f32 v3, v4  }
0x13a: {  	v2 =	vmul.f32 v2, v3  }
0x13b: {  	v1 =	vmul.f32 v1, v3;
	[tilespmem:s23+$0xFFFFFFD0] =	vst v4  }
0x13c: {  	v3 =	vmul.f32 v5, v3;
	[tilespmem:s25+$0xFFFFFFE0] =	vst v2  }
0x13d: {  	[tilespmem:s25+$0xFFFFFFF0] =	vst v1  }
0x13e: {  	[tilespmem:s25+$0x0] =	vst v3  }
0x13f: {  	[spmem:s3] =	stream.indirect.scatter.add.f32 [tilespmem:s30], [sflag:$0x3], $0x40, s17, s20, $0xb8;
	[tilespmem:$0x1A900] =	vst v63  }
0x140: {  	s1 =	simm.s32 $0x280  }
0x141: {  	[spmem:s3] =	stream.indirect.scatter.add.f32 [tilespmem:s0], [sflag:$0x3], $0x40, s1, s20, $0xb8;
	[tilespmem:$0x1A900] =	vst v63  }
0x142: {  	s28 =	simm.s32 $0x2A8  }
0x143: {  	[spmem:s3] =	stream.indirect.scatter.add.f32 [tilespmem:s10], [sflag:$0x3], $0x40, s28, s20, $0xb8;
	[tilespmem:$0x1A900] =	vst v63  }
0x144: {  	s31 =	simm.s32 $0x2D0  }
0x145: {  	[spmem:s3] =	stream.indirect.scatter.add.f32 [tilespmem:s4], [sflag:$0x3], $0x40, s31, s20, $0xb8;
	[tilespmem:$0x1A900] =	vst v63  }
0x146: {  	s18 =	sadd.s32 $0x1, s18  }
0x147: {  	[spmem:s3] =	stream.indirect.scatter.add.f32 [tilespmem:s8], [sflag:$0x3], $0x40, s11, s20, $0xb8;
	[tilespmem:$0x1A900] =	vst v63  }
0x148: {  	p0 =	sne.s32 s18, $0x19;
	_ =	swait.ge [sflag:s12], $0x3200  }
.Ltmp11:
0x149: {  	[sflag:s12] =	ssyncset.done $0x0;
	(pc) =	sbr.rel @p0 .LBB2_4-.Ltmp11, $4  }
0x14a: {  	[sflag:s12] =	ssyncadd.s32 $0xFFFFCE00  }
0x14b: {  	_ =	swait.ge [sflag:s12], $0x3200  }
0x14c: {  	[sflag:s12] =	ssyncset.done $0x0  }
0x14d: {  	[sflag:s12] =	ssyncadd.s32 $0xFFFFCE00  }
0x14e: {  	[bflag:$0x0] =	sbarrier.arrive $0xFFFF  }
0x14f: {  	s28 =	simm.s32 $0x6900;
	s31 =	simm.s32 $0x4;
	s25 =	rddreg [dreg:$0x4]  }
0x150: {  	[tilespmem:s28], [sflag:$0x4] =	stream.linear.gather [spmem:s25], $0xA000, $0x38;
	[tilespmem:$0x1A900] =	vst v63  }
0x151: {  	_ =	swait.ge [sflag:s31], $0xA000  }
0x152: {  	[sflag:s31] =	ssyncset.done $0x0  }
0x153: {  	s15 =	simm.s32 $0x0;
	s1 =	rddreg [dreg:$0x5];
	[sflag:s31] =	ssyncadd.s32 $0xFFFF6000  }
0x154: {  	[hbm4b:s1+s15] =	stream.linear.scatter [tilespmem:s28], [sflag:$0x4], $0xA000, $0x38;
	[tilespmem:$0x1A900] =	vst v63  }
0x155: {  	_ =	swait.ge [sflag:s31], $0xA000  }
0x156: {  	s18 =	rddreg [dreg:$0x7]  }
0x157: {  	s23 =	rddreg [dreg:$0x6];
	s18 =	sadd.s32 $0x1, s18  }
0x158: {  	p0 =	sne.s32 s18, s23  }
.Ltmp12:
0x159: {  	_ = 	snop;
	(pc) =	sbr.rel @p0 .LBB2_1-.Ltmp12, $3  }
0x15a: {  	_ =	sdelay $0x1  }
0x15b: {  	[sflag:s31] =	ssyncset.done $0x0  }
0x15c: {  	[sflag:s31] =	ssyncadd.s32 $0xFFFF6000  }
0x15d: {  	_ =	sfence.sel $0x180000  }
0x15e: {  	[bflag:$0x0] =	sbarrier.arrive $0xFFFF  }
0x15f: {  	_ =	strace $0x9000004D  }
0x160: {  	s0 =	stileid.u32;
	[bflag:$0x2] =	sbarrier.arrive $0xFFFF  }
0x161: {  	p0 =	sne.s32 s0, $0x0;
	s0 =	rddreg [dreg:$0x3]  }
0x162: {  	s0 =	sadd.s32 @!p0 $0x100000, s0  }
0x163: {  	[sflag:s0] =	ssyncadd.tile.s32 @!p0 $0x1;
	_ =	shalt  }
.Lfunc_end2:
_tile_overlayer_lowered:
.L_overlay_start_2:
0x164: {  	(tag) =	ssettag $0x2  }
0x165: {  	s0 =	rddreg [dreg:$0x0];
	s2 =	stileid.u32  }
0x166: {  	s1 =	rddreg [dreg:$0x1];
	p0 =	sne.s32 s2, $0x0  }
0x167: {  	s3 =	rddreg [dreg:$0x2];
	[bflag:$0x3] =	sbarrier.arrive $0xFFFF;
	s2 =	simm.s32 @!p0 $0x1C04  }
0x168: {  	[timem:s3], [sflag:s2] =	dma.local @!p0 [hbm:s0], s1  }
0x169: {  	s0 =	simm.s32 @!p0 $0x4  }
0x16a: {  	_ =	swait.ge @!p0 [sflag:s0], s1  }
0x16b: {  	s1 =	ssub.s32 @!p0 $0x0, s1;
	[sflag:s0] =	ssyncset.done @!p0 $0x0  }
0x16c: {  	[sflag:s0] =	ssyncadd.s32 @!p0 s1  }
0x16d: {  	[bflag:$0x3] =	sbarrier.arrive $0xFFFF  }
0x16e: {  	_ =	shalt  }

// kernel: kernel.8.cloned.1.call-start
scs
__scs_entry_jumppad:
0x0: {  	(pc) =	sbr.rel $0x88, $3  }
0x1: {  	(tag) =	ssettag $0x0;
	lr =	simm.s32 $0x1  }
0x2: {  	[smem:$0x3F92] =	sst lr;
	_ =	strace $0xD0000000  }
0x3: {  	_ = 	snop  }
0x4: {  	_ = 	snop  }
0x5: {  	_ = 	snop  }
0x6: {  	_ = 	snop  }
0x7: {  	_ = 	snop  }
__scs_overlays_trampoline_lowered:
0x8: {  	[smem:$0x3FA1] =	sst s0  }
0x9: {  	[smem:$0x3FA2] =	sst s1  }
0xa: {  	[smem:$0x3FA3] =	sst s2  }
0xb: {  	[smem:$0x3FA4] =	sst s3  }
0xc: {  	[smem:$0x3FA5] =	sst s4  }
0xd: {  	[smem:$0x3FA6] =	sst s5  }
0xe: {  	[smem:$0x3FA7] =	sst s6  }
0xf: {  	[smem:$0x3FA8] =	sst s7  }
0x10: {  	[smem:$0x3FA9] =	sst s8  }
0x11: {  	[smem:$0x3FAA] =	sst s9;
	s0 =	simm.s32 @!p0 $0x0  }
0x12: {  	s1 =	sld [smem:$0x3F90];
	s0 =	simm.s32 @p0 $0x1  }
0x13: {  	[smem:$0x3FAB] =	sst s0;
	s0 =	simm.s32 @!p1 $0x0  }
0x14: {  	s2 =	sld [smem:$0x3F8F];
	s0 =	simm.s32 @p1 $0x1  }
0x15: {  	[smem:$0x3FAC] =	sst s0;
	s0 =	simm.s32 @!p2 $0x0  }
0x16: {  	s3 =	sld [smem:$0x3FDB];
	s0 =	simm.s32 @p2 $0x1  }
0x17: {  	s4 =	simm.s32 $0x1BF5;
	[smem:$0x3FAE] =	sst s0  }
0x18: {  	s0 =	sld [smem:$0x3F91];
	_ =	swait.ge [sflag:s4], $0x0  }
0x19: {  	s7 =	sld [smem:$0x3F92]  }
0x1a: {  	s8 =	sadd.s32 $0xFFFFE003, lr  }
0x1b: {  	s9 =	sadd.s32 $0xFFFFFEF7, lr;
	s5 =	simm.s32 $0xFFFFFFFF;
	p2 =	slt.u32 s8, $0xFFFFF086  }
0x1c: {  	p1 =	slt.u32 s9, $0xF7A;
	s5 =	simm.s32 @!p2 $0x0  }
0x1d: {  	s5 =	simm.s32 @p1 $0x1;
	p0 =	seq.s32 s7, s2  }
0x1e: {  	s7 =	smul.u32 @!p0 $0xF7A, s2;
	p2 =	seq.s32 @!p0 s5, $0x0  }
0x1f: {  	s9 =	smul.u32 $0xF7A, s1;
	s8 =	simm.s32 @!p0 $0x1BF5;
	p2 =	por !p2, p0  }
0x20: {  	[sflag:s8] =	ssyncset.s32 @!p0 $0xFFFFF086;
	s6 =	sadd.s32 @!p0 s3, s7;
	s7 =	simm.s32 @!p0 $0x108  }
0x21: {  	s3 =	sadd.s32 s3, s9;
	s6 =	sadd.s32 @!p0 $0x88, s6;
	s7 =	simm.s32 @p2 $0x1082  }
0x22: {  	[simem:s7], [sflag:s8] =	dma.local @!p0 [hbm:s6], $0xF7A  }
0x23: {  	s9 =	sor.u32 $0xD0000000, s2;
	s6 =	simm.s32 $0x108;
	_ =	swait.ge @!p0 [sflag:s8], $0x0  }
0x24: {  	s3 =	sadd.s32 $0x88, s3;
	s6 =	simm.s32 @!p1 $0x1082;
	[sflag:s4] =	ssyncset.s32 $0xFFFFF086  }
0x25: {  	[simem:s6], [sflag:s4] =	dma.local [hbm:s3], $0xF7A  }
0x26: {  	[smem:$0x3F92] =	sst s1;
	(tag) =	ssettag s2;
	_ =	strace s9  }
0x27: {  	s1 =	sld [smem:$0x3FA2]  }
0x28: {  	s2 =	sld [smem:$0x3FA3]  }
0x29: {  	s4 =	sld [smem:$0x3FA5]  }
0x2a: {  	p0 =	seq.s32 s5, $0x0;
	s5 =	sld [smem:$0x3FA6]  }
0x2b: {  	s6 =	sld [smem:$0x3FA7]  }
0x2c: {  	s7 =	sld [smem:$0x3FA8]  }
0x2d: {  	s3 =	simm.s32 $0x108;
	s8 =	sld [smem:$0x3FA9]  }
0x2e: {  	s3 =	simm.s32 @!p0 $0x1082;
	s9 =	sld [smem:$0x3FAA]  }
0x2f: {  	lr =	sadd.s32 s0, s3;
	s0 =	sld [smem:$0x3FA1]  }
0x30: {  	s3 =	sld [smem:$0x3FA4]  }
0x31: {  	[smem:$0x3FAD] =	sst s10  }
0x32: {  	s10 =	sld [smem:$0x3FAB];
	_ =	sdelay $0x3  }
0x33: {  	p0 =	seq.s32 s10, $0x1;
	s10 =	sld [smem:$0x3FAD];
	_ =	sdelay $0x3  }
0x34: {  	[smem:$0x3FAD] =	sst s10  }
0x35: {  	s10 =	sld [smem:$0x3FAC];
	_ =	sdelay $0x3  }
0x36: {  	p1 =	seq.s32 s10, $0x1;
	s10 =	sld [smem:$0x3FAD];
	_ =	sdelay $0x3  }
0x37: {  	[smem:$0x3FAD] =	sst s10  }
0x38: {  	s10 =	sld [smem:$0x3FAE]  }
0x39: {  	_ = 	snop;
	(pc) =	sbr.ind lr, $3  }
0x3a: {  	_ = 	snop  }
0x3b: {  	_ = 	snop  }
0x3c: {  	p2 =	seq.s32 s10, $0x1;
	s10 =	sld [smem:$0x3FAD]  }
0x3d: {  	_ =	shalt  }
0x3e: {  	_ =	shalt  }
0x3f: {  	_ =	shalt  }
0x40: {  	_ =	shalt  }
0x41: {  	_ =	shalt  }
0x42: {  	_ =	shalt  }
0x43: {  	_ =	shalt  }
0x44: {  	_ =	shalt  }
0x45: {  	_ =	shalt  }
0x46: {  	_ =	shalt  }
0x47: {  	_ =	shalt  }
0x48: {  	_ =	shalt  }
0x49: {  	_ =	shalt  }
0x4a: {  	_ =	shalt  }
0x4b: {  	_ =	shalt  }
0x4c: {  	_ =	shalt  }
0x4d: {  	_ =	shalt  }
0x4e: {  	_ =	shalt  }
0x4f: {  	_ =	shalt  }
0x50: {  	_ =	shalt  }
0x51: {  	_ =	shalt  }
0x52: {  	_ =	shalt  }
0x53: {  	_ =	shalt  }
0x54: {  	_ =	shalt  }
0x55: {  	_ =	shalt  }
0x56: {  	_ =	shalt  }
0x57: {  	_ =	shalt  }
0x58: {  	_ =	shalt  }
0x59: {  	_ =	shalt  }
0x5a: {  	_ =	shalt  }
0x5b: {  	_ =	shalt  }
0x5c: {  	_ =	shalt  }
0x5d: {  	_ =	shalt  }
0x5e: {  	_ =	shalt  }
0x5f: {  	_ =	shalt  }
0x60: {  	_ =	shalt  }
0x61: {  	_ =	shalt  }
0x62: {  	_ =	shalt  }
0x63: {  	_ =	shalt  }
0x64: {  	_ =	shalt  }
0x65: {  	_ =	shalt  }
0x66: {  	_ =	shalt  }
0x67: {  	_ =	shalt  }
0x68: {  	_ =	shalt  }
0x69: {  	_ =	shalt  }
0x6a: {  	_ =	shalt  }
0x6b: {  	_ =	shalt  }
0x6c: {  	_ =	shalt  }
0x6d: {  	_ =	shalt  }
0x6e: {  	_ =	shalt  }
0x6f: {  	_ =	shalt  }
0x70: {  	_ =	shalt  }
0x71: {  	_ =	shalt  }
0x72: {  	_ =	shalt  }
0x73: {  	_ =	shalt  }
0x74: {  	_ =	shalt  }
0x75: {  	_ =	shalt  }
0x76: {  	_ =	shalt  }
0x77: {  	_ =	shalt  }
0x78: {  	_ =	shalt  }
0x79: {  	_ =	shalt  }
0x7a: {  	_ =	shalt  }
0x7b: {  	_ =	shalt  }
0x7c: {  	_ =	shalt  }
0x7d: {  	_ =	shalt  }
0x7e: {  	_ =	shalt  }
0x7f: {  	_ =	shalt  }
0x80: {  	_ =	shalt  }
0x81: {  	_ =	shalt  }
0x82: {  	_ =	shalt  }
0x83: {  	_ =	shalt  }
0x84: {  	_ =	shalt  }
0x85: {  	_ =	shalt  }
0x86: {  	_ =	shalt  }
0x87: {  	_ =	shalt  }
.Lfunc_end0:
.L_simem_size_0:
called_computation_lowered:
.L_overlay_start_0:
0x88: {  	s2 =	sld [smem:$0x3FD9]  }
0x89: {  	s3 =	sld [smem:$0x3FFE];
	_ =	sdelay $0x1  }
0x8a: {  	s1 =	srdreg.scid  }
0x8b: {  	s0 =	sand.u32 $0x1, s1  }
0x8c: {  	s17 =	sshll.u32 s0, $0xA;
	s2 =	sadd.s32 s3, s2  }
0x8d: {  	s2 =	sadd.s32 s2, s17  }
0x8e: {  	[smem:$0x3FB9] =	sst s2  }
0x8f: {  	_ = 	snop  }
0x90: {  	s2 =	sld [smem:$0x3FC7];
	(tm) =	ssettm $0x1  }
0x91: {  	s18 =	sld [smem:$0x3FFB];
	_ =	sdelay $0x3  }
0x92: {  	_ =	strace s18  }
0x93: {  	s3 =	sld [smem:$0x3FFC];
	_ =	sdelay $0x3  }
0x94: {  	_ =	strace s3  }
0x95: {  	s3 =	sld [smem:$0x3FFD];
	_ =	sdelay $0x3  }
0x96: {  	_ =	strace s3  }
0x97: {  	_ =	strace $0x8FFFFFFF  }
0x98: {  	s19 =	sld [smem:$0x3FDB];
	_ =	sdelay $0x1  }
0x99: {  	s4 =	simm.s32 $_scs_section_size  }
0x9a: {  	s5 =	simm.s32 $_size__tile_overlayer_lowered;
	s6 =	simm.s32 $_tile_overlayer_lowered  }
0x9b: {  	s22 =	simm.s32 $0x1BFF;
	s21 =	sshll.u32 s6, $0x1;
	s3 =	sadd.s32 s4, s19  }
0x9c: {  	s7 =	simm.s32 $0x0;
	s20 =	sshll.u32 s5, $0x1;
	s5 =	sadd.s32 s21, s3  }
0x9d: {  	[timem:s7], [sflag:s22] =	dma.local [hbm:s5], s20  }
0x9e: {  	_ =	swait.ge [sflag:s22], s20  }
0x9f: {  	s4 =	ssub.s32 $0x0, s20;
	[sflag:s22] =	ssyncset.done $0x0  }
0xa0: {  	[sflag:s22] =	ssyncadd.s32 s4;
	_ =	sdelay $0x1  }
0xa1: {  	s23 =	simm.s32 $0x1B8B  }
0xa2: {  	_ =	swait.ge [sflag:s23], $0x1  }
0xa3: {  	[sflag:s23] =	ssyncset.done $0x0  }
0xa4: {  	s25 =	simm.s32 $0x1B8E;
	s24 =	sld [smem:$0x3FFE];
	[sflag:s23] =	ssyncadd.s32 $0xFFFFFFFF  }
0xa5: {  	s26 =	simm.s32 $execute0_lowered;
	[smem:$0x3FD2] =	sst s25  }
0xa6: {  	s5 =	sshll.u32 s26, $0x1;
	_ =	strace $0x80000046;
	[dreg:$0x1] =	wrdreg $0xFFFFFFFF  }
0xa7: {  	s28 =	simm.s32 $_size_execute0_lowered;
	s3 =	sadd.s32 s3, s5;
	[dreg:$0x0] =	wrdreg $0x0  }
0xa8: {  	s5 =	sshll.u32 s28, $0x1;
	[dreg:$0x2] =	wrdreg s3  }
0xa9: {  	[dreg:$0x3] =	wrdreg s5  }
0xaa: {  	[dreg:$0x4] =	wrdreg $0xC0  }
0xab: {  	_ =	task [dreg:s7], $0x5FFFF  }
0xac: {  	[dreg:$0x1] =	wrdreg $0xFFFFFFFF  }
0xad: {  	[dreg:$0x0] =	wrdreg $0x60  }
0xae: {  	[dreg:$0x2] =	wrdreg s24  }
0xaf: {  	[dreg:$0x3] =	wrdreg s2  }
0xb0: {  	[dreg:$0x4] =	wrdreg $0x12200  }
0xb1: {  	[dreg:$0x5] =	wrdreg $0x9  }
0xb2: {  	_ =	task.clear_ibuf [dreg:s7], $0x6FFFF;
	_ =	strace $0x90000046  }
0xb3: {  	s29 =	simm.s32 $0x9;
	_ =	strace $0x80000048  }
0xb4: {  	_ =	swait.ge [sflag:s29], $0x1  }
0xb5: {  	[sflag:s29] =	ssyncadd.s32 $0xFFFFFFFF  }
0xb6: {  	_ =	strace $0x90000048  }
0xb7: {  	_ =	sfence  }
0xb8: {  	s30 =	sld [smem:$0x0];
	_ =	sdelay $0x2  }
0xb9: {  	s31 =	sshll.u32 s1, $0xD;
	s1 =	sshrl.u32 s1, $0x2  }
0xba: {  	s3 =	sand.u32 $0x4000, s31;
	s1 =	sadd.s32 s1, s30  }
0xbb: {  	s0 =	sor.u32 s3, s0;
	s1 =	sshll.u32 s1, $0x11  }
0xbc: {  	s0 =	sor.u32 s1, s0  }
0xbd: {  	s0 =	sadd.s32 $0x8F2B, s0  }
0xbe: {  	[sflag:s0] =	ssyncadd.remote.s32 $0x1  }
0xbf: {  	_ =	sfence.sel $0xFFFF  }
0xc0: {  	[dreg:$0x0] =	wrdreg $0xFFFFFFFF;
	(pc) =	sbr.abs _section_cstart, $3  }
0xc1: {  	[dreg:$0x1] =	wrdreg $0xFFFFFFFF  }
0xc2: {  	_ =	task.clear_ibuf [dreg:s7], $0x2FFFF;
	_ =	strace $0x9FFFFFFF  }
0xc3: {  	(tm) =	ssettm $0x7FFFFFFF  }
tec
execute0_lowered:
.L_overlay_start_1:
0x0: {  	(tag) =	ssettag $0x1  }
0x1: {  	s6 =	rddreg [dreg:$0x0]  }
0x2: {  	s2 =	rddreg [dreg:$0x1]  }
0x3: {  	s1 =	srdreg.scid;
	s0 =	stileid.u32  }
0x4: {  	s3 =	rddreg [dreg:$0x2];
	s4 =	simm.s32 $0x0;
	s12 =	simm.s32 $0x7D0  }
0x5: {  	s13 =	simm.s32 $0x28;
	s14 =	simm.s32 $0x1;
	s15 =	simm.s32 $0x0  }
0x6: {  	s7 =	sand.u32 $0x1, s1;
	s8 =	smul.u32 $0x280, s0;
	s1 =	rddreg [dreg:$0x3]  }
0x7: {  	[smem:$0x7FF] =	sst s4;
	s11 =	sshll.u32 s0, $0x1;
	s5 =	smul.u32 $0x2800, s7  }
0x8: {  	_ =	strace $0x80000047;
	s10 =	ssub.s32 $0x2, s7;
	s7 =	sor.u32 s7, s11  }
0x9: {  	s11 =	simm.s32 $0x2;
	s31 =	sshrl.u32 s10, $0x1;
	s9 =	sadd.s32 s8, s5  }
0xa: {  	s7 =	smul.u32 $0xFA, s7;
	s5 =	sadd.s32 $0xC800, s6;
	s9 =	sshrl.u32 s9, $0x3  }
0xb: {  	s10 =	ssub.s32 s10, s31;
	s9 =	sadd.s32 s9, s6;
	s6 =	sadd.s32 s8, s3  }
0xc: {  	v0 =	vimm.f32 $0.0e+00;
	s8 =	sadd.s32 $0x16600, s9;
	s9 =	smax.u32 s10, $0x1;
	s10 =	simm.s32 $0xFA0  }
.LBB2_1:
0xd: {  	[tilespmem:$0xFA0] =	vst v0  }
0xe: {  	[tilespmem:$0xFB0] =	vst v0  }
0xf: {  	[tilespmem:$0xFC0] =	vst v0  }
0x10: {  	[tilespmem:$0xFD0] =	vst v0  }
0x11: {  	[tilespmem:$0xFE0] =	vst v0  }
0x12: {  	[tilespmem:$0xFF0] =	vst v0  }
0x13: {  	[tilespmem:$0x1000] =	vst v0  }
0x14: {  	[tilespmem:$0x1010] =	vst v0  }
0x15: {  	[tilespmem:$0x1020] =	vst v0  }
0x16: {  	[tilespmem:$0x1030] =	vst v0  }
0x17: {  	[tilespmem:$0x1040] =	vst v0  }
0x18: {  	[tilespmem:$0x1050] =	vst v0  }
0x19: {  	[tilespmem:$0x1060] =	vst v0  }
0x1a: {  	[tilespmem:$0x1070] =	vst v0  }
0x1b: {  	[tilespmem:$0x1080] =	vst v0  }
0x1c: {  	[tilespmem:$0x1090] =	vst v0  }
0x1d: {  	[tilespmem:$0x10A0] =	vst v0  }
0x1e: {  	[tilespmem:$0x10B0] =	vst v0  }
0x1f: {  	[tilespmem:$0x10C0] =	vst v0  }
0x20: {  	[tilespmem:$0x10D0] =	vst v0  }
0x21: {  	[tilespmem:$0x10E0] =	vst v0  }
0x22: {  	[tilespmem:$0x10F0] =	vst v0  }
0x23: {  	[tilespmem:$0x1100] =	vst v0  }
0x24: {  	[tilespmem:$0x1110] =	vst v0  }
0x25: {  	[tilespmem:$0x1120] =	vst v0  }
0x26: {  	[tilespmem:$0x1130] =	vst v0  }
0x27: {  	[tilespmem:$0x1140] =	vst v0  }
0x28: {  	[tilespmem:$0x1150] =	vst v0  }
0x29: {  	[tilespmem:$0x1160] =	vst v0  }
0x2a: {  	[tilespmem:$0x1170] =	vst v0  }
0x2b: {  	[tilespmem:$0x1180] =	vst v0  }
0x2c: {  	[tilespmem:$0x1190] =	vst v0  }
0x2d: {  	[tilespmem:$0x11A0] =	vst v0  }
0x2e: {  	[tilespmem:$0x11B0] =	vst v0  }
0x2f: {  	[tilespmem:$0x11C0] =	vst v0  }
0x30: {  	[tilespmem:$0x11D0] =	vst v0  }
0x31: {  	[tilespmem:$0x11E0] =	vst v0  }
0x32: {  	[tilespmem:$0x11F0] =	vst v0  }
0x33: {  	[tilespmem:$0x1200] =	vst v0  }
0x34: {  	[tilespmem:$0x1210] =	vst v0  }
0x35: {  	[spmem:s6] =	stream.linear.scatter [tilespmem:s10], [sflag:$0x2], $0x280, $0x38;
	[tilespmem:$0x14A0] =	vst v63  }
0x36: {  	_ =	swait.ge [sflag:s11], $0x280  }
0x37: {  	[sflag:s11] =	ssyncset.done $0x0  }
0x38: {  	[sflag:s11] =	ssyncadd.s32 $0xFFFFFD80  }
0x39: {  	s16 =	simm.s32 $0x0;
	[bflag:$0x0] =	sbarrier.arrive $0xFFFF  }
.LBB2_2:
0x3a: {  	s17 =	smul.u32 $0x32, s16;
	_ =	sdelay $0x1  }
0x3b: {  	s17 =	sadd.s32 s7, s17  }
0x3c: {  	s17 =	smul.u32 $0x5, s17;
	_ =	sdelay $0x1  }
0x3d: {  	s19 =	simm.s32 $0x0;
	s18 =	sadd.s32 s5, s17  }
0x3e: {  	[tilespmem:s19], [sflag:$0x2] =	stream.linear.gather [hbm4b:s18+s19], $0x7D0, $0x38;
	[tilespmem:$0x14A0] =	vst v63  }
0x3f: {  	_ =	swait.ge [sflag:s11], $0x7D0  }
0x40: {  	[sflag:s11] =	ssyncset.done $0x0  }
0x41: {  	s17 =	sadd.s32 s2, s17;
	[sflag:s11] =	ssyncadd.s32 $0xFFFFF830  }
0x42: {  	[tilespmem:s12], [sflag:$0x2] =	stream.linear.gather [hbm4b:s17+s19], $0x7D0, $0x38;
	[tilespmem:$0x14A0] =	vst v63  }
0x43: {  	_ =	swait.ge [sflag:s11], $0x7D0  }
0x44: {  	s18 =	simm.s32 $0x0;
	[sflag:s11] =	ssyncset.done $0x0  }
0x45: {  	s17 =	simm.s32 $0xA0;
	s19 =	simm.s32 $0x7D0;
	[sflag:s11] =	ssyncadd.s32 $0xFFFFF830  }
.LBB2_3:
0x46: {  	[spmem:s3] =	stream.indirect.scatter.add.f32 [tilespmem:s19], [sflag:$0x1], $0x1, s18, s13, $0xb8;
	[tilespmem:$0x14A0] =	vst v63  }
0x47: {  	s18 =	smov.u32 s17;
	p0 =	sne.s32 s17, $0x1EA0  }
.Ltmp0:
0x48: {  	s17 =	sadd.s32 $0xA0, s17;
	(pc) =	sbr.rel @p0 .LBB2_3-.Ltmp0, $3  }
0x49: {  	_ =	sdelay $0x1  }
0x4a: {  	s18 =	sshra.s32 s18, $0x2  }
0x4b: {  	s19 =	sadd.s32 $0x7D0, s18  }
0x4c: {  	s16 =	sadd.s32 $0x1, s16  }
0x4d: {  	p0 =	sne.s32 s16, $0x5  }
.Ltmp1:
0x4e: {  	_ = 	snop;
	(pc) =	sbr.rel @p0 .LBB2_2-.Ltmp1, $4  }
0x4f: {  	[spmem:s3] =	stream.indirect.scatter.add.f32 [tilespmem:s19], [sflag:$0x1], $0x1, s18, s13, $0xb8;
	[tilespmem:$0x14A0] =	vst v63  }
0x50: {  	_ =	swait.ge [sflag:s14], $0x7D0  }
0x51: {  	[sflag:s14] =	ssyncset.done $0x0  }
0x52: {  	[sflag:s14] =	ssyncadd.s32 $0xFFFFF830  }
0x53: {  	[bflag:$0x0] =	sbarrier.arrive $0xFFFF  }
0x54: {  	[tilespmem:s10], [sflag:$0x2] =	stream.linear.gather [spmem:s6], $0x280, $0x38;
	[tilespmem:$0x14A0] =	vst v63  }
0x55: {  	s15 =	sadd.s32 $0x1, s15;
	_ =	swait.ge [sflag:s11], $0x280  }
0x56: {  	p0 =	sne.s32 s15, s9;
	[sflag:s11] =	ssyncset.done $0x0  }
.Ltmp2:
0x57: {  	[sflag:s11] =	ssyncadd.s32 $0xFFFFFD80;
	(pc) =	sbr.rel @p0 .LBB2_1-.Ltmp2, $4  }
0x58: {  	[hbm4b:s8+s4] =	stream.linear.scatter [tilespmem:s10], [sflag:$0x2], $0x280, $0x38;
	[tilespmem:$0x14A0] =	vst v63  }
0x59: {  	_ =	swait.ge [sflag:s11], $0x280  }
0x5a: {  	[sflag:s11] =	ssyncset.done $0x0  }
0x5b: {  	[sflag:s11] =	ssyncadd.s32 $0xFFFFFD80  }
0x5c: {  	_ =	sfence.sel $0x180000  }
0x5d: {  	[bflag:$0x0] =	sbarrier.arrive $0xFFFF  }
0x5e: {  	p0 =	sne.s32 s0, $0x0;
	_ =	strace $0x90000047  }
0x5f: {  	s0 =	sadd.s32 @!p0 $0x100000, s1;
	[bflag:$0x2] =	sbarrier.arrive $0xFFFF  }
0x60: {  	[sflag:s0] =	ssyncadd.tile.s32 @!p0 $0x1;
	_ =	shalt  }
.Lfunc_end2:
_tile_overlayer_lowered:
.L_overlay_start_2:
0x61: {  	(tag) =	ssettag $0x2  }
0x62: {  	s0 =	rddreg [dreg:$0x0];
	s2 =	stileid.u32  }
0x63: {  	s1 =	rddreg [dreg:$0x1];
	p0 =	sne.s32 s2, $0x0  }
0x64: {  	s3 =	rddreg [dreg:$0x2];
	[bflag:$0x3] =	sbarrier.arrive $0xFFFF;
	s2 =	simm.s32 @!p0 $0x1C02  }
0x65: {  	[timem:s3], [sflag:s2] =	dma.local @!p0 [hbm:s0], s1  }
0x66: {  	s0 =	simm.s32 @!p0 $0x2  }
0x67: {  	_ =	swait.ge @!p0 [sflag:s0], s1  }
0x68: {  	s1 =	ssub.s32 @!p0 $0x0, s1;
	[sflag:s0] =	ssyncset.done @!p0 $0x0  }
0x69: {  	[sflag:s0] =	ssyncadd.s32 @!p0 s1  }
0x6a: {  	[bflag:$0x3] =	sbarrier.arrive $0xFFFF  }
0x6b: {  	_ =	shalt  }

</sc_bundles>
